<compile_context>
chip_gen: v7x
topology: tpu7x:2x2x1
jax: 0.10.2.dev20260603
libtpu: 0.0.44.dev20260713+nightly
codegen_flags: <defaults>
</compile_context>

<pallas_src>
import functools

import jax
import jax.numpy as jnp
from jax import lax
from jax.experimental import pallas as pl
from jax.experimental.pallas import tpu as pltpu
from jax.experimental.pallas import tpu_sc as plsc

_N = 10000
_D = 128
_E = 320000
_NC, _NS = 2, 16
_NW = _NC * _NS
_NP = 10240
_ROWS_PT = _NP // _NS
_EP = 327680
_EPT = _EP // _NW
_NCHUNK = _EPT // 128

_MESH = plsc.VectorSubcoreMesh(core_axis_name="c", subcore_axis_name="s")


@functools.partial(
    pl.kernel,
    mesh=_MESH,
    out_type=jax.ShapeDtypeStruct((_NC, _NP), jnp.float32),
    scratch_types=[
        pltpu.VMEM((_NCHUNK, 128), jnp.int32),
        pltpu.VMEM((128,), jnp.float32),
        pltpu.VMEM_SHARED((_NP,), jnp.float32),
    ],
)
def _deg(dst_hbm, out_hbm, dst_v, ones_v, acc):
    c = lax.axis_index("c")
    s = lax.axis_index("s")
    wid = c * _NS + s

    for j in range(8):
        ones_v[pl.ds(j * 16, 16)] = jnp.zeros((16,), jnp.float32)
    for k in range(_ROWS_PT // 128):
        pltpu.sync_copy(ones_v, acc.at[pl.ds(s * _ROWS_PT + k * 128, 128)])
    for j in range(8):
        ones_v[pl.ds(j * 16, 16)] = jnp.ones((16,), jnp.float32)
    plsc.subcore_barrier()

    pltpu.sync_copy(dst_hbm.at[pl.ds(wid * _NCHUNK, _NCHUNK)], dst_v)

    def body(i, _):
        pltpu.sync_copy(ones_v, acc.at[dst_v.at[i]], add=True)
        return 0
    lax.fori_loop(0, _NCHUNK, body, 0)

    plsc.subcore_barrier()
    pltpu.sync_copy(acc.at[pl.ds(s * _ROWS_PT, _ROWS_PT)],
                    out_hbm.at[c, pl.ds(s * _ROWS_PT, _ROWS_PT)])


_NBUF = 2
_GRP = 8
_HALF = _NCHUNK // 2


@functools.partial(
    pl.kernel,
    mesh=_MESH,
    out_type=jax.ShapeDtypeStruct((_NC, _NP, _D), jnp.float32),
    scratch_types=[
        pltpu.VMEM((_HALF, 128), jnp.int32),
        pltpu.VMEM((_HALF, 128), jnp.int32),
    ] + [pltpu.VMEM((128, _D), jnp.float32) for _ in range(_NBUF)]
      + [pltpu.VMEM_SHARED((_NP, _D), jnp.float32)]
      + [pltpu.SemaphoreType.DMA for _ in range(_NBUF)],
)
def _agg(y_hbm, src_hbm, dst_hbm, out_hbm, src_v, dst_v,
         r0, r1, acc, g0, g1):
    rows = (r0, r1)
    gsems = (g0, g1)
    c = lax.axis_index("c")
    s = lax.axis_index("s")
    wid = c * _NS + s

    def zero_rows(i, _):
        for j in range(_D // 16):
            r0[i, pl.ds(j * 16, 16)] = jnp.zeros((16,), jnp.float32)
        return 0
    lax.fori_loop(0, 128, zero_rows, 0)
    for k in range(_ROWS_PT // 128):
        pltpu.sync_copy(r0, acc.at[pl.ds(s * _ROWS_PT + k * 128, 128)])
    plsc.subcore_barrier()

    def outer(k, _):
        base = k * _GRP
        hs = [None] * _GRP
        for b in range(_NBUF):
            hs[b] = pltpu.async_copy(
                y_hbm.at[src_v.at[base + b]], rows[b], gsems[b])
        for b in range(_GRP):
            hs[b].wait()
            pltpu.sync_copy(rows[b % _NBUF], acc.at[dst_v.at[base + b]],
                            add=True)
            if b + _NBUF < _GRP:
                hs[b + _NBUF] = pltpu.async_copy(
                    y_hbm.at[src_v.at[base + b + _NBUF]],
                    rows[b % _NBUF], gsems[b % _NBUF])
        return 0

    for half in range(2):
        pltpu.sync_copy(
            src_hbm.at[pl.ds(wid * _NCHUNK + half * _HALF, _HALF)], src_v)
        pltpu.sync_copy(
            dst_hbm.at[pl.ds(wid * _NCHUNK + half * _HALF, _HALF)], dst_v)
        lax.fori_loop(0, _HALF // _GRP, outer, 0)

    plsc.subcore_barrier()
    pltpu.sync_copy(acc.at[pl.ds(s * _ROWS_PT, _ROWS_PT)],
                    out_hbm.at[c, pl.ds(s * _ROWS_PT, _ROWS_PT)])


_R = 256
_GRID = _NP // _R


def _dk_body(p_ref, o_ref):
    o_ref[...] = lax.rsqrt(p_ref[0] + p_ref[1] + 1.0)


_dk = pl.pallas_call(
    _dk_body,
    in_specs=[pl.BlockSpec((_NC, _NP // 128, 128), lambda: (0, 0, 0))],
    out_specs=pl.BlockSpec((_NP // 128, 128), lambda: (0, 0)),
    out_shape=jax.ShapeDtypeStruct((_NP // 128, 128), jnp.float32),
)


def _mm1_body(x_ref, w_ref, d_ref, o_ref):
    xw = jnp.dot(x_ref[...], w_ref[...], preferred_element_type=jnp.float32)
    o_ref[...] = d_ref[...] * xw


_mm1 = pl.pallas_call(
    _mm1_body,
    grid=(_GRID,),
    in_specs=[
        pl.BlockSpec((_R, _D), lambda i: (i, 0)),
        pl.BlockSpec((_D, _D), lambda i: (0, 0)),
        pl.BlockSpec((_R, 1), lambda i: (i, 0)),
    ],
    out_specs=pl.BlockSpec((_R, _D), lambda i: (i, 0)),
    out_shape=jax.ShapeDtypeStruct((_NP, _D), jnp.float32),
)


def _mid_body(e0_ref, e1_ref, y_ref, d_ref, w_ref, s_ref, t_ref, b_ref, o_ref):
    pre = d_ref[...] * (e0_ref[...] + e1_ref[...] + y_ref[...]) + b_ref[...]
    h = jnp.maximum(s_ref[...] * pre + t_ref[...], 0.0)
    o_ref[...] = d_ref[...] * jnp.dot(
        h, w_ref[...], preferred_element_type=jnp.float32)


_mid = pl.pallas_call(
    _mid_body,
    grid=(_GRID,),
    in_specs=[
        pl.BlockSpec((_R, _D), lambda i: (i, 0)),
        pl.BlockSpec((_R, _D), lambda i: (i, 0)),
        pl.BlockSpec((_R, _D), lambda i: (i, 0)),
        pl.BlockSpec((_R, 1), lambda i: (i, 0)),
        pl.BlockSpec((_D, _D), lambda i: (0, 0)),
        pl.BlockSpec((1, _D), lambda i: (0, 0)),
        pl.BlockSpec((1, _D), lambda i: (0, 0)),
        pl.BlockSpec((1, _D), lambda i: (0, 0)),
    ],
    out_specs=pl.BlockSpec((_R, _D), lambda i: (i, 0)),
    out_shape=jax.ShapeDtypeStruct((_NP, _D), jnp.float32),
)


def _fin_body(e0_ref, e1_ref, y_ref, d_ref, b_ref, o_ref):
    u = d_ref[...] * (e0_ref[...] + e1_ref[...] + y_ref[...]) + b_ref[...]
    nrm = jnp.sqrt(jnp.sum(u * u, axis=1, keepdims=True))
    o_ref[...] = u / jnp.maximum(nrm, 1e-12)


_fin = pl.pallas_call(
    _fin_body,
    grid=(_GRID,),
    in_specs=[
        pl.BlockSpec((_R, _D), lambda i: (i, 0)),
        pl.BlockSpec((_R, _D), lambda i: (i, 0)),
        pl.BlockSpec((_R, _D), lambda i: (i, 0)),
        pl.BlockSpec((_R, 1), lambda i: (i, 0)),
        pl.BlockSpec((1, _D), lambda i: (0, 0)),
    ],
    out_specs=pl.BlockSpec((_R, _D), lambda i: (i, 0)),
    out_shape=jax.ShapeDtypeStruct((_NP, _D), jnp.float32),
)


def kernel(x, edge_index, W1, b1, g1, be1, rm1, rv1,
           W2, b2, g2, be2, rm2, rv2, W3, b3):
    f32 = jnp.float32
    eps = 1e-5

    x_p = jnp.zeros((_NP, _D), f32).at[:_N].set(x)
    pad = jnp.full((_EP - _E,), _N, jnp.int32)
    src2d = jnp.concatenate([edge_index[0], pad]).reshape(_EP // 128, 128)
    dst2d = jnp.concatenate([edge_index[1], pad]).reshape(_EP // 128, 128)

    pdeg = _deg(dst2d)
    dmat = _dk(pdeg.reshape(_NC, _NP // 128, 128))
    d_col = dmat.reshape(_NP, 1)

    s1 = (g1 / jnp.sqrt(rv1 + eps)).reshape(1, _D)
    t1 = (be1 - rm1 * (g1 / jnp.sqrt(rv1 + eps))).reshape(1, _D)
    s2 = (g2 / jnp.sqrt(rv2 + eps)).reshape(1, _D)
    t2 = (be2 - rm2 * (g2 / jnp.sqrt(rv2 + eps))).reshape(1, _D)

    y1 = _mm1(x_p, W1, d_col)
    a1 = _agg(y1, src2d, dst2d)
    y2 = _mid(a1[0], a1[1], y1, d_col, W2, s1, t1, b1.reshape(1, _D))
    a2 = _agg(y2, src2d, dst2d)
    y3 = _mid(a2[0], a2[1], y2, d_col, W3, s2, t2, b2.reshape(1, _D))
    a3 = _agg(y3, src2d, dst2d)
    out = _fin(a3[0], a3[1], y3, d_col, b3.reshape(1, _D))
    return out[:_N]

# --- scband reference (transcript-rebuilt; emitter-appended) ---
"""Pipeline reference for scband-temporal-gnn-7421703488006 (READ-ONLY COPY).

The authoritative reference and input builder live on the scoring server;
editing this copy changes nothing except your own understanding.
"""

import jax, jax.numpy as jnp
import numpy as np

N = 10000
E = 320000
DIN = 128
DH = 128
DOUT = 128


def setup_inputs(seed: int = 0) -> dict:
    key = jax.random.key(seed)
    ks = jax.random.split(key, 8)
    x = jax.random.normal(ks[0], (N, DIN), dtype=jnp.float32)
    edge_index = jax.random.randint(ks[1], (2, E), 0, N, dtype=jnp.int32)
    W1 = jax.random.normal(ks[2], (DIN, DH), dtype=jnp.float32) / jnp.sqrt(DIN)
    b1 = jnp.zeros((DH,), jnp.float32)
    g1 = jnp.ones((DH,), jnp.float32)
    be1 = jnp.zeros((DH,), jnp.float32)
    rm1 = jnp.zeros((DH,), jnp.float32)
    rv1 = jnp.ones((DH,), jnp.float32)
    W2 = jax.random.normal(ks[3], (DH, DH), dtype=jnp.float32) / jnp.sqrt(DH)
    b2 = jnp.zeros((DH,), jnp.float32)
    g2 = jnp.ones((DH,), jnp.float32)
    be2 = jnp.zeros((DH,), jnp.float32)
    rm2 = jnp.zeros((DH,), jnp.float32)
    rv2 = jnp.ones((DH,), jnp.float32)
    W3 = jax.random.normal(ks[4], (DH, DOUT), dtype=jnp.float32) / jnp.sqrt(DH)
    b3 = jnp.zeros((DOUT,), jnp.float32)
    return {
        "x": x, "edge_index": edge_index,
        "W1": W1, "b1": b1, "g1": g1, "be1": be1, "rm1": rm1, "rv1": rv1,
        "W2": W2, "b2": b2, "g2": g2, "be2": be2, "rm2": rm2, "rv2": rv2,
        "W3": W3, "b3": b3,
    }


def gcn_conv(x, edge_index, W, b, num_nodes):
    # PyG GCNConv: add self loops, symmetric normalization, linear, scatter-add to dst, + bias
    src = edge_index[0]
    dst = edge_index[1]
    loop = jnp.arange(num_nodes, dtype=src.dtype)
    src = jnp.concatenate([src, loop])
    dst = jnp.concatenate([dst, loop])
    ew = jnp.ones((src.shape[0],), jnp.float32)
    deg = jnp.zeros((num_nodes,), jnp.float32).at[dst].add(ew)
    deg_inv_sqrt = jnp.where(deg > 0, 1.0 / jnp.sqrt(jnp.where(deg > 0, deg, 1.0)), 0.0)
    norm = deg_inv_sqrt[src] * ew * deg_inv_sqrt[dst]
    xw = x @ W
    msg = xw[src] * norm[:, None]
    out = jnp.zeros((num_nodes, W.shape[1]), jnp.float32).at[dst].add(msg)
    return out + b


def bn_eval(x, g, be, rm, rv, eps=1e-5):
    return g * (x - rm) / jnp.sqrt(rv + eps) + be


def reference(x, edge_index, W1, b1, g1, be1, rm1, rv1, W2, b2, g2, be2, rm2, rv2, W3, b3):
    h = gcn_conv(x, edge_index, W1, b1, N)
    h = bn_eval(h, g1, be1, rm1, rv1)
    h = jax.nn.relu(h)
    # dropout is identity in eval mode
    h = gcn_conv(h, edge_index, W2, b2, N)
    h = bn_eval(h, g2, be2, rm2, rv2)
    h = jax.nn.relu(h)
    h = gcn_conv(h, edge_index, W3, b3, N)
    nrm = jnp.sqrt(jnp.sum(h * h, axis=1, keepdims=True))
    return h / jnp.maximum(nrm, 1e-12)

if __name__ == "__main__":
    import jax
    _d = setup_inputs()
    print(jax.jit(kernel)(*tuple(_d.values())))

</pallas_src>

<mosaic_0001>
#map = affine_map<(d0, d1) -> (0, 0)>
#map1 = affine_map<(d0, d1) -> (0, 0, 0)>
module attributes {stable_mosaic.version = 14 : i64} {
  func.func @_agg(%arg0: i32, %arg1: i32, %arg2: memref<10240x128xf32, #tpu.memory_space<hbm>>, %arg3: memref<2560x128xi32, #tpu.memory_space<hbm>>, %arg4: memref<2560x128xi32, #tpu.memory_space<hbm>>, %arg5: memref<2x10240x128xf32, #tpu.memory_space<hbm>>, %arg6: memref<40x128xi32, #tpu.memory_space<vmem>>, %arg7: memref<40x128xi32, #tpu.memory_space<vmem>>, %arg8: memref<128x128xf32, #tpu.memory_space<vmem>>, %arg9: memref<128x128xf32, #tpu.memory_space<vmem>>, %arg10: memref<10240x128xf32, #tpu.memory_space<vmem_shared>>, %arg11: memref<!tpu.dma_semaphore, #tpu.memory_space<semaphore_mem>>, %arg12: memref<!tpu.dma_semaphore, #tpu.memory_space<semaphore_mem>>) attributes {dimension_semantics = [#tpu.dimension_semantics<core_parallel>, #tpu.dimension_semantics<subcore_parallel>], iteration_bounds = array<i64: 2, 16>, scalar_prefetch = 0 : i64, scratch_operands = 7 : i64, tpu.core_type = #tpu.core_type<sc_vector_subcore>, window_params = [{transform_indices = #map}, {transform_indices = #map}, {transform_indices = #map}, {transform_indices = #map1}]} {
    %mul3A = arith.constant 16 : i32
    %mul3A_0 = arith.muli %arg0, %mul3A : i32
    %add3A = arith.addi %mul3A_0, %arg1 : i32
    %scan3A = arith.constant 0 : i32
    %scan3A_1 = arith.constant 0 : i32
    %scan3A_2 = arith.constant 128 : i32
    %scan3A_3 = arith.addi %scan3A_1, %scan3A_2 : i32
    %scan3A_4 = arith.constant 1 : i32
    %scan3A_5 = scf.for %scan3A_62 = %scan3A_1 to %scan3A_3 step %scan3A_4 iter_args(%scan3A_63 = %scan3A) -> (i32)  : i32 {
      %broadcast_in_dim3A = arith.constant 0.000000e+00 : f32
      %broadcast_in_dim3A_64 = vector.broadcast %broadcast_in_dim3A : f32 to vector<16xf32>
      %swap3A = arith.index_cast %scan3A_62 : i32 to index
      %swap3A_65 = arith.constant 0 : index
      %swap3A_66 = tpu.vector_load %arg8[%swap3A, %swap3A_65] {strides = array<i32>} : memref<128x128xf32, #tpu.memory_space<vmem>>, vector<1x16xf32>,
      %swap3A_67 = vector.shape_cast %swap3A_66 : vector<1x16xf32> to vector<16xf32>
      %swap3A_68 = vector.shape_cast %broadcast_in_dim3A_64 : vector<16xf32> to vector<1x16xf32>
      tpu.vector_store %arg8[%swap3A, %swap3A_65], %swap3A_68 {strides = array<i32>} : memref<128x128xf32, #tpu.memory_space<vmem>>, vector<1x16xf32>,
      %broadcast_in_dim3A_69 = arith.constant 0.000000e+00 : f32
      %broadcast_in_dim3A_70 = vector.broadcast %broadcast_in_dim3A_69 : f32 to vector<16xf32>
      %swap3A_71 = arith.index_cast %scan3A_62 : i32 to index
      %swap3A_72 = arith.constant 16 : index
      %swap3A_73 = tpu.vector_load %arg8[%swap3A_71, %swap3A_72] {strides = array<i32>} : memref<128x128xf32, #tpu.memory_space<vmem>>, vector<1x16xf32>,
      %swap3A_74 = vector.shape_cast %swap3A_73 : vector<1x16xf32> to vector<16xf32>
      %swap3A_75 = vector.shape_cast %broadcast_in_dim3A_70 : vector<16xf32> to vector<1x16xf32>
      tpu.vector_store %arg8[%swap3A_71, %swap3A_72], %swap3A_75 {strides = array<i32>} : memref<128x128xf32, #tpu.memory_space<vmem>>, vector<1x16xf32>,
      %broadcast_in_dim3A_76 = arith.constant 0.000000e+00 : f32
      %broadcast_in_dim3A_77 = vector.broadcast %broadcast_in_dim3A_76 : f32 to vector<16xf32>
      %swap3A_78 = arith.index_cast %scan3A_62 : i32 to index
      %swap3A_79 = arith.constant 32 : index
      %swap3A_80 = tpu.vector_load %arg8[%swap3A_78, %swap3A_79] {strides = array<i32>} : memref<128x128xf32, #tpu.memory_space<vmem>>, vector<1x16xf32>,
      %swap3A_81 = vector.shape_cast %swap3A_80 : vector<1x16xf32> to vector<16xf32>
      %swap3A_82 = vector.shape_cast %broadcast_in_dim3A_77 : vector<16xf32> to vector<1x16xf32>
      tpu.vector_store %arg8[%swap3A_78, %swap3A_79], %swap3A_82 {strides = array<i32>} : memref<128x128xf32, #tpu.memory_space<vmem>>, vector<1x16xf32>,
      %broadcast_in_dim3A_83 = arith.constant 0.000000e+00 : f32
      %broadcast_in_dim3A_84 = vector.broadcast %broadcast_in_dim3A_83 : f32 to vector<16xf32>
      %swap3A_85 = arith.index_cast %scan3A_62 : i32 to index
      %swap3A_86 = arith.constant 48 : index
      %swap3A_87 = tpu.vector_load %arg8[%swap3A_85, %swap3A_86] {strides = array<i32>} : memref<128x128xf32, #tpu.memory_space<vmem>>, vector<1x16xf32>,
      %swap3A_88 = vector.shape_cast %swap3A_87 : vector<1x16xf32> to vector<16xf32>
      %swap3A_89 = vector.shape_cast %broadcast_in_dim3A_84 : vector<16xf32> to vector<1x16xf32>
      tpu.vector_store %arg8[%swap3A_85, %swap3A_86], %swap3A_89 {strides = array<i32>} : memref<128x128xf32, #tpu.memory_space<vmem>>, vector<1x16xf32>,
      %broadcast_in_dim3A_90 = arith.constant 0.000000e+00 : f32
      %broadcast_in_dim3A_91 = vector.broadcast %broadcast_in_dim3A_90 : f32 to vector<16xf32>
      %swap3A_92 = arith.index_cast %scan3A_62 : i32 to index
      %swap3A_93 = arith.constant 64 : index
      %swap3A_94 = tpu.vector_load %arg8[%swap3A_92, %swap3A_93] {strides = array<i32>} : memref<128x128xf32, #tpu.memory_space<vmem>>, vector<1x16xf32>,
      %swap3A_95 = vector.shape_cast %swap3A_94 : vector<1x16xf32> to vector<16xf32>
      %swap3A_96 = vector.shape_cast %broadcast_in_dim3A_91 : vector<16xf32> to vector<1x16xf32>
      tpu.vector_store %arg8[%swap3A_92, %swap3A_93], %swap3A_96 {strides = array<i32>} : memref<128x128xf32, #tpu.memory_space<vmem>>, vector<1x16xf32>,
      %broadcast_in_dim3A_97 = arith.constant 0.000000e+00 : f32
      %broadcast_in_dim3A_98 = vector.broadcast %broadcast_in_dim3A_97 : f32 to vector<16xf32>
      %swap3A_99 = arith.index_cast %scan3A_62 : i32 to index
      %swap3A_100 = arith.constant 80 : index
      %swap3A_101 = tpu.vector_load %arg8[%swap3A_99, %swap3A_100] {strides = array<i32>} : memref<128x128xf32, #tpu.memory_space<vmem>>, vector<1x16xf32>,
      %swap3A_102 = vector.shape_cast %swap3A_101 : vector<1x16xf32> to vector<16xf32>
      %swap3A_103 = vector.shape_cast %broadcast_in_dim3A_98 : vector<16xf32> to vector<1x16xf32>
      tpu.vector_store %arg8[%swap3A_99, %swap3A_100], %swap3A_103 {strides = array<i32>} : memref<128x128xf32, #tpu.memory_space<vmem>>, vector<1x16xf32>,
      %broadcast_in_dim3A_104 = arith.constant 0.000000e+00 : f32
      %broadcast_in_dim3A_105 = vector.broadcast %broadcast_in_dim3A_104 : f32 to vector<16xf32>
      %swap3A_106 = arith.index_cast %scan3A_62 : i32 to index
      %swap3A_107 = arith.constant 96 : index
      %swap3A_108 = tpu.vector_load %arg8[%swap3A_106, %swap3A_107] {strides = array<i32>} : memref<128x128xf32, #tpu.memory_space<vmem>>, vector<1x16xf32>,
      %swap3A_109 = vector.shape_cast %swap3A_108 : vector<1x16xf32> to vector<16xf32>
      %swap3A_110 = vector.shape_cast %broadcast_in_dim3A_105 : vector<16xf32> to vector<1x16xf32>
      tpu.vector_store %arg8[%swap3A_106, %swap3A_107], %swap3A_110 {strides = array<i32>} : memref<128x128xf32, #tpu.memory_space<vmem>>, vector<1x16xf32>,
      %broadcast_in_dim3A_111 = arith.constant 0.000000e+00 : f32
      %broadcast_in_dim3A_112 = vector.broadcast %broadcast_in_dim3A_111 : f32 to vector<16xf32>
      %swap3A_113 = arith.index_cast %scan3A_62 : i32 to index
      %swap3A_114 = arith.constant 112 : index
      %swap3A_115 = tpu.vector_load %arg8[%swap3A_113, %swap3A_114] {strides = array<i32>} : memref<128x128xf32, #tpu.memory_space<vmem>>, vector<1x16xf32>,
      %swap3A_116 = vector.shape_cast %swap3A_115 : vector<1x16xf32> to vector<16xf32>
      %swap3A_117 = vector.shape_cast %broadcast_in_dim3A_112 : vector<16xf32> to vector<1x16xf32>
      tpu.vector_store %arg8[%swap3A_113, %swap3A_114], %swap3A_117 {strides = array<i32>} : memref<128x128xf32, #tpu.memory_space<vmem>>, vector<1x16xf32>,
      %scan3A_118 = arith.constant 0 : i32
      scf.yield %scan3A_118 : i32
    }
    %scan3A_6 = arith.constant 128 : i32
    %mul3A_7 = arith.constant 640 : i32
    %mul3A_8 = arith.muli %arg1, %mul3A_7 : i32
    %add3A_9 = arith.constant 0 : i32
    %add3A_10 = arith.addi %mul3A_8, %add3A_9 : i32
    "tpu.region"() ({
      %run_scoped3A = tpu.sem_alloc : memref<!tpu.dma_semaphore, #tpu.memory_space<semaphore_mem>>
      %dma_start3A = arith.constant 0 : i32
      %dma_start3A_62 = tpu.memref_slice %arg10[%add3A_10, %dma_start3A] : memref<10240x128xf32, #tpu.memory_space<vmem_shared>> -> memref<128x128xf32, #tpu.memory_space<vmem_shared>>
      %dma_start3A_63 = arith.constant 0 : i32
      %dma_start3A_64 = tpu.memref_slice %arg10[%add3A_10, %dma_start3A_63] : memref<10240x128xf32, #tpu.memory_space<vmem_shared>> -> memref<128x128xf32, #tpu.memory_space<vmem_shared>>
      tpu.enqueue_dma source(%arg8 : memref<128x128xf32, #tpu.memory_space<vmem>>) target(%dma_start3A_64 : memref<128x128xf32, #tpu.memory_space<vmem_shared>>) target_semaphore(%run_scoped3A : memref<!tpu.dma_semaphore, #tpu.memory_space<semaphore_mem>>)
      %dma_wait3A = arith.constant 0 : i32
      %dma_wait3A_65 = tpu.memref_slice %arg10[%add3A_10, %dma_wait3A] : memref<10240x128xf32, #tpu.memory_space<vmem_shared>> -> memref<128x128xf32, #tpu.memory_space<vmem_shared>>
      %dma_wait3A_66 = arith.constant 0 : i32
      %dma_wait3A_67 = tpu.memref_slice %arg10[%add3A_10, %dma_wait3A_66] : memref<10240x128xf32, #tpu.memory_space<vmem_shared>> -> memref<128x128xf32, #tpu.memory_space<vmem_shared>>
      tpu.wait_dma2 semaphore(%run_scoped3A : memref<!tpu.dma_semaphore, #tpu.memory_space<semaphore_mem>>) src(%arg8 : memref<128x128xf32, #tpu.memory_space<vmem>>) dst(%dma_wait3A_67 : memref<128x128xf32, #tpu.memory_space<vmem_shared>>)
      tpu.yield
    }) : () -> ()
    %mul3A_11 = arith.constant 640 : i32
    %mul3A_12 = arith.muli %arg1, %mul3A_11 : i32
    %add3A_13 = arith.constant 128 : i32
    %add3A_14 = arith.addi %mul3A_12, %add3A_13 : i32
    "tpu.region"() ({
      %run_scoped3A = tpu.sem_alloc : memref<!tpu.dma_semaphore, #tpu.memory_space<semaphore_mem>>
      %dma_start3A = arith.constant 0 : i32
      %dma_start3A_62 = tpu.memref_slice %arg10[%add3A_14, %dma_start3A] : memref<10240x128xf32, #tpu.memory_space<vmem_shared>> -> memref<128x128xf32, #tpu.memory_space<vmem_shared>>
      %dma_start3A_63 = arith.constant 0 : i32
      %dma_start3A_64 = tpu.memref_slice %arg10[%add3A_14, %dma_start3A_63] : memref<10240x128xf32, #tpu.memory_space<vmem_shared>> -> memref<128x128xf32, #tpu.memory_space<vmem_shared>>
      tpu.enqueue_dma source(%arg8 : memref<128x128xf32, #tpu.memory_space<vmem>>) target(%dma_start3A_64 : memref<128x128xf32, #tpu.memory_space<vmem_shared>>) target_semaphore(%run_scoped3A : memref<!tpu.dma_semaphore, #tpu.memory_space<semaphore_mem>>)
      %dma_wait3A = arith.constant 0 : i32
      %dma_wait3A_65 = tpu.memref_slice %arg10[%add3A_14, %dma_wait3A] : memref<10240x128xf32, #tpu.memory_space<vmem_shared>> -> memref<128x128xf32, #tpu.memory_space<vmem_shared>>
      %dma_wait3A_66 = arith.constant 0 : i32
      %dma_wait3A_67 = tpu.memref_slice %arg10[%add3A_14, %dma_wait3A_66] : memref<10240x128xf32, #tpu.memory_space<vmem_shared>> -> memref<128x128xf32, #tpu.memory_space<vmem_shared>>
      tpu.wait_dma2 semaphore(%run_scoped3A : memref<!tpu.dma_semaphore, #tpu.memory_space<semaphore_mem>>) src(%arg8 : memref<128x128xf32, #tpu.memory_space<vmem>>) dst(%dma_wait3A_67 : memref<128x128xf32, #tpu.memory_space<vmem_shared>>)
      tpu.yield
    }) : () -> ()
    %mul3A_15 = arith.constant 640 : i32
    %mul3A_16 = arith.muli %arg1, %mul3A_15 : i32
    %add3A_17 = arith.constant 256 : i32
    %add3A_18 = arith.addi %mul3A_16, %add3A_17 : i32
    "tpu.region"() ({
      %run_scoped3A = tpu.sem_alloc : memref<!tpu.dma_semaphore, #tpu.memory_space<semaphore_mem>>
      %dma_start3A = arith.constant 0 : i32
      %dma_start3A_62 = tpu.memref_slice %arg10[%add3A_18, %dma_start3A] : memref<10240x128xf32, #tpu.memory_space<vmem_shared>> -> memref<128x128xf32, #tpu.memory_space<vmem_shared>>
      %dma_start3A_63 = arith.constant 0 : i32
      %dma_start3A_64 = tpu.memref_slice %arg10[%add3A_18, %dma_start3A_63] : memref<10240x128xf32, #tpu.memory_space<vmem_shared>> -> memref<128x128xf32, #tpu.memory_space<vmem_shared>>
      tpu.enqueue_dma source(%arg8 : memref<128x128xf32, #tpu.memory_space<vmem>>) target(%dma_start3A_64 : memref<128x128xf32, #tpu.memory_space<vmem_shared>>) target_semaphore(%run_scoped3A : memref<!tpu.dma_semaphore, #tpu.memory_space<semaphore_mem>>)
      %dma_wait3A = arith.constant 0 : i32
      %dma_wait3A_65 = tpu.memref_slice %arg10[%add3A_18, %dma_wait3A] : memref<10240x128xf32, #tpu.memory_space<vmem_shared>> -> memref<128x128xf32, #tpu.memory_space<vmem_shared>>
      %dma_wait3A_66 = arith.constant 0 : i32
      %dma_wait3A_67 = tpu.memref_slice %arg10[%add3A_18, %dma_wait3A_66] : memref<10240x128xf32, #tpu.memory_space<vmem_shared>> -> memref<128x128xf32, #tpu.memory_space<vmem_shared>>
      tpu.wait_dma2 semaphore(%run_scoped3A : memref<!tpu.dma_semaphore, #tpu.memory_space<semaphore_mem>>) src(%arg8 : memref<128x128xf32, #tpu.memory_space<vmem>>) dst(%dma_wait3A_67 : memref<128x128xf32, #tpu.memory_space<vmem_shared>>)
      tpu.yield
    }) : () -> ()
    %mul3A_19 = arith.constant 640 : i32
    %mul3A_20 = arith.muli %arg1, %mul3A_19 : i32
    %add3A_21 = arith.constant 384 : i32
    %add3A_22 = arith.addi %mul3A_20, %add3A_21 : i32
    "tpu.region"() ({
      %run_scoped3A = tpu.sem_alloc : memref<!tpu.dma_semaphore, #tpu.memory_space<semaphore_mem>>
      %dma_start3A = arith.constant 0 : i32
      %dma_start3A_62 = tpu.memref_slice %arg10[%add3A_22, %dma_start3A] : memref<10240x128xf32, #tpu.memory_space<vmem_shared>> -> memref<128x128xf32, #tpu.memory_space<vmem_shared>>
      %dma_start3A_63 = arith.constant 0 : i32
      %dma_start3A_64 = tpu.memref_slice %arg10[%add3A_22, %dma_start3A_63] : memref<10240x128xf32, #tpu.memory_space<vmem_shared>> -> memref<128x128xf32, #tpu.memory_space<vmem_shared>>
      tpu.enqueue_dma source(%arg8 : memref<128x128xf32, #tpu.memory_space<vmem>>) target(%dma_start3A_64 : memref<128x128xf32, #tpu.memory_space<vmem_shared>>) target_semaphore(%run_scoped3A : memref<!tpu.dma_semaphore, #tpu.memory_space<semaphore_mem>>)
      %dma_wait3A = arith.constant 0 : i32
      %dma_wait3A_65 = tpu.memref_slice %arg10[%add3A_22, %dma_wait3A] : memref<10240x128xf32, #tpu.memory_space<vmem_shared>> -> memref<128x128xf32, #tpu.memory_space<vmem_shared>>
      %dma_wait3A_66 = arith.constant 0 : i32
      %dma_wait3A_67 = tpu.memref_slice %arg10[%add3A_22, %dma_wait3A_66] : memref<10240x128xf32, #tpu.memory_space<vmem_shared>> -> memref<128x128xf32, #tpu.memory_space<vmem_shared>>
      tpu.wait_dma2 semaphore(%run_scoped3A : memref<!tpu.dma_semaphore, #tpu.memory_space<semaphore_mem>>) src(%arg8 : memref<128x128xf32, #tpu.memory_space<vmem>>) dst(%dma_wait3A_67 : memref<128x128xf32, #tpu.memory_space<vmem_shared>>)
      tpu.yield
    }) : () -> ()
    %mul3A_23 = arith.constant 640 : i32
    %mul3A_24 = arith.muli %arg1, %mul3A_23 : i32
    %add3A_25 = arith.constant 512 : i32
    %add3A_26 = arith.addi %mul3A_24, %add3A_25 : i32
    "tpu.region"() ({
      %run_scoped3A = tpu.sem_alloc : memref<!tpu.dma_semaphore, #tpu.memory_space<semaphore_mem>>
      %dma_start3A = arith.constant 0 : i32
      %dma_start3A_62 = tpu.memref_slice %arg10[%add3A_26, %dma_start3A] : memref<10240x128xf32, #tpu.memory_space<vmem_shared>> -> memref<128x128xf32, #tpu.memory_space<vmem_shared>>
      %dma_start3A_63 = arith.constant 0 : i32
      %dma_start3A_64 = tpu.memref_slice %arg10[%add3A_26, %dma_start3A_63] : memref<10240x128xf32, #tpu.memory_space<vmem_shared>> -> memref<128x128xf32, #tpu.memory_space<vmem_shared>>
      tpu.enqueue_dma source(%arg8 : memref<128x128xf32, #tpu.memory_space<vmem>>) target(%dma_start3A_64 : memref<128x128xf32, #tpu.memory_space<vmem_shared>>) target_semaphore(%run_scoped3A : memref<!tpu.dma_semaphore, #tpu.memory_space<semaphore_mem>>)
      %dma_wait3A = arith.constant 0 : i32
      %dma_wait3A_65 = tpu.memref_slice %arg10[%add3A_26, %dma_wait3A] : memref<10240x128xf32, #tpu.memory_space<vmem_shared>> -> memref<128x128xf32, #tpu.memory_space<vmem_shared>>
      %dma_wait3A_66 = arith.constant 0 : i32
      %dma_wait3A_67 = tpu.memref_slice %arg10[%add3A_26, %dma_wait3A_66] : memref<10240x128xf32, #tpu.memory_space<vmem_shared>> -> memref<128x128xf32, #tpu.memory_space<vmem_shared>>
      tpu.wait_dma2 semaphore(%run_scoped3A : memref<!tpu.dma_semaphore, #tpu.memory_space<semaphore_mem>>) src(%arg8 : memref<128x128xf32, #tpu.memory_space<vmem>>) dst(%dma_wait3A_67 : memref<128x128xf32, #tpu.memory_space<vmem_shared>>)
      tpu.yield
    }) : () -> ()
    %barrier3A = arith.constant 0 : index
    tpu.barrier barrier_id(%barrier3A)
    %mul3A_27 = arith.constant 80 : i32
    %mul3A_28 = arith.muli %add3A, %mul3A_27 : i32
    %add3A_29 = arith.constant 0 : i32
    %add3A_30 = arith.addi %mul3A_28, %add3A_29 : i32
    "tpu.region"() ({
      %run_scoped3A = tpu.sem_alloc : memref<!tpu.dma_semaphore, #tpu.memory_space<semaphore_mem>>
      %dma_start3A = arith.constant 0 : i32
      %dma_start3A_62 = tpu.memref_slice %arg3[%add3A_30, %dma_start3A] : memref<2560x128xi32, #tpu.memory_space<hbm>> -> memref<40x128xi32, #tpu.memory_space<hbm>>
      %dma_start3A_63 = arith.constant 0 : i32
      %dma_start3A_64 = tpu.memref_slice %arg3[%add3A_30, %dma_start3A_63] : memref<2560x128xi32, #tpu.memory_space<hbm>> -> memref<40x128xi32, #tpu.memory_space<hbm>>
      tpu.enqueue_dma source(%dma_start3A_64 : memref<40x128xi32, #tpu.memory_space<hbm>>) target(%arg6 : memref<40x128xi32, #tpu.memory_space<vmem>>) target_semaphore(%run_scoped3A : memref<!tpu.dma_semaphore, #tpu.memory_space<semaphore_mem>>)
      %dma_wait3A = arith.constant 0 : i32
      %dma_wait3A_65 = tpu.memref_slice %arg3[%add3A_30, %dma_wait3A] : memref<2560x128xi32, #tpu.memory_space<hbm>> -> memref<40x128xi32, #tpu.memory_space<hbm>>
      %dma_wait3A_66 = arith.constant 0 : i32
      %dma_wait3A_67 = tpu.memref_slice %arg3[%add3A_30, %dma_wait3A_66] : memref<2560x128xi32, #tpu.memory_space<hbm>> -> memref<40x128xi32, #tpu.memory_space<hbm>>
      tpu.wait_dma2 semaphore(%run_scoped3A : memref<!tpu.dma_semaphore, #tpu.memory_space<semaphore_mem>>) src(%dma_wait3A_67 : memref<40x128xi32, #tpu.memory_space<hbm>>) dst(%arg6 : memref<40x128xi32, #tpu.memory_space<vmem>>)
      tpu.yield
    }) : () -> ()
    %mul3A_31 = arith.constant 80 : i32
    %mul3A_32 = arith.muli %add3A, %mul3A_31 : i32
    %add3A_33 = arith.constant 0 : i32
    %add3A_34 = arith.addi %mul3A_32, %add3A_33 : i32
    "tpu.region"() ({
      %run_scoped3A = tpu.sem_alloc : memref<!tpu.dma_semaphore, #tpu.memory_space<semaphore_mem>>
      %dma_start3A = arith.constant 0 : i32
      %dma_start3A_62 = tpu.memref_slice %arg4[%add3A_34, %dma_start3A] : memref<2560x128xi32, #tpu.memory_space<hbm>> -> memref<40x128xi32, #tpu.memory_space<hbm>>
      %dma_start3A_63 = arith.constant 0 : i32
      %dma_start3A_64 = tpu.memref_slice %arg4[%add3A_34, %dma_start3A_63] : memref<2560x128xi32, #tpu.memory_space<hbm>> -> memref<40x128xi32, #tpu.memory_space<hbm>>
      tpu.enqueue_dma source(%dma_start3A_64 : memref<40x128xi32, #tpu.memory_space<hbm>>) target(%arg7 : memref<40x128xi32, #tpu.memory_space<vmem>>) target_semaphore(%run_scoped3A : memref<!tpu.dma_semaphore, #tpu.memory_space<semaphore_mem>>)
      %dma_wait3A = arith.constant 0 : i32
      %dma_wait3A_65 = tpu.memref_slice %arg4[%add3A_34, %dma_wait3A] : memref<2560x128xi32, #tpu.memory_space<hbm>> -> memref<40x128xi32, #tpu.memory_space<hbm>>
      %dma_wait3A_66 = arith.constant 0 : i32
      %dma_wait3A_67 = tpu.memref_slice %arg4[%add3A_34, %dma_wait3A_66] : memref<2560x128xi32, #tpu.memory_space<hbm>> -> memref<40x128xi32, #tpu.memory_space<hbm>>
      tpu.wait_dma2 semaphore(%run_scoped3A : memref<!tpu.dma_semaphore, #tpu.memory_space<semaphore_mem>>) src(%dma_wait3A_67 : memref<40x128xi32, #tpu.memory_space<hbm>>) dst(%arg7 : memref<40x128xi32, #tpu.memory_space<vmem>>)
      tpu.yield
    }) : () -> ()
    %scan3A_35 = arith.constant 0 : i32
    %scan3A_36 = arith.constant 0 : i32
    %scan3A_37 = arith.constant 5 : i32
    %scan3A_38 = arith.addi %scan3A_36, %scan3A_37 : i32
    %scan3A_39 = arith.constant 1 : i32
    %scan3A_40 = scf.for %scan3A_62 = %scan3A_36 to %scan3A_38 step %scan3A_39 iter_args(%scan3A_63 = %scan3A_35) -> (i32)  : i32 {
      %mul3A_64 = arith.constant 8 : i32
      %mul3A_65 = arith.muli %scan3A_62, %mul3A_64 : i32
      %add3A_66 = arith.constant 0 : i32
      %add3A_67 = arith.addi %mul3A_65, %add3A_66 : i32
      %dma_start3A = arith.constant 0 : i32
      %dma_start3A_68 = tpu.memref_slice %arg6[%add3A_67, %dma_start3A] : memref<40x128xi32, #tpu.memory_space<vmem>> -> memref<1x128xi32, #tpu.memory_space<vmem>>
      %dma_start3A_69 = tpu.memref_squeeze %dma_start3A_68 : memref<1x128xi32, #tpu.memory_space<vmem>> -> memref<128xi32, #tpu.memory_space<vmem>>
      %dma_start3A_70 = arith.constant 0 : i32
      %dma_start3A_71 = arith.constant 0 : i32
      %dma_start3A_72 = tpu.memref_slice %arg2[%dma_start3A_70, %dma_start3A_71] : memref<10240x128xf32, #tpu.memory_space<hbm>> -> memref<10240x128xf32, #tpu.memory_space<hbm>>
      tpu.enqueue_indirect_dma source(%dma_start3A_72 : memref<10240x128xf32, #tpu.memory_space<hbm>>) target(%arg8 : memref<128x128xf32, #tpu.memory_space<vmem>>) offsets(%dma_start3A_69 : memref<128xi32, #tpu.memory_space<vmem>>) semaphore(%arg11 : memref<!tpu.dma_semaphore, #tpu.memory_space<semaphore_mem>>)
      %add3A_73 = arith.constant 1 : i32
      %add3A_74 = arith.addi %mul3A_65, %add3A_73 : i32
      %dma_start3A_75 = arith.constant 0 : i32
      %dma_start3A_76 = tpu.memref_slice %arg6[%add3A_74, %dma_start3A_75] : memref<40x128xi32, #tpu.memory_space<vmem>> -> memref<1x128xi32, #tpu.memory_space<vmem>>
      %dma_start3A_77 = tpu.memref_squeeze %dma_start3A_76 : memref<1x128xi32, #tpu.memory_space<vmem>> -> memref<128xi32, #tpu.memory_space<vmem>>
      %dma_start3A_78 = arith.constant 0 : i32
      %dma_start3A_79 = arith.constant 0 : i32
      %dma_start3A_80 = tpu.memref_slice %arg2[%dma_start3A_78, %dma_start3A_79] : memref<10240x128xf32, #tpu.memory_space<hbm>> -> memref<10240x128xf32, #tpu.memory_space<hbm>>
      tpu.enqueue_indirect_dma source(%dma_start3A_80 : memref<10240x128xf32, #tpu.memory_space<hbm>>) target(%arg9 : memref<128x128xf32, #tpu.memory_space<vmem>>) offsets(%dma_start3A_77 : memref<128xi32, #tpu.memory_space<vmem>>) semaphore(%arg12 : memref<!tpu.dma_semaphore, #tpu.memory_space<semaphore_mem>>)
      %dma_wait3A = arith.constant 0 : i32
      %dma_wait3A_81 = tpu.memref_slice %arg6[%add3A_67, %dma_wait3A] : memref<40x128xi32, #tpu.memory_space<vmem>> -> memref<1x128xi32, #tpu.memory_space<vmem>>
      %dma_wait3A_82 = tpu.memref_squeeze %dma_wait3A_81 : memref<1x128xi32, #tpu.memory_space<vmem>> -> memref<128xi32, #tpu.memory_space<vmem>>
      %dma_wait3A_83 = arith.constant 0 : i32
      %dma_wait3A_84 = arith.constant 0 : i32
      %dma_wait3A_85 = tpu.memref_slice %arg2[%dma_wait3A_83, %dma_wait3A_84] : memref<10240x128xf32, #tpu.memory_space<hbm>> -> memref<10240x128xf32, #tpu.memory_space<hbm>>
      tpu.wait_indirect_dma semaphore(%arg11 : memref<!tpu.dma_semaphore, #tpu.memory_space<semaphore_mem>>) src(%dma_wait3A_85 : memref<10240x128xf32, #tpu.memory_space<hbm>>) dst(%arg8 : memref<128x128xf32, #tpu.memory_space<vmem>>)
      %add3A_86 = arith.constant 0 : i32
      %add3A_87 = arith.addi %mul3A_65, %add3A_86 : i32
      "tpu.region"() ({
        %run_scoped3A = tpu.sem_alloc : memref<!tpu.dma_semaphore, #tpu.memory_space<semaphore_mem>>
        %dma_start3A_205 = arith.constant 0 : i32
        %dma_start3A_206 = tpu.memref_slice %arg7[%add3A_87, %dma_start3A_205] : memref<40x128xi32, #tpu.memory_space<vmem>> -> memref<1x128xi32, #tpu.memory_space<vmem>>
        %dma_start3A_207 = tpu.memref_squeeze %dma_start3A_206 : memref<1x128xi32, #tpu.memory_space<vmem>> -> memref<128xi32, #tpu.memory_space<vmem>>
        %dma_start3A_208 = arith.constant 0 : i32
        %dma_start3A_209 = arith.constant 0 : i32
        %dma_start3A_210 = tpu.memref_slice %arg10[%dma_start3A_208, %dma_start3A_209] : memref<10240x128xf32, #tpu.memory_space<vmem_shared>> -> memref<10240x128xf32, #tpu.memory_space<vmem_shared>>
        tpu.enqueue_indirect_dma source(%arg8 : memref<128x128xf32, #tpu.memory_space<vmem>>) target(%dma_start3A_210 : memref<10240x128xf32, #tpu.memory_space<vmem_shared>>) offsets(%dma_start3A_207 : memref<128xi32, #tpu.memory_space<vmem>>) semaphore(%run_scoped3A : memref<!tpu.dma_semaphore, #tpu.memory_space<semaphore_mem>>) {add = true}
        %dma_wait3A_211 = arith.constant 0 : i32
        %dma_wait3A_212 = tpu.memref_slice %arg7[%add3A_87, %dma_wait3A_211] : memref<40x128xi32, #tpu.memory_space<vmem>> -> memref<1x128xi32, #tpu.memory_space<vmem>>
        %dma_wait3A_213 = tpu.memref_squeeze %dma_wait3A_212 : memref<1x128xi32, #tpu.memory_space<vmem>> -> memref<128xi32, #tpu.memory_space<vmem>>
        %dma_wait3A_214 = arith.constant 0 : i32
        %dma_wait3A_215 = arith.constant 0 : i32
        %dma_wait3A_216 = tpu.memref_slice %arg10[%dma_wait3A_214, %dma_wait3A_215] : memref<10240x128xf32, #tpu.memory_space<vmem_shared>> -> memref<10240x128xf32, #tpu.memory_space<vmem_shared>>
        tpu.wait_indirect_dma semaphore(%run_scoped3A : memref<!tpu.dma_semaphore, #tpu.memory_space<semaphore_mem>>) src(%arg8 : memref<128x128xf32, #tpu.memory_space<vmem>>) dst(%dma_wait3A_216 : memref<10240x128xf32, #tpu.memory_space<vmem_shared>>)
        tpu.yield
      }) : () -> ()
      %add3A_88 = arith.constant 0 : i32
      %add3A_89 = arith.addi %mul3A_65, %add3A_88 : i32
      %add3A_90 = arith.constant 2 : i32
      %add3A_91 = arith.addi %add3A_89, %add3A_90 : i32
      %dma_start3A_92 = arith.constant 0 : i32
      %dma_start3A_93 = tpu.memref_slice %arg6[%add3A_91, %dma_start3A_92] : memref<40x128xi32, #tpu.memory_space<vmem>> -> memref<1x128xi32, #tpu.memory_space<vmem>>
      %dma_start3A_94 = tpu.memref_squeeze %dma_start3A_93 : memref<1x128xi32, #tpu.memory_space<vmem>> -> memref<128xi32, #tpu.memory_space<vmem>>
      %dma_start3A_95 = arith.constant 0 : i32
      %dma_start3A_96 = arith.constant 0 : i32
      %dma_start3A_97 = tpu.memref_slice %arg2[%dma_start3A_95, %dma_start3A_96] : memref<10240x128xf32, #tpu.memory_space<hbm>> -> memref<10240x128xf32, #tpu.memory_space<hbm>>
      tpu.enqueue_indirect_dma source(%dma_start3A_97 : memref<10240x128xf32, #tpu.memory_space<hbm>>) target(%arg8 : memref<128x128xf32, #tpu.memory_space<vmem>>) offsets(%dma_start3A_94 : memref<128xi32, #tpu.memory_space<vmem>>) semaphore(%arg11 : memref<!tpu.dma_semaphore, #tpu.memory_space<semaphore_mem>>)
      %dma_wait3A_98 = arith.constant 0 : i32
      %dma_wait3A_99 = tpu.memref_slice %arg6[%add3A_74, %dma_wait3A_98] : memref<40x128xi32, #tpu.memory_space<vmem>> -> memref<1x128xi32, #tpu.memory_space<vmem>>
      %dma_wait3A_100 = tpu.memref_squeeze %dma_wait3A_99 : memref<1x128xi32, #tpu.memory_space<vmem>> -> memref<128xi32, #tpu.memory_space<vmem>>
      %dma_wait3A_101 = arith.constant 0 : i32
      %dma_wait3A_102 = arith.constant 0 : i32
      %dma_wait3A_103 = tpu.memref_slice %arg2[%dma_wait3A_101, %dma_wait3A_102] : memref<10240x128xf32, #tpu.memory_space<hbm>> -> memref<10240x128xf32, #tpu.memory_space<hbm>>
      tpu.wait_indirect_dma semaphore(%arg12 : memref<!tpu.dma_semaphore, #tpu.memory_space<semaphore_mem>>) src(%dma_wait3A_103 : memref<10240x128xf32, #tpu.memory_space<hbm>>) dst(%arg9 : memref<128x128xf32, #tpu.memory_space<vmem>>)
      %add3A_104 = arith.constant 1 : i32
      %add3A_105 = arith.addi %mul3A_65, %add3A_104 : i32
      "tpu.region"() ({
        %run_scoped3A = tpu.sem_alloc : memref<!tpu.dma_semaphore, #tpu.memory_space<semaphore_mem>>
        %dma_start3A_205 = arith.constant 0 : i32
        %dma_start3A_206 = tpu.memref_slice %arg7[%add3A_105, %dma_start3A_205] : memref<40x128xi32, #tpu.memory_space<vmem>> -> memref<1x128xi32, #tpu.memory_space<vmem>>
        %dma_start3A_207 = tpu.memref_squeeze %dma_start3A_206 : memref<1x128xi32, #tpu.memory_space<vmem>> -> memref<128xi32, #tpu.memory_space<vmem>>
        %dma_start3A_208 = arith.constant 0 : i32
        %dma_start3A_209 = arith.constant 0 : i32
        %dma_start3A_210 = tpu.memref_slice %arg10[%dma_start3A_208, %dma_start3A_209] : memref<10240x128xf32, #tpu.memory_space<vmem_shared>> -> memref<10240x128xf32, #tpu.memory_space<vmem_shared>>
        tpu.enqueue_indirect_dma source(%arg9 : memref<128x128xf32, #tpu.memory_space<vmem>>) target(%dma_start3A_210 : memref<10240x128xf32, #tpu.memory_space<vmem_shared>>) offsets(%dma_start3A_207 : memref<128xi32, #tpu.memory_space<vmem>>) semaphore(%run_scoped3A : memref<!tpu.dma_semaphore, #tpu.memory_space<semaphore_mem>>) {add = true}
        %dma_wait3A_211 = arith.constant 0 : i32
        %dma_wait3A_212 = tpu.memref_slice %arg7[%add3A_105, %dma_wait3A_211] : memref<40x128xi32, #tpu.memory_space<vmem>> -> memref<1x128xi32, #tpu.memory_space<vmem>>
        %dma_wait3A_213 = tpu.memref_squeeze %dma_wait3A_212 : memref<1x128xi32, #tpu.memory_space<vmem>> -> memref<128xi32, #tpu.memory_space<vmem>>
        %dma_wait3A_214 = arith.constant 0 : i32
        %dma_wait3A_215 = arith.constant 0 : i32
        %dma_wait3A_216 = tpu.memref_slice %arg10[%dma_wait3A_214, %dma_wait3A_215] : memref<10240x128xf32, #tpu.memory_space<vmem_shared>> -> memref<10240x128xf32, #tpu.memory_space<vmem_shared>>
        tpu.wait_indirect_dma semaphore(%run_scoped3A : memref<!tpu.dma_semaphore, #tpu.memory_space<semaphore_mem>>) src(%arg9 : memref<128x128xf32, #tpu.memory_space<vmem>>) dst(%dma_wait3A_216 : memref<10240x128xf32, #tpu.memory_space<vmem_shared>>)
        tpu.yield
      }) : () -> ()
      %add3A_106 = arith.constant 1 : i32
      %add3A_107 = arith.addi %mul3A_65, %add3A_106 : i32
      %add3A_108 = arith.constant 2 : i32
      %add3A_109 = arith.addi %add3A_107, %add3A_108 : i32
      %dma_start3A_110 = arith.constant 0 : i32
      %dma_start3A_111 = tpu.memref_slice %arg6[%add3A_109, %dma_start3A_110] : memref<40x128xi32, #tpu.memory_space<vmem>> -> memref<1x128xi32, #tpu.memory_space<vmem>>
      %dma_start3A_112 = tpu.memref_squeeze %dma_start3A_111 : memref<1x128xi32, #tpu.memory_space<vmem>> -> memref<128xi32, #tpu.memory_space<vmem>>
      %dma_start3A_113 = arith.constant 0 : i32
      %dma_start3A_114 = arith.constant 0 : i32
      %dma_start3A_115 = tpu.memref_slice %arg2[%dma_start3A_113, %dma_start3A_114] : memref<10240x128xf32, #tpu.memory_space<hbm>> -> memref<10240x128xf32, #tpu.memory_space<hbm>>
      tpu.enqueue_indirect_dma source(%dma_start3A_115 : memref<10240x128xf32, #tpu.memory_space<hbm>>) target(%arg9 : memref<128x128xf32, #tpu.memory_space<vmem>>) offsets(%dma_start3A_112 : memref<128xi32, #tpu.memory_space<vmem>>) semaphore(%arg12 : memref<!tpu.dma_semaphore, #tpu.memory_space<semaphore_mem>>)
      %dma_wait3A_116 = arith.constant 0 : i32
      %dma_wait3A_117 = tpu.memref_slice %arg6[%add3A_91, %dma_wait3A_116] : memref<40x128xi32, #tpu.memory_space<vmem>> -> memref<1x128xi32, #tpu.memory_space<vmem>>
      %dma_wait3A_118 = tpu.memref_squeeze %dma_wait3A_117 : memref<1x128xi32, #tpu.memory_space<vmem>> -> memref<128xi32, #tpu.memory_space<vmem>>
      %dma_wait3A_119 = arith.constant 0 : i32
      %dma_wait3A_120 = arith.constant 0 : i32
      %dma_wait3A_121 = tpu.memref_slice %arg2[%dma_wait3A_119, %dma_wait3A_120] : memref<10240x128xf32, #tpu.memory_space<hbm>> -> memref<10240x128xf32, #tpu.memory_space<hbm>>
      tpu.wait_indirect_dma semaphore(%arg11 : memref<!tpu.dma_semaphore, #tpu.memory_space<semaphore_mem>>) src(%dma_wait3A_121 : memref<10240x128xf32, #tpu.memory_space<hbm>>) dst(%arg8 : memref<128x128xf32, #tpu.memory_space<vmem>>)
      %add3A_122 = arith.constant 2 : i32
      %add3A_123 = arith.addi %mul3A_65, %add3A_122 : i32
      "tpu.region"() ({
        %run_scoped3A = tpu.sem_alloc : memref<!tpu.dma_semaphore, #tpu.memory_space<semaphore_mem>>
        %dma_start3A_205 = arith.constant 0 : i32
        %dma_start3A_206 = tpu.memref_slice %arg7[%add3A_123, %dma_start3A_205] : memref<40x128xi32, #tpu.memory_space<vmem>> -> memref<1x128xi32, #tpu.memory_space<vmem>>
        %dma_start3A_207 = tpu.memref_squeeze %dma_start3A_206 : memref<1x128xi32, #tpu.memory_space<vmem>> -> memref<128xi32, #tpu.memory_space<vmem>>
        %dma_start3A_208 = arith.constant 0 : i32
        %dma_start3A_209 = arith.constant 0 : i32
        %dma_start3A_210 = tpu.memref_slice %arg10[%dma_start3A_208, %dma_start3A_209] : memref<10240x128xf32, #tpu.memory_space<vmem_shared>> -> memref<10240x128xf32, #tpu.memory_space<vmem_shared>>
        tpu.enqueue_indirect_dma source(%arg8 : memref<128x128xf32, #tpu.memory_space<vmem>>) target(%dma_start3A_210 : memref<10240x128xf32, #tpu.memory_space<vmem_shared>>) offsets(%dma_start3A_207 : memref<128xi32, #tpu.memory_space<vmem>>) semaphore(%run_scoped3A : memref<!tpu.dma_semaphore, #tpu.memory_space<semaphore_mem>>) {add = true}
        %dma_wait3A_211 = arith.constant 0 : i32
        %dma_wait3A_212 = tpu.memref_slice %arg7[%add3A_123, %dma_wait3A_211] : memref<40x128xi32, #tpu.memory_space<vmem>> -> memref<1x128xi32, #tpu.memory_space<vmem>>
        %dma_wait3A_213 = tpu.memref_squeeze %dma_wait3A_212 : memref<1x128xi32, #tpu.memory_space<vmem>> -> memref<128xi32, #tpu.memory_space<vmem>>
        %dma_wait3A_214 = arith.constant 0 : i32
        %dma_wait3A_215 = arith.constant 0 : i32
        %dma_wait3A_216 = tpu.memref_slice %arg10[%dma_wait3A_214, %dma_wait3A_215] : memref<10240x128xf32, #tpu.memory_space<vmem_shared>> -> memref<10240x128xf32, #tpu.memory_space<vmem_shared>>
        tpu.wait_indirect_dma semaphore(%run_scoped3A : memref<!tpu.dma_semaphore, #tpu.memory_space<semaphore_mem>>) src(%arg8 : memref<128x128xf32, #tpu.memory_space<vmem>>) dst(%dma_wait3A_216 : memref<10240x128xf32, #tpu.memory_space<vmem_shared>>)
        tpu.yield
      }) : () -> ()
      %add3A_124 = arith.constant 2 : i32
      %add3A_125 = arith.addi %mul3A_65, %add3A_124 : i32
      %add3A_126 = arith.constant 2 : i32
      %add3A_127 = arith.addi %add3A_125, %add3A_126 : i32
      %dma_start3A_128 = arith.constant 0 : i32
      %dma_start3A_129 = tpu.memref_slice %arg6[%add3A_127, %dma_start3A_128] : memref<40x128xi32, #tpu.memory_space<vmem>> -> memref<1x128xi32, #tpu.memory_space<vmem>>
      %dma_start3A_130 = tpu.memref_squeeze %dma_start3A_129 : memref<1x128xi32, #tpu.memory_space<vmem>> -> memref<128xi32, #tpu.memory_space<vmem>>
      %dma_start3A_131 = arith.constant 0 : i32
      %dma_start3A_132 = arith.constant 0 : i32
      %dma_start3A_133 = tpu.memref_slice %arg2[%dma_start3A_131, %dma_start3A_132] : memref<10240x128xf32, #tpu.memory_space<hbm>> -> memref<10240x128xf32, #tpu.memory_space<hbm>>
      tpu.enqueue_indirect_dma source(%dma_start3A_133 : memref<10240x128xf32, #tpu.memory_space<hbm>>) target(%arg8 : memref<128x128xf32, #tpu.memory_space<vmem>>) offsets(%dma_start3A_130 : memref<128xi32, #tpu.memory_space<vmem>>) semaphore(%arg11 : memref<!tpu.dma_semaphore, #tpu.memory_space<semaphore_mem>>)
      %dma_wait3A_134 = arith.constant 0 : i32
      %dma_wait3A_135 = tpu.memref_slice %arg6[%add3A_109, %dma_wait3A_134] : memref<40x128xi32, #tpu.memory_space<vmem>> -> memref<1x128xi32, #tpu.memory_space<vmem>>
      %dma_wait3A_136 = tpu.memref_squeeze %dma_wait3A_135 : memref<1x128xi32, #tpu.memory_space<vmem>> -> memref<128xi32, #tpu.memory_space<vmem>>
      %dma_wait3A_137 = arith.constant 0 : i32
      %dma_wait3A_138 = arith.constant 0 : i32
      %dma_wait3A_139 = tpu.memref_slice %arg2[%dma_wait3A_137, %dma_wait3A_138] : memref<10240x128xf32, #tpu.memory_space<hbm>> -> memref<10240x128xf32, #tpu.memory_space<hbm>>
      tpu.wait_indirect_dma semaphore(%arg12 : memref<!tpu.dma_semaphore, #tpu.memory_space<semaphore_mem>>) src(%dma_wait3A_139 : memref<10240x128xf32, #tpu.memory_space<hbm>>) dst(%arg9 : memref<128x128xf32, #tpu.memory_space<vmem>>)
      %add3A_140 = arith.constant 3 : i32
      %add3A_141 = arith.addi %mul3A_65, %add3A_140 : i32
      "tpu.region"() ({
        %run_scoped3A = tpu.sem_alloc : memref<!tpu.dma_semaphore, #tpu.memory_space<semaphore_mem>>
        %dma_start3A_205 = arith.constant 0 : i32
        %dma_start3A_206 = tpu.memref_slice %arg7[%add3A_141, %dma_start3A_205] : memref<40x128xi32, #tpu.memory_space<vmem>> -> memref<1x128xi32, #tpu.memory_space<vmem>>
        %dma_start3A_207 = tpu.memref_squeeze %dma_start3A_206 : memref<1x128xi32, #tpu.memory_space<vmem>> -> memref<128xi32, #tpu.memory_space<vmem>>
        %dma_start3A_208 = arith.constant 0 : i32
        %dma_start3A_209 = arith.constant 0 : i32
        %dma_start3A_210 = tpu.memref_slice %arg10[%dma_start3A_208, %dma_start3A_209] : memref<10240x128xf32, #tpu.memory_space<vmem_shared>> -> memref<10240x128xf32, #tpu.memory_space<vmem_shared>>
        tpu.enqueue_indirect_dma source(%arg9 : memref<128x128xf32, #tpu.memory_space<vmem>>) target(%dma_start3A_210 : memref<10240x128xf32, #tpu.memory_space<vmem_shared>>) offsets(%dma_start3A_207 : memref<128xi32, #tpu.memory_space<vmem>>) semaphore(%run_scoped3A : memref<!tpu.dma_semaphore, #tpu.memory_space<semaphore_mem>>) {add = true}
        %dma_wait3A_211 = arith.constant 0 : i32
        %dma_wait3A_212 = tpu.memref_slice %arg7[%add3A_141, %dma_wait3A_211] : memref<40x128xi32, #tpu.memory_space<vmem>> -> memref<1x128xi32, #tpu.memory_space<vmem>>
        %dma_wait3A_213 = tpu.memref_squeeze %dma_wait3A_212 : memref<1x128xi32, #tpu.memory_space<vmem>> -> memref<128xi32, #tpu.memory_space<vmem>>
        %dma_wait3A_214 = arith.constant 0 : i32
        %dma_wait3A_215 = arith.constant 0 : i32
        %dma_wait3A_216 = tpu.memref_slice %arg10[%dma_wait3A_214, %dma_wait3A_215] : memref<10240x128xf32, #tpu.memory_space<vmem_shared>> -> memref<10240x128xf32, #tpu.memory_space<vmem_shared>>
        tpu.wait_indirect_dma semaphore(%run_scoped3A : memref<!tpu.dma_semaphore, #tpu.memory_space<semaphore_mem>>) src(%arg9 : memref<128x128xf32, #tpu.memory_space<vmem>>) dst(%dma_wait3A_216 : memref<10240x128xf32, #tpu.memory_space<vmem_shared>>)
        tpu.yield
      }) : () -> ()
      %add3A_142 = arith.constant 3 : i32
      %add3A_143 = arith.addi %mul3A_65, %add3A_142 : i32
      %add3A_144 = arith.constant 2 : i32
      %add3A_145 = arith.addi %add3A_143, %add3A_144 : i32
      %dma_start3A_146 = arith.constant 0 : i32
      %dma_start3A_147 = tpu.memref_slice %arg6[%add3A_145, %dma_start3A_146] : memref<40x128xi32, #tpu.memory_space<vmem>> -> memref<1x128xi32, #tpu.memory_space<vmem>>
      %dma_start3A_148 = tpu.memref_squeeze %dma_start3A_147 : memref<1x128xi32, #tpu.memory_space<vmem>> -> memref<128xi32, #tpu.memory_space<vmem>>
      %dma_start3A_149 = arith.constant 0 : i32
      %dma_start3A_150 = arith.constant 0 : i32
      %dma_start3A_151 = tpu.memref_slice %arg2[%dma_start3A_149, %dma_start3A_150] : memref<10240x128xf32, #tpu.memory_space<hbm>> -> memref<10240x128xf32, #tpu.memory_space<hbm>>
      tpu.enqueue_indirect_dma source(%dma_start3A_151 : memref<10240x128xf32, #tpu.memory_space<hbm>>) target(%arg9 : memref<128x128xf32, #tpu.memory_space<vmem>>) offsets(%dma_start3A_148 : memref<128xi32, #tpu.memory_space<vmem>>) semaphore(%arg12 : memref<!tpu.dma_semaphore, #tpu.memory_space<semaphore_mem>>)
      %dma_wait3A_152 = arith.constant 0 : i32
      %dma_wait3A_153 = tpu.memref_slice %arg6[%add3A_127, %dma_wait3A_152] : memref<40x128xi32, #tpu.memory_space<vmem>> -> memref<1x128xi32, #tpu.memory_space<vmem>>
      %dma_wait3A_154 = tpu.memref_squeeze %dma_wait3A_153 : memref<1x128xi32, #tpu.memory_space<vmem>> -> memref<128xi32, #tpu.memory_space<vmem>>
      %dma_wait3A_155 = arith.constant 0 : i32
      %dma_wait3A_156 = arith.constant 0 : i32
      %dma_wait3A_157 = tpu.memref_slice %arg2[%dma_wait3A_155, %dma_wait3A_156] : memref<10240x128xf32, #tpu.memory_space<hbm>> -> memref<10240x128xf32, #tpu.memory_space<hbm>>
      tpu.wait_indirect_dma semaphore(%arg11 : memref<!tpu.dma_semaphore, #tpu.memory_space<semaphore_mem>>) src(%dma_wait3A_157 : memref<10240x128xf32, #tpu.memory_space<hbm>>) dst(%arg8 : memref<128x128xf32, #tpu.memory_space<vmem>>)
      %add3A_158 = arith.constant 4 : i32
      %add3A_159 = arith.addi %mul3A_65, %add3A_158 : i32
      "tpu.region"() ({
        %run_scoped3A = tpu.sem_alloc : memref<!tpu.dma_semaphore, #tpu.memory_space<semaphore_mem>>
        %dma_start3A_205 = arith.constant 0 : i32
        %dma_start3A_206 = tpu.memref_slice %arg7[%add3A_159, %dma_start3A_205] : memref<40x128xi32, #tpu.memory_space<vmem>> -> memref<1x128xi32, #tpu.memory_space<vmem>>
        %dma_start3A_207 = tpu.memref_squeeze %dma_start3A_206 : memref<1x128xi32, #tpu.memory_space<vmem>> -> memref<128xi32, #tpu.memory_space<vmem>>
        %dma_start3A_208 = arith.constant 0 : i32
        %dma_start3A_209 = arith.constant 0 : i32
        %dma_start3A_210 = tpu.memref_slice %arg10[%dma_start3A_208, %dma_start3A_209] : memref<10240x128xf32, #tpu.memory_space<vmem_shared>> -> memref<10240x128xf32, #tpu.memory_space<vmem_shared>>
        tpu.enqueue_indirect_dma source(%arg8 : memref<128x128xf32, #tpu.memory_space<vmem>>) target(%dma_start3A_210 : memref<10240x128xf32, #tpu.memory_space<vmem_shared>>) offsets(%dma_start3A_207 : memref<128xi32, #tpu.memory_space<vmem>>) semaphore(%run_scoped3A : memref<!tpu.dma_semaphore, #tpu.memory_space<semaphore_mem>>) {add = true}
        %dma_wait3A_211 = arith.constant 0 : i32
        %dma_wait3A_212 = tpu.memref_slice %arg7[%add3A_159, %dma_wait3A_211] : memref<40x128xi32, #tpu.memory_space<vmem>> -> memref<1x128xi32, #tpu.memory_space<vmem>>
        %dma_wait3A_213 = tpu.memref_squeeze %dma_wait3A_212 : memref<1x128xi32, #tpu.memory_space<vmem>> -> memref<128xi32, #tpu.memory_space<vmem>>
        %dma_wait3A_214 = arith.constant 0 : i32
        %dma_wait3A_215 = arith.constant 0 : i32
        %dma_wait3A_216 = tpu.memref_slice %arg10[%dma_wait3A_214, %dma_wait3A_215] : memref<10240x128xf32, #tpu.memory_space<vmem_shared>> -> memref<10240x128xf32, #tpu.memory_space<vmem_shared>>
        tpu.wait_indirect_dma semaphore(%run_scoped3A : memref<!tpu.dma_semaphore, #tpu.memory_space<semaphore_mem>>) src(%arg8 : memref<128x128xf32, #tpu.memory_space<vmem>>) dst(%dma_wait3A_216 : memref<10240x128xf32, #tpu.memory_space<vmem_shared>>)
        tpu.yield
      }) : () -> ()
      %add3A_160 = arith.constant 4 : i32
      %add3A_161 = arith.addi %mul3A_65, %add3A_160 : i32
      %add3A_162 = arith.constant 2 : i32
      %add3A_163 = arith.addi %add3A_161, %add3A_162 : i32
      %dma_start3A_164 = arith.constant 0 : i32
      %dma_start3A_165 = tpu.memref_slice %arg6[%add3A_163, %dma_start3A_164] : memref<40x128xi32, #tpu.memory_space<vmem>> -> memref<1x128xi32, #tpu.memory_space<vmem>>
      %dma_start3A_166 = tpu.memref_squeeze %dma_start3A_165 : memref<1x128xi32, #tpu.memory_space<vmem>> -> memref<128xi32, #tpu.memory_space<vmem>>
      %dma_start3A_167 = arith.constant 0 : i32
      %dma_start3A_168 = arith.constant 0 : i32
      %dma_start3A_169 = tpu.memref_slice %arg2[%dma_start3A_167, %dma_start3A_168] : memref<10240x128xf32, #tpu.memory_space<hbm>> -> memref<10240x128xf32, #tpu.memory_space<hbm>>
      tpu.enqueue_indirect_dma source(%dma_start3A_169 : memref<10240x128xf32, #tpu.memory_space<hbm>>) target(%arg8 : memref<128x128xf32, #tpu.memory_space<vmem>>) offsets(%dma_start3A_166 : memref<128xi32, #tpu.memory_space<vmem>>) semaphore(%arg11 : memref<!tpu.dma_semaphore, #tpu.memory_space<semaphore_mem>>)
      %dma_wait3A_170 = arith.constant 0 : i32
      %dma_wait3A_171 = tpu.memref_slice %arg6[%add3A_145, %dma_wait3A_170] : memref<40x128xi32, #tpu.memory_space<vmem>> -> memref<1x128xi32, #tpu.memory_space<vmem>>
      %dma_wait3A_172 = tpu.memref_squeeze %dma_wait3A_171 : memref<1x128xi32, #tpu.memory_space<vmem>> -> memref<128xi32, #tpu.memory_space<vmem>>
      %dma_wait3A_173 = arith.constant 0 : i32
      %dma_wait3A_174 = arith.constant 0 : i32
      %dma_wait3A_175 = tpu.memref_slice %arg2[%dma_wait3A_173, %dma_wait3A_174] : memref<10240x128xf32, #tpu.memory_space<hbm>> -> memref<10240x128xf32, #tpu.memory_space<hbm>>
      tpu.wait_indirect_dma semaphore(%arg12 : memref<!tpu.dma_semaphore, #tpu.memory_space<semaphore_mem>>) src(%dma_wait3A_175 : memref<10240x128xf32, #tpu.memory_space<hbm>>) dst(%arg9 : memref<128x128xf32, #tpu.memory_space<vmem>>)
      %add3A_176 = arith.constant 5 : i32
      %add3A_177 = arith.addi %mul3A_65, %add3A_176 : i32
      "tpu.region"() ({
        %run_scoped3A = tpu.sem_alloc : memref<!tpu.dma_semaphore, #tpu.memory_space<semaphore_mem>>
        %dma_start3A_205 = arith.constant 0 : i32
        %dma_start3A_206 = tpu.memref_slice %arg7[%add3A_177, %dma_start3A_205] : memref<40x128xi32, #tpu.memory_space<vmem>> -> memref<1x128xi32, #tpu.memory_space<vmem>>
        %dma_start3A_207 = tpu.memref_squeeze %dma_start3A_206 : memref<1x128xi32, #tpu.memory_space<vmem>> -> memref<128xi32, #tpu.memory_space<vmem>>
        %dma_start3A_208 = arith.constant 0 : i32
        %dma_start3A_209 = arith.constant 0 : i32
        %dma_start3A_210 = tpu.memref_slice %arg10[%dma_start3A_208, %dma_start3A_209] : memref<10240x128xf32, #tpu.memory_space<vmem_shared>> -> memref<10240x128xf32, #tpu.memory_space<vmem_shared>>
        tpu.enqueue_indirect_dma source(%arg9 : memref<128x128xf32, #tpu.memory_space<vmem>>) target(%dma_start3A_210 : memref<10240x128xf32, #tpu.memory_space<vmem_shared>>) offsets(%dma_start3A_207 : memref<128xi32, #tpu.memory_space<vmem>>) semaphore(%run_scoped3A : memref<!tpu.dma_semaphore, #tpu.memory_space<semaphore_mem>>) {add = true}
        %dma_wait3A_211 = arith.constant 0 : i32
        %dma_wait3A_212 = tpu.memref_slice %arg7[%add3A_177, %dma_wait3A_211] : memref<40x128xi32, #tpu.memory_space<vmem>> -> memref<1x128xi32, #tpu.memory_space<vmem>>
        %dma_wait3A_213 = tpu.memref_squeeze %dma_wait3A_212 : memref<1x128xi32, #tpu.memory_space<vmem>> -> memref<128xi32, #tpu.memory_space<vmem>>
        %dma_wait3A_214 = arith.constant 0 : i32
        %dma_wait3A_215 = arith.constant 0 : i32
        %dma_wait3A_216 = tpu.memref_slice %arg10[%dma_wait3A_214, %dma_wait3A_215] : memref<10240x128xf32, #tpu.memory_space<vmem_shared>> -> memref<10240x128xf32, #tpu.memory_space<vmem_shared>>
        tpu.wait_indirect_dma semaphore(%run_scoped3A : memref<!tpu.dma_semaphore, #tpu.memory_space<semaphore_mem>>) src(%arg9 : memref<128x128xf32, #tpu.memory_space<vmem>>) dst(%dma_wait3A_216 : memref<10240x128xf32, #tpu.memory_space<vmem_shared>>)
        tpu.yield
      }) : () -> ()
      %add3A_178 = arith.constant 5 : i32
      %add3A_179 = arith.addi %mul3A_65, %add3A_178 : i32
      %add3A_180 = arith.constant 2 : i32
      %add3A_181 = arith.addi %add3A_179, %add3A_180 : i32
      %dma_start3A_182 = arith.constant 0 : i32
      %dma_start3A_183 = tpu.memref_slice %arg6[%add3A_181, %dma_start3A_182] : memref<40x128xi32, #tpu.memory_space<vmem>> -> memref<1x128xi32, #tpu.memory_space<vmem>>
      %dma_start3A_184 = tpu.memref_squeeze %dma_start3A_183 : memref<1x128xi32, #tpu.memory_space<vmem>> -> memref<128xi32, #tpu.memory_space<vmem>>
      %dma_start3A_185 = arith.constant 0 : i32
      %dma_start3A_186 = arith.constant 0 : i32
      %dma_start3A_187 = tpu.memref_slice %arg2[%dma_start3A_185, %dma_start3A_186] : memref<10240x128xf32, #tpu.memory_space<hbm>> -> memref<10240x128xf32, #tpu.memory_space<hbm>>
      tpu.enqueue_indirect_dma source(%dma_start3A_187 : memref<10240x128xf32, #tpu.memory_space<hbm>>) target(%arg9 : memref<128x128xf32, #tpu.memory_space<vmem>>) offsets(%dma_start3A_184 : memref<128xi32, #tpu.memory_space<vmem>>) semaphore(%arg12 : memref<!tpu.dma_semaphore, #tpu.memory_space<semaphore_mem>>)
      %dma_wait3A_188 = arith.constant 0 : i32
      %dma_wait3A_189 = tpu.memref_slice %arg6[%add3A_163, %dma_wait3A_188] : memref<40x128xi32, #tpu.memory_space<vmem>> -> memref<1x128xi32, #tpu.memory_space<vmem>>
      %dma_wait3A_190 = tpu.memref_squeeze %dma_wait3A_189 : memref<1x128xi32, #tpu.memory_space<vmem>> -> memref<128xi32, #tpu.memory_space<vmem>>
      %dma_wait3A_191 = arith.constant 0 : i32
      %dma_wait3A_192 = arith.constant 0 : i32
      %dma_wait3A_193 = tpu.memref_slice %arg2[%dma_wait3A_191, %dma_wait3A_192] : memref<10240x128xf32, #tpu.memory_space<hbm>> -> memref<10240x128xf32, #tpu.memory_space<hbm>>
      tpu.wait_indirect_dma semaphore(%arg11 : memref<!tpu.dma_semaphore, #tpu.memory_space<semaphore_mem>>) src(%dma_wait3A_193 : memref<10240x128xf32, #tpu.memory_space<hbm>>) dst(%arg8 : memref<128x128xf32, #tpu.memory_space<vmem>>)
      %add3A_194 = arith.constant 6 : i32
      %add3A_195 = arith.addi %mul3A_65, %add3A_194 : i32
      "tpu.region"() ({
        %run_scoped3A = tpu.sem_alloc : memref<!tpu.dma_semaphore, #tpu.memory_space<semaphore_mem>>
        %dma_start3A_205 = arith.constant 0 : i32
        %dma_start3A_206 = tpu.memref_slice %arg7[%add3A_195, %dma_start3A_205] : memref<40x128xi32, #tpu.memory_space<vmem>> -> memref<1x128xi32, #tpu.memory_space<vmem>>
        %dma_start3A_207 = tpu.memref_squeeze %dma_start3A_206 : memref<1x128xi32, #tpu.memory_space<vmem>> -> memref<128xi32, #tpu.memory_space<vmem>>
        %dma_start3A_208 = arith.constant 0 : i32
        %dma_start3A_209 = arith.constant 0 : i32
        %dma_start3A_210 = tpu.memref_slice %arg10[%dma_start3A_208, %dma_start3A_209] : memref<10240x128xf32, #tpu.memory_space<vmem_shared>> -> memref<10240x128xf32, #tpu.memory_space<vmem_shared>>
        tpu.enqueue_indirect_dma source(%arg8 : memref<128x128xf32, #tpu.memory_space<vmem>>) target(%dma_start3A_210 : memref<10240x128xf32, #tpu.memory_space<vmem_shared>>) offsets(%dma_start3A_207 : memref<128xi32, #tpu.memory_space<vmem>>) semaphore(%run_scoped3A : memref<!tpu.dma_semaphore, #tpu.memory_space<semaphore_mem>>) {add = true}
        %dma_wait3A_211 = arith.constant 0 : i32
        %dma_wait3A_212 = tpu.memref_slice %arg7[%add3A_195, %dma_wait3A_211] : memref<40x128xi32, #tpu.memory_space<vmem>> -> memref<1x128xi32, #tpu.memory_space<vmem>>
        %dma_wait3A_213 = tpu.memref_squeeze %dma_wait3A_212 : memref<1x128xi32, #tpu.memory_space<vmem>> -> memref<128xi32, #tpu.memory_space<vmem>>
        %dma_wait3A_214 = arith.constant 0 : i32
        %dma_wait3A_215 = arith.constant 0 : i32
        %dma_wait3A_216 = tpu.memref_slice %arg10[%dma_wait3A_214, %dma_wait3A_215] : memref<10240x128xf32, #tpu.memory_space<vmem_shared>> -> memref<10240x128xf32, #tpu.memory_space<vmem_shared>>
        tpu.wait_indirect_dma semaphore(%run_scoped3A : memref<!tpu.dma_semaphore, #tpu.memory_space<semaphore_mem>>) src(%arg8 : memref<128x128xf32, #tpu.memory_space<vmem>>) dst(%dma_wait3A_216 : memref<10240x128xf32, #tpu.memory_space<vmem_shared>>)
        tpu.yield
      }) : () -> ()
      %dma_wait3A_196 = arith.constant 0 : i32
      %dma_wait3A_197 = tpu.memref_slice %arg6[%add3A_181, %dma_wait3A_196] : memref<40x128xi32, #tpu.memory_space<vmem>> -> memref<1x128xi32, #tpu.memory_space<vmem>>
      %dma_wait3A_198 = tpu.memref_squeeze %dma_wait3A_197 : memref<1x128xi32, #tpu.memory_space<vmem>> -> memref<128xi32, #tpu.memory_space<vmem>>
      %dma_wait3A_199 = arith.constant 0 : i32
      %dma_wait3A_200 = arith.constant 0 : i32
      %dma_wait3A_201 = tpu.memref_slice %arg2[%dma_wait3A_199, %dma_wait3A_200] : memref<10240x128xf32, #tpu.memory_space<hbm>> -> memref<10240x128xf32, #tpu.memory_space<hbm>>
      tpu.wait_indirect_dma semaphore(%arg12 : memref<!tpu.dma_semaphore, #tpu.memory_space<semaphore_mem>>) src(%dma_wait3A_201 : memref<10240x128xf32, #tpu.memory_space<hbm>>) dst(%arg9 : memref<128x128xf32, #tpu.memory_space<vmem>>)
      %add3A_202 = arith.constant 7 : i32
      %add3A_203 = arith.addi %mul3A_65, %add3A_202 : i32
      "tpu.region"() ({
        %run_scoped3A = tpu.sem_alloc : memref<!tpu.dma_semaphore, #tpu.memory_space<semaphore_mem>>
        %dma_start3A_205 = arith.constant 0 : i32
        %dma_start3A_206 = tpu.memref_slice %arg7[%add3A_203, %dma_start3A_205] : memref<40x128xi32, #tpu.memory_space<vmem>> -> memref<1x128xi32, #tpu.memory_space<vmem>>
        %dma_start3A_207 = tpu.memref_squeeze %dma_start3A_206 : memref<1x128xi32, #tpu.memory_space<vmem>> -> memref<128xi32, #tpu.memory_space<vmem>>
        %dma_start3A_208 = arith.constant 0 : i32
        %dma_start3A_209 = arith.constant 0 : i32
        %dma_start3A_210 = tpu.memref_slice %arg10[%dma_start3A_208, %dma_start3A_209] : memref<10240x128xf32, #tpu.memory_space<vmem_shared>> -> memref<10240x128xf32, #tpu.memory_space<vmem_shared>>
        tpu.enqueue_indirect_dma source(%arg9 : memref<128x128xf32, #tpu.memory_space<vmem>>) target(%dma_start3A_210 : memref<10240x128xf32, #tpu.memory_space<vmem_shared>>) offsets(%dma_start3A_207 : memref<128xi32, #tpu.memory_space<vmem>>) semaphore(%run_scoped3A : memref<!tpu.dma_semaphore, #tpu.memory_space<semaphore_mem>>) {add = true}
        %dma_wait3A_211 = arith.constant 0 : i32
        %dma_wait3A_212 = tpu.memref_slice %arg7[%add3A_203, %dma_wait3A_211] : memref<40x128xi32, #tpu.memory_space<vmem>> -> memref<1x128xi32, #tpu.memory_space<vmem>>
        %dma_wait3A_213 = tpu.memref_squeeze %dma_wait3A_212 : memref<1x128xi32, #tpu.memory_space<vmem>> -> memref<128xi32, #tpu.memory_space<vmem>>
        %dma_wait3A_214 = arith.constant 0 : i32
        %dma_wait3A_215 = arith.constant 0 : i32
        %dma_wait3A_216 = tpu.memref_slice %arg10[%dma_wait3A_214, %dma_wait3A_215] : memref<10240x128xf32, #tpu.memory_space<vmem_shared>> -> memref<10240x128xf32, #tpu.memory_space<vmem_shared>>
        tpu.wait_indirect_dma semaphore(%run_scoped3A : memref<!tpu.dma_semaphore, #tpu.memory_space<semaphore_mem>>) src(%arg9 : memref<128x128xf32, #tpu.memory_space<vmem>>) dst(%dma_wait3A_216 : memref<10240x128xf32, #tpu.memory_space<vmem_shared>>)
        tpu.yield
      }) : () -> ()
      %scan3A_204 = arith.constant 0 : i32
      scf.yield %scan3A_204 : i32
    }
    %scan3A_41 = arith.constant 5 : i32
    %mul3A_42 = arith.constant 80 : i32
    %mul3A_43 = arith.muli %add3A, %mul3A_42 : i32
    %add3A_44 = arith.constant 40 : i32
    %add3A_45 = arith.addi %mul3A_43, %add3A_44 : i32
    "tpu.region"() ({
      %run_scoped3A = tpu.sem_alloc : memref<!tpu.dma_semaphore, #tpu.memory_space<semaphore_mem>>
      %dma_start3A = arith.constant 0 : i32
      %dma_start3A_62 = tpu.memref_slice %arg3[%add3A_45, %dma_start3A] : memref<2560x128xi32, #tpu.memory_space<hbm>> -> memref<40x128xi32, #tpu.memory_space<hbm>>
      %dma_start3A_63 = arith.constant 0 : i32
      %dma_start3A_64 = tpu.memref_slice %arg3[%add3A_45, %dma_start3A_63] : memref<2560x128xi32, #tpu.memory_space<hbm>> -> memref<40x128xi32, #tpu.memory_space<hbm>>
      tpu.enqueue_dma source(%dma_start3A_64 : memref<40x128xi32, #tpu.memory_space<hbm>>) target(%arg6 : memref<40x128xi32, #tpu.memory_space<vmem>>) target_semaphore(%run_scoped3A : memref<!tpu.dma_semaphore, #tpu.memory_space<semaphore_mem>>)
      %dma_wait3A = arith.constant 0 : i32
      %dma_wait3A_65 = tpu.memref_slice %arg3[%add3A_45, %dma_wait3A] : memref<2560x128xi32, #tpu.memory_space<hbm>> -> memref<40x128xi32, #tpu.memory_space<hbm>>
      %dma_wait3A_66 = arith.constant 0 : i32
      %dma_wait3A_67 = tpu.memref_slice %arg3[%add3A_45, %dma_wait3A_66] : memref<2560x128xi32, #tpu.memory_space<hbm>> -> memref<40x128xi32, #tpu.memory_space<hbm>>
      tpu.wait_dma2 semaphore(%run_scoped3A : memref<!tpu.dma_semaphore, #tpu.memory_space<semaphore_mem>>) src(%dma_wait3A_67 : memref<40x128xi32, #tpu.memory_space<hbm>>) dst(%arg6 : memref<40x128xi32, #tpu.memory_space<vmem>>)
      tpu.yield
    }) : () -> ()
    %mul3A_46 = arith.constant 80 : i32
    %mul3A_47 = arith.muli %add3A, %mul3A_46 : i32
    %add3A_48 = arith.constant 40 : i32
    %add3A_49 = arith.addi %mul3A_47, %add3A_48 : i32
    "tpu.region"() ({
      %run_scoped3A = tpu.sem_alloc : memref<!tpu.dma_semaphore, #tpu.memory_space<semaphore_mem>>
      %dma_start3A = arith.constant 0 : i32
      %dma_start3A_62 = tpu.memref_slice %arg4[%add3A_49, %dma_start3A] : memref<2560x128xi32, #tpu.memory_space<hbm>> -> memref<40x128xi32, #tpu.memory_space<hbm>>
      %dma_start3A_63 = arith.constant 0 : i32
      %dma_start3A_64 = tpu.memref_slice %arg4[%add3A_49, %dma_start3A_63] : memref<2560x128xi32, #tpu.memory_space<hbm>> -> memref<40x128xi32, #tpu.memory_space<hbm>>
      tpu.enqueue_dma source(%dma_start3A_64 : memref<40x128xi32, #tpu.memory_space<hbm>>) target(%arg7 : memref<40x128xi32, #tpu.memory_space<vmem>>) target_semaphore(%run_scoped3A : memref<!tpu.dma_semaphore, #tpu.memory_space<semaphore_mem>>)
      %dma_wait3A = arith.constant 0 : i32
      %dma_wait3A_65 = tpu.memref_slice %arg4[%add3A_49, %dma_wait3A] : memref<2560x128xi32, #tpu.memory_space<hbm>> -> memref<40x128xi32, #tpu.memory_space<hbm>>
      %dma_wait3A_66 = arith.constant 0 : i32
      %dma_wait3A_67 = tpu.memref_slice %arg4[%add3A_49, %dma_wait3A_66] : memref<2560x128xi32, #tpu.memory_space<hbm>> -> memref<40x128xi32, #tpu.memory_space<hbm>>
      tpu.wait_dma2 semaphore(%run_scoped3A : memref<!tpu.dma_semaphore, #tpu.memory_space<semaphore_mem>>) src(%dma_wait3A_67 : memref<40x128xi32, #tpu.memory_space<hbm>>) dst(%arg7 : memref<40x128xi32, #tpu.memory_space<vmem>>)
      tpu.yield
    }) : () -> ()
    %scan3A_50 = arith.constant 0 : i32
    %scan3A_51 = arith.constant 0 : i32
    %scan3A_52 = arith.constant 5 : i32
    %scan3A_53 = arith.addi %scan3A_51, %scan3A_52 : i32
    %scan3A_54 = arith.constant 1 : i32
    %scan3A_55 = scf.for %scan3A_62 = %scan3A_51 to %scan3A_53 step %scan3A_54 iter_args(%scan3A_63 = %scan3A_50) -> (i32)  : i32 {
      %mul3A_64 = arith.constant 8 : i32
      %mul3A_65 = arith.muli %scan3A_62, %mul3A_64 : i32
      %add3A_66 = arith.constant 0 : i32
      %add3A_67 = arith.addi %mul3A_65, %add3A_66 : i32
      %dma_start3A = arith.constant 0 : i32
      %dma_start3A_68 = tpu.memref_slice %arg6[%add3A_67, %dma_start3A] : memref<40x128xi32, #tpu.memory_space<vmem>> -> memref<1x128xi32, #tpu.memory_space<vmem>>
      %dma_start3A_69 = tpu.memref_squeeze %dma_start3A_68 : memref<1x128xi32, #tpu.memory_space<vmem>> -> memref<128xi32, #tpu.memory_space<vmem>>
      %dma_start3A_70 = arith.constant 0 : i32
      %dma_start3A_71 = arith.constant 0 : i32
      %dma_start3A_72 = tpu.memref_slice %arg2[%dma_start3A_70, %dma_start3A_71] : memref<10240x128xf32, #tpu.memory_space<hbm>> -> memref<10240x128xf32, #tpu.memory_space<hbm>>
      tpu.enqueue_indirect_dma source(%dma_start3A_72 : memref<10240x128xf32, #tpu.memory_space<hbm>>) target(%arg8 : memref<128x128xf32, #tpu.memory_space<vmem>>) offsets(%dma_start3A_69 : memref<128xi32, #tpu.memory_space<vmem>>) semaphore(%arg11 : memref<!tpu.dma_semaphore, #tpu.memory_space<semaphore_mem>>)
      %add3A_73 = arith.constant 1 : i32
      %add3A_74 = arith.addi %mul3A_65, %add3A_73 : i32
      %dma_start3A_75 = arith.constant 0 : i32
      %dma_start3A_76 = tpu.memref_slice %arg6[%add3A_74, %dma_start3A_75] : memref<40x128xi32, #tpu.memory_space<vmem>> -> memref<1x128xi32, #tpu.memory_space<vmem>>
      %dma_start3A_77 = tpu.memref_squeeze %dma_start3A_76 : memref<1x128xi32, #tpu.memory_space<vmem>> -> memref<128xi32, #tpu.memory_space<vmem>>
      %dma_start3A_78 = arith.constant 0 : i32
      %dma_start3A_79 = arith.constant 0 : i32
      %dma_start3A_80 = tpu.memref_slice %arg2[%dma_start3A_78, %dma_start3A_79] : memref<10240x128xf32, #tpu.memory_space<hbm>> -> memref<10240x128xf32, #tpu.memory_space<hbm>>
      tpu.enqueue_indirect_dma source(%dma_start3A_80 : memref<10240x128xf32, #tpu.memory_space<hbm>>) target(%arg9 : memref<128x128xf32, #tpu.memory_space<vmem>>) offsets(%dma_start3A_77 : memref<128xi32, #tpu.memory_space<vmem>>) semaphore(%arg12 : memref<!tpu.dma_semaphore, #tpu.memory_space<semaphore_mem>>)
      %dma_wait3A = arith.constant 0 : i32
      %dma_wait3A_81 = tpu.memref_slice %arg6[%add3A_67, %dma_wait3A] : memref<40x128xi32, #tpu.memory_space<vmem>> -> memref<1x128xi32, #tpu.memory_space<vmem>>
      %dma_wait3A_82 = tpu.memref_squeeze %dma_wait3A_81 : memref<1x128xi32, #tpu.memory_space<vmem>> -> memref<128xi32, #tpu.memory_space<vmem>>
      %dma_wait3A_83 = arith.constant 0 : i32
      %dma_wait3A_84 = arith.constant 0 : i32
      %dma_wait3A_85 = tpu.memref_slice %arg2[%dma_wait3A_83, %dma_wait3A_84] : memref<10240x128xf32, #tpu.memory_space<hbm>> -> memref<10240x128xf32, #tpu.memory_space<hbm>>
      tpu.wait_indirect_dma semaphore(%arg11 : memref<!tpu.dma_semaphore, #tpu.memory_space<semaphore_mem>>) src(%dma_wait3A_85 : memref<10240x128xf32, #tpu.memory_space<hbm>>) dst(%arg8 : memref<128x128xf32, #tpu.memory_space<vmem>>)
      %add3A_86 = arith.constant 0 : i32
      %add3A_87 = arith.addi %mul3A_65, %add3A_86 : i32
      "tpu.region"() ({
        %run_scoped3A = tpu.sem_alloc : memref<!tpu.dma_semaphore, #tpu.memory_space<semaphore_mem>>
        %dma_start3A_205 = arith.constant 0 : i32
        %dma_start3A_206 = tpu.memref_slice %arg7[%add3A_87, %dma_start3A_205] : memref<40x128xi32, #tpu.memory_space<vmem>> -> memref<1x128xi32, #tpu.memory_space<vmem>>
        %dma_start3A_207 = tpu.memref_squeeze %dma_start3A_206 : memref<1x128xi32, #tpu.memory_space<vmem>> -> memref<128xi32, #tpu.memory_space<vmem>>
        %dma_start3A_208 = arith.constant 0 : i32
        %dma_start3A_209 = arith.constant 0 : i32
        %dma_start3A_210 = tpu.memref_slice %arg10[%dma_start3A_208, %dma_start3A_209] : memref<10240x128xf32, #tpu.memory_space<vmem_shared>> -> memref<10240x128xf32, #tpu.memory_space<vmem_shared>>
        tpu.enqueue_indirect_dma source(%arg8 : memref<128x128xf32, #tpu.memory_space<vmem>>) target(%dma_start3A_210 : memref<10240x128xf32, #tpu.memory_space<vmem_shared>>) offsets(%dma_start3A_207 : memref<128xi32, #tpu.memory_space<vmem>>) semaphore(%run_scoped3A : memref<!tpu.dma_semaphore, #tpu.memory_space<semaphore_mem>>) {add = true}
        %dma_wait3A_211 = arith.constant 0 : i32
        %dma_wait3A_212 = tpu.memref_slice %arg7[%add3A_87, %dma_wait3A_211] : memref<40x128xi32, #tpu.memory_space<vmem>> -> memref<1x128xi32, #tpu.memory_space<vmem>>
        %dma_wait3A_213 = tpu.memref_squeeze %dma_wait3A_212 : memref<1x128xi32, #tpu.memory_space<vmem>> -> memref<128xi32, #tpu.memory_space<vmem>>
        %dma_wait3A_214 = arith.constant 0 : i32
        %dma_wait3A_215 = arith.constant 0 : i32
        %dma_wait3A_216 = tpu.memref_slice %arg10[%dma_wait3A_214, %dma_wait3A_215] : memref<10240x128xf32, #tpu.memory_space<vmem_shared>> -> memref<10240x128xf32, #tpu.memory_space<vmem_shared>>
        tpu.wait_indirect_dma semaphore(%run_scoped3A : memref<!tpu.dma_semaphore, #tpu.memory_space<semaphore_mem>>) src(%arg8 : memref<128x128xf32, #tpu.memory_space<vmem>>) dst(%dma_wait3A_216 : memref<10240x128xf32, #tpu.memory_space<vmem_shared>>)
        tpu.yield
      }) : () -> ()
      %add3A_88 = arith.constant 0 : i32
      %add3A_89 = arith.addi %mul3A_65, %add3A_88 : i32
      %add3A_90 = arith.constant 2 : i32
      %add3A_91 = arith.addi %add3A_89, %add3A_90 : i32
      %dma_start3A_92 = arith.constant 0 : i32
      %dma_start3A_93 = tpu.memref_slice %arg6[%add3A_91, %dma_start3A_92] : memref<40x128xi32, #tpu.memory_space<vmem>> -> memref<1x128xi32, #tpu.memory_space<vmem>>
      %dma_start3A_94 = tpu.memref_squeeze %dma_start3A_93 : memref<1x128xi32, #tpu.memory_space<vmem>> -> memref<128xi32, #tpu.memory_space<vmem>>
      %dma_start3A_95 = arith.constant 0 : i32
      %dma_start3A_96 = arith.constant 0 : i32
      %dma_start3A_97 = tpu.memref_slice %arg2[%dma_start3A_95, %dma_start3A_96] : memref<10240x128xf32, #tpu.memory_space<hbm>> -> memref<10240x128xf32, #tpu.memory_space<hbm>>
      tpu.enqueue_indirect_dma source(%dma_start3A_97 : memref<10240x128xf32, #tpu.memory_space<hbm>>) target(%arg8 : memref<128x128xf32, #tpu.memory_space<vmem>>) offsets(%dma_start3A_94 : memref<128xi32, #tpu.memory_space<vmem>>) semaphore(%arg11 : memref<!tpu.dma_semaphore, #tpu.memory_space<semaphore_mem>>)
      %dma_wait3A_98 = arith.constant 0 : i32
      %dma_wait3A_99 = tpu.memref_slice %arg6[%add3A_74, %dma_wait3A_98] : memref<40x128xi32, #tpu.memory_space<vmem>> -> memref<1x128xi32, #tpu.memory_space<vmem>>
      %dma_wait3A_100 = tpu.memref_squeeze %dma_wait3A_99 : memref<1x128xi32, #tpu.memory_space<vmem>> -> memref<128xi32, #tpu.memory_space<vmem>>
      %dma_wait3A_101 = arith.constant 0 : i32
      %dma_wait3A_102 = arith.constant 0 : i32
      %dma_wait3A_103 = tpu.memref_slice %arg2[%dma_wait3A_101, %dma_wait3A_102] : memref<10240x128xf32, #tpu.memory_space<hbm>> -> memref<10240x128xf32, #tpu.memory_space<hbm>>
      tpu.wait_indirect_dma semaphore(%arg12 : memref<!tpu.dma_semaphore, #tpu.memory_space<semaphore_mem>>) src(%dma_wait3A_103 : memref<10240x128xf32, #tpu.memory_space<hbm>>) dst(%arg9 : memref<128x128xf32, #tpu.memory_space<vmem>>)
      %add3A_104 = arith.constant 1 : i32
      %add3A_105 = arith.addi %mul3A_65, %add3A_104 : i32
      "tpu.region"() ({
        %run_scoped3A = tpu.sem_alloc : memref<!tpu.dma_semaphore, #tpu.memory_space<semaphore_mem>>
        %dma_start3A_205 = arith.constant 0 : i32
        %dma_start3A_206 = tpu.memref_slice %arg7[%add3A_105, %dma_start3A_205] : memref<40x128xi32, #tpu.memory_space<vmem>> -> memref<1x128xi32, #tpu.memory_space<vmem>>
        %dma_start3A_207 = tpu.memref_squeeze %dma_start3A_206 : memref<1x128xi32, #tpu.memory_space<vmem>> -> memref<128xi32, #tpu.memory_space<vmem>>
        %dma_start3A_208 = arith.constant 0 : i32
        %dma_start3A_209 = arith.constant 0 : i32
        %dma_start3A_210 = tpu.memref_slice %arg10[%dma_start3A_208, %dma_start3A_209] : memref<10240x128xf32, #tpu.memory_space<vmem_shared>> -> memref<10240x128xf32, #tpu.memory_space<vmem_shared>>
        tpu.enqueue_indirect_dma source(%arg9 : memref<128x128xf32, #tpu.memory_space<vmem>>) target(%dma_start3A_210 : memref<10240x128xf32, #tpu.memory_space<vmem_shared>>) offsets(%dma_start3A_207 : memref<128xi32, #tpu.memory_space<vmem>>) semaphore(%run_scoped3A : memref<!tpu.dma_semaphore, #tpu.memory_space<semaphore_mem>>) {add = true}
        %dma_wait3A_211 = arith.constant 0 : i32
        %dma_wait3A_212 = tpu.memref_slice %arg7[%add3A_105, %dma_wait3A_211] : memref<40x128xi32, #tpu.memory_space<vmem>> -> memref<1x128xi32, #tpu.memory_space<vmem>>
        %dma_wait3A_213 = tpu.memref_squeeze %dma_wait3A_212 : memref<1x128xi32, #tpu.memory_space<vmem>> -> memref<128xi32, #tpu.memory_space<vmem>>
        %dma_wait3A_214 = arith.constant 0 : i32
        %dma_wait3A_215 = arith.constant 0 : i32
        %dma_wait3A_216 = tpu.memref_slice %arg10[%dma_wait3A_214, %dma_wait3A_215] : memref<10240x128xf32, #tpu.memory_space<vmem_shared>> -> memref<10240x128xf32, #tpu.memory_space<vmem_shared>>
        tpu.wait_indirect_dma semaphore(%run_scoped3A : memref<!tpu.dma_semaphore, #tpu.memory_space<semaphore_mem>>) src(%arg9 : memref<128x128xf32, #tpu.memory_space<vmem>>) dst(%dma_wait3A_216 : memref<10240x128xf32, #tpu.memory_space<vmem_shared>>)
        tpu.yield
      }) : () -> ()
      %add3A_106 = arith.constant 1 : i32
      %add3A_107 = arith.addi %mul3A_65, %add3A_106 : i32
      %add3A_108 = arith.constant 2 : i32
      %add3A_109 = arith.addi %add3A_107, %add3A_108 : i32
      %dma_start3A_110 = arith.constant 0 : i32
      %dma_start3A_111 = tpu.memref_slice %arg6[%add3A_109, %dma_start3A_110] : memref<40x128xi32, #tpu.memory_space<vmem>> -> memref<1x128xi32, #tpu.memory_space<vmem>>
      %dma_start3A_112 = tpu.memref_squeeze %dma_start3A_111 : memref<1x128xi32, #tpu.memory_space<vmem>> -> memref<128xi32, #tpu.memory_space<vmem>>
      %dma_start3A_113 = arith.constant 0 : i32
      %dma_start3A_114 = arith.constant 0 : i32
      %dma_start3A_115 = tpu.memref_slice %arg2[%dma_start3A_113, %dma_start3A_114] : memref<10240x128xf32, #tpu.memory_space<hbm>> -> memref<10240x128xf32, #tpu.memory_space<hbm>>
      tpu.enqueue_indirect_dma source(%dma_start3A_115 : memref<10240x128xf32, #tpu.memory_space<hbm>>) target(%arg9 : memref<128x128xf32, #tpu.memory_space<vmem>>) offsets(%dma_start3A_112 : memref<128xi32, #tpu.memory_space<vmem>>) semaphore(%arg12 : memref<!tpu.dma_semaphore, #tpu.memory_space<semaphore_mem>>)
      %dma_wait3A_116 = arith.constant 0 : i32
      %dma_wait3A_117 = tpu.memref_slice %arg6[%add3A_91, %dma_wait3A_116] : memref<40x128xi32, #tpu.memory_space<vmem>> -> memref<1x128xi32, #tpu.memory_space<vmem>>
      %dma_wait3A_118 = tpu.memref_squeeze %dma_wait3A_117 : memref<1x128xi32, #tpu.memory_space<vmem>> -> memref<128xi32, #tpu.memory_space<vmem>>
      %dma_wait3A_119 = arith.constant 0 : i32
      %dma_wait3A_120 = arith.constant 0 : i32
      %dma_wait3A_121 = tpu.memref_slice %arg2[%dma_wait3A_119, %dma_wait3A_120] : memref<10240x128xf32, #tpu.memory_space<hbm>> -> memref<10240x128xf32, #tpu.memory_space<hbm>>
      tpu.wait_indirect_dma semaphore(%arg11 : memref<!tpu.dma_semaphore, #tpu.memory_space<semaphore_mem>>) src(%dma_wait3A_121 : memref<10240x128xf32, #tpu.memory_space<hbm>>) dst(%arg8 : memref<128x128xf32, #tpu.memory_space<vmem>>)
      %add3A_122 = arith.constant 2 : i32
      %add3A_123 = arith.addi %mul3A_65, %add3A_122 : i32
      "tpu.region"() ({
        %run_scoped3A = tpu.sem_alloc : memref<!tpu.dma_semaphore, #tpu.memory_space<semaphore_mem>>
        %dma_start3A_205 = arith.constant 0 : i32
        %dma_start3A_206 = tpu.memref_slice %arg7[%add3A_123, %dma_start3A_205] : memref<40x128xi32, #tpu.memory_space<vmem>> -> memref<1x128xi32, #tpu.memory_space<vmem>>
        %dma_start3A_207 = tpu.memref_squeeze %dma_start3A_206 : memref<1x128xi32, #tpu.memory_space<vmem>> -> memref<128xi32, #tpu.memory_space<vmem>>
        %dma_start3A_208 = arith.constant 0 : i32
        %dma_start3A_209 = arith.constant 0 : i32
        %dma_start3A_210 = tpu.memref_slice %arg10[%dma_start3A_208, %dma_start3A_209] : memref<10240x128xf32, #tpu.memory_space<vmem_shared>> -> memref<10240x128xf32, #tpu.memory_space<vmem_shared>>
        tpu.enqueue_indirect_dma source(%arg8 : memref<128x128xf32, #tpu.memory_space<vmem>>) target(%dma_start3A_210 : memref<10240x128xf32, #tpu.memory_space<vmem_shared>>) offsets(%dma_start3A_207 : memref<128xi32, #tpu.memory_space<vmem>>) semaphore(%run_scoped3A : memref<!tpu.dma_semaphore, #tpu.memory_space<semaphore_mem>>) {add = true}
        %dma_wait3A_211 = arith.constant 0 : i32
        %dma_wait3A_212 = tpu.memref_slice %arg7[%add3A_123, %dma_wait3A_211] : memref<40x128xi32, #tpu.memory_space<vmem>> -> memref<1x128xi32, #tpu.memory_space<vmem>>
        %dma_wait3A_213 = tpu.memref_squeeze %dma_wait3A_212 : memref<1x128xi32, #tpu.memory_space<vmem>> -> memref<128xi32, #tpu.memory_space<vmem>>
        %dma_wait3A_214 = arith.constant 0 : i32
        %dma_wait3A_215 = arith.constant 0 : i32
        %dma_wait3A_216 = tpu.memref_slice %arg10[%dma_wait3A_214, %dma_wait3A_215] : memref<10240x128xf32, #tpu.memory_space<vmem_shared>> -> memref<10240x128xf32, #tpu.memory_space<vmem_shared>>
        tpu.wait_indirect_dma semaphore(%run_scoped3A : memref<!tpu.dma_semaphore, #tpu.memory_space<semaphore_mem>>) src(%arg8 : memref<128x128xf32, #tpu.memory_space<vmem>>) dst(%dma_wait3A_216 : memref<10240x128xf32, #tpu.memory_space<vmem_shared>>)
        tpu.yield
      }) : () -> ()
      %add3A_124 = arith.constant 2 : i32
      %add3A_125 = arith.addi %mul3A_65, %add3A_124 : i32
      %add3A_126 = arith.constant 2 : i32
      %add3A_127 = arith.addi %add3A_125, %add3A_126 : i32
      %dma_start3A_128 = arith.constant 0 : i32
      %dma_start3A_129 = tpu.memref_slice %arg6[%add3A_127, %dma_start3A_128] : memref<40x128xi32, #tpu.memory_space<vmem>> -> memref<1x128xi32, #tpu.memory_space<vmem>>
      %dma_start3A_130 = tpu.memref_squeeze %dma_start3A_129 : memref<1x128xi32, #tpu.memory_space<vmem>> -> memref<128xi32, #tpu.memory_space<vmem>>
      %dma_start3A_131 = arith.constant 0 : i32
      %dma_start3A_132 = arith.constant 0 : i32
      %dma_start3A_133 = tpu.memref_slice %arg2[%dma_start3A_131, %dma_start3A_132] : memref<10240x128xf32, #tpu.memory_space<hbm>> -> memref<10240x128xf32, #tpu.memory_space<hbm>>
      tpu.enqueue_indirect_dma source(%dma_start3A_133 : memref<10240x128xf32, #tpu.memory_space<hbm>>) target(%arg8 : memref<128x128xf32, #tpu.memory_space<vmem>>) offsets(%dma_start3A_130 : memref<128xi32, #tpu.memory_space<vmem>>) semaphore(%arg11 : memref<!tpu.dma_semaphore, #tpu.memory_space<semaphore_mem>>)
      %dma_wait3A_134 = arith.constant 0 : i32
      %dma_wait3A_135 = tpu.memref_slice %arg6[%add3A_109, %dma_wait3A_134] : memref<40x128xi32, #tpu.memory_space<vmem>> -> memref<1x128xi32, #tpu.memory_space<vmem>>
      %dma_wait3A_136 = tpu.memref_squeeze %dma_wait3A_135 : memref<1x128xi32, #tpu.memory_space<vmem>> -> memref<128xi32, #tpu.memory_space<vmem>>
      %dma_wait3A_137 = arith.constant 0 : i32
      %dma_wait3A_138 = arith.constant 0 : i32
      %dma_wait3A_139 = tpu.memref_slice %arg2[%dma_wait3A_137, %dma_wait3A_138] : memref<10240x128xf32, #tpu.memory_space<hbm>> -> memref<10240x128xf32, #tpu.memory_space<hbm>>
      tpu.wait_indirect_dma semaphore(%arg12 : memref<!tpu.dma_semaphore, #tpu.memory_space<semaphore_mem>>) src(%dma_wait3A_139 : memref<10240x128xf32, #tpu.memory_space<hbm>>) dst(%arg9 : memref<128x128xf32, #tpu.memory_space<vmem>>)
      %add3A_140 = arith.constant 3 : i32
      %add3A_141 = arith.addi %mul3A_65, %add3A_140 : i32
      "tpu.region"() ({
        %run_scoped3A = tpu.sem_alloc : memref<!tpu.dma_semaphore, #tpu.memory_space<semaphore_mem>>
        %dma_start3A_205 = arith.constant 0 : i32
        %dma_start3A_206 = tpu.memref_slice %arg7[%add3A_141, %dma_start3A_205] : memref<40x128xi32, #tpu.memory_space<vmem>> -> memref<1x128xi32, #tpu.memory_space<vmem>>
        %dma_start3A_207 = tpu.memref_squeeze %dma_start3A_206 : memref<1x128xi32, #tpu.memory_space<vmem>> -> memref<128xi32, #tpu.memory_space<vmem>>
        %dma_start3A_208 = arith.constant 0 : i32
        %dma_start3A_209 = arith.constant 0 : i32
        %dma_start3A_210 = tpu.memref_slice %arg10[%dma_start3A_208, %dma_start3A_209] : memref<10240x128xf32, #tpu.memory_space<vmem_shared>> -> memref<10240x128xf32, #tpu.memory_space<vmem_shared>>
        tpu.enqueue_indirect_dma source(%arg9 : memref<128x128xf32, #tpu.memory_space<vmem>>) target(%dma_start3A_210 : memref<10240x128xf32, #tpu.memory_space<vmem_shared>>) offsets(%dma_start3A_207 : memref<128xi32, #tpu.memory_space<vmem>>) semaphore(%run_scoped3A : memref<!tpu.dma_semaphore, #tpu.memory_space<semaphore_mem>>) {add = true}
        %dma_wait3A_211 = arith.constant 0 : i32
        %dma_wait3A_212 = tpu.memref_slice %arg7[%add3A_141, %dma_wait3A_211] : memref<40x128xi32, #tpu.memory_space<vmem>> -> memref<1x128xi32, #tpu.memory_space<vmem>>
        %dma_wait3A_213 = tpu.memref_squeeze %dma_wait3A_212 : memref<1x128xi32, #tpu.memory_space<vmem>> -> memref<128xi32, #tpu.memory_space<vmem>>
        %dma_wait3A_214 = arith.constant 0 : i32
        %dma_wait3A_215 = arith.constant 0 : i32
        %dma_wait3A_216 = tpu.memref_slice %arg10[%dma_wait3A_214, %dma_wait3A_215] : memref<10240x128xf32, #tpu.memory_space<vmem_shared>> -> memref<10240x128xf32, #tpu.memory_space<vmem_shared>>
        tpu.wait_indirect_dma semaphore(%run_scoped3A : memref<!tpu.dma_semaphore, #tpu.memory_space<semaphore_mem>>) src(%arg9 : memref<128x128xf32, #tpu.memory_space<vmem>>) dst(%dma_wait3A_216 : memref<10240x128xf32, #tpu.memory_space<vmem_shared>>)
        tpu.yield
      }) : () -> ()
      %add3A_142 = arith.constant 3 : i32
      %add3A_143 = arith.addi %mul3A_65, %add3A_142 : i32
      %add3A_144 = arith.constant 2 : i32
      %add3A_145 = arith.addi %add3A_143, %add3A_144 : i32
      %dma_start3A_146 = arith.constant 0 : i32
      %dma_start3A_147 = tpu.memref_slice %arg6[%add3A_145, %dma_start3A_146] : memref<40x128xi32, #tpu.memory_space<vmem>> -> memref<1x128xi32, #tpu.memory_space<vmem>>
      %dma_start3A_148 = tpu.memref_squeeze %dma_start3A_147 : memref<1x128xi32, #tpu.memory_space<vmem>> -> memref<128xi32, #tpu.memory_space<vmem>>
      %dma_start3A_149 = arith.constant 0 : i32
      %dma_start3A_150 = arith.constant 0 : i32
      %dma_start3A_151 = tpu.memref_slice %arg2[%dma_start3A_149, %dma_start3A_150] : memref<10240x128xf32, #tpu.memory_space<hbm>> -> memref<10240x128xf32, #tpu.memory_space<hbm>>
      tpu.enqueue_indirect_dma source(%dma_start3A_151 : memref<10240x128xf32, #tpu.memory_space<hbm>>) target(%arg9 : memref<128x128xf32, #tpu.memory_space<vmem>>) offsets(%dma_start3A_148 : memref<128xi32, #tpu.memory_space<vmem>>) semaphore(%arg12 : memref<!tpu.dma_semaphore, #tpu.memory_space<semaphore_mem>>)
      %dma_wait3A_152 = arith.constant 0 : i32
      %dma_wait3A_153 = tpu.memref_slice %arg6[%add3A_127, %dma_wait3A_152] : memref<40x128xi32, #tpu.memory_space<vmem>> -> memref<1x128xi32, #tpu.memory_space<vmem>>
      %dma_wait3A_154 = tpu.memref_squeeze %dma_wait3A_153 : memref<1x128xi32, #tpu.memory_space<vmem>> -> memref<128xi32, #tpu.memory_space<vmem>>
      %dma_wait3A_155 = arith.constant 0 : i32
      %dma_wait3A_156 = arith.constant 0 : i32
      %dma_wait3A_157 = tpu.memref_slice %arg2[%dma_wait3A_155, %dma_wait3A_156] : memref<10240x128xf32, #tpu.memory_space<hbm>> -> memref<10240x128xf32, #tpu.memory_space<hbm>>
      tpu.wait_indirect_dma semaphore(%arg11 : memref<!tpu.dma_semaphore, #tpu.memory_space<semaphore_mem>>) src(%dma_wait3A_157 : memref<10240x128xf32, #tpu.memory_space<hbm>>) dst(%arg8 : memref<128x128xf32, #tpu.memory_space<vmem>>)
      %add3A_158 = arith.constant 4 : i32
      %add3A_159 = arith.addi %mul3A_65, %add3A_158 : i32
      "tpu.region"() ({
        %run_scoped3A = tpu.sem_alloc : memref<!tpu.dma_semaphore, #tpu.memory_space<semaphore_mem>>
        %dma_start3A_205 = arith.constant 0 : i32
        %dma_start3A_206 = tpu.memref_slice %arg7[%add3A_159, %dma_start3A_205] : memref<40x128xi32, #tpu.memory_space<vmem>> -> memref<1x128xi32, #tpu.memory_space<vmem>>
        %dma_start3A_207 = tpu.memref_squeeze %dma_start3A_206 : memref<1x128xi32, #tpu.memory_space<vmem>> -> memref<128xi32, #tpu.memory_space<vmem>>
        %dma_start3A_208 = arith.constant 0 : i32
        %dma_start3A_209 = arith.constant 0 : i32
        %dma_start3A_210 = tpu.memref_slice %arg10[%dma_start3A_208, %dma_start3A_209] : memref<10240x128xf32, #tpu.memory_space<vmem_shared>> -> memref<10240x128xf32, #tpu.memory_space<vmem_shared>>
        tpu.enqueue_indirect_dma source(%arg8 : memref<128x128xf32, #tpu.memory_space<vmem>>) target(%dma_start3A_210 : memref<10240x128xf32, #tpu.memory_space<vmem_shared>>) offsets(%dma_start3A_207 : memref<128xi32, #tpu.memory_space<vmem>>) semaphore(%run_scoped3A : memref<!tpu.dma_semaphore, #tpu.memory_space<semaphore_mem>>) {add = true}
        %dma_wait3A_211 = arith.constant 0 : i32
        %dma_wait3A_212 = tpu.memref_slice %arg7[%add3A_159, %dma_wait3A_211] : memref<40x128xi32, #tpu.memory_space<vmem>> -> memref<1x128xi32, #tpu.memory_space<vmem>>
        %dma_wait3A_213 = tpu.memref_squeeze %dma_wait3A_212 : memref<1x128xi32, #tpu.memory_space<vmem>> -> memref<128xi32, #tpu.memory_space<vmem>>
        %dma_wait3A_214 = arith.constant 0 : i32
        %dma_wait3A_215 = arith.constant 0 : i32
        %dma_wait3A_216 = tpu.memref_slice %arg10[%dma_wait3A_214, %dma_wait3A_215] : memref<10240x128xf32, #tpu.memory_space<vmem_shared>> -> memref<10240x128xf32, #tpu.memory_space<vmem_shared>>
        tpu.wait_indirect_dma semaphore(%run_scoped3A : memref<!tpu.dma_semaphore, #tpu.memory_space<semaphore_mem>>) src(%arg8 : memref<128x128xf32, #tpu.memory_space<vmem>>) dst(%dma_wait3A_216 : memref<10240x128xf32, #tpu.memory_space<vmem_shared>>)
        tpu.yield
      }) : () -> ()
      %add3A_160 = arith.constant 4 : i32
      %add3A_161 = arith.addi %mul3A_65, %add3A_160 : i32
      %add3A_162 = arith.constant 2 : i32
      %add3A_163 = arith.addi %add3A_161, %add3A_162 : i32
      %dma_start3A_164 = arith.constant 0 : i32
      %dma_start3A_165 = tpu.memref_slice %arg6[%add3A_163, %dma_start3A_164] : memref<40x128xi32, #tpu.memory_space<vmem>> -> memref<1x128xi32, #tpu.memory_space<vmem>>
      %dma_start3A_166 = tpu.memref_squeeze %dma_start3A_165 : memref<1x128xi32, #tpu.memory_space<vmem>> -> memref<128xi32, #tpu.memory_space<vmem>>
      %dma_start3A_167 = arith.constant 0 : i32
      %dma_start3A_168 = arith.constant 0 : i32
      %dma_start3A_169 = tpu.memref_slice %arg2[%dma_start3A_167, %dma_start3A_168] : memref<10240x128xf32, #tpu.memory_space<hbm>> -> memref<10240x128xf32, #tpu.memory_space<hbm>>
      tpu.enqueue_indirect_dma source(%dma_start3A_169 : memref<10240x128xf32, #tpu.memory_space<hbm>>) target(%arg8 : memref<128x128xf32, #tpu.memory_space<vmem>>) offsets(%dma_start3A_166 : memref<128xi32, #tpu.memory_space<vmem>>) semaphore(%arg11 : memref<!tpu.dma_semaphore, #tpu.memory_space<semaphore_mem>>)
      %dma_wait3A_170 = arith.constant 0 : i32
      %dma_wait3A_171 = tpu.memref_slice %arg6[%add3A_145, %dma_wait3A_170] : memref<40x128xi32, #tpu.memory_space<vmem>> -> memref<1x128xi32, #tpu.memory_space<vmem>>
      %dma_wait3A_172 = tpu.memref_squeeze %dma_wait3A_171 : memref<1x128xi32, #tpu.memory_space<vmem>> -> memref<128xi32, #tpu.memory_space<vmem>>
      %dma_wait3A_173 = arith.constant 0 : i32
      %dma_wait3A_174 = arith.constant 0 : i32
      %dma_wait3A_175 = tpu.memref_slice %arg2[%dma_wait3A_173, %dma_wait3A_174] : memref<10240x128xf32, #tpu.memory_space<hbm>> -> memref<10240x128xf32, #tpu.memory_space<hbm>>
      tpu.wait_indirect_dma semaphore(%arg12 : memref<!tpu.dma_semaphore, #tpu.memory_space<semaphore_mem>>) src(%dma_wait3A_175 : memref<10240x128xf32, #tpu.memory_space<hbm>>) dst(%arg9 : memref<128x128xf32, #tpu.memory_space<vmem>>)
      %add3A_176 = arith.constant 5 : i32
      %add3A_177 = arith.addi %mul3A_65, %add3A_176 : i32
      "tpu.region"() ({
        %run_scoped3A = tpu.sem_alloc : memref<!tpu.dma_semaphore, #tpu.memory_space<semaphore_mem>>
        %dma_start3A_205 = arith.constant 0 : i32
        %dma_start3A_206 = tpu.memref_slice %arg7[%add3A_177, %dma_start3A_205] : memref<40x128xi32, #tpu.memory_space<vmem>> -> memref<1x128xi32, #tpu.memory_space<vmem>>
        %dma_start3A_207 = tpu.memref_squeeze %dma_start3A_206 : memref<1x128xi32, #tpu.memory_space<vmem>> -> memref<128xi32, #tpu.memory_space<vmem>>
        %dma_start3A_208 = arith.constant 0 : i32
        %dma_start3A_209 = arith.constant 0 : i32
        %dma_start3A_210 = tpu.memref_slice %arg10[%dma_start3A_208, %dma_start3A_209] : memref<10240x128xf32, #tpu.memory_space<vmem_shared>> -> memref<10240x128xf32, #tpu.memory_space<vmem_shared>>
        tpu.enqueue_indirect_dma source(%arg9 : memref<128x128xf32, #tpu.memory_space<vmem>>) target(%dma_start3A_210 : memref<10240x128xf32, #tpu.memory_space<vmem_shared>>) offsets(%dma_start3A_207 : memref<128xi32, #tpu.memory_space<vmem>>) semaphore(%run_scoped3A : memref<!tpu.dma_semaphore, #tpu.memory_space<semaphore_mem>>) {add = true}
        %dma_wait3A_211 = arith.constant 0 : i32
        %dma_wait3A_212 = tpu.memref_slice %arg7[%add3A_177, %dma_wait3A_211] : memref<40x128xi32, #tpu.memory_space<vmem>> -> memref<1x128xi32, #tpu.memory_space<vmem>>
        %dma_wait3A_213 = tpu.memref_squeeze %dma_wait3A_212 : memref<1x128xi32, #tpu.memory_space<vmem>> -> memref<128xi32, #tpu.memory_space<vmem>>
        %dma_wait3A_214 = arith.constant 0 : i32
        %dma_wait3A_215 = arith.constant 0 : i32
        %dma_wait3A_216 = tpu.memref_slice %arg10[%dma_wait3A_214, %dma_wait3A_215] : memref<10240x128xf32, #tpu.memory_space<vmem_shared>> -> memref<10240x128xf32, #tpu.memory_space<vmem_shared>>
        tpu.wait_indirect_dma semaphore(%run_scoped3A : memref<!tpu.dma_semaphore, #tpu.memory_space<semaphore_mem>>) src(%arg9 : memref<128x128xf32, #tpu.memory_space<vmem>>) dst(%dma_wait3A_216 : memref<10240x128xf32, #tpu.memory_space<vmem_shared>>)
        tpu.yield
      }) : () -> ()
      %add3A_178 = arith.constant 5 : i32
      %add3A_179 = arith.addi %mul3A_65, %add3A_178 : i32
      %add3A_180 = arith.constant 2 : i32
      %add3A_181 = arith.addi %add3A_179, %add3A_180 : i32
      %dma_start3A_182 = arith.constant 0 : i32
      %dma_start3A_183 = tpu.memref_slice %arg6[%add3A_181, %dma_start3A_182] : memref<40x128xi32, #tpu.memory_space<vmem>> -> memref<1x128xi32, #tpu.memory_space<vmem>>
      %dma_start3A_184 = tpu.memref_squeeze %dma_start3A_183 : memref<1x128xi32, #tpu.memory_space<vmem>> -> memref<128xi32, #tpu.memory_space<vmem>>
      %dma_start3A_185 = arith.constant 0 : i32
      %dma_start3A_186 = arith.constant 0 : i32
      %dma_start3A_187 = tpu.memref_slice %arg2[%dma_start3A_185, %dma_start3A_186] : memref<10240x128xf32, #tpu.memory_space<hbm>> -> memref<10240x128xf32, #tpu.memory_space<hbm>>
      tpu.enqueue_indirect_dma source(%dma_start3A_187 : memref<10240x128xf32, #tpu.memory_space<hbm>>) target(%arg9 : memref<128x128xf32, #tpu.memory_space<vmem>>) offsets(%dma_start3A_184 : memref<128xi32, #tpu.memory_space<vmem>>) semaphore(%arg12 : memref<!tpu.dma_semaphore, #tpu.memory_space<semaphore_mem>>)
      %dma_wait3A_188 = arith.constant 0 : i32
      %dma_wait3A_189 = tpu.memref_slice %arg6[%add3A_163, %dma_wait3A_188] : memref<40x128xi32, #tpu.memory_space<vmem>> -> memref<1x128xi32, #tpu.memory_space<vmem>>
      %dma_wait3A_190 = tpu.memref_squeeze %dma_wait3A_189 : memref<1x128xi32, #tpu.memory_space<vmem>> -> memref<128xi32, #tpu.memory_space<vmem>>
      %dma_wait3A_191 = arith.constant 0 : i32
      %dma_wait3A_192 = arith.constant 0 : i32
      %dma_wait3A_193 = tpu.memref_slice %arg2[%dma_wait3A_191, %dma_wait3A_192] : memref<10240x128xf32, #tpu.memory_space<hbm>> -> memref<10240x128xf32, #tpu.memory_space<hbm>>
      tpu.wait_indirect_dma semaphore(%arg11 : memref<!tpu.dma_semaphore, #tpu.memory_space<semaphore_mem>>) src(%dma_wait3A_193 : memref<10240x128xf32, #tpu.memory_space<hbm>>) dst(%arg8 : memref<128x128xf32, #tpu.memory_space<vmem>>)
      %add3A_194 = arith.constant 6 : i32
      %add3A_195 = arith.addi %mul3A_65, %add3A_194 : i32
      "tpu.region"() ({
        %run_scoped3A = tpu.sem_alloc : memref<!tpu.dma_semaphore, #tpu.memory_space<semaphore_mem>>
        %dma_start3A_205 = arith.constant 0 : i32
        %dma_start3A_206 = tpu.memref_slice %arg7[%add3A_195, %dma_start3A_205] : memref<40x128xi32, #tpu.memory_space<vmem>> -> memref<1x128xi32, #tpu.memory_space<vmem>>
        %dma_start3A_207 = tpu.memref_squeeze %dma_start3A_206 : memref<1x128xi32, #tpu.memory_space<vmem>> -> memref<128xi32, #tpu.memory_space<vmem>>
        %dma_start3A_208 = arith.constant 0 : i32
        %dma_start3A_209 = arith.constant 0 : i32
        %dma_start3A_210 = tpu.memref_slice %arg10[%dma_start3A_208, %dma_start3A_209] : memref<10240x128xf32, #tpu.memory_space<vmem_shared>> -> memref<10240x128xf32, #tpu.memory_space<vmem_shared>>
        tpu.enqueue_indirect_dma source(%arg8 : memref<128x128xf32, #tpu.memory_space<vmem>>) target(%dma_start3A_210 : memref<10240x128xf32, #tpu.memory_space<vmem_shared>>) offsets(%dma_start3A_207 : memref<128xi32, #tpu.memory_space<vmem>>) semaphore(%run_scoped3A : memref<!tpu.dma_semaphore, #tpu.memory_space<semaphore_mem>>) {add = true}
        %dma_wait3A_211 = arith.constant 0 : i32
        %dma_wait3A_212 = tpu.memref_slice %arg7[%add3A_195, %dma_wait3A_211] : memref<40x128xi32, #tpu.memory_space<vmem>> -> memref<1x128xi32, #tpu.memory_space<vmem>>
        %dma_wait3A_213 = tpu.memref_squeeze %dma_wait3A_212 : memref<1x128xi32, #tpu.memory_space<vmem>> -> memref<128xi32, #tpu.memory_space<vmem>>
        %dma_wait3A_214 = arith.constant 0 : i32
        %dma_wait3A_215 = arith.constant 0 : i32
        %dma_wait3A_216 = tpu.memref_slice %arg10[%dma_wait3A_214, %dma_wait3A_215] : memref<10240x128xf32, #tpu.memory_space<vmem_shared>> -> memref<10240x128xf32, #tpu.memory_space<vmem_shared>>
        tpu.wait_indirect_dma semaphore(%run_scoped3A : memref<!tpu.dma_semaphore, #tpu.memory_space<semaphore_mem>>) src(%arg8 : memref<128x128xf32, #tpu.memory_space<vmem>>) dst(%dma_wait3A_216 : memref<10240x128xf32, #tpu.memory_space<vmem_shared>>)
        tpu.yield
      }) : () -> ()
      %dma_wait3A_196 = arith.constant 0 : i32
      %dma_wait3A_197 = tpu.memref_slice %arg6[%add3A_181, %dma_wait3A_196] : memref<40x128xi32, #tpu.memory_space<vmem>> -> memref<1x128xi32, #tpu.memory_space<vmem>>
      %dma_wait3A_198 = tpu.memref_squeeze %dma_wait3A_197 : memref<1x128xi32, #tpu.memory_space<vmem>> -> memref<128xi32, #tpu.memory_space<vmem>>
      %dma_wait3A_199 = arith.constant 0 : i32
      %dma_wait3A_200 = arith.constant 0 : i32
      %dma_wait3A_201 = tpu.memref_slice %arg2[%dma_wait3A_199, %dma_wait3A_200] : memref<10240x128xf32, #tpu.memory_space<hbm>> -> memref<10240x128xf32, #tpu.memory_space<hbm>>
      tpu.wait_indirect_dma semaphore(%arg12 : memref<!tpu.dma_semaphore, #tpu.memory_space<semaphore_mem>>) src(%dma_wait3A_201 : memref<10240x128xf32, #tpu.memory_space<hbm>>) dst(%arg9 : memref<128x128xf32, #tpu.memory_space<vmem>>)
      %add3A_202 = arith.constant 7 : i32
      %add3A_203 = arith.addi %mul3A_65, %add3A_202 : i32
      "tpu.region"() ({
        %run_scoped3A = tpu.sem_alloc : memref<!tpu.dma_semaphore, #tpu.memory_space<semaphore_mem>>
        %dma_start3A_205 = arith.constant 0 : i32
        %dma_start3A_206 = tpu.memref_slice %arg7[%add3A_203, %dma_start3A_205] : memref<40x128xi32, #tpu.memory_space<vmem>> -> memref<1x128xi32, #tpu.memory_space<vmem>>
        %dma_start3A_207 = tpu.memref_squeeze %dma_start3A_206 : memref<1x128xi32, #tpu.memory_space<vmem>> -> memref<128xi32, #tpu.memory_space<vmem>>
        %dma_start3A_208 = arith.constant 0 : i32
        %dma_start3A_209 = arith.constant 0 : i32
        %dma_start3A_210 = tpu.memref_slice %arg10[%dma_start3A_208, %dma_start3A_209] : memref<10240x128xf32, #tpu.memory_space<vmem_shared>> -> memref<10240x128xf32, #tpu.memory_space<vmem_shared>>
        tpu.enqueue_indirect_dma source(%arg9 : memref<128x128xf32, #tpu.memory_space<vmem>>) target(%dma_start3A_210 : memref<10240x128xf32, #tpu.memory_space<vmem_shared>>) offsets(%dma_start3A_207 : memref<128xi32, #tpu.memory_space<vmem>>) semaphore(%run_scoped3A : memref<!tpu.dma_semaphore, #tpu.memory_space<semaphore_mem>>) {add = true}
        %dma_wait3A_211 = arith.constant 0 : i32
        %dma_wait3A_212 = tpu.memref_slice %arg7[%add3A_203, %dma_wait3A_211] : memref<40x128xi32, #tpu.memory_space<vmem>> -> memref<1x128xi32, #tpu.memory_space<vmem>>
        %dma_wait3A_213 = tpu.memref_squeeze %dma_wait3A_212 : memref<1x128xi32, #tpu.memory_space<vmem>> -> memref<128xi32, #tpu.memory_space<vmem>>
        %dma_wait3A_214 = arith.constant 0 : i32
        %dma_wait3A_215 = arith.constant 0 : i32
        %dma_wait3A_216 = tpu.memref_slice %arg10[%dma_wait3A_214, %dma_wait3A_215] : memref<10240x128xf32, #tpu.memory_space<vmem_shared>> -> memref<10240x128xf32, #tpu.memory_space<vmem_shared>>
        tpu.wait_indirect_dma semaphore(%run_scoped3A : memref<!tpu.dma_semaphore, #tpu.memory_space<semaphore_mem>>) src(%arg9 : memref<128x128xf32, #tpu.memory_space<vmem>>) dst(%dma_wait3A_216 : memref<10240x128xf32, #tpu.memory_space<vmem_shared>>)
        tpu.yield
      }) : () -> ()
      %scan3A_204 = arith.constant 0 : i32
      scf.yield %scan3A_204 : i32
    }
    %scan3A_56 = arith.constant 5 : i32
    %barrier3A_57 = arith.constant 0 : index
    tpu.barrier barrier_id(%barrier3A_57)
    %mul3A_58 = arith.constant 640 : i32
    %mul3A_59 = arith.muli %arg1, %mul3A_58 : i32
    %mul3A_60 = arith.constant 640 : i32
    %mul3A_61 = arith.muli %arg1, %mul3A_60 : i32
    "tpu.region"() ({
      %run_scoped3A = tpu.sem_alloc : memref<!tpu.dma_semaphore, #tpu.memory_space<semaphore_mem>>
      %dma_start3A = arith.constant 0 : i32
      %dma_start3A_62 = tpu.memref_slice %arg5[%arg0, %mul3A_61, %dma_start3A] : memref<2x10240x128xf32, #tpu.memory_space<hbm>> -> memref<1x640x128xf32, #tpu.memory_space<hbm>>
      %dma_start3A_63 = tpu.memref_squeeze %dma_start3A_62 : memref<1x640x128xf32, #tpu.memory_space<hbm>> -> memref<640x128xf32, #tpu.memory_space<hbm>>
      %dma_start3A_64 = arith.constant 0 : i32
      %dma_start3A_65 = tpu.memref_slice %arg10[%mul3A_59, %dma_start3A_64] : memref<10240x128xf32, #tpu.memory_space<vmem_shared>> -> memref<640x128xf32, #tpu.memory_space<vmem_shared>>
      tpu.enqueue_dma source(%dma_start3A_65 : memref<640x128xf32, #tpu.memory_space<vmem_shared>>) target(%dma_start3A_63 : memref<640x128xf32, #tpu.memory_space<hbm>>) target_semaphore(%run_scoped3A : memref<!tpu.dma_semaphore, #tpu.memory_space<semaphore_mem>>)
      %dma_wait3A = arith.constant 0 : i32
      %dma_wait3A_66 = tpu.memref_slice %arg5[%arg0, %mul3A_61, %dma_wait3A] : memref<2x10240x128xf32, #tpu.memory_space<hbm>> -> memref<1x640x128xf32, #tpu.memory_space<hbm>>
      %dma_wait3A_67 = tpu.memref_squeeze %dma_wait3A_66 : memref<1x640x128xf32, #tpu.memory_space<hbm>> -> memref<640x128xf32, #tpu.memory_space<hbm>>
      %dma_wait3A_68 = arith.constant 0 : i32
      %dma_wait3A_69 = tpu.memref_slice %arg10[%mul3A_59, %dma_wait3A_68] : memref<10240x128xf32, #tpu.memory_space<vmem_shared>> -> memref<640x128xf32, #tpu.memory_space<vmem_shared>>
      tpu.wait_dma2 semaphore(%run_scoped3A : memref<!tpu.dma_semaphore, #tpu.memory_space<semaphore_mem>>) src(%dma_wait3A_69 : memref<640x128xf32, #tpu.memory_space<vmem_shared>>) dst(%dma_wait3A_67 : memref<640x128xf32, #tpu.memory_space<hbm>>)
      tpu.yield
    }) : () -> ()
    return
  }
}

#map = affine_map<(d0, d1) -> (0, 0)>
module attributes {stable_mosaic.version = 14 : i64} {
  func.func @_deg(%arg0: i32, %arg1: i32, %arg2: memref<2560x128xi32, #tpu.memory_space<hbm>>, %arg3: memref<2x10240xf32, #tpu.memory_space<hbm>>, %arg4: memref<80x128xi32, #tpu.memory_space<vmem>>, %arg5: memref<128xf32, #tpu.memory_space<vmem>>, %arg6: memref<10240xf32, #tpu.memory_space<vmem_shared>>) attributes {dimension_semantics = [#tpu.dimension_semantics<core_parallel>, #tpu.dimension_semantics<subcore_parallel>], iteration_bounds = array<i64: 2, 16>, scalar_prefetch = 0 : i64, scratch_operands = 3 : i64, tpu.core_type = #tpu.core_type<sc_vector_subcore>, window_params = [{transform_indices = #map}, {transform_indices = #map}]} {
    %mul3A = arith.constant 16 : i32
    %mul3A_0 = arith.muli %arg0, %mul3A : i32
    %add3A = arith.addi %mul3A_0, %arg1 : i32
    %broadcast_in_dim3A = arith.constant 0.000000e+00 : f32
    %broadcast_in_dim3A_1 = vector.broadcast %broadcast_in_dim3A : f32 to vector<16xf32>
    %swap3A = arith.constant 0 : index
    %swap3A_2 = tpu.vector_load %arg5[%swap3A] {strides = array<i32>} : memref<128xf32, #tpu.memory_space<vmem>>, vector<16xf32>,
    %swap3A_3 = vector.shape_cast %swap3A_2 : vector<16xf32> to vector<16xf32>
    %swap3A_4 = vector.shape_cast %broadcast_in_dim3A_1 : vector<16xf32> to vector<16xf32>
    tpu.vector_store %arg5[%swap3A], %swap3A_4 {strides = array<i32>} : memref<128xf32, #tpu.memory_space<vmem>>, vector<16xf32>,
    %broadcast_in_dim3A_5 = arith.constant 0.000000e+00 : f32
    %broadcast_in_dim3A_6 = vector.broadcast %broadcast_in_dim3A_5 : f32 to vector<16xf32>
    %swap3A_7 = arith.constant 16 : index
    %swap3A_8 = tpu.vector_load %arg5[%swap3A_7] {strides = array<i32>} : memref<128xf32, #tpu.memory_space<vmem>>, vector<16xf32>,
    %swap3A_9 = vector.shape_cast %swap3A_8 : vector<16xf32> to vector<16xf32>
    %swap3A_10 = vector.shape_cast %broadcast_in_dim3A_6 : vector<16xf32> to vector<16xf32>
    tpu.vector_store %arg5[%swap3A_7], %swap3A_10 {strides = array<i32>} : memref<128xf32, #tpu.memory_space<vmem>>, vector<16xf32>,
    %broadcast_in_dim3A_11 = arith.constant 0.000000e+00 : f32
    %broadcast_in_dim3A_12 = vector.broadcast %broadcast_in_dim3A_11 : f32 to vector<16xf32>
    %swap3A_13 = arith.constant 32 : index
    %swap3A_14 = tpu.vector_load %arg5[%swap3A_13] {strides = array<i32>} : memref<128xf32, #tpu.memory_space<vmem>>, vector<16xf32>,
    %swap3A_15 = vector.shape_cast %swap3A_14 : vector<16xf32> to vector<16xf32>
    %swap3A_16 = vector.shape_cast %broadcast_in_dim3A_12 : vector<16xf32> to vector<16xf32>
    tpu.vector_store %arg5[%swap3A_13], %swap3A_16 {strides = array<i32>} : memref<128xf32, #tpu.memory_space<vmem>>, vector<16xf32>,
    %broadcast_in_dim3A_17 = arith.constant 0.000000e+00 : f32
    %broadcast_in_dim3A_18 = vector.broadcast %broadcast_in_dim3A_17 : f32 to vector<16xf32>
    %swap3A_19 = arith.constant 48 : index
    %swap3A_20 = tpu.vector_load %arg5[%swap3A_19] {strides = array<i32>} : memref<128xf32, #tpu.memory_space<vmem>>, vector<16xf32>,
    %swap3A_21 = vector.shape_cast %swap3A_20 : vector<16xf32> to vector<16xf32>
    %swap3A_22 = vector.shape_cast %broadcast_in_dim3A_18 : vector<16xf32> to vector<16xf32>
    tpu.vector_store %arg5[%swap3A_19], %swap3A_22 {strides = array<i32>} : memref<128xf32, #tpu.memory_space<vmem>>, vector<16xf32>,
    %broadcast_in_dim3A_23 = arith.constant 0.000000e+00 : f32
    %broadcast_in_dim3A_24 = vector.broadcast %broadcast_in_dim3A_23 : f32 to vector<16xf32>
    %swap3A_25 = arith.constant 64 : index
    %swap3A_26 = tpu.vector_load %arg5[%swap3A_25] {strides = array<i32>} : memref<128xf32, #tpu.memory_space<vmem>>, vector<16xf32>,
    %swap3A_27 = vector.shape_cast %swap3A_26 : vector<16xf32> to vector<16xf32>
    %swap3A_28 = vector.shape_cast %broadcast_in_dim3A_24 : vector<16xf32> to vector<16xf32>
    tpu.vector_store %arg5[%swap3A_25], %swap3A_28 {strides = array<i32>} : memref<128xf32, #tpu.memory_space<vmem>>, vector<16xf32>,
    %broadcast_in_dim3A_29 = arith.constant 0.000000e+00 : f32
    %broadcast_in_dim3A_30 = vector.broadcast %broadcast_in_dim3A_29 : f32 to vector<16xf32>
    %swap3A_31 = arith.constant 80 : index
    %swap3A_32 = tpu.vector_load %arg5[%swap3A_31] {strides = array<i32>} : memref<128xf32, #tpu.memory_space<vmem>>, vector<16xf32>,
    %swap3A_33 = vector.shape_cast %swap3A_32 : vector<16xf32> to vector<16xf32>
    %swap3A_34 = vector.shape_cast %broadcast_in_dim3A_30 : vector<16xf32> to vector<16xf32>
    tpu.vector_store %arg5[%swap3A_31], %swap3A_34 {strides = array<i32>} : memref<128xf32, #tpu.memory_space<vmem>>, vector<16xf32>,
    %broadcast_in_dim3A_35 = arith.constant 0.000000e+00 : f32
    %broadcast_in_dim3A_36 = vector.broadcast %broadcast_in_dim3A_35 : f32 to vector<16xf32>
    %swap3A_37 = arith.constant 96 : index
    %swap3A_38 = tpu.vector_load %arg5[%swap3A_37] {strides = array<i32>} : memref<128xf32, #tpu.memory_space<vmem>>, vector<16xf32>,
    %swap3A_39 = vector.shape_cast %swap3A_38 : vector<16xf32> to vector<16xf32>
    %swap3A_40 = vector.shape_cast %broadcast_in_dim3A_36 : vector<16xf32> to vector<16xf32>
    tpu.vector_store %arg5[%swap3A_37], %swap3A_40 {strides = array<i32>} : memref<128xf32, #tpu.memory_space<vmem>>, vector<16xf32>,
    %broadcast_in_dim3A_41 = arith.constant 0.000000e+00 : f32
    %broadcast_in_dim3A_42 = vector.broadcast %broadcast_in_dim3A_41 : f32 to vector<16xf32>
    %swap3A_43 = arith.constant 112 : index
    %swap3A_44 = tpu.vector_load %arg5[%swap3A_43] {strides = array<i32>} : memref<128xf32, #tpu.memory_space<vmem>>, vector<16xf32>,
    %swap3A_45 = vector.shape_cast %swap3A_44 : vector<16xf32> to vector<16xf32>
    %swap3A_46 = vector.shape_cast %broadcast_in_dim3A_42 : vector<16xf32> to vector<16xf32>
    tpu.vector_store %arg5[%swap3A_43], %swap3A_46 {strides = array<i32>} : memref<128xf32, #tpu.memory_space<vmem>>, vector<16xf32>,
    %mul3A_47 = arith.constant 640 : i32
    %mul3A_48 = arith.muli %arg1, %mul3A_47 : i32
    %add3A_49 = arith.constant 0 : i32
    %add3A_50 = arith.addi %mul3A_48, %add3A_49 : i32
    "tpu.region"() ({
      %run_scoped3A = tpu.sem_alloc : memref<!tpu.dma_semaphore, #tpu.memory_space<semaphore_mem>>
      %dma_start3A = tpu.memref_slice %arg6[%add3A_50] : memref<10240xf32, #tpu.memory_space<vmem_shared>> -> memref<128xf32, #tpu.memory_space<vmem_shared>>
      %dma_start3A_128 = tpu.memref_slice %arg6[%add3A_50] : memref<10240xf32, #tpu.memory_space<vmem_shared>> -> memref<128xf32, #tpu.memory_space<vmem_shared>>
      tpu.enqueue_dma source(%arg5 : memref<128xf32, #tpu.memory_space<vmem>>) target(%dma_start3A_128 : memref<128xf32, #tpu.memory_space<vmem_shared>>) target_semaphore(%run_scoped3A : memref<!tpu.dma_semaphore, #tpu.memory_space<semaphore_mem>>)
      %dma_wait3A = tpu.memref_slice %arg6[%add3A_50] : memref<10240xf32, #tpu.memory_space<vmem_shared>> -> memref<128xf32, #tpu.memory_space<vmem_shared>>
      %dma_wait3A_129 = tpu.memref_slice %arg6[%add3A_50] : memref<10240xf32, #tpu.memory_space<vmem_shared>> -> memref<128xf32, #tpu.memory_space<vmem_shared>>
      tpu.wait_dma2 semaphore(%run_scoped3A : memref<!tpu.dma_semaphore, #tpu.memory_space<semaphore_mem>>) src(%arg5 : memref<128xf32, #tpu.memory_space<vmem>>) dst(%dma_wait3A_129 : memref<128xf32, #tpu.memory_space<vmem_shared>>)
      tpu.yield
    }) : () -> ()
    %mul3A_51 = arith.constant 640 : i32
    %mul3A_52 = arith.muli %arg1, %mul3A_51 : i32
    %add3A_53 = arith.constant 128 : i32
    %add3A_54 = arith.addi %mul3A_52, %add3A_53 : i32
    "tpu.region"() ({
      %run_scoped3A = tpu.sem_alloc : memref<!tpu.dma_semaphore, #tpu.memory_space<semaphore_mem>>
      %dma_start3A = tpu.memref_slice %arg6[%add3A_54] : memref<10240xf32, #tpu.memory_space<vmem_shared>> -> memref<128xf32, #tpu.memory_space<vmem_shared>>
      %dma_start3A_128 = tpu.memref_slice %arg6[%add3A_54] : memref<10240xf32, #tpu.memory_space<vmem_shared>> -> memref<128xf32, #tpu.memory_space<vmem_shared>>
      tpu.enqueue_dma source(%arg5 : memref<128xf32, #tpu.memory_space<vmem>>) target(%dma_start3A_128 : memref<128xf32, #tpu.memory_space<vmem_shared>>) target_semaphore(%run_scoped3A : memref<!tpu.dma_semaphore, #tpu.memory_space<semaphore_mem>>)
      %dma_wait3A = tpu.memref_slice %arg6[%add3A_54] : memref<10240xf32, #tpu.memory_space<vmem_shared>> -> memref<128xf32, #tpu.memory_space<vmem_shared>>
      %dma_wait3A_129 = tpu.memref_slice %arg6[%add3A_54] : memref<10240xf32, #tpu.memory_space<vmem_shared>> -> memref<128xf32, #tpu.memory_space<vmem_shared>>
      tpu.wait_dma2 semaphore(%run_scoped3A : memref<!tpu.dma_semaphore, #tpu.memory_space<semaphore_mem>>) src(%arg5 : memref<128xf32, #tpu.memory_space<vmem>>) dst(%dma_wait3A_129 : memref<128xf32, #tpu.memory_space<vmem_shared>>)
      tpu.yield
    }) : () -> ()
    %mul3A_55 = arith.constant 640 : i32
    %mul3A_56 = arith.muli %arg1, %mul3A_55 : i32
    %add3A_57 = arith.constant 256 : i32
    %add3A_58 = arith.addi %mul3A_56, %add3A_57 : i32
    "tpu.region"() ({
      %run_scoped3A = tpu.sem_alloc : memref<!tpu.dma_semaphore, #tpu.memory_space<semaphore_mem>>
      %dma_start3A = tpu.memref_slice %arg6[%add3A_58] : memref<10240xf32, #tpu.memory_space<vmem_shared>> -> memref<128xf32, #tpu.memory_space<vmem_shared>>
      %dma_start3A_128 = tpu.memref_slice %arg6[%add3A_58] : memref<10240xf32, #tpu.memory_space<vmem_shared>> -> memref<128xf32, #tpu.memory_space<vmem_shared>>
      tpu.enqueue_dma source(%arg5 : memref<128xf32, #tpu.memory_space<vmem>>) target(%dma_start3A_128 : memref<128xf32, #tpu.memory_space<vmem_shared>>) target_semaphore(%run_scoped3A : memref<!tpu.dma_semaphore, #tpu.memory_space<semaphore_mem>>)
      %dma_wait3A = tpu.memref_slice %arg6[%add3A_58] : memref<10240xf32, #tpu.memory_space<vmem_shared>> -> memref<128xf32, #tpu.memory_space<vmem_shared>>
      %dma_wait3A_129 = tpu.memref_slice %arg6[%add3A_58] : memref<10240xf32, #tpu.memory_space<vmem_shared>> -> memref<128xf32, #tpu.memory_space<vmem_shared>>
      tpu.wait_dma2 semaphore(%run_scoped3A : memref<!tpu.dma_semaphore, #tpu.memory_space<semaphore_mem>>) src(%arg5 : memref<128xf32, #tpu.memory_space<vmem>>) dst(%dma_wait3A_129 : memref<128xf32, #tpu.memory_space<vmem_shared>>)
      tpu.yield
    }) : () -> ()
    %mul3A_59 = arith.constant 640 : i32
    %mul3A_60 = arith.muli %arg1, %mul3A_59 : i32
    %add3A_61 = arith.constant 384 : i32
    %add3A_62 = arith.addi %mul3A_60, %add3A_61 : i32
    "tpu.region"() ({
      %run_scoped3A = tpu.sem_alloc : memref<!tpu.dma_semaphore, #tpu.memory_space<semaphore_mem>>
      %dma_start3A = tpu.memref_slice %arg6[%add3A_62] : memref<10240xf32, #tpu.memory_space<vmem_shared>> -> memref<128xf32, #tpu.memory_space<vmem_shared>>
      %dma_start3A_128 = tpu.memref_slice %arg6[%add3A_62] : memref<10240xf32, #tpu.memory_space<vmem_shared>> -> memref<128xf32, #tpu.memory_space<vmem_shared>>
      tpu.enqueue_dma source(%arg5 : memref<128xf32, #tpu.memory_space<vmem>>) target(%dma_start3A_128 : memref<128xf32, #tpu.memory_space<vmem_shared>>) target_semaphore(%run_scoped3A : memref<!tpu.dma_semaphore, #tpu.memory_space<semaphore_mem>>)
      %dma_wait3A = tpu.memref_slice %arg6[%add3A_62] : memref<10240xf32, #tpu.memory_space<vmem_shared>> -> memref<128xf32, #tpu.memory_space<vmem_shared>>
      %dma_wait3A_129 = tpu.memref_slice %arg6[%add3A_62] : memref<10240xf32, #tpu.memory_space<vmem_shared>> -> memref<128xf32, #tpu.memory_space<vmem_shared>>
      tpu.wait_dma2 semaphore(%run_scoped3A : memref<!tpu.dma_semaphore, #tpu.memory_space<semaphore_mem>>) src(%arg5 : memref<128xf32, #tpu.memory_space<vmem>>) dst(%dma_wait3A_129 : memref<128xf32, #tpu.memory_space<vmem_shared>>)
      tpu.yield
    }) : () -> ()
    %mul3A_63 = arith.constant 640 : i32
    %mul3A_64 = arith.muli %arg1, %mul3A_63 : i32
    %add3A_65 = arith.constant 512 : i32
    %add3A_66 = arith.addi %mul3A_64, %add3A_65 : i32
    "tpu.region"() ({
      %run_scoped3A = tpu.sem_alloc : memref<!tpu.dma_semaphore, #tpu.memory_space<semaphore_mem>>
      %dma_start3A = tpu.memref_slice %arg6[%add3A_66] : memref<10240xf32, #tpu.memory_space<vmem_shared>> -> memref<128xf32, #tpu.memory_space<vmem_shared>>
      %dma_start3A_128 = tpu.memref_slice %arg6[%add3A_66] : memref<10240xf32, #tpu.memory_space<vmem_shared>> -> memref<128xf32, #tpu.memory_space<vmem_shared>>
      tpu.enqueue_dma source(%arg5 : memref<128xf32, #tpu.memory_space<vmem>>) target(%dma_start3A_128 : memref<128xf32, #tpu.memory_space<vmem_shared>>) target_semaphore(%run_scoped3A : memref<!tpu.dma_semaphore, #tpu.memory_space<semaphore_mem>>)
      %dma_wait3A = tpu.memref_slice %arg6[%add3A_66] : memref<10240xf32, #tpu.memory_space<vmem_shared>> -> memref<128xf32, #tpu.memory_space<vmem_shared>>
      %dma_wait3A_129 = tpu.memref_slice %arg6[%add3A_66] : memref<10240xf32, #tpu.memory_space<vmem_shared>> -> memref<128xf32, #tpu.memory_space<vmem_shared>>
      tpu.wait_dma2 semaphore(%run_scoped3A : memref<!tpu.dma_semaphore, #tpu.memory_space<semaphore_mem>>) src(%arg5 : memref<128xf32, #tpu.memory_space<vmem>>) dst(%dma_wait3A_129 : memref<128xf32, #tpu.memory_space<vmem_shared>>)
      tpu.yield
    }) : () -> ()
    %broadcast_in_dim3A_67 = arith.constant 1.000000e+00 : f32
    %broadcast_in_dim3A_68 = vector.broadcast %broadcast_in_dim3A_67 : f32 to vector<16xf32>
    %swap3A_69 = arith.constant 0 : index
    %swap3A_70 = tpu.vector_load %arg5[%swap3A_69] {strides = array<i32>} : memref<128xf32, #tpu.memory_space<vmem>>, vector<16xf32>,
    %swap3A_71 = vector.shape_cast %swap3A_70 : vector<16xf32> to vector<16xf32>
    %swap3A_72 = vector.shape_cast %broadcast_in_dim3A_68 : vector<16xf32> to vector<16xf32>
    tpu.vector_store %arg5[%swap3A_69], %swap3A_72 {strides = array<i32>} : memref<128xf32, #tpu.memory_space<vmem>>, vector<16xf32>,
    %broadcast_in_dim3A_73 = arith.constant 1.000000e+00 : f32
    %broadcast_in_dim3A_74 = vector.broadcast %broadcast_in_dim3A_73 : f32 to vector<16xf32>
    %swap3A_75 = arith.constant 16 : index
    %swap3A_76 = tpu.vector_load %arg5[%swap3A_75] {strides = array<i32>} : memref<128xf32, #tpu.memory_space<vmem>>, vector<16xf32>,
    %swap3A_77 = vector.shape_cast %swap3A_76 : vector<16xf32> to vector<16xf32>
    %swap3A_78 = vector.shape_cast %broadcast_in_dim3A_74 : vector<16xf32> to vector<16xf32>
    tpu.vector_store %arg5[%swap3A_75], %swap3A_78 {strides = array<i32>} : memref<128xf32, #tpu.memory_space<vmem>>, vector<16xf32>,
    %broadcast_in_dim3A_79 = arith.constant 1.000000e+00 : f32
    %broadcast_in_dim3A_80 = vector.broadcast %broadcast_in_dim3A_79 : f32 to vector<16xf32>
    %swap3A_81 = arith.constant 32 : index
    %swap3A_82 = tpu.vector_load %arg5[%swap3A_81] {strides = array<i32>} : memref<128xf32, #tpu.memory_space<vmem>>, vector<16xf32>,
    %swap3A_83 = vector.shape_cast %swap3A_82 : vector<16xf32> to vector<16xf32>
    %swap3A_84 = vector.shape_cast %broadcast_in_dim3A_80 : vector<16xf32> to vector<16xf32>
    tpu.vector_store %arg5[%swap3A_81], %swap3A_84 {strides = array<i32>} : memref<128xf32, #tpu.memory_space<vmem>>, vector<16xf32>,
    %broadcast_in_dim3A_85 = arith.constant 1.000000e+00 : f32
    %broadcast_in_dim3A_86 = vector.broadcast %broadcast_in_dim3A_85 : f32 to vector<16xf32>
    %swap3A_87 = arith.constant 48 : index
    %swap3A_88 = tpu.vector_load %arg5[%swap3A_87] {strides = array<i32>} : memref<128xf32, #tpu.memory_space<vmem>>, vector<16xf32>,
    %swap3A_89 = vector.shape_cast %swap3A_88 : vector<16xf32> to vector<16xf32>
    %swap3A_90 = vector.shape_cast %broadcast_in_dim3A_86 : vector<16xf32> to vector<16xf32>
    tpu.vector_store %arg5[%swap3A_87], %swap3A_90 {strides = array<i32>} : memref<128xf32, #tpu.memory_space<vmem>>, vector<16xf32>,
    %broadcast_in_dim3A_91 = arith.constant 1.000000e+00 : f32
    %broadcast_in_dim3A_92 = vector.broadcast %broadcast_in_dim3A_91 : f32 to vector<16xf32>
    %swap3A_93 = arith.constant 64 : index
    %swap3A_94 = tpu.vector_load %arg5[%swap3A_93] {strides = array<i32>} : memref<128xf32, #tpu.memory_space<vmem>>, vector<16xf32>,
    %swap3A_95 = vector.shape_cast %swap3A_94 : vector<16xf32> to vector<16xf32>
    %swap3A_96 = vector.shape_cast %broadcast_in_dim3A_92 : vector<16xf32> to vector<16xf32>
    tpu.vector_store %arg5[%swap3A_93], %swap3A_96 {strides = array<i32>} : memref<128xf32, #tpu.memory_space<vmem>>, vector<16xf32>,
    %broadcast_in_dim3A_97 = arith.constant 1.000000e+00 : f32
    %broadcast_in_dim3A_98 = vector.broadcast %broadcast_in_dim3A_97 : f32 to vector<16xf32>
    %swap3A_99 = arith.constant 80 : index
    %swap3A_100 = tpu.vector_load %arg5[%swap3A_99] {strides = array<i32>} : memref<128xf32, #tpu.memory_space<vmem>>, vector<16xf32>,
    %swap3A_101 = vector.shape_cast %swap3A_100 : vector<16xf32> to vector<16xf32>
    %swap3A_102 = vector.shape_cast %broadcast_in_dim3A_98 : vector<16xf32> to vector<16xf32>
    tpu.vector_store %arg5[%swap3A_99], %swap3A_102 {strides = array<i32>} : memref<128xf32, #tpu.memory_space<vmem>>, vector<16xf32>,
    %broadcast_in_dim3A_103 = arith.constant 1.000000e+00 : f32
    %broadcast_in_dim3A_104 = vector.broadcast %broadcast_in_dim3A_103 : f32 to vector<16xf32>
    %swap3A_105 = arith.constant 96 : index
    %swap3A_106 = tpu.vector_load %arg5[%swap3A_105] {strides = array<i32>} : memref<128xf32, #tpu.memory_space<vmem>>, vector<16xf32>,
    %swap3A_107 = vector.shape_cast %swap3A_106 : vector<16xf32> to vector<16xf32>
    %swap3A_108 = vector.shape_cast %broadcast_in_dim3A_104 : vector<16xf32> to vector<16xf32>
    tpu.vector_store %arg5[%swap3A_105], %swap3A_108 {strides = array<i32>} : memref<128xf32, #tpu.memory_space<vmem>>, vector<16xf32>,
    %broadcast_in_dim3A_109 = arith.constant 1.000000e+00 : f32
    %broadcast_in_dim3A_110 = vector.broadcast %broadcast_in_dim3A_109 : f32 to vector<16xf32>
    %swap3A_111 = arith.constant 112 : index
    %swap3A_112 = tpu.vector_load %arg5[%swap3A_111] {strides = array<i32>} : memref<128xf32, #tpu.memory_space<vmem>>, vector<16xf32>,
    %swap3A_113 = vector.shape_cast %swap3A_112 : vector<16xf32> to vector<16xf32>
    %swap3A_114 = vector.shape_cast %broadcast_in_dim3A_110 : vector<16xf32> to vector<16xf32>
    tpu.vector_store %arg5[%swap3A_111], %swap3A_114 {strides = array<i32>} : memref<128xf32, #tpu.memory_space<vmem>>, vector<16xf32>,
    %barrier3A = arith.constant 0 : index
    tpu.barrier barrier_id(%barrier3A)
    %mul3A_115 = arith.constant 80 : i32
    %mul3A_116 = arith.muli %add3A, %mul3A_115 : i32
    "tpu.region"() ({
      %run_scoped3A = tpu.sem_alloc : memref<!tpu.dma_semaphore, #tpu.memory_space<semaphore_mem>>
      %dma_start3A = arith.constant 0 : i32
      %dma_start3A_128 = tpu.memref_slice %arg2[%mul3A_116, %dma_start3A] : memref<2560x128xi32, #tpu.memory_space<hbm>> -> memref<80x128xi32, #tpu.memory_space<hbm>>
      %dma_start3A_129 = arith.constant 0 : i32
      %dma_start3A_130 = tpu.memref_slice %arg2[%mul3A_116, %dma_start3A_129] : memref<2560x128xi32, #tpu.memory_space<hbm>> -> memref<80x128xi32, #tpu.memory_space<hbm>>
      tpu.enqueue_dma source(%dma_start3A_130 : memref<80x128xi32, #tpu.memory_space<hbm>>) target(%arg4 : memref<80x128xi32, #tpu.memory_space<vmem>>) target_semaphore(%run_scoped3A : memref<!tpu.dma_semaphore, #tpu.memory_space<semaphore_mem>>)
      %dma_wait3A = arith.constant 0 : i32
      %dma_wait3A_131 = tpu.memref_slice %arg2[%mul3A_116, %dma_wait3A] : memref<2560x128xi32, #tpu.memory_space<hbm>> -> memref<80x128xi32, #tpu.memory_space<hbm>>
      %dma_wait3A_132 = arith.constant 0 : i32
      %dma_wait3A_133 = tpu.memref_slice %arg2[%mul3A_116, %dma_wait3A_132] : memref<2560x128xi32, #tpu.memory_space<hbm>> -> memref<80x128xi32, #tpu.memory_space<hbm>>
      tpu.wait_dma2 semaphore(%run_scoped3A : memref<!tpu.dma_semaphore, #tpu.memory_space<semaphore_mem>>) src(%dma_wait3A_133 : memref<80x128xi32, #tpu.memory_space<hbm>>) dst(%arg4 : memref<80x128xi32, #tpu.memory_space<vmem>>)
      tpu.yield
    }) : () -> ()
    %scan3A = arith.constant 0 : i32
    %scan3A_117 = arith.constant 0 : i32
    %scan3A_118 = arith.constant 80 : i32
    %scan3A_119 = arith.addi %scan3A_117, %scan3A_118 : i32
    %scan3A_120 = arith.constant 1 : i32
    %scan3A_121 = scf.for %scan3A_128 = %scan3A_117 to %scan3A_119 step %scan3A_120 iter_args(%scan3A_129 = %scan3A) -> (i32)  : i32 {
      "tpu.region"() ({
        %run_scoped3A = tpu.sem_alloc : memref<!tpu.dma_semaphore, #tpu.memory_space<semaphore_mem>>
        %dma_start3A = arith.constant 0 : i32
        %dma_start3A_131 = tpu.memref_slice %arg4[%scan3A_128, %dma_start3A] : memref<80x128xi32, #tpu.memory_space<vmem>> -> memref<1x128xi32, #tpu.memory_space<vmem>>
        %dma_start3A_132 = tpu.memref_squeeze %dma_start3A_131 : memref<1x128xi32, #tpu.memory_space<vmem>> -> memref<128xi32, #tpu.memory_space<vmem>>
        %dma_start3A_133 = arith.constant 0 : i32
        %dma_start3A_134 = tpu.memref_slice %arg6[%dma_start3A_133] : memref<10240xf32, #tpu.memory_space<vmem_shared>> -> memref<10240xf32, #tpu.memory_space<vmem_shared>>
        tpu.enqueue_indirect_dma source(%arg5 : memref<128xf32, #tpu.memory_space<vmem>>) target(%dma_start3A_134 : memref<10240xf32, #tpu.memory_space<vmem_shared>>) offsets(%dma_start3A_132 : memref<128xi32, #tpu.memory_space<vmem>>) semaphore(%run_scoped3A : memref<!tpu.dma_semaphore, #tpu.memory_space<semaphore_mem>>) {add = true}
        %dma_wait3A = arith.constant 0 : i32
        %dma_wait3A_135 = tpu.memref_slice %arg4[%scan3A_128, %dma_wait3A] : memref<80x128xi32, #tpu.memory_space<vmem>> -> memref<1x128xi32, #tpu.memory_space<vmem>>
        %dma_wait3A_136 = tpu.memref_squeeze %dma_wait3A_135 : memref<1x128xi32, #tpu.memory_space<vmem>> -> memref<128xi32, #tpu.memory_space<vmem>>
        %dma_wait3A_137 = arith.constant 0 : i32
        %dma_wait3A_138 = tpu.memref_slice %arg6[%dma_wait3A_137] : memref<10240xf32, #tpu.memory_space<vmem_shared>> -> memref<10240xf32, #tpu.memory_space<vmem_shared>>
        tpu.wait_indirect_dma semaphore(%run_scoped3A : memref<!tpu.dma_semaphore, #tpu.memory_space<semaphore_mem>>) src(%arg5 : memref<128xf32, #tpu.memory_space<vmem>>) dst(%dma_wait3A_138 : memref<10240xf32, #tpu.memory_space<vmem_shared>>)
        tpu.yield
      }) : () -> ()
      %scan3A_130 = arith.constant 0 : i32
      scf.yield %scan3A_130 : i32
    }
    %scan3A_122 = arith.constant 80 : i32
    %barrier3A_123 = arith.constant 0 : index
    tpu.barrier barrier_id(%barrier3A_123)
    %mul3A_124 = arith.constant 640 : i32
    %mul3A_125 = arith.muli %arg1, %mul3A_124 : i32
    %mul3A_126 = arith.constant 640 : i32
    %mul3A_127 = arith.muli %arg1, %mul3A_126 : i32
    "tpu.region"() ({
      %run_scoped3A = tpu.sem_alloc : memref<!tpu.dma_semaphore, #tpu.memory_space<semaphore_mem>>
      %dma_start3A = tpu.memref_slice %arg3[%arg0, %mul3A_127] : memref<2x10240xf32, #tpu.memory_space<hbm>> -> memref<1x640xf32, #tpu.memory_space<hbm>>
      %dma_start3A_128 = tpu.memref_squeeze %dma_start3A : memref<1x640xf32, #tpu.memory_space<hbm>> -> memref<640xf32, #tpu.memory_space<hbm>>
      %dma_start3A_129 = tpu.memref_slice %arg6[%mul3A_125] : memref<10240xf32, #tpu.memory_space<vmem_shared>> -> memref<640xf32, #tpu.memory_space<vmem_shared>>
      tpu.enqueue_dma source(%dma_start3A_129 : memref<640xf32, #tpu.memory_space<vmem_shared>>) target(%dma_start3A_128 : memref<640xf32, #tpu.memory_space<hbm>>) target_semaphore(%run_scoped3A : memref<!tpu.dma_semaphore, #tpu.memory_space<semaphore_mem>>)
      %dma_wait3A = tpu.memref_slice %arg3[%arg0, %mul3A_127] : memref<2x10240xf32, #tpu.memory_space<hbm>> -> memref<1x640xf32, #tpu.memory_space<hbm>>
      %dma_wait3A_130 = tpu.memref_squeeze %dma_wait3A : memref<1x640xf32, #tpu.memory_space<hbm>> -> memref<640xf32, #tpu.memory_space<hbm>>
      %dma_wait3A_131 = tpu.memref_slice %arg6[%mul3A_125] : memref<10240xf32, #tpu.memory_space<vmem_shared>> -> memref<640xf32, #tpu.memory_space<vmem_shared>>
      tpu.wait_dma2 semaphore(%run_scoped3A : memref<!tpu.dma_semaphore, #tpu.memory_space<semaphore_mem>>) src(%dma_wait3A_131 : memref<640xf32, #tpu.memory_space<vmem_shared>>) dst(%dma_wait3A_130 : memref<640xf32, #tpu.memory_space<hbm>>)
      tpu.yield
    }) : () -> ()
    return
  }
}

#map = affine_map<(d0, d1) -> (0, 0)>
#map1 = affine_map<(d0, d1) -> (0, 0, 0)>
module attributes {stable_mosaic.version = 14 : i64} {
  func.func @_agg(%arg0: i32, %arg1: i32, %arg2: memref<10240x128xf32, #tpu.memory_space<hbm>>, %arg3: memref<2560x128xi32, #tpu.memory_space<hbm>>, %arg4: memref<2560x128xi32, #tpu.memory_space<hbm>>, %arg5: memref<2x10240x128xf32, #tpu.memory_space<hbm>>, %arg6: memref<40x128xi32, #tpu.memory_space<vmem>>, %arg7: memref<40x128xi32, #tpu.memory_space<vmem>>, %arg8: memref<128x128xf32, #tpu.memory_space<vmem>>, %arg9: memref<128x128xf32, #tpu.memory_space<vmem>>, %arg10: memref<10240x128xf32, #tpu.memory_space<vmem_shared>>, %arg11: memref<!tpu.dma_semaphore, #tpu.memory_space<semaphore_mem>>, %arg12: memref<!tpu.dma_semaphore, #tpu.memory_space<semaphore_mem>>) attributes {dimension_semantics = [#tpu.dimension_semantics<core_parallel>, #tpu.dimension_semantics<subcore_parallel>], iteration_bounds = array<i64: 2, 16>, scalar_prefetch = 0 : i64, scratch_operands = 7 : i64, tpu.core_type = #tpu.core_type<sc_vector_subcore>, window_params = [{transform_indices = #map}, {transform_indices = #map}, {transform_indices = #map}, {transform_indices = #map1}]} {
    %mul3A = arith.constant 16 : i32
    %mul3A_0 = arith.muli %arg0, %mul3A : i32
    %add3A = arith.addi %mul3A_0, %arg1 : i32
    %scan3A = arith.constant 0 : i32
    %scan3A_1 = arith.constant 0 : i32
    %scan3A_2 = arith.constant 128 : i32
    %scan3A_3 = arith.addi %scan3A_1, %scan3A_2 : i32
    %scan3A_4 = arith.constant 1 : i32
    %scan3A_5 = scf.for %scan3A_62 = %scan3A_1 to %scan3A_3 step %scan3A_4 iter_args(%scan3A_63 = %scan3A) -> (i32)  : i32 {
      %broadcast_in_dim3A = arith.constant 0.000000e+00 : f32
      %broadcast_in_dim3A_64 = vector.broadcast %broadcast_in_dim3A : f32 to vector<16xf32>
      %swap3A = arith.index_cast %scan3A_62 : i32 to index
      %swap3A_65 = arith.constant 0 : index
      %swap3A_66 = tpu.vector_load %arg8[%swap3A, %swap3A_65] {strides = array<i32>} : memref<128x128xf32, #tpu.memory_space<vmem>>, vector<1x16xf32>,
      %swap3A_67 = vector.shape_cast %swap3A_66 : vector<1x16xf32> to vector<16xf32>
      %swap3A_68 = vector.shape_cast %broadcast_in_dim3A_64 : vector<16xf32> to vector<1x16xf32>
      tpu.vector_store %arg8[%swap3A, %swap3A_65], %swap3A_68 {strides = array<i32>} : memref<128x128xf32, #tpu.memory_space<vmem>>, vector<1x16xf32>,
      %broadcast_in_dim3A_69 = arith.constant 0.000000e+00 : f32
      %broadcast_in_dim3A_70 = vector.broadcast %broadcast_in_dim3A_69 : f32 to vector<16xf32>
      %swap3A_71 = arith.index_cast %scan3A_62 : i32 to index
      %swap3A_72 = arith.constant 16 : index
      %swap3A_73 = tpu.vector_load %arg8[%swap3A_71, %swap3A_72] {strides = array<i32>} : memref<128x128xf32, #tpu.memory_space<vmem>>, vector<1x16xf32>,
      %swap3A_74 = vector.shape_cast %swap3A_73 : vector<1x16xf32> to vector<16xf32>
      %swap3A_75 = vector.shape_cast %broadcast_in_dim3A_70 : vector<16xf32> to vector<1x16xf32>
      tpu.vector_store %arg8[%swap3A_71, %swap3A_72], %swap3A_75 {strides = array<i32>} : memref<128x128xf32, #tpu.memory_space<vmem>>, vector<1x16xf32>,
      %broadcast_in_dim3A_76 = arith.constant 0.000000e+00 : f32
      %broadcast_in_dim3A_77 = vector.broadcast %broadcast_in_dim3A_76 : f32 to vector<16xf32>
      %swap3A_78 = arith.index_cast %scan3A_62 : i32 to index
      %swap3A_79 = arith.constant 32 : index
      %swap3A_80 = tpu.vector_load %arg8[%swap3A_78, %swap3A_79] {strides = array<i32>} : memref<128x128xf32, #tpu.memory_space<vmem>>, vector<1x16xf32>,
      %swap3A_81 = vector.shape_cast %swap3A_80 : vector<1x16xf32> to vector<16xf32>
      %swap3A_82 = vector.shape_cast %broadcast_in_dim3A_77 : vector<16xf32> to vector<1x16xf32>
      tpu.vector_store %arg8[%swap3A_78, %swap3A_79], %swap3A_82 {strides = array<i32>} : memref<128x128xf32, #tpu.memory_space<vmem>>, vector<1x16xf32>,
      %broadcast_in_dim3A_83 = arith.constant 0.000000e+00 : f32
      %broadcast_in_dim3A_84 = vector.broadcast %broadcast_in_dim3A_83 : f32 to vector<16xf32>
      %swap3A_85 = arith.index_cast %scan3A_62 : i32 to index
      %swap3A_86 = arith.constant 48 : index
      %swap3A_87 = tpu.vector_load %arg8[%swap3A_85, %swap3A_86] {strides = array<i32>} : memref<128x128xf32, #tpu.memory_space<vmem>>, vector<1x16xf32>,
      %swap3A_88 = vector.shape_cast %swap3A_87 : vector<1x16xf32> to vector<16xf32>
      %swap3A_89 = vector.shape_cast %broadcast_in_dim3A_84 : vector<16xf32> to vector<1x16xf32>
      tpu.vector_store %arg8[%swap3A_85, %swap3A_86], %swap3A_89 {strides = array<i32>} : memref<128x128xf32, #tpu.memory_space<vmem>>, vector<1x16xf32>,
      %broadcast_in_dim3A_90 = arith.constant 0.000000e+00 : f32
      %broadcast_in_dim3A_91 = vector.broadcast %broadcast_in_dim3A_90 : f32 to vector<16xf32>
      %swap3A_92 = arith.index_cast %scan3A_62 : i32 to index
      %swap3A_93 = arith.constant 64 : index
      %swap3A_94 = tpu.vector_load %arg8[%swap3A_92, %swap3A_93] {strides = array<i32>} : memref<128x128xf32, #tpu.memory_space<vmem>>, vector<1x16xf32>,
      %swap3A_95 = vector.shape_cast %swap3A_94 : vector<1x16xf32> to vector<16xf32>
      %swap3A_96 = vector.shape_cast %broadcast_in_dim3A_91 : vector<16xf32> to vector<1x16xf32>
      tpu.vector_store %arg8[%swap3A_92, %swap3A_93], %swap3A_96 {strides = array<i32>} : memref<128x128xf32, #tpu.memory_space<vmem>>, vector<1x16xf32>,
      %broadcast_in_dim3A_97 = arith.constant 0.000000e+00 : f32
      %broadcast_in_dim3A_98 = vector.broadcast %broadcast_in_dim3A_97 : f32 to vector<16xf32>
      %swap3A_99 = arith.index_cast %scan3A_62 : i32 to index
      %swap3A_100 = arith.constant 80 : index
      %swap3A_101 = tpu.vector_load %arg8[%swap3A_99, %swap3A_100] {strides = array<i32>} : memref<128x128xf32, #tpu.memory_space<vmem>>, vector<1x16xf32>,
      %swap3A_102 = vector.shape_cast %swap3A_101 : vector<1x16xf32> to vector<16xf32>
      %swap3A_103 = vector.shape_cast %broadcast_in_dim3A_98 : vector<16xf32> to vector<1x16xf32>
      tpu.vector_store %arg8[%swap3A_99, %swap3A_100], %swap3A_103 {strides = array<i32>} : memref<128x128xf32, #tpu.memory_space<vmem>>, vector<1x16xf32>,
      %broadcast_in_dim3A_104 = arith.constant 0.000000e+00 : f32
      %broadcast_in_dim3A_105 = vector.broadcast %broadcast_in_dim3A_104 : f32 to vector<16xf32>
      %swap3A_106 = arith.index_cast %scan3A_62 : i32 to index
      %swap3A_107 = arith.constant 96 : index
      %swap3A_108 = tpu.vector_load %arg8[%swap3A_106, %swap3A_107] {strides = array<i32>} : memref<128x128xf32, #tpu.memory_space<vmem>>, vector<1x16xf32>,
      %swap3A_109 = vector.shape_cast %swap3A_108 : vector<1x16xf32> to vector<16xf32>
      %swap3A_110 = vector.shape_cast %broadcast_in_dim3A_105 : vector<16xf32> to vector<1x16xf32>
      tpu.vector_store %arg8[%swap3A_106, %swap3A_107], %swap3A_110 {strides = array<i32>} : memref<128x128xf32, #tpu.memory_space<vmem>>, vector<1x16xf32>,
      %broadcast_in_dim3A_111 = arith.constant 0.000000e+00 : f32
      %broadcast_in_dim3A_112 = vector.broadcast %broadcast_in_dim3A_111 : f32 to vector<16xf32>
      %swap3A_113 = arith.index_cast %scan3A_62 : i32 to index
      %swap3A_114 = arith.constant 112 : index
      %swap3A_115 = tpu.vector_load %arg8[%swap3A_113, %swap3A_114] {strides = array<i32>} : memref<128x128xf32, #tpu.memory_space<vmem>>, vector<1x16xf32>,
      %swap3A_116 = vector.shape_cast %swap3A_115 : vector<1x16xf32> to vector<16xf32>
      %swap3A_117 = vector.shape_cast %broadcast_in_dim3A_112 : vector<16xf32> to vector<1x16xf32>
      tpu.vector_store %arg8[%swap3A_113, %swap3A_114], %swap3A_117 {strides = array<i32>} : memref<128x128xf32, #tpu.memory_space<vmem>>, vector<1x16xf32>,
      %scan3A_118 = arith.constant 0 : i32
      scf.yield %scan3A_118 : i32
    }
    %scan3A_6 = arith.constant 128 : i32
    %mul3A_7 = arith.constant 640 : i32
    %mul3A_8 = arith.muli %arg1, %mul3A_7 : i32
    %add3A_9 = arith.constant 0 : i32
    %add3A_10 = arith.addi %mul3A_8, %add3A_9 : i32
    "tpu.region"() ({
      %run_scoped3A = tpu.sem_alloc : memref<!tpu.dma_semaphore, #tpu.memory_space<semaphore_mem>>
      %dma_start3A = arith.constant 0 : i32
      %dma_start3A_62 = tpu.memref_slice %arg10[%add3A_10, %dma_start3A] : memref<10240x128xf32, #tpu.memory_space<vmem_shared>> -> memref<128x128xf32, #tpu.memory_space<vmem_shared>>
      %dma_start3A_63 = arith.constant 0 : i32
      %dma_start3A_64 = tpu.memref_slice %arg10[%add3A_10, %dma_start3A_63] : memref<10240x128xf32, #tpu.memory_space<vmem_shared>> -> memref<128x128xf32, #tpu.memory_space<vmem_shared>>
      tpu.enqueue_dma source(%arg8 : memref<128x128xf32, #tpu.memory_space<vmem>>) target(%dma_start3A_64 : memref<128x128xf32, #tpu.memory_space<vmem_shared>>) target_semaphore(%run_scoped3A : memref<!tpu.dma_semaphore, #tpu.memory_space<semaphore_mem>>)
      %dma_wait3A = arith.constant 0 : i32
      %dma_wait3A_65 = tpu.memref_slice %arg10[%add3A_10, %dma_wait3A] : memref<10240x128xf32, #tpu.memory_space<vmem_shared>> -> memref<128x128xf32, #tpu.memory_space<vmem_shared>>
      %dma_wait3A_66 = arith.constant 0 : i32
      %dma_wait3A_67 = tpu.memref_slice %arg10[%add3A_10, %dma_wait3A_66] : memref<10240x128xf32, #tpu.memory_space<vmem_shared>> -> memref<128x128xf32, #tpu.memory_space<vmem_shared>>
      tpu.wait_dma2 semaphore(%run_scoped3A : memref<!tpu.dma_semaphore, #tpu.memory_space<semaphore_mem>>) src(%arg8 : memref<128x128xf32, #tpu.memory_space<vmem>>) dst(%dma_wait3A_67 : memref<128x128xf32, #tpu.memory_space<vmem_shared>>)
      tpu.yield
    }) : () -> ()
    %mul3A_11 = arith.constant 640 : i32
    %mul3A_12 = arith.muli %arg1, %mul3A_11 : i32
    %add3A_13 = arith.constant 128 : i32
    %add3A_14 = arith.addi %mul3A_12, %add3A_13 : i32
    "tpu.region"() ({
      %run_scoped3A = tpu.sem_alloc : memref<!tpu.dma_semaphore, #tpu.memory_space<semaphore_mem>>
      %dma_start3A = arith.constant 0 : i32
      %dma_start3A_62 = tpu.memref_slice %arg10[%add3A_14, %dma_start3A] : memref<10240x128xf32, #tpu.memory_space<vmem_shared>> -> memref<128x128xf32, #tpu.memory_space<vmem_shared>>
      %dma_start3A_63 = arith.constant 0 : i32
      %dma_start3A_64 = tpu.memref_slice %arg10[%add3A_14, %dma_start3A_63] : memref<10240x128xf32, #tpu.memory_space<vmem_shared>> -> memref<128x128xf32, #tpu.memory_space<vmem_shared>>
      tpu.enqueue_dma source(%arg8 : memref<128x128xf32, #tpu.memory_space<vmem>>) target(%dma_start3A_64 : memref<128x128xf32, #tpu.memory_space<vmem_shared>>) target_semaphore(%run_scoped3A : memref<!tpu.dma_semaphore, #tpu.memory_space<semaphore_mem>>)
      %dma_wait3A = arith.constant 0 : i32
      %dma_wait3A_65 = tpu.memref_slice %arg10[%add3A_14, %dma_wait3A] : memref<10240x128xf32, #tpu.memory_space<vmem_shared>> -> memref<128x128xf32, #tpu.memory_space<vmem_shared>>
      %dma_wait3A_66 = arith.constant 0 : i32
      %dma_wait3A_67 = tpu.memref_slice %arg10[%add3A_14, %dma_wait3A_66] : memref<10240x128xf32, #tpu.memory_space<vmem_shared>> -> memref<128x128xf32, #tpu.memory_space<vmem_shared>>
      tpu.wait_dma2 semaphore(%run_scoped3A : memref<!tpu.dma_semaphore, #tpu.memory_space<semaphore_mem>>) src(%arg8 : memref<128x128xf32, #tpu.memory_space<vmem>>) dst(%dma_wait3A_67 : memref<128x128xf32, #tpu.memory_space<vmem_shared>>)
      tpu.yield
    }) : () -> ()
    %mul3A_15 = arith.constant 640 : i32
    %mul3A_16 = arith.muli %arg1, %mul3A_15 : i32
    %add3A_17 = arith.constant 256 : i32
    %add3A_18 = arith.addi %mul3A_16, %add3A_17 : i32
    "tpu.region"() ({
      %run_scoped3A = tpu.sem_alloc : memref<!tpu.dma_semaphore, #tpu.memory_space<semaphore_mem>>
      %dma_start3A = arith.constant 0 : i32
      %dma_start3A_62 = tpu.memref_slice %arg10[%add3A_18, %dma_start3A] : memref<10240x128xf32, #tpu.memory_space<vmem_shared>> -> memref<128x128xf32, #tpu.memory_space<vmem_shared>>
      %dma_start3A_63 = arith.constant 0 : i32
      %dma_start3A_64 = tpu.memref_slice %arg10[%add3A_18, %dma_start3A_63] : memref<10240x128xf32, #tpu.memory_space<vmem_shared>> -> memref<128x128xf32, #tpu.memory_space<vmem_shared>>
      tpu.enqueue_dma source(%arg8 : memref<128x128xf32, #tpu.memory_space<vmem>>) target(%dma_start3A_64 : memref<128x128xf32, #tpu.memory_space<vmem_shared>>) target_semaphore(%run_scoped3A : memref<!tpu.dma_semaphore, #tpu.memory_space<semaphore_mem>>)
      %dma_wait3A = arith.constant 0 : i32
      %dma_wait3A_65 = tpu.memref_slice %arg10[%add3A_18, %dma_wait3A] : memref<10240x128xf32, #tpu.memory_space<vmem_shared>> -> memref<128x128xf32, #tpu.memory_space<vmem_shared>>
      %dma_wait3A_66 = arith.constant 0 : i32
      %dma_wait3A_67 = tpu.memref_slice %arg10[%add3A_18, %dma_wait3A_66] : memref<10240x128xf32, #tpu.memory_space<vmem_shared>> -> memref<128x128xf32, #tpu.memory_space<vmem_shared>>
      tpu.wait_dma2 semaphore(%run_scoped3A : memref<!tpu.dma_semaphore, #tpu.memory_space<semaphore_mem>>) src(%arg8 : memref<128x128xf32, #tpu.memory_space<vmem>>) dst(%dma_wait3A_67 : memref<128x128xf32, #tpu.memory_space<vmem_shared>>)
      tpu.yield
    }) : () -> ()
    %mul3A_19 = arith.constant 640 : i32
    %mul3A_20 = arith.muli %arg1, %mul3A_19 : i32
    %add3A_21 = arith.constant 384 : i32
    %add3A_22 = arith.addi %mul3A_20, %add3A_21 : i32
    "tpu.region"() ({
      %run_scoped3A = tpu.sem_alloc : memref<!tpu.dma_semaphore, #tpu.memory_space<semaphore_mem>>
      %dma_start3A = arith.constant 0 : i32
      %dma_start3A_62 = tpu.memref_slice %arg10[%add3A_22, %dma_start3A] : memref<10240x128xf32, #tpu.memory_space<vmem_shared>> -> memref<128x128xf32, #tpu.memory_space<vmem_shared>>
      %dma_start3A_63 = arith.constant 0 : i32
      %dma_start3A_64 = tpu.memref_slice %arg10[%add3A_22, %dma_start3A_63] : memref<10240x128xf32, #tpu.memory_space<vmem_shared>> -> memref<128x128xf32, #tpu.memory_space<vmem_shared>>
      tpu.enqueue_dma source(%arg8 : memref<128x128xf32, #tpu.memory_space<vmem>>) target(%dma_start3A_64 : memref<128x128xf32, #tpu.memory_space<vmem_shared>>) target_semaphore(%run_scoped3A : memref<!tpu.dma_semaphore, #tpu.memory_space<semaphore_mem>>)
      %dma_wait3A = arith.constant 0 : i32
      %dma_wait3A_65 = tpu.memref_slice %arg10[%add3A_22, %dma_wait3A] : memref<10240x128xf32, #tpu.memory_space<vmem_shared>> -> memref<128x128xf32, #tpu.memory_space<vmem_shared>>
      %dma_wait3A_66 = arith.constant 0 : i32
      %dma_wait3A_67 = tpu.memref_slice %arg10[%add3A_22, %dma_wait3A_66] : memref<10240x128xf32, #tpu.memory_space<vmem_shared>> -> memref<128x128xf32, #tpu.memory_space<vmem_shared>>
      tpu.wait_dma2 semaphore(%run_scoped3A : memref<!tpu.dma_semaphore, #tpu.memory_space<semaphore_mem>>) src(%arg8 : memref<128x128xf32, #tpu.memory_space<vmem>>) dst(%dma_wait3A_67 : memref<128x128xf32, #tpu.memory_space<vmem_shared>>)
      tpu.yield
    }) : () -> ()
    %mul3A_23 = arith.constant 640 : i32
    %mul3A_24 = arith.muli %arg1, %mul3A_23 : i32
    %add3A_25 = arith.constant 512 : i32
    %add3A_26 = arith.addi %mul3A_24, %add3A_25 : i32
    "tpu.region"() ({
      %run_scoped3A = tpu.sem_alloc : memref<!tpu.dma_semaphore, #tpu.memory_space<semaphore_mem>>
      %dma_start3A = arith.constant 0 : i32
      %dma_start3A_62 = tpu.memref_slice %arg10[%add3A_26, %dma_start3A] : memref<10240x128xf32, #tpu.memory_space<vmem_shared>> -> memref<128x128xf32, #tpu.memory_space<vmem_shared>>
      %dma_start3A_63 = arith.constant 0 : i32
      %dma_start3A_64 = tpu.memref_slice %arg10[%add3A_26, %dma_start3A_63] : memref<10240x128xf32, #tpu.memory_space<vmem_shared>> -> memref<128x128xf32, #tpu.memory_space<vmem_shared>>
      tpu.enqueue_dma source(%arg8 : memref<128x128xf32, #tpu.memory_space<vmem>>) target(%dma_start3A_64 : memref<128x128xf32, #tpu.memory_space<vmem_shared>>) target_semaphore(%run_scoped3A : memref<!tpu.dma_semaphore, #tpu.memory_space<semaphore_mem>>)
      %dma_wait3A = arith.constant 0 : i32
      %dma_wait3A_65 = tpu.memref_slice %arg10[%add3A_26, %dma_wait3A] : memref<10240x128xf32, #tpu.memory_space<vmem_shared>> -> memref<128x128xf32, #tpu.memory_space<vmem_shared>>
      %dma_wait3A_66 = arith.constant 0 : i32
      %dma_wait3A_67 = tpu.memref_slice %arg10[%add3A_26, %dma_wait3A_66] : memref<10240x128xf32, #tpu.memory_space<vmem_shared>> -> memref<128x128xf32, #tpu.memory_space<vmem_shared>>
      tpu.wait_dma2 semaphore(%run_scoped3A : memref<!tpu.dma_semaphore, #tpu.memory_space<semaphore_mem>>) src(%arg8 : memref<128x128xf32, #tpu.memory_space<vmem>>) dst(%dma_wait3A_67 : memref<128x128xf32, #tpu.memory_space<vmem_shared>>)
      tpu.yield
    }) : () -> ()
    %barrier3A = arith.constant 0 : index
    tpu.barrier barrier_id(%barrier3A)
    %mul3A_27 = arith.constant 80 : i32
    %mul3A_28 = arith.muli %add3A, %mul3A_27 : i32
    %add3A_29 = arith.constant 0 : i32
    %add3A_30 = arith.addi %mul3A_28, %add3A_29 : i32
    "tpu.region"() ({
      %run_scoped3A = tpu.sem_alloc : memref<!tpu.dma_semaphore, #tpu.memory_space<semaphore_mem>>
      %dma_start3A = arith.constant 0 : i32
      %dma_start3A_62 = tpu.memref_slice %arg3[%add3A_30, %dma_start3A] : memref<2560x128xi32, #tpu.memory_space<hbm>> -> memref<40x128xi32, #tpu.memory_space<hbm>>
      %dma_start3A_63 = arith.constant 0 : i32
      %dma_start3A_64 = tpu.memref_slice %arg3[%add3A_30, %dma_start3A_63] : memref<2560x128xi32, #tpu.memory_space<hbm>> -> memref<40x128xi32, #tpu.memory_space<hbm>>
      tpu.enqueue_dma source(%dma_start3A_64 : memref<40x128xi32, #tpu.memory_space<hbm>>) target(%arg6 : memref<40x128xi32, #tpu.memory_space<vmem>>) target_semaphore(%run_scoped3A : memref<!tpu.dma_semaphore, #tpu.memory_space<semaphore_mem>>)
      %dma_wait3A = arith.constant 0 : i32
      %dma_wait3A_65 = tpu.memref_slice %arg3[%add3A_30, %dma_wait3A] : memref<2560x128xi32, #tpu.memory_space<hbm>> -> memref<40x128xi32, #tpu.memory_space<hbm>>
      %dma_wait3A_66 = arith.constant 0 : i32
      %dma_wait3A_67 = tpu.memref_slice %arg3[%add3A_30, %dma_wait3A_66] : memref<2560x128xi32, #tpu.memory_space<hbm>> -> memref<40x128xi32, #tpu.memory_space<hbm>>
      tpu.wait_dma2 semaphore(%run_scoped3A : memref<!tpu.dma_semaphore, #tpu.memory_space<semaphore_mem>>) src(%dma_wait3A_67 : memref<40x128xi32, #tpu.memory_space<hbm>>) dst(%arg6 : memref<40x128xi32, #tpu.memory_space<vmem>>)
      tpu.yield
    }) : () -> ()
    %mul3A_31 = arith.constant 80 : i32
    %mul3A_32 = arith.muli %add3A, %mul3A_31 : i32
    %add3A_33 = arith.constant 0 : i32
    %add3A_34 = arith.addi %mul3A_32, %add3A_33 : i32
    "tpu.region"() ({
      %run_scoped3A = tpu.sem_alloc : memref<!tpu.dma_semaphore, #tpu.memory_space<semaphore_mem>>
      %dma_start3A = arith.constant 0 : i32
      %dma_start3A_62 = tpu.memref_slice %arg4[%add3A_34, %dma_start3A] : memref<2560x128xi32, #tpu.memory_space<hbm>> -> memref<40x128xi32, #tpu.memory_space<hbm>>
      %dma_start3A_63 = arith.constant 0 : i32
      %dma_start3A_64 = tpu.memref_slice %arg4[%add3A_34, %dma_start3A_63] : memref<2560x128xi32, #tpu.memory_space<hbm>> -> memref<40x128xi32, #tpu.memory_space<hbm>>
      tpu.enqueue_dma source(%dma_start3A_64 : memref<40x128xi32, #tpu.memory_space<hbm>>) target(%arg7 : memref<40x128xi32, #tpu.memory_space<vmem>>) target_semaphore(%run_scoped3A : memref<!tpu.dma_semaphore, #tpu.memory_space<semaphore_mem>>)
      %dma_wait3A = arith.constant 0 : i32
      %dma_wait3A_65 = tpu.memref_slice %arg4[%add3A_34, %dma_wait3A] : memref<2560x128xi32, #tpu.memory_space<hbm>> -> memref<40x128xi32, #tpu.memory_space<hbm>>
      %dma_wait3A_66 = arith.constant 0 : i32
      %dma_wait3A_67 = tpu.memref_slice %arg4[%add3A_34, %dma_wait3A_66] : memref<2560x128xi32, #tpu.memory_space<hbm>> -> memref<40x128xi32, #tpu.memory_space<hbm>>
      tpu.wait_dma2 semaphore(%run_scoped3A : memref<!tpu.dma_semaphore, #tpu.memory_space<semaphore_mem>>) src(%dma_wait3A_67 : memref<40x128xi32, #tpu.memory_space<hbm>>) dst(%arg7 : memref<40x128xi32, #tpu.memory_space<vmem>>)
      tpu.yield
    }) : () -> ()
    %scan3A_35 = arith.constant 0 : i32
    %scan3A_36 = arith.constant 0 : i32
    %scan3A_37 = arith.constant 5 : i32
    %scan3A_38 = arith.addi %scan3A_36, %scan3A_37 : i32
    %scan3A_39 = arith.constant 1 : i32
    %scan3A_40 = scf.for %scan3A_62 = %scan3A_36 to %scan3A_38 step %scan3A_39 iter_args(%scan3A_63 = %scan3A_35) -> (i32)  : i32 {
      %mul3A_64 = arith.constant 8 : i32
      %mul3A_65 = arith.muli %scan3A_62, %mul3A_64 : i32
      %add3A_66 = arith.constant 0 : i32
      %add3A_67 = arith.addi %mul3A_65, %add3A_66 : i32
      %dma_start3A = arith.constant 0 : i32
      %dma_start3A_68 = tpu.memref_slice %arg6[%add3A_67, %dma_start3A] : memref<40x128xi32, #tpu.memory_space<vmem>> -> memref<1x128xi32, #tpu.memory_space<vmem>>
      %dma_start3A_69 = tpu.memref_squeeze %dma_start3A_68 : memref<1x128xi32, #tpu.memory_space<vmem>> -> memref<128xi32, #tpu.memory_space<vmem>>
      %dma_start3A_70 = arith.constant 0 : i32
      %dma_start3A_71 = arith.constant 0 : i32
      %dma_start3A_72 = tpu.memref_slice %arg2[%dma_start3A_70, %dma_start3A_71] : memref<10240x128xf32, #tpu.memory_space<hbm>> -> memref<10240x128xf32, #tpu.memory_space<hbm>>
      tpu.enqueue_indirect_dma source(%dma_start3A_72 : memref<10240x128xf32, #tpu.memory_space<hbm>>) target(%arg8 : memref<128x128xf32, #tpu.memory_space<vmem>>) offsets(%dma_start3A_69 : memref<128xi32, #tpu.memory_space<vmem>>) semaphore(%arg11 : memref<!tpu.dma_semaphore, #tpu.memory_space<semaphore_mem>>)
      %add3A_73 = arith.constant 1 : i32
      %add3A_74 = arith.addi %mul3A_65, %add3A_73 : i32
      %dma_start3A_75 = arith.constant 0 : i32
      %dma_start3A_76 = tpu.memref_slice %arg6[%add3A_74, %dma_start3A_75] : memref<40x128xi32, #tpu.memory_space<vmem>> -> memref<1x128xi32, #tpu.memory_space<vmem>>
      %dma_start3A_77 = tpu.memref_squeeze %dma_start3A_76 : memref<1x128xi32, #tpu.memory_space<vmem>> -> memref<128xi32, #tpu.memory_space<vmem>>
      %dma_start3A_78 = arith.constant 0 : i32
      %dma_start3A_79 = arith.constant 0 : i32
      %dma_start3A_80 = tpu.memref_slice %arg2[%dma_start3A_78, %dma_start3A_79] : memref<10240x128xf32, #tpu.memory_space<hbm>> -> memref<10240x128xf32, #tpu.memory_space<hbm>>
      tpu.enqueue_indirect_dma source(%dma_start3A_80 : memref<10240x128xf32, #tpu.memory_space<hbm>>) target(%arg9 : memref<128x128xf32, #tpu.memory_space<vmem>>) offsets(%dma_start3A_77 : memref<128xi32, #tpu.memory_space<vmem>>) semaphore(%arg12 : memref<!tpu.dma_semaphore, #tpu.memory_space<semaphore_mem>>)
      %dma_wait3A = arith.constant 0 : i32
      %dma_wait3A_81 = tpu.memref_slice %arg6[%add3A_67, %dma_wait3A] : memref<40x128xi32, #tpu.memory_space<vmem>> -> memref<1x128xi32, #tpu.memory_space<vmem>>
      %dma_wait3A_82 = tpu.memref_squeeze %dma_wait3A_81 : memref<1x128xi32, #tpu.memory_space<vmem>> -> memref<128xi32, #tpu.memory_space<vmem>>
      %dma_wait3A_83 = arith.constant 0 : i32
      %dma_wait3A_84 = arith.constant 0 : i32
      %dma_wait3A_85 = tpu.memref_slice %arg2[%dma_wait3A_83, %dma_wait3A_84] : memref<10240x128xf32, #tpu.memory_space<hbm>> -> memref<10240x128xf32, #tpu.memory_space<hbm>>
      tpu.wait_indirect_dma semaphore(%arg11 : memref<!tpu.dma_semaphore, #tpu.memory_space<semaphore_mem>>) src(%dma_wait3A_85 : memref<10240x128xf32, #tpu.memory_space<hbm>>) dst(%arg8 : memref<128x128xf32, #tpu.memory_space<vmem>>)
      %add3A_86 = arith.constant 0 : i32
      %add3A_87 = arith.addi %mul3A_65, %add3A_86 : i32
      "tpu.region"() ({
        %run_scoped3A = tpu.sem_alloc : memref<!tpu.dma_semaphore, #tpu.memory_space<semaphore_mem>>
        %dma_start3A_205 = arith.constant 0 : i32
        %dma_start3A_206 = tpu.memref_slice %arg7[%add3A_87, %dma_start3A_205] : memref<40x128xi32, #tpu.memory_space<vmem>> -> memref<1x128xi32, #tpu.memory_space<vmem>>
        %dma_start3A_207 = tpu.memref_squeeze %dma_start3A_206 : memref<1x128xi32, #tpu.memory_space<vmem>> -> memref<128xi32, #tpu.memory_space<vmem>>
        %dma_start3A_208 = arith.constant 0 : i32
        %dma_start3A_209 = arith.constant 0 : i32
        %dma_start3A_210 = tpu.memref_slice %arg10[%dma_start3A_208, %dma_start3A_209] : memref<10240x128xf32, #tpu.memory_space<vmem_shared>> -> memref<10240x128xf32, #tpu.memory_space<vmem_shared>>
        tpu.enqueue_indirect_dma source(%arg8 : memref<128x128xf32, #tpu.memory_space<vmem>>) target(%dma_start3A_210 : memref<10240x128xf32, #tpu.memory_space<vmem_shared>>) offsets(%dma_start3A_207 : memref<128xi32, #tpu.memory_space<vmem>>) semaphore(%run_scoped3A : memref<!tpu.dma_semaphore, #tpu.memory_space<semaphore_mem>>) {add = true}
        %dma_wait3A_211 = arith.constant 0 : i32
        %dma_wait3A_212 = tpu.memref_slice %arg7[%add3A_87, %dma_wait3A_211] : memref<40x128xi32, #tpu.memory_space<vmem>> -> memref<1x128xi32, #tpu.memory_space<vmem>>
        %dma_wait3A_213 = tpu.memref_squeeze %dma_wait3A_212 : memref<1x128xi32, #tpu.memory_space<vmem>> -> memref<128xi32, #tpu.memory_space<vmem>>
        %dma_wait3A_214 = arith.constant 0 : i32
        %dma_wait3A_215 = arith.constant 0 : i32
        %dma_wait3A_216 = tpu.memref_slice %arg10[%dma_wait3A_214, %dma_wait3A_215] : memref<10240x128xf32, #tpu.memory_space<vmem_shared>> -> memref<10240x128xf32, #tpu.memory_space<vmem_shared>>
        tpu.wait_indirect_dma semaphore(%run_scoped3A : memref<!tpu.dma_semaphore, #tpu.memory_space<semaphore_mem>>) src(%arg8 : memref<128x128xf32, #tpu.memory_space<vmem>>) dst(%dma_wait3A_216 : memref<10240x128xf32, #tpu.memory_space<vmem_shared>>)
        tpu.yield
      }) : () -> ()
      %add3A_88 = arith.constant 0 : i32
      %add3A_89 = arith.addi %mul3A_65, %add3A_88 : i32
      %add3A_90 = arith.constant 2 : i32
      %add3A_91 = arith.addi %add3A_89, %add3A_90 : i32
      %dma_start3A_92 = arith.constant 0 : i32
      %dma_start3A_93 = tpu.memref_slice %arg6[%add3A_91, %dma_start3A_92] : memref<40x128xi32, #tpu.memory_space<vmem>> -> memref<1x128xi32, #tpu.memory_space<vmem>>
      %dma_start3A_94 = tpu.memref_squeeze %dma_start3A_93 : memref<1x128xi32, #tpu.memory_space<vmem>> -> memref<128xi32, #tpu.memory_space<vmem>>
      %dma_start3A_95 = arith.constant 0 : i32
      %dma_start3A_96 = arith.constant 0 : i32
      %dma_start3A_97 = tpu.memref_slice %arg2[%dma_start3A_95, %dma_start3A_96] : memref<10240x128xf32, #tpu.memory_space<hbm>> -> memref<10240x128xf32, #tpu.memory_space<hbm>>
      tpu.enqueue_indirect_dma source(%dma_start3A_97 : memref<10240x128xf32, #tpu.memory_space<hbm>>) target(%arg8 : memref<128x128xf32, #tpu.memory_space<vmem>>) offsets(%dma_start3A_94 : memref<128xi32, #tpu.memory_space<vmem>>) semaphore(%arg11 : memref<!tpu.dma_semaphore, #tpu.memory_space<semaphore_mem>>)
      %dma_wait3A_98 = arith.constant 0 : i32
      %dma_wait3A_99 = tpu.memref_slice %arg6[%add3A_74, %dma_wait3A_98] : memref<40x128xi32, #tpu.memory_space<vmem>> -> memref<1x128xi32, #tpu.memory_space<vmem>>
      %dma_wait3A_100 = tpu.memref_squeeze %dma_wait3A_99 : memref<1x128xi32, #tpu.memory_space<vmem>> -> memref<128xi32, #tpu.memory_space<vmem>>
      %dma_wait3A_101 = arith.constant 0 : i32
      %dma_wait3A_102 = arith.constant 0 : i32
      %dma_wait3A_103 = tpu.memref_slice %arg2[%dma_wait3A_101, %dma_wait3A_102] : memref<10240x128xf32, #tpu.memory_space<hbm>> -> memref<10240x128xf32, #tpu.memory_space<hbm>>
      tpu.wait_indirect_dma semaphore(%arg12 : memref<!tpu.dma_semaphore, #tpu.memory_space<semaphore_mem>>) src(%dma_wait3A_103 : memref<10240x128xf32, #tpu.memory_space<hbm>>) dst(%arg9 : memref<128x128xf32, #tpu.memory_space<vmem>>)
      %add3A_104 = arith.constant 1 : i32
      %add3A_105 = arith.addi %mul3A_65, %add3A_104 : i32
      "tpu.region"() ({
        %run_scoped3A = tpu.sem_alloc : memref<!tpu.dma_semaphore, #tpu.memory_space<semaphore_mem>>
        %dma_start3A_205 = arith.constant 0 : i32
        %dma_start3A_206 = tpu.memref_slice %arg7[%add3A_105, %dma_start3A_205] : memref<40x128xi32, #tpu.memory_space<vmem>> -> memref<1x128xi32, #tpu.memory_space<vmem>>
        %dma_start3A_207 = tpu.memref_squeeze %dma_start3A_206 : memref<1x128xi32, #tpu.memory_space<vmem>> -> memref<128xi32, #tpu.memory_space<vmem>>
        %dma_start3A_208 = arith.constant 0 : i32
        %dma_start3A_209 = arith.constant 0 : i32
        %dma_start3A_210 = tpu.memref_slice %arg10[%dma_start3A_208, %dma_start3A_209] : memref<10240x128xf32, #tpu.memory_space<vmem_shared>> -> memref<10240x128xf32, #tpu.memory_space<vmem_shared>>
        tpu.enqueue_indirect_dma source(%arg9 : memref<128x128xf32, #tpu.memory_space<vmem>>) target(%dma_start3A_210 : memref<10240x128xf32, #tpu.memory_space<vmem_shared>>) offsets(%dma_start3A_207 : memref<128xi32, #tpu.memory_space<vmem>>) semaphore(%run_scoped3A : memref<!tpu.dma_semaphore, #tpu.memory_space<semaphore_mem>>) {add = true}
        %dma_wait3A_211 = arith.constant 0 : i32
        %dma_wait3A_212 = tpu.memref_slice %arg7[%add3A_105, %dma_wait3A_211] : memref<40x128xi32, #tpu.memory_space<vmem>> -> memref<1x128xi32, #tpu.memory_space<vmem>>
        %dma_wait3A_213 = tpu.memref_squeeze %dma_wait3A_212 : memref<1x128xi32, #tpu.memory_space<vmem>> -> memref<128xi32, #tpu.memory_space<vmem>>
        %dma_wait3A_214 = arith.constant 0 : i32
        %dma_wait3A_215 = arith.constant 0 : i32
        %dma_wait3A_216 = tpu.memref_slice %arg10[%dma_wait3A_214, %dma_wait3A_215] : memref<10240x128xf32, #tpu.memory_space<vmem_shared>> -> memref<10240x128xf32, #tpu.memory_space<vmem_shared>>
        tpu.wait_indirect_dma semaphore(%run_scoped3A : memref<!tpu.dma_semaphore, #tpu.memory_space<semaphore_mem>>) src(%arg9 : memref<128x128xf32, #tpu.memory_space<vmem>>) dst(%dma_wait3A_216 : memref<10240x128xf32, #tpu.memory_space<vmem_shared>>)
        tpu.yield
      }) : () -> ()
      %add3A_106 = arith.constant 1 : i32
      %add3A_107 = arith.addi %mul3A_65, %add3A_106 : i32
      %add3A_108 = arith.constant 2 : i32
      %add3A_109 = arith.addi %add3A_107, %add3A_108 : i32
      %dma_start3A_110 = arith.constant 0 : i32
      %dma_start3A_111 = tpu.memref_slice %arg6[%add3A_109, %dma_start3A_110] : memref<40x128xi32, #tpu.memory_space<vmem>> -> memref<1x128xi32, #tpu.memory_space<vmem>>
      %dma_start3A_112 = tpu.memref_squeeze %dma_start3A_111 : memref<1x128xi32, #tpu.memory_space<vmem>> -> memref<128xi32, #tpu.memory_space<vmem>>
      %dma_start3A_113 = arith.constant 0 : i32
      %dma_start3A_114 = arith.constant 0 : i32
      %dma_start3A_115 = tpu.memref_slice %arg2[%dma_start3A_113, %dma_start3A_114] : memref<10240x128xf32, #tpu.memory_space<hbm>> -> memref<10240x128xf32, #tpu.memory_space<hbm>>
      tpu.enqueue_indirect_dma source(%dma_start3A_115 : memref<10240x128xf32, #tpu.memory_space<hbm>>) target(%arg9 : memref<128x128xf32, #tpu.memory_space<vmem>>) offsets(%dma_start3A_112 : memref<128xi32, #tpu.memory_space<vmem>>) semaphore(%arg12 : memref<!tpu.dma_semaphore, #tpu.memory_space<semaphore_mem>>)
      %dma_wait3A_116 = arith.constant 0 : i32
      %dma_wait3A_117 = tpu.memref_slice %arg6[%add3A_91, %dma_wait3A_116] : memref<40x128xi32, #tpu.memory_space<vmem>> -> memref<1x128xi32, #tpu.memory_space<vmem>>
      %dma_wait3A_118 = tpu.memref_squeeze %dma_wait3A_117 : memref<1x128xi32, #tpu.memory_space<vmem>> -> memref<128xi32, #tpu.memory_space<vmem>>
      %dma_wait3A_119 = arith.constant 0 : i32
      %dma_wait3A_120 = arith.constant 0 : i32
      %dma_wait3A_121 = tpu.memref_slice %arg2[%dma_wait3A_119, %dma_wait3A_120] : memref<10240x128xf32, #tpu.memory_space<hbm>> -> memref<10240x128xf32, #tpu.memory_space<hbm>>
      tpu.wait_indirect_dma semaphore(%arg11 : memref<!tpu.dma_semaphore, #tpu.memory_space<semaphore_mem>>) src(%dma_wait3A_121 : memref<10240x128xf32, #tpu.memory_space<hbm>>) dst(%arg8 : memref<128x128xf32, #tpu.memory_space<vmem>>)
      %add3A_122 = arith.constant 2 : i32
      %add3A_123 = arith.addi %mul3A_65, %add3A_122 : i32
      "tpu.region"() ({
        %run_scoped3A = tpu.sem_alloc : memref<!tpu.dma_semaphore, #tpu.memory_space<semaphore_mem>>
        %dma_start3A_205 = arith.constant 0 : i32
        %dma_start3A_206 = tpu.memref_slice %arg7[%add3A_123, %dma_start3A_205] : memref<40x128xi32, #tpu.memory_space<vmem>> -> memref<1x128xi32, #tpu.memory_space<vmem>>
        %dma_start3A_207 = tpu.memref_squeeze %dma_start3A_206 : memref<1x128xi32, #tpu.memory_space<vmem>> -> memref<128xi32, #tpu.memory_space<vmem>>
        %dma_start3A_208 = arith.constant 0 : i32
        %dma_start3A_209 = arith.constant 0 : i32
        %dma_start3A_210 = tpu.memref_slice %arg10[%dma_start3A_208, %dma_start3A_209] : memref<10240x128xf32, #tpu.memory_space<vmem_shared>> -> memref<10240x128xf32, #tpu.memory_space<vmem_shared>>
        tpu.enqueue_indirect_dma source(%arg8 : memref<128x128xf32, #tpu.memory_space<vmem>>) target(%dma_start3A_210 : memref<10240x128xf32, #tpu.memory_space<vmem_shared>>) offsets(%dma_start3A_207 : memref<128xi32, #tpu.memory_space<vmem>>) semaphore(%run_scoped3A : memref<!tpu.dma_semaphore, #tpu.memory_space<semaphore_mem>>) {add = true}
        %dma_wait3A_211 = arith.constant 0 : i32
        %dma_wait3A_212 = tpu.memref_slice %arg7[%add3A_123, %dma_wait3A_211] : memref<40x128xi32, #tpu.memory_space<vmem>> -> memref<1x128xi32, #tpu.memory_space<vmem>>
        %dma_wait3A_213 = tpu.memref_squeeze %dma_wait3A_212 : memref<1x128xi32, #tpu.memory_space<vmem>> -> memref<128xi32, #tpu.memory_space<vmem>>
        %dma_wait3A_214 = arith.constant 0 : i32
        %dma_wait3A_215 = arith.constant 0 : i32
        %dma_wait3A_216 = tpu.memref_slice %arg10[%dma_wait3A_214, %dma_wait3A_215] : memref<10240x128xf32, #tpu.memory_space<vmem_shared>> -> memref<10240x128xf32, #tpu.memory_space<vmem_shared>>
        tpu.wait_indirect_dma semaphore(%run_scoped3A : memref<!tpu.dma_semaphore, #tpu.memory_space<semaphore_mem>>) src(%arg8 : memref<128x128xf32, #tpu.memory_space<vmem>>) dst(%dma_wait3A_216 : memref<10240x128xf32, #tpu.memory_space<vmem_shared>>)
        tpu.yield
      }) : () -> ()
      %add3A_124 = arith.constant 2 : i32
      %add3A_125 = arith.addi %mul3A_65, %add3A_124 : i32
      %add3A_126 = arith.constant 2 : i32
      %add3A_127 = arith.addi %add3A_125, %add3A_126 : i32
      %dma_start3A_128 = arith.constant 0 : i32
      %dma_start3A_129 = tpu.memref_slice %arg6[%add3A_127, %dma_start3A_128] : memref<40x128xi32, #tpu.memory_space<vmem>> -> memref<1x128xi32, #tpu.memory_space<vmem>>
      %dma_start3A_130 = tpu.memref_squeeze %dma_start3A_129 : memref<1x128xi32, #tpu.memory_space<vmem>> -> memref<128xi32, #tpu.memory_space<vmem>>
      %dma_start3A_131 = arith.constant 0 : i32
      %dma_start3A_132 = arith.constant 0 : i32
      %dma_start3A_133 = tpu.memref_slice %arg2[%dma_start3A_131, %dma_start3A_132] : memref<10240x128xf32, #tpu.memory_space<hbm>> -> memref<10240x128xf32, #tpu.memory_space<hbm>>
      tpu.enqueue_indirect_dma source(%dma_start3A_133 : memref<10240x128xf32, #tpu.memory_space<hbm>>) target(%arg8 : memref<128x128xf32, #tpu.memory_space<vmem>>) offsets(%dma_start3A_130 : memref<128xi32, #tpu.memory_space<vmem>>) semaphore(%arg11 : memref<!tpu.dma_semaphore, #tpu.memory_space<semaphore_mem>>)
      %dma_wait3A_134 = arith.constant 0 : i32
      %dma_wait3A_135 = tpu.memref_slice %arg6[%add3A_109, %dma_wait3A_134] : memref<40x128xi32, #tpu.memory_space<vmem>> -> memref<1x128xi32, #tpu.memory_space<vmem>>
      %dma_wait3A_136 = tpu.memref_squeeze %dma_wait3A_135 : memref<1x128xi32, #tpu.memory_space<vmem>> -> memref<128xi32, #tpu.memory_space<vmem>>
      %dma_wait3A_137 = arith.constant 0 : i32
      %dma_wait3A_138 = arith.constant 0 : i32
      %dma_wait3A_139 = tpu.memref_slice %arg2[%dma_wait3A_137, %dma_wait3A_138] : memref<10240x128xf32, #tpu.memory_space<hbm>> -> memref<10240x128xf32, #tpu.memory_space<hbm>>
      tpu.wait_indirect_dma semaphore(%arg12 : memref<!tpu.dma_semaphore, #tpu.memory_space<semaphore_mem>>) src(%dma_wait3A_139 : memref<10240x128xf32, #tpu.memory_space<hbm>>) dst(%arg9 : memref<128x128xf32, #tpu.memory_space<vmem>>)
      %add3A_140 = arith.constant 3 : i32
      %add3A_141 = arith.addi %mul3A_65, %add3A_140 : i32
      "tpu.region"() ({
        %run_scoped3A = tpu.sem_alloc : memref<!tpu.dma_semaphore, #tpu.memory_space<semaphore_mem>>
        %dma_start3A_205 = arith.constant 0 : i32
        %dma_start3A_206 = tpu.memref_slice %arg7[%add3A_141, %dma_start3A_205] : memref<40x128xi32, #tpu.memory_space<vmem>> -> memref<1x128xi32, #tpu.memory_space<vmem>>
        %dma_start3A_207 = tpu.memref_squeeze %dma_start3A_206 : memref<1x128xi32, #tpu.memory_space<vmem>> -> memref<128xi32, #tpu.memory_space<vmem>>
        %dma_start3A_208 = arith.constant 0 : i32
        %dma_start3A_209 = arith.constant 0 : i32
        %dma_start3A_210 = tpu.memref_slice %arg10[%dma_start3A_208, %dma_start3A_209] : memref<10240x128xf32, #tpu.memory_space<vmem_shared>> -> memref<10240x128xf32, #tpu.memory_space<vmem_shared>>
        tpu.enqueue_indirect_dma source(%arg9 : memref<128x128xf32, #tpu.memory_space<vmem>>) target(%dma_start3A_210 : memref<10240x128xf32, #tpu.memory_space<vmem_shared>>) offsets(%dma_start3A_207 : memref<128xi32, #tpu.memory_space<vmem>>) semaphore(%run_scoped3A : memref<!tpu.dma_semaphore, #tpu.memory_space<semaphore_mem>>) {add = true}
        %dma_wait3A_211 = arith.constant 0 : i32
        %dma_wait3A_212 = tpu.memref_slice %arg7[%add3A_141, %dma_wait3A_211] : memref<40x128xi32, #tpu.memory_space<vmem>> -> memref<1x128xi32, #tpu.memory_space<vmem>>
        %dma_wait3A_213 = tpu.memref_squeeze %dma_wait3A_212 : memref<1x128xi32, #tpu.memory_space<vmem>> -> memref<128xi32, #tpu.memory_space<vmem>>
        %dma_wait3A_214 = arith.constant 0 : i32
        %dma_wait3A_215 = arith.constant 0 : i32
        %dma_wait3A_216 = tpu.memref_slice %arg10[%dma_wait3A_214, %dma_wait3A_215] : memref<10240x128xf32, #tpu.memory_space<vmem_shared>> -> memref<10240x128xf32, #tpu.memory_space<vmem_shared>>
        tpu.wait_indirect_dma semaphore(%run_scoped3A : memref<!tpu.dma_semaphore, #tpu.memory_space<semaphore_mem>>) src(%arg9 : memref<128x128xf32, #tpu.memory_space<vmem>>) dst(%dma_wait3A_216 : memref<10240x128xf32, #tpu.memory_space<vmem_shared>>)
        tpu.yield
      }) : () -> ()
      %add3A_142 = arith.constant 3 : i32
      %add3A_143 = arith.addi %mul3A_65, %add3A_142 : i32
      %add3A_144 = arith.constant 2 : i32
      %add3A_145 = arith.addi %add3A_143, %add3A_144 : i32
      %dma_start3A_146 = arith.constant 0 : i32
      %dma_start3A_147 = tpu.memref_slice %arg6[%add3A_145, %dma_start3A_146] : memref<40x128xi32, #tpu.memory_space<vmem>> -> memref<1x128xi32, #tpu.memory_space<vmem>>
      %dma_start3A_148 = tpu.memref_squeeze %dma_start3A_147 : memref<1x128xi32, #tpu.memory_space<vmem>> -> memref<128xi32, #tpu.memory_space<vmem>>
      %dma_start3A_149 = arith.constant 0 : i32
      %dma_start3A_150 = arith.constant 0 : i32
      %dma_start3A_151 = tpu.memref_slice %arg2[%dma_start3A_149, %dma_start3A_150] : memref<10240x128xf32, #tpu.memory_space<hbm>> -> memref<10240x128xf32, #tpu.memory_space<hbm>>
      tpu.enqueue_indirect_dma source(%dma_start3A_151 : memref<10240x128xf32, #tpu.memory_space<hbm>>) target(%arg9 : memref<128x128xf32, #tpu.memory_space<vmem>>) offsets(%dma_start3A_148 : memref<128xi32, #tpu.memory_space<vmem>>) semaphore(%arg12 : memref<!tpu.dma_semaphore, #tpu.memory_space<semaphore_mem>>)
      %dma_wait3A_152 = arith.constant 0 : i32
      %dma_wait3A_153 = tpu.memref_slice %arg6[%add3A_127, %dma_wait3A_152] : memref<40x128xi32, #tpu.memory_space<vmem>> -> memref<1x128xi32, #tpu.memory_space<vmem>>
      %dma_wait3A_154 = tpu.memref_squeeze %dma_wait3A_153 : memref<1x128xi32, #tpu.memory_space<vmem>> -> memref<128xi32, #tpu.memory_space<vmem>>
      %dma_wait3A_155 = arith.constant 0 : i32
      %dma_wait3A_156 = arith.constant 0 : i32
      %dma_wait3A_157 = tpu.memref_slice %arg2[%dma_wait3A_155, %dma_wait3A_156] : memref<10240x128xf32, #tpu.memory_space<hbm>> -> memref<10240x128xf32, #tpu.memory_space<hbm>>
      tpu.wait_indirect_dma semaphore(%arg11 : memref<!tpu.dma_semaphore, #tpu.memory_space<semaphore_mem>>) src(%dma_wait3A_157 : memref<10240x128xf32, #tpu.memory_space<hbm>>) dst(%arg8 : memref<128x128xf32, #tpu.memory_space<vmem>>)
      %add3A_158 = arith.constant 4 : i32
      %add3A_159 = arith.addi %mul3A_65, %add3A_158 : i32
      "tpu.region"() ({
        %run_scoped3A = tpu.sem_alloc : memref<!tpu.dma_semaphore, #tpu.memory_space<semaphore_mem>>
        %dma_start3A_205 = arith.constant 0 : i32
        %dma_start3A_206 = tpu.memref_slice %arg7[%add3A_159, %dma_start3A_205] : memref<40x128xi32, #tpu.memory_space<vmem>> -> memref<1x128xi32, #tpu.memory_space<vmem>>
        %dma_start3A_207 = tpu.memref_squeeze %dma_start3A_206 : memref<1x128xi32, #tpu.memory_space<vmem>> -> memref<128xi32, #tpu.memory_space<vmem>>
        %dma_start3A_208 = arith.constant 0 : i32
        %dma_start3A_209 = arith.constant 0 : i32
        %dma_start3A_210 = tpu.memref_slice %arg10[%dma_start3A_208, %dma_start3A_209] : memref<10240x128xf32, #tpu.memory_space<vmem_shared>> -> memref<10240x128xf32, #tpu.memory_space<vmem_shared>>
        tpu.enqueue_indirect_dma source(%arg8 : memref<128x128xf32, #tpu.memory_space<vmem>>) target(%dma_start3A_210 : memref<10240x128xf32, #tpu.memory_space<vmem_shared>>) offsets(%dma_start3A_207 : memref<128xi32, #tpu.memory_space<vmem>>) semaphore(%run_scoped3A : memref<!tpu.dma_semaphore, #tpu.memory_space<semaphore_mem>>) {add = true}
        %dma_wait3A_211 = arith.constant 0 : i32
        %dma_wait3A_212 = tpu.memref_slice %arg7[%add3A_159, %dma_wait3A_211] : memref<40x128xi32, #tpu.memory_space<vmem>> -> memref<1x128xi32, #tpu.memory_space<vmem>>
        %dma_wait3A_213 = tpu.memref_squeeze %dma_wait3A_212 : memref<1x128xi32, #tpu.memory_space<vmem>> -> memref<128xi32, #tpu.memory_space<vmem>>
        %dma_wait3A_214 = arith.constant 0 : i32
        %dma_wait3A_215 = arith.constant 0 : i32
        %dma_wait3A_216 = tpu.memref_slice %arg10[%dma_wait3A_214, %dma_wait3A_215] : memref<10240x128xf32, #tpu.memory_space<vmem_shared>> -> memref<10240x128xf32, #tpu.memory_space<vmem_shared>>
        tpu.wait_indirect_dma semaphore(%run_scoped3A : memref<!tpu.dma_semaphore, #tpu.memory_space<semaphore_mem>>) src(%arg8 : memref<128x128xf32, #tpu.memory_space<vmem>>) dst(%dma_wait3A_216 : memref<10240x128xf32, #tpu.memory_space<vmem_shared>>)
        tpu.yield
      }) : () -> ()
      %add3A_160 = arith.constant 4 : i32
      %add3A_161 = arith.addi %mul3A_65, %add3A_160 : i32
      %add3A_162 = arith.constant 2 : i32
      %add3A_163 = arith.addi %add3A_161, %add3A_162 : i32
      %dma_start3A_164 = arith.constant 0 : i32
      %dma_start3A_165 = tpu.memref_slice %arg6[%add3A_163, %dma_start3A_164] : memref<40x128xi32, #tpu.memory_space<vmem>> -> memref<1x128xi32, #tpu.memory_space<vmem>>
      %dma_start3A_166 = tpu.memref_squeeze %dma_start3A_165 : memref<1x128xi32, #tpu.memory_space<vmem>> -> memref<128xi32, #tpu.memory_space<vmem>>
      %dma_start3A_167 = arith.constant 0 : i32
      %dma_start3A_168 = arith.constant 0 : i32
      %dma_start3A_169 = tpu.memref_slice %arg2[%dma_start3A_167, %dma_start3A_168] : memref<10240x128xf32, #tpu.memory_space<hbm>> -> memref<10240x128xf32, #tpu.memory_space<hbm>>
      tpu.enqueue_indirect_dma source(%dma_start3A_169 : memref<10240x128xf32, #tpu.memory_space<hbm>>) target(%arg8 : memref<128x128xf32, #tpu.memory_space<vmem>>) offsets(%dma_start3A_166 : memref<128xi32, #tpu.memory_space<vmem>>) semaphore(%arg11 : memref<!tpu.dma_semaphore, #tpu.memory_space<semaphore_mem>>)
      %dma_wait3A_170 = arith.constant 0 : i32
      %dma_wait3A_171 = tpu.memref_slice %arg6[%add3A_145, %dma_wait3A_170] : memref<40x128xi32, #tpu.memory_space<vmem>> -> memref<1x128xi32, #tpu.memory_space<vmem>>
      %dma_wait3A_172 = tpu.memref_squeeze %dma_wait3A_171 : memref<1x128xi32, #tpu.memory_space<vmem>> -> memref<128xi32, #tpu.memory_space<vmem>>
      %dma_wait3A_173 = arith.constant 0 : i32
      %dma_wait3A_174 = arith.constant 0 : i32
      %dma_wait3A_175 = tpu.memref_slice %arg2[%dma_wait3A_173, %dma_wait3A_174] : memref<10240x128xf32, #tpu.memory_space<hbm>> -> memref<10240x128xf32, #tpu.memory_space<hbm>>
      tpu.wait_indirect_dma semaphore(%arg12 : memref<!tpu.dma_semaphore, #tpu.memory_space<semaphore_mem>>) src(%dma_wait3A_175 : memref<10240x128xf32, #tpu.memory_space<hbm>>) dst(%arg9 : memref<128x128xf32, #tpu.memory_space<vmem>>)
      %add3A_176 = arith.constant 5 : i32
      %add3A_177 = arith.addi %mul3A_65, %add3A_176 : i32
      "tpu.region"() ({
        %run_scoped3A = tpu.sem_alloc : memref<!tpu.dma_semaphore, #tpu.memory_space<semaphore_mem>>
        %dma_start3A_205 = arith.constant 0 : i32
        %dma_start3A_206 = tpu.memref_slice %arg7[%add3A_177, %dma_start3A_205] : memref<40x128xi32, #tpu.memory_space<vmem>> -> memref<1x128xi32, #tpu.memory_space<vmem>>
        %dma_start3A_207 = tpu.memref_squeeze %dma_start3A_206 : memref<1x128xi32, #tpu.memory_space<vmem>> -> memref<128xi32, #tpu.memory_space<vmem>>
        %dma_start3A_208 = arith.constant 0 : i32
        %dma_start3A_209 = arith.constant 0 : i32
        %dma_start3A_210 = tpu.memref_slice %arg10[%dma_start3A_208, %dma_start3A_209] : memref<10240x128xf32, #tpu.memory_space<vmem_shared>> -> memref<10240x128xf32, #tpu.memory_space<vmem_shared>>
        tpu.enqueue_indirect_dma source(%arg9 : memref<128x128xf32, #tpu.memory_space<vmem>>) target(%dma_start3A_210 : memref<10240x128xf32, #tpu.memory_space<vmem_shared>>) offsets(%dma_start3A_207 : memref<128xi32, #tpu.memory_space<vmem>>) semaphore(%run_scoped3A : memref<!tpu.dma_semaphore, #tpu.memory_space<semaphore_mem>>) {add = true}
        %dma_wait3A_211 = arith.constant 0 : i32
        %dma_wait3A_212 = tpu.memref_slice %arg7[%add3A_177, %dma_wait3A_211] : memref<40x128xi32, #tpu.memory_space<vmem>> -> memref<1x128xi32, #tpu.memory_space<vmem>>
        %dma_wait3A_213 = tpu.memref_squeeze %dma_wait3A_212 : memref<1x128xi32, #tpu.memory_space<vmem>> -> memref<128xi32, #tpu.memory_space<vmem>>
        %dma_wait3A_214 = arith.constant 0 : i32
        %dma_wait3A_215 = arith.constant 0 : i32
        %dma_wait3A_216 = tpu.memref_slice %arg10[%dma_wait3A_214, %dma_wait3A_215] : memref<10240x128xf32, #tpu.memory_space<vmem_shared>> -> memref<10240x128xf32, #tpu.memory_space<vmem_shared>>
        tpu.wait_indirect_dma semaphore(%run_scoped3A : memref<!tpu.dma_semaphore, #tpu.memory_space<semaphore_mem>>) src(%arg9 : memref<128x128xf32, #tpu.memory_space<vmem>>) dst(%dma_wait3A_216 : memref<10240x128xf32, #tpu.memory_space<vmem_shared>>)
        tpu.yield
      }) : () -> ()
      %add3A_178 = arith.constant 5 : i32
      %add3A_179 = arith.addi %mul3A_65, %add3A_178 : i32
      %add3A_180 = arith.constant 2 : i32
      %add3A_181 = arith.addi %add3A_179, %add3A_180 : i32
      %dma_start3A_182 = arith.constant 0 : i32
      %dma_start3A_183 = tpu.memref_slice %arg6[%add3A_181, %dma_start3A_182] : memref<40x128xi32, #tpu.memory_space<vmem>> -> memref<1x128xi32, #tpu.memory_space<vmem>>
      %dma_start3A_184 = tpu.memref_squeeze %dma_start3A_183 : memref<1x128xi32, #tpu.memory_space<vmem>> -> memref<128xi32, #tpu.memory_space<vmem>>
      %dma_start3A_185 = arith.constant 0 : i32
      %dma_start3A_186 = arith.constant 0 : i32
      %dma_start3A_187 = tpu.memref_slice %arg2[%dma_start3A_185, %dma_start3A_186] : memref<10240x128xf32, #tpu.memory_space<hbm>> -> memref<10240x128xf32, #tpu.memory_space<hbm>>
      tpu.enqueue_indirect_dma source(%dma_start3A_187 : memref<10240x128xf32, #tpu.memory_space<hbm>>) target(%arg9 : memref<128x128xf32, #tpu.memory_space<vmem>>) offsets(%dma_start3A_184 : memref<128xi32, #tpu.memory_space<vmem>>) semaphore(%arg12 : memref<!tpu.dma_semaphore, #tpu.memory_space<semaphore_mem>>)
      %dma_wait3A_188 = arith.constant 0 : i32
      %dma_wait3A_189 = tpu.memref_slice %arg6[%add3A_163, %dma_wait3A_188] : memref<40x128xi32, #tpu.memory_space<vmem>> -> memref<1x128xi32, #tpu.memory_space<vmem>>
      %dma_wait3A_190 = tpu.memref_squeeze %dma_wait3A_189 : memref<1x128xi32, #tpu.memory_space<vmem>> -> memref<128xi32, #tpu.memory_space<vmem>>
      %dma_wait3A_191 = arith.constant 0 : i32
      %dma_wait3A_192 = arith.constant 0 : i32
      %dma_wait3A_193 = tpu.memref_slice %arg2[%dma_wait3A_191, %dma_wait3A_192] : memref<10240x128xf32, #tpu.memory_space<hbm>> -> memref<10240x128xf32, #tpu.memory_space<hbm>>
      tpu.wait_indirect_dma semaphore(%arg11 : memref<!tpu.dma_semaphore, #tpu.memory_space<semaphore_mem>>) src(%dma_wait3A_193 : memref<10240x128xf32, #tpu.memory_space<hbm>>) dst(%arg8 : memref<128x128xf32, #tpu.memory_space<vmem>>)
      %add3A_194 = arith.constant 6 : i32
      %add3A_195 = arith.addi %mul3A_65, %add3A_194 : i32
      "tpu.region"() ({
        %run_scoped3A = tpu.sem_alloc : memref<!tpu.dma_semaphore, #tpu.memory_space<semaphore_mem>>
        %dma_start3A_205 = arith.constant 0 : i32
        %dma_start3A_206 = tpu.memref_slice %arg7[%add3A_195, %dma_start3A_205] : memref<40x128xi32, #tpu.memory_space<vmem>> -> memref<1x128xi32, #tpu.memory_space<vmem>>
        %dma_start3A_207 = tpu.memref_squeeze %dma_start3A_206 : memref<1x128xi32, #tpu.memory_space<vmem>> -> memref<128xi32, #tpu.memory_space<vmem>>
        %dma_start3A_208 = arith.constant 0 : i32
        %dma_start3A_209 = arith.constant 0 : i32
        %dma_start3A_210 = tpu.memref_slice %arg10[%dma_start3A_208, %dma_start3A_209] : memref<10240x128xf32, #tpu.memory_space<vmem_shared>> -> memref<10240x128xf32, #tpu.memory_space<vmem_shared>>
        tpu.enqueue_indirect_dma source(%arg8 : memref<128x128xf32, #tpu.memory_space<vmem>>) target(%dma_start3A_210 : memref<10240x128xf32, #tpu.memory_space<vmem_shared>>) offsets(%dma_start3A_207 : memref<128xi32, #tpu.memory_space<vmem>>) semaphore(%run_scoped3A : memref<!tpu.dma_semaphore, #tpu.memory_space<semaphore_mem>>) {add = true}
        %dma_wait3A_211 = arith.constant 0 : i32
        %dma_wait3A_212 = tpu.memref_slice %arg7[%add3A_195, %dma_wait3A_211] : memref<40x128xi32, #tpu.memory_space<vmem>> -> memref<1x128xi32, #tpu.memory_space<vmem>>
        %dma_wait3A_213 = tpu.memref_squeeze %dma_wait3A_212 : memref<1x128xi32, #tpu.memory_space<vmem>> -> memref<128xi32, #tpu.memory_space<vmem>>
        %dma_wait3A_214 = arith.constant 0 : i32
        %dma_wait3A_215 = arith.constant 0 : i32
        %dma_wait3A_216 = tpu.memref_slice %arg10[%dma_wait3A_214, %dma_wait3A_215] : memref<10240x128xf32, #tpu.memory_space<vmem_shared>> -> memref<10240x128xf32, #tpu.memory_space<vmem_shared>>
        tpu.wait_indirect_dma semaphore(%run_scoped3A : memref<!tpu.dma_semaphore, #tpu.memory_space<semaphore_mem>>) src(%arg8 : memref<128x128xf32, #tpu.memory_space<vmem>>) dst(%dma_wait3A_216 : memref<10240x128xf32, #tpu.memory_space<vmem_shared>>)
        tpu.yield
      }) : () -> ()
      %dma_wait3A_196 = arith.constant 0 : i32
      %dma_wait3A_197 = tpu.memref_slice %arg6[%add3A_181, %dma_wait3A_196] : memref<40x128xi32, #tpu.memory_space<vmem>> -> memref<1x128xi32, #tpu.memory_space<vmem>>
      %dma_wait3A_198 = tpu.memref_squeeze %dma_wait3A_197 : memref<1x128xi32, #tpu.memory_space<vmem>> -> memref<128xi32, #tpu.memory_space<vmem>>
      %dma_wait3A_199 = arith.constant 0 : i32
      %dma_wait3A_200 = arith.constant 0 : i32
      %dma_wait3A_201 = tpu.memref_slice %arg2[%dma_wait3A_199, %dma_wait3A_200] : memref<10240x128xf32, #tpu.memory_space<hbm>> -> memref<10240x128xf32, #tpu.memory_space<hbm>>
      tpu.wait_indirect_dma semaphore(%arg12 : memref<!tpu.dma_semaphore, #tpu.memory_space<semaphore_mem>>) src(%dma_wait3A_201 : memref<10240x128xf32, #tpu.memory_space<hbm>>) dst(%arg9 : memref<128x128xf32, #tpu.memory_space<vmem>>)
      %add3A_202 = arith.constant 7 : i32
      %add3A_203 = arith.addi %mul3A_65, %add3A_202 : i32
      "tpu.region"() ({
        %run_scoped3A = tpu.sem_alloc : memref<!tpu.dma_semaphore, #tpu.memory_space<semaphore_mem>>
        %dma_start3A_205 = arith.constant 0 : i32
        %dma_start3A_206 = tpu.memref_slice %arg7[%add3A_203, %dma_start3A_205] : memref<40x128xi32, #tpu.memory_space<vmem>> -> memref<1x128xi32, #tpu.memory_space<vmem>>
        %dma_start3A_207 = tpu.memref_squeeze %dma_start3A_206 : memref<1x128xi32, #tpu.memory_space<vmem>> -> memref<128xi32, #tpu.memory_space<vmem>>
        %dma_start3A_208 = arith.constant 0 : i32
        %dma_start3A_209 = arith.constant 0 : i32
        %dma_start3A_210 = tpu.memref_slice %arg10[%dma_start3A_208, %dma_start3A_209] : memref<10240x128xf32, #tpu.memory_space<vmem_shared>> -> memref<10240x128xf32, #tpu.memory_space<vmem_shared>>
        tpu.enqueue_indirect_dma source(%arg9 : memref<128x128xf32, #tpu.memory_space<vmem>>) target(%dma_start3A_210 : memref<10240x128xf32, #tpu.memory_space<vmem_shared>>) offsets(%dma_start3A_207 : memref<128xi32, #tpu.memory_space<vmem>>) semaphore(%run_scoped3A : memref<!tpu.dma_semaphore, #tpu.memory_space<semaphore_mem>>) {add = true}
        %dma_wait3A_211 = arith.constant 0 : i32
        %dma_wait3A_212 = tpu.memref_slice %arg7[%add3A_203, %dma_wait3A_211] : memref<40x128xi32, #tpu.memory_space<vmem>> -> memref<1x128xi32, #tpu.memory_space<vmem>>
        %dma_wait3A_213 = tpu.memref_squeeze %dma_wait3A_212 : memref<1x128xi32, #tpu.memory_space<vmem>> -> memref<128xi32, #tpu.memory_space<vmem>>
        %dma_wait3A_214 = arith.constant 0 : i32
        %dma_wait3A_215 = arith.constant 0 : i32
        %dma_wait3A_216 = tpu.memref_slice %arg10[%dma_wait3A_214, %dma_wait3A_215] : memref<10240x128xf32, #tpu.memory_space<vmem_shared>> -> memref<10240x128xf32, #tpu.memory_space<vmem_shared>>
        tpu.wait_indirect_dma semaphore(%run_scoped3A : memref<!tpu.dma_semaphore, #tpu.memory_space<semaphore_mem>>) src(%arg9 : memref<128x128xf32, #tpu.memory_space<vmem>>) dst(%dma_wait3A_216 : memref<10240x128xf32, #tpu.memory_space<vmem_shared>>)
        tpu.yield
      }) : () -> ()
      %scan3A_204 = arith.constant 0 : i32
      scf.yield %scan3A_204 : i32
    }
    %scan3A_41 = arith.constant 5 : i32
    %mul3A_42 = arith.constant 80 : i32
    %mul3A_43 = arith.muli %add3A, %mul3A_42 : i32
    %add3A_44 = arith.constant 40 : i32
    %add3A_45 = arith.addi %mul3A_43, %add3A_44 : i32
    "tpu.region"() ({
      %run_scoped3A = tpu.sem_alloc : memref<!tpu.dma_semaphore, #tpu.memory_space<semaphore_mem>>
      %dma_start3A = arith.constant 0 : i32
      %dma_start3A_62 = tpu.memref_slice %arg3[%add3A_45, %dma_start3A] : memref<2560x128xi32, #tpu.memory_space<hbm>> -> memref<40x128xi32, #tpu.memory_space<hbm>>
      %dma_start3A_63 = arith.constant 0 : i32
      %dma_start3A_64 = tpu.memref_slice %arg3[%add3A_45, %dma_start3A_63] : memref<2560x128xi32, #tpu.memory_space<hbm>> -> memref<40x128xi32, #tpu.memory_space<hbm>>
      tpu.enqueue_dma source(%dma_start3A_64 : memref<40x128xi32, #tpu.memory_space<hbm>>) target(%arg6 : memref<40x128xi32, #tpu.memory_space<vmem>>) target_semaphore(%run_scoped3A : memref<!tpu.dma_semaphore, #tpu.memory_space<semaphore_mem>>)
      %dma_wait3A = arith.constant 0 : i32
      %dma_wait3A_65 = tpu.memref_slice %arg3[%add3A_45, %dma_wait3A] : memref<2560x128xi32, #tpu.memory_space<hbm>> -> memref<40x128xi32, #tpu.memory_space<hbm>>
      %dma_wait3A_66 = arith.constant 0 : i32
      %dma_wait3A_67 = tpu.memref_slice %arg3[%add3A_45, %dma_wait3A_66] : memref<2560x128xi32, #tpu.memory_space<hbm>> -> memref<40x128xi32, #tpu.memory_space<hbm>>
      tpu.wait_dma2 semaphore(%run_scoped3A : memref<!tpu.dma_semaphore, #tpu.memory_space<semaphore_mem>>) src(%dma_wait3A_67 : memref<40x128xi32, #tpu.memory_space<hbm>>) dst(%arg6 : memref<40x128xi32, #tpu.memory_space<vmem>>)
      tpu.yield
    }) : () -> ()
    %mul3A_46 = arith.constant 80 : i32
    %mul3A_47 = arith.muli %add3A, %mul3A_46 : i32
    %add3A_48 = arith.constant 40 : i32
    %add3A_49 = arith.addi %mul3A_47, %add3A_48 : i32
    "tpu.region"() ({
      %run_scoped3A = tpu.sem_alloc : memref<!tpu.dma_semaphore, #tpu.memory_space<semaphore_mem>>
      %dma_start3A = arith.constant 0 : i32
      %dma_start3A_62 = tpu.memref_slice %arg4[%add3A_49, %dma_start3A] : memref<2560x128xi32, #tpu.memory_space<hbm>> -> memref<40x128xi32, #tpu.memory_space<hbm>>
      %dma_start3A_63 = arith.constant 0 : i32
      %dma_start3A_64 = tpu.memref_slice %arg4[%add3A_49, %dma_start3A_63] : memref<2560x128xi32, #tpu.memory_space<hbm>> -> memref<40x128xi32, #tpu.memory_space<hbm>>
      tpu.enqueue_dma source(%dma_start3A_64 : memref<40x128xi32, #tpu.memory_space<hbm>>) target(%arg7 : memref<40x128xi32, #tpu.memory_space<vmem>>) target_semaphore(%run_scoped3A : memref<!tpu.dma_semaphore, #tpu.memory_space<semaphore_mem>>)
      %dma_wait3A = arith.constant 0 : i32
      %dma_wait3A_65 = tpu.memref_slice %arg4[%add3A_49, %dma_wait3A] : memref<2560x128xi32, #tpu.memory_space<hbm>> -> memref<40x128xi32, #tpu.memory_space<hbm>>
      %dma_wait3A_66 = arith.constant 0 : i32
      %dma_wait3A_67 = tpu.memref_slice %arg4[%add3A_49, %dma_wait3A_66] : memref<2560x128xi32, #tpu.memory_space<hbm>> -> memref<40x128xi32, #tpu.memory_space<hbm>>
      tpu.wait_dma2 semaphore(%run_scoped3A : memref<!tpu.dma_semaphore, #tpu.memory_space<semaphore_mem>>) src(%dma_wait3A_67 : memref<40x128xi32, #tpu.memory_space<hbm>>) dst(%arg7 : memref<40x128xi32, #tpu.memory_space<vmem>>)
      tpu.yield
    }) : () -> ()
    %scan3A_50 = arith.constant 0 : i32
    %scan3A_51 = arith.constant 0 : i32
    %scan3A_52 = arith.constant 5 : i32
    %scan3A_53 = arith.addi %scan3A_51, %scan3A_52 : i32
    %scan3A_54 = arith.constant 1 : i32
    %scan3A_55 = scf.for %scan3A_62 = %scan3A_51 to %scan3A_53 step %scan3A_54 iter_args(%scan3A_63 = %scan3A_50) -> (i32)  : i32 {
      %mul3A_64 = arith.constant 8 : i32
      %mul3A_65 = arith.muli %scan3A_62, %mul3A_64 : i32
      %add3A_66 = arith.constant 0 : i32
      %add3A_67 = arith.addi %mul3A_65, %add3A_66 : i32
      %dma_start3A = arith.constant 0 : i32
      %dma_start3A_68 = tpu.memref_slice %arg6[%add3A_67, %dma_start3A] : memref<40x128xi32, #tpu.memory_space<vmem>> -> memref<1x128xi32, #tpu.memory_space<vmem>>
      %dma_start3A_69 = tpu.memref_squeeze %dma_start3A_68 : memref<1x128xi32, #tpu.memory_space<vmem>> -> memref<128xi32, #tpu.memory_space<vmem>>
      %dma_start3A_70 = arith.constant 0 : i32
      %dma_start3A_71 = arith.constant 0 : i32
      %dma_start3A_72 = tpu.memref_slice %arg2[%dma_start3A_70, %dma_start3A_71] : memref<10240x128xf32, #tpu.memory_space<hbm>> -> memref<10240x128xf32, #tpu.memory_space<hbm>>
      tpu.enqueue_indirect_dma source(%dma_start3A_72 : memref<10240x128xf32, #tpu.memory_space<hbm>>) target(%arg8 : memref<128x128xf32, #tpu.memory_space<vmem>>) offsets(%dma_start3A_69 : memref<128xi32, #tpu.memory_space<vmem>>) semaphore(%arg11 : memref<!tpu.dma_semaphore, #tpu.memory_space<semaphore_mem>>)
      %add3A_73 = arith.constant 1 : i32
      %add3A_74 = arith.addi %mul3A_65, %add3A_73 : i32
      %dma_start3A_75 = arith.constant 0 : i32
      %dma_start3A_76 = tpu.memref_slice %arg6[%add3A_74, %dma_start3A_75] : memref<40x128xi32, #tpu.memory_space<vmem>> -> memref<1x128xi32, #tpu.memory_space<vmem>>
      %dma_start3A_77 = tpu.memref_squeeze %dma_start3A_76 : memref<1x128xi32, #tpu.memory_space<vmem>> -> memref<128xi32, #tpu.memory_space<vmem>>
      %dma_start3A_78 = arith.constant 0 : i32
      %dma_start3A_79 = arith.constant 0 : i32
      %dma_start3A_80 = tpu.memref_slice %arg2[%dma_start3A_78, %dma_start3A_79] : memref<10240x128xf32, #tpu.memory_space<hbm>> -> memref<10240x128xf32, #tpu.memory_space<hbm>>
      tpu.enqueue_indirect_dma source(%dma_start3A_80 : memref<10240x128xf32, #tpu.memory_space<hbm>>) target(%arg9 : memref<128x128xf32, #tpu.memory_space<vmem>>) offsets(%dma_start3A_77 : memref<128xi32, #tpu.memory_space<vmem>>) semaphore(%arg12 : memref<!tpu.dma_semaphore, #tpu.memory_space<semaphore_mem>>)
      %dma_wait3A = arith.constant 0 : i32
      %dma_wait3A_81 = tpu.memref_slice %arg6[%add3A_67, %dma_wait3A] : memref<40x128xi32, #tpu.memory_space<vmem>> -> memref<1x128xi32, #tpu.memory_space<vmem>>
      %dma_wait3A_82 = tpu.memref_squeeze %dma_wait3A_81 : memref<1x128xi32, #tpu.memory_space<vmem>> -> memref<128xi32, #tpu.memory_space<vmem>>
      %dma_wait3A_83 = arith.constant 0 : i32
      %dma_wait3A_84 = arith.constant 0 : i32
      %dma_wait3A_85 = tpu.memref_slice %arg2[%dma_wait3A_83, %dma_wait3A_84] : memref<10240x128xf32, #tpu.memory_space<hbm>> -> memref<10240x128xf32, #tpu.memory_space<hbm>>
      tpu.wait_indirect_dma semaphore(%arg11 : memref<!tpu.dma_semaphore, #tpu.memory_space<semaphore_mem>>) src(%dma_wait3A_85 : memref<10240x128xf32, #tpu.memory_space<hbm>>) dst(%arg8 : memref<128x128xf32, #tpu.memory_space<vmem>>)
      %add3A_86 = arith.constant 0 : i32
      %add3A_87 = arith.addi %mul3A_65, %add3A_86 : i32
      "tpu.region"() ({
        %run_scoped3A = tpu.sem_alloc : memref<!tpu.dma_semaphore, #tpu.memory_space<semaphore_mem>>
        %dma_start3A_205 = arith.constant 0 : i32
        %dma_start3A_206 = tpu.memref_slice %arg7[%add3A_87, %dma_start3A_205] : memref<40x128xi32, #tpu.memory_space<vmem>> -> memref<1x128xi32, #tpu.memory_space<vmem>>
        %dma_start3A_207 = tpu.memref_squeeze %dma_start3A_206 : memref<1x128xi32, #tpu.memory_space<vmem>> -> memref<128xi32, #tpu.memory_space<vmem>>
        %dma_start3A_208 = arith.constant 0 : i32
        %dma_start3A_209 = arith.constant 0 : i32
        %dma_start3A_210 = tpu.memref_slice %arg10[%dma_start3A_208, %dma_start3A_209] : memref<10240x128xf32, #tpu.memory_space<vmem_shared>> -> memref<10240x128xf32, #tpu.memory_space<vmem_shared>>
        tpu.enqueue_indirect_dma source(%arg8 : memref<128x128xf32, #tpu.memory_space<vmem>>) target(%dma_start3A_210 : memref<10240x128xf32, #tpu.memory_space<vmem_shared>>) offsets(%dma_start3A_207 : memref<128xi32, #tpu.memory_space<vmem>>) semaphore(%run_scoped3A : memref<!tpu.dma_semaphore, #tpu.memory_space<semaphore_mem>>) {add = true}
        %dma_wait3A_211 = arith.constant 0 : i32
        %dma_wait3A_212 = tpu.memref_slice %arg7[%add3A_87, %dma_wait3A_211] : memref<40x128xi32, #tpu.memory_space<vmem>> -> memref<1x128xi32, #tpu.memory_space<vmem>>
        %dma_wait3A_213 = tpu.memref_squeeze %dma_wait3A_212 : memref<1x128xi32, #tpu.memory_space<vmem>> -> memref<128xi32, #tpu.memory_space<vmem>>
        %dma_wait3A_214 = arith.constant 0 : i32
        %dma_wait3A_215 = arith.constant 0 : i32
        %dma_wait3A_216 = tpu.memref_slice %arg10[%dma_wait3A_214, %dma_wait3A_215] : memref<10240x128xf32, #tpu.memory_space<vmem_shared>> -> memref<10240x128xf32, #tpu.memory_space<vmem_shared>>
        tpu.wait_indirect_dma semaphore(%run_scoped3A : memref<!tpu.dma_semaphore, #tpu.memory_space<semaphore_mem>>) src(%arg8 : memref<128x128xf32, #tpu.memory_space<vmem>>) dst(%dma_wait3A_216 : memref<10240x128xf32, #tpu.memory_space<vmem_shared>>)
        tpu.yield
      }) : () -> ()
      %add3A_88 = arith.constant 0 : i32
      %add3A_89 = arith.addi %mul3A_65, %add3A_88 : i32
      %add3A_90 = arith.constant 2 : i32
      %add3A_91 = arith.addi %add3A_89, %add3A_90 : i32
      %dma_start3A_92 = arith.constant 0 : i32
      %dma_start3A_93 = tpu.memref_slice %arg6[%add3A_91, %dma_start3A_92] : memref<40x128xi32, #tpu.memory_space<vmem>> -> memref<1x128xi32, #tpu.memory_space<vmem>>
      %dma_start3A_94 = tpu.memref_squeeze %dma_start3A_93 : memref<1x128xi32, #tpu.memory_space<vmem>> -> memref<128xi32, #tpu.memory_space<vmem>>
      %dma_start3A_95 = arith.constant 0 : i32
      %dma_start3A_96 = arith.constant 0 : i32
      %dma_start3A_97 = tpu.memref_slice %arg2[%dma_start3A_95, %dma_start3A_96] : memref<10240x128xf32, #tpu.memory_space<hbm>> -> memref<10240x128xf32, #tpu.memory_space<hbm>>
      tpu.enqueue_indirect_dma source(%dma_start3A_97 : memref<10240x128xf32, #tpu.memory_space<hbm>>) target(%arg8 : memref<128x128xf32, #tpu.memory_space<vmem>>) offsets(%dma_start3A_94 : memref<128xi32, #tpu.memory_space<vmem>>) semaphore(%arg11 : memref<!tpu.dma_semaphore, #tpu.memory_space<semaphore_mem>>)
      %dma_wait3A_98 = arith.constant 0 : i32
      %dma_wait3A_99 = tpu.memref_slice %arg6[%add3A_74, %dma_wait3A_98] : memref<40x128xi32, #tpu.memory_space<vmem>> -> memref<1x128xi32, #tpu.memory_space<vmem>>
      %dma_wait3A_100 = tpu.memref_squeeze %dma_wait3A_99 : memref<1x128xi32, #tpu.memory_space<vmem>> -> memref<128xi32, #tpu.memory_space<vmem>>
      %dma_wait3A_101 = arith.constant 0 : i32
      %dma_wait3A_102 = arith.constant 0 : i32
      %dma_wait3A_103 = tpu.memref_slice %arg2[%dma_wait3A_101, %dma_wait3A_102] : memref<10240x128xf32, #tpu.memory_space<hbm>> -> memref<10240x128xf32, #tpu.memory_space<hbm>>
      tpu.wait_indirect_dma semaphore(%arg12 : memref<!tpu.dma_semaphore, #tpu.memory_space<semaphore_mem>>) src(%dma_wait3A_103 : memref<10240x128xf32, #tpu.memory_space<hbm>>) dst(%arg9 : memref<128x128xf32, #tpu.memory_space<vmem>>)
      %add3A_104 = arith.constant 1 : i32
      %add3A_105 = arith.addi %mul3A_65, %add3A_104 : i32
      "tpu.region"() ({
        %run_scoped3A = tpu.sem_alloc : memref<!tpu.dma_semaphore, #tpu.memory_space<semaphore_mem>>
        %dma_start3A_205 = arith.constant 0 : i32
        %dma_start3A_206 = tpu.memref_slice %arg7[%add3A_105, %dma_start3A_205] : memref<40x128xi32, #tpu.memory_space<vmem>> -> memref<1x128xi32, #tpu.memory_space<vmem>>
        %dma_start3A_207 = tpu.memref_squeeze %dma_start3A_206 : memref<1x128xi32, #tpu.memory_space<vmem>> -> memref<128xi32, #tpu.memory_space<vmem>>
        %dma_start3A_208 = arith.constant 0 : i32
        %dma_start3A_209 = arith.constant 0 : i32
        %dma_start3A_210 = tpu.memref_slice %arg10[%dma_start3A_208, %dma_start3A_209] : memref<10240x128xf32, #tpu.memory_space<vmem_shared>> -> memref<10240x128xf32, #tpu.memory_space<vmem_shared>>
        tpu.enqueue_indirect_dma source(%arg9 : memref<128x128xf32, #tpu.memory_space<vmem>>) target(%dma_start3A_210 : memref<10240x128xf32, #tpu.memory_space<vmem_shared>>) offsets(%dma_start3A_207 : memref<128xi32, #tpu.memory_space<vmem>>) semaphore(%run_scoped3A : memref<!tpu.dma_semaphore, #tpu.memory_space<semaphore_mem>>) {add = true}
        %dma_wait3A_211 = arith.constant 0 : i32
        %dma_wait3A_212 = tpu.memref_slice %arg7[%add3A_105, %dma_wait3A_211] : memref<40x128xi32, #tpu.memory_space<vmem>> -> memref<1x128xi32, #tpu.memory_space<vmem>>
        %dma_wait3A_213 = tpu.memref_squeeze %dma_wait3A_212 : memref<1x128xi32, #tpu.memory_space<vmem>> -> memref<128xi32, #tpu.memory_space<vmem>>
        %dma_wait3A_214 = arith.constant 0 : i32
        %dma_wait3A_215 = arith.constant 0 : i32
        %dma_wait3A_216 = tpu.memref_slice %arg10[%dma_wait3A_214, %dma_wait3A_215] : memref<10240x128xf32, #tpu.memory_space<vmem_shared>> -> memref<10240x128xf32, #tpu.memory_space<vmem_shared>>
        tpu.wait_indirect_dma semaphore(%run_scoped3A : memref<!tpu.dma_semaphore, #tpu.memory_space<semaphore_mem>>) src(%arg9 : memref<128x128xf32, #tpu.memory_space<vmem>>) dst(%dma_wait3A_216 : memref<10240x128xf32, #tpu.memory_space<vmem_shared>>)
        tpu.yield
      }) : () -> ()
      %add3A_106 = arith.constant 1 : i32
      %add3A_107 = arith.addi %mul3A_65, %add3A_106 : i32
      %add3A_108 = arith.constant 2 : i32
      %add3A_109 = arith.addi %add3A_107, %add3A_108 : i32
      %dma_start3A_110 = arith.constant 0 : i32
      %dma_start3A_111 = tpu.memref_slice %arg6[%add3A_109, %dma_start3A_110] : memref<40x128xi32, #tpu.memory_space<vmem>> -> memref<1x128xi32, #tpu.memory_space<vmem>>
      %dma_start3A_112 = tpu.memref_squeeze %dma_start3A_111 : memref<1x128xi32, #tpu.memory_space<vmem>> -> memref<128xi32, #tpu.memory_space<vmem>>
      %dma_start3A_113 = arith.constant 0 : i32
      %dma_start3A_114 = arith.constant 0 : i32
      %dma_start3A_115 = tpu.memref_slice %arg2[%dma_start3A_113, %dma_start3A_114] : memref<10240x128xf32, #tpu.memory_space<hbm>> -> memref<10240x128xf32, #tpu.memory_space<hbm>>
      tpu.enqueue_indirect_dma source(%dma_start3A_115 : memref<10240x128xf32, #tpu.memory_space<hbm>>) target(%arg9 : memref<128x128xf32, #tpu.memory_space<vmem>>) offsets(%dma_start3A_112 : memref<128xi32, #tpu.memory_space<vmem>>) semaphore(%arg12 : memref<!tpu.dma_semaphore, #tpu.memory_space<semaphore_mem>>)
      %dma_wait3A_116 = arith.constant 0 : i32
      %dma_wait3A_117 = tpu.memref_slice %arg6[%add3A_91, %dma_wait3A_116] : memref<40x128xi32, #tpu.memory_space<vmem>> -> memref<1x128xi32, #tpu.memory_space<vmem>>
      %dma_wait3A_118 = tpu.memref_squeeze %dma_wait3A_117 : memref<1x128xi32, #tpu.memory_space<vmem>> -> memref<128xi32, #tpu.memory_space<vmem>>
      %dma_wait3A_119 = arith.constant 0 : i32
      %dma_wait3A_120 = arith.constant 0 : i32
      %dma_wait3A_121 = tpu.memref_slice %arg2[%dma_wait3A_119, %dma_wait3A_120] : memref<10240x128xf32, #tpu.memory_space<hbm>> -> memref<10240x128xf32, #tpu.memory_space<hbm>>
      tpu.wait_indirect_dma semaphore(%arg11 : memref<!tpu.dma_semaphore, #tpu.memory_space<semaphore_mem>>) src(%dma_wait3A_121 : memref<10240x128xf32, #tpu.memory_space<hbm>>) dst(%arg8 : memref<128x128xf32, #tpu.memory_space<vmem>>)
      %add3A_122 = arith.constant 2 : i32
      %add3A_123 = arith.addi %mul3A_65, %add3A_122 : i32
      "tpu.region"() ({
        %run_scoped3A = tpu.sem_alloc : memref<!tpu.dma_semaphore, #tpu.memory_space<semaphore_mem>>
        %dma_start3A_205 = arith.constant 0 : i32
        %dma_start3A_206 = tpu.memref_slice %arg7[%add3A_123, %dma_start3A_205] : memref<40x128xi32, #tpu.memory_space<vmem>> -> memref<1x128xi32, #tpu.memory_space<vmem>>
        %dma_start3A_207 = tpu.memref_squeeze %dma_start3A_206 : memref<1x128xi32, #tpu.memory_space<vmem>> -> memref<128xi32, #tpu.memory_space<vmem>>
        %dma_start3A_208 = arith.constant 0 : i32
        %dma_start3A_209 = arith.constant 0 : i32
        %dma_start3A_210 = tpu.memref_slice %arg10[%dma_start3A_208, %dma_start3A_209] : memref<10240x128xf32, #tpu.memory_space<vmem_shared>> -> memref<10240x128xf32, #tpu.memory_space<vmem_shared>>
        tpu.enqueue_indirect_dma source(%arg8 : memref<128x128xf32, #tpu.memory_space<vmem>>) target(%dma_start3A_210 : memref<10240x128xf32, #tpu.memory_space<vmem_shared>>) offsets(%dma_start3A_207 : memref<128xi32, #tpu.memory_space<vmem>>) semaphore(%run_scoped3A : memref<!tpu.dma_semaphore, #tpu.memory_space<semaphore_mem>>) {add = true}
        %dma_wait3A_211 = arith.constant 0 : i32
        %dma_wait3A_212 = tpu.memref_slice %arg7[%add3A_123, %dma_wait3A_211] : memref<40x128xi32, #tpu.memory_space<vmem>> -> memref<1x128xi32, #tpu.memory_space<vmem>>
        %dma_wait3A_213 = tpu.memref_squeeze %dma_wait3A_212 : memref<1x128xi32, #tpu.memory_space<vmem>> -> memref<128xi32, #tpu.memory_space<vmem>>
        %dma_wait3A_214 = arith.constant 0 : i32
        %dma_wait3A_215 = arith.constant 0 : i32
        %dma_wait3A_216 = tpu.memref_slice %arg10[%dma_wait3A_214, %dma_wait3A_215] : memref<10240x128xf32, #tpu.memory_space<vmem_shared>> -> memref<10240x128xf32, #tpu.memory_space<vmem_shared>>
        tpu.wait_indirect_dma semaphore(%run_scoped3A : memref<!tpu.dma_semaphore, #tpu.memory_space<semaphore_mem>>) src(%arg8 : memref<128x128xf32, #tpu.memory_space<vmem>>) dst(%dma_wait3A_216 : memref<10240x128xf32, #tpu.memory_space<vmem_shared>>)
        tpu.yield
      }) : () -> ()
      %add3A_124 = arith.constant 2 : i32
      %add3A_125 = arith.addi %mul3A_65, %add3A_124 : i32
      %add3A_126 = arith.constant 2 : i32
      %add3A_127 = arith.addi %add3A_125, %add3A_126 : i32
      %dma_start3A_128 = arith.constant 0 : i32
      %dma_start3A_129 = tpu.memref_slice %arg6[%add3A_127, %dma_start3A_128] : memref<40x128xi32, #tpu.memory_space<vmem>> -> memref<1x128xi32, #tpu.memory_space<vmem>>
      %dma_start3A_130 = tpu.memref_squeeze %dma_start3A_129 : memref<1x128xi32, #tpu.memory_space<vmem>> -> memref<128xi32, #tpu.memory_space<vmem>>
      %dma_start3A_131 = arith.constant 0 : i32
      %dma_start3A_132 = arith.constant 0 : i32
      %dma_start3A_133 = tpu.memref_slice %arg2[%dma_start3A_131, %dma_start3A_132] : memref<10240x128xf32, #tpu.memory_space<hbm>> -> memref<10240x128xf32, #tpu.memory_space<hbm>>
      tpu.enqueue_indirect_dma source(%dma_start3A_133 : memref<10240x128xf32, #tpu.memory_space<hbm>>) target(%arg8 : memref<128x128xf32, #tpu.memory_space<vmem>>) offsets(%dma_start3A_130 : memref<128xi32, #tpu.memory_space<vmem>>) semaphore(%arg11 : memref<!tpu.dma_semaphore, #tpu.memory_space<semaphore_mem>>)
      %dma_wait3A_134 = arith.constant 0 : i32
      %dma_wait3A_135 = tpu.memref_slice %arg6[%add3A_109, %dma_wait3A_134] : memref<40x128xi32, #tpu.memory_space<vmem>> -> memref<1x128xi32, #tpu.memory_space<vmem>>
      %dma_wait3A_136 = tpu.memref_squeeze %dma_wait3A_135 : memref<1x128xi32, #tpu.memory_space<vmem>> -> memref<128xi32, #tpu.memory_space<vmem>>
      %dma_wait3A_137 = arith.constant 0 : i32
      %dma_wait3A_138 = arith.constant 0 : i32
      %dma_wait3A_139 = tpu.memref_slice %arg2[%dma_wait3A_137, %dma_wait3A_138] : memref<10240x128xf32, #tpu.memory_space<hbm>> -> memref<10240x128xf32, #tpu.memory_space<hbm>>
      tpu.wait_indirect_dma semaphore(%arg12 : memref<!tpu.dma_semaphore, #tpu.memory_space<semaphore_mem>>) src(%dma_wait3A_139 : memref<10240x128xf32, #tpu.memory_space<hbm>>) dst(%arg9 : memref<128x128xf32, #tpu.memory_space<vmem>>)
      %add3A_140 = arith.constant 3 : i32
      %add3A_141 = arith.addi %mul3A_65, %add3A_140 : i32
      "tpu.region"() ({
        %run_scoped3A = tpu.sem_alloc : memref<!tpu.dma_semaphore, #tpu.memory_space<semaphore_mem>>
        %dma_start3A_205 = arith.constant 0 : i32
        %dma_start3A_206 = tpu.memref_slice %arg7[%add3A_141, %dma_start3A_205] : memref<40x128xi32, #tpu.memory_space<vmem>> -> memref<1x128xi32, #tpu.memory_space<vmem>>
        %dma_start3A_207 = tpu.memref_squeeze %dma_start3A_206 : memref<1x128xi32, #tpu.memory_space<vmem>> -> memref<128xi32, #tpu.memory_space<vmem>>
        %dma_start3A_208 = arith.constant 0 : i32
        %dma_start3A_209 = arith.constant 0 : i32
        %dma_start3A_210 = tpu.memref_slice %arg10[%dma_start3A_208, %dma_start3A_209] : memref<10240x128xf32, #tpu.memory_space<vmem_shared>> -> memref<10240x128xf32, #tpu.memory_space<vmem_shared>>
        tpu.enqueue_indirect_dma source(%arg9 : memref<128x128xf32, #tpu.memory_space<vmem>>) target(%dma_start3A_210 : memref<10240x128xf32, #tpu.memory_space<vmem_shared>>) offsets(%dma_start3A_207 : memref<128xi32, #tpu.memory_space<vmem>>) semaphore(%run_scoped3A : memref<!tpu.dma_semaphore, #tpu.memory_space<semaphore_mem>>) {add = true}
        %dma_wait3A_211 = arith.constant 0 : i32
        %dma_wait3A_212 = tpu.memref_slice %arg7[%add3A_141, %dma_wait3A_211] : memref<40x128xi32, #tpu.memory_space<vmem>> -> memref<1x128xi32, #tpu.memory_space<vmem>>
        %dma_wait3A_213 = tpu.memref_squeeze %dma_wait3A_212 : memref<1x128xi32, #tpu.memory_space<vmem>> -> memref<128xi32, #tpu.memory_space<vmem>>
        %dma_wait3A_214 = arith.constant 0 : i32
        %dma_wait3A_215 = arith.constant 0 : i32
        %dma_wait3A_216 = tpu.memref_slice %arg10[%dma_wait3A_214, %dma_wait3A_215] : memref<10240x128xf32, #tpu.memory_space<vmem_shared>> -> memref<10240x128xf32, #tpu.memory_space<vmem_shared>>
        tpu.wait_indirect_dma semaphore(%run_scoped3A : memref<!tpu.dma_semaphore, #tpu.memory_space<semaphore_mem>>) src(%arg9 : memref<128x128xf32, #tpu.memory_space<vmem>>) dst(%dma_wait3A_216 : memref<10240x128xf32, #tpu.memory_space<vmem_shared>>)
        tpu.yield
      }) : () -> ()
      %add3A_142 = arith.constant 3 : i32
      %add3A_143 = arith.addi %mul3A_65, %add3A_142 : i32
      %add3A_144 = arith.constant 2 : i32
      %add3A_145 = arith.addi %add3A_143, %add3A_144 : i32
      %dma_start3A_146 = arith.constant 0 : i32
      %dma_start3A_147 = tpu.memref_slice %arg6[%add3A_145, %dma_start3A_146] : memref<40x128xi32, #tpu.memory_space<vmem>> -> memref<1x128xi32, #tpu.memory_space<vmem>>
      %dma_start3A_148 = tpu.memref_squeeze %dma_start3A_147 : memref<1x128xi32, #tpu.memory_space<vmem>> -> memref<128xi32, #tpu.memory_space<vmem>>
      %dma_start3A_149 = arith.constant 0 : i32
      %dma_start3A_150 = arith.constant 0 : i32
      %dma_start3A_151 = tpu.memref_slice %arg2[%dma_start3A_149, %dma_start3A_150] : memref<10240x128xf32, #tpu.memory_space<hbm>> -> memref<10240x128xf32, #tpu.memory_space<hbm>>
      tpu.enqueue_indirect_dma source(%dma_start3A_151 : memref<10240x128xf32, #tpu.memory_space<hbm>>) target(%arg9 : memref<128x128xf32, #tpu.memory_space<vmem>>) offsets(%dma_start3A_148 : memref<128xi32, #tpu.memory_space<vmem>>) semaphore(%arg12 : memref<!tpu.dma_semaphore, #tpu.memory_space<semaphore_mem>>)
      %dma_wait3A_152 = arith.constant 0 : i32
      %dma_wait3A_153 = tpu.memref_slice %arg6[%add3A_127, %dma_wait3A_152] : memref<40x128xi32, #tpu.memory_space<vmem>> -> memref<1x128xi32, #tpu.memory_space<vmem>>
      %dma_wait3A_154 = tpu.memref_squeeze %dma_wait3A_153 : memref<1x128xi32, #tpu.memory_space<vmem>> -> memref<128xi32, #tpu.memory_space<vmem>>
      %dma_wait3A_155 = arith.constant 0 : i32
      %dma_wait3A_156 = arith.constant 0 : i32
      %dma_wait3A_157 = tpu.memref_slice %arg2[%dma_wait3A_155, %dma_wait3A_156] : memref<10240x128xf32, #tpu.memory_space<hbm>> -> memref<10240x128xf32, #tpu.memory_space<hbm>>
      tpu.wait_indirect_dma semaphore(%arg11 : memref<!tpu.dma_semaphore, #tpu.memory_space<semaphore_mem>>) src(%dma_wait3A_157 : memref<10240x128xf32, #tpu.memory_space<hbm>>) dst(%arg8 : memref<128x128xf32, #tpu.memory_space<vmem>>)
      %add3A_158 = arith.constant 4 : i32
      %add3A_159 = arith.addi %mul3A_65, %add3A_158 : i32
      "tpu.region"() ({
        %run_scoped3A = tpu.sem_alloc : memref<!tpu.dma_semaphore, #tpu.memory_space<semaphore_mem>>
        %dma_start3A_205 = arith.constant 0 : i32
        %dma_start3A_206 = tpu.memref_slice %arg7[%add3A_159, %dma_start3A_205] : memref<40x128xi32, #tpu.memory_space<vmem>> -> memref<1x128xi32, #tpu.memory_space<vmem>>
        %dma_start3A_207 = tpu.memref_squeeze %dma_start3A_206 : memref<1x128xi32, #tpu.memory_space<vmem>> -> memref<128xi32, #tpu.memory_space<vmem>>
        %dma_start3A_208 = arith.constant 0 : i32
        %dma_start3A_209 = arith.constant 0 : i32
        %dma_start3A_210 = tpu.memref_slice %arg10[%dma_start3A_208, %dma_start3A_209] : memref<10240x128xf32, #tpu.memory_space<vmem_shared>> -> memref<10240x128xf32, #tpu.memory_space<vmem_shared>>
        tpu.enqueue_indirect_dma source(%arg8 : memref<128x128xf32, #tpu.memory_space<vmem>>) target(%dma_start3A_210 : memref<10240x128xf32, #tpu.memory_space<vmem_shared>>) offsets(%dma_start3A_207 : memref<128xi32, #tpu.memory_space<vmem>>) semaphore(%run_scoped3A : memref<!tpu.dma_semaphore, #tpu.memory_space<semaphore_mem>>) {add = true}
        %dma_wait3A_211 = arith.constant 0 : i32
        %dma_wait3A_212 = tpu.memref_slice %arg7[%add3A_159, %dma_wait3A_211] : memref<40x128xi32, #tpu.memory_space<vmem>> -> memref<1x128xi32, #tpu.memory_space<vmem>>
        %dma_wait3A_213 = tpu.memref_squeeze %dma_wait3A_212 : memref<1x128xi32, #tpu.memory_space<vmem>> -> memref<128xi32, #tpu.memory_space<vmem>>
        %dma_wait3A_214 = arith.constant 0 : i32
        %dma_wait3A_215 = arith.constant 0 : i32
        %dma_wait3A_216 = tpu.memref_slice %arg10[%dma_wait3A_214, %dma_wait3A_215] : memref<10240x128xf32, #tpu.memory_space<vmem_shared>> -> memref<10240x128xf32, #tpu.memory_space<vmem_shared>>
        tpu.wait_indirect_dma semaphore(%run_scoped3A : memref<!tpu.dma_semaphore, #tpu.memory_space<semaphore_mem>>) src(%arg8 : memref<128x128xf32, #tpu.memory_space<vmem>>) dst(%dma_wait3A_216 : memref<10240x128xf32, #tpu.memory_space<vmem_shared>>)
        tpu.yield
      }) : () -> ()
      %add3A_160 = arith.constant 4 : i32
      %add3A_161 = arith.addi %mul3A_65, %add3A_160 : i32
      %add3A_162 = arith.constant 2 : i32
      %add3A_163 = arith.addi %add3A_161, %add3A_162 : i32
      %dma_start3A_164 = arith.constant 0 : i32
      %dma_start3A_165 = tpu.memref_slice %arg6[%add3A_163, %dma_start3A_164] : memref<40x128xi32, #tpu.memory_space<vmem>> -> memref<1x128xi32, #tpu.memory_space<vmem>>
      %dma_start3A_166 = tpu.memref_squeeze %dma_start3A_165 : memref<1x128xi32, #tpu.memory_space<vmem>> -> memref<128xi32, #tpu.memory_space<vmem>>
      %dma_start3A_167 = arith.constant 0 : i32
      %dma_start3A_168 = arith.constant 0 : i32
      %dma_start3A_169 = tpu.memref_slice %arg2[%dma_start3A_167, %dma_start3A_168] : memref<10240x128xf32, #tpu.memory_space<hbm>> -> memref<10240x128xf32, #tpu.memory_space<hbm>>
      tpu.enqueue_indirect_dma source(%dma_start3A_169 : memref<10240x128xf32, #tpu.memory_space<hbm>>) target(%arg8 : memref<128x128xf32, #tpu.memory_space<vmem>>) offsets(%dma_start3A_166 : memref<128xi32, #tpu.memory_space<vmem>>) semaphore(%arg11 : memref<!tpu.dma_semaphore, #tpu.memory_space<semaphore_mem>>)
      %dma_wait3A_170 = arith.constant 0 : i32
      %dma_wait3A_171 = tpu.memref_slice %arg6[%add3A_145, %dma_wait3A_170] : memref<40x128xi32, #tpu.memory_space<vmem>> -> memref<1x128xi32, #tpu.memory_space<vmem>>
      %dma_wait3A_172 = tpu.memref_squeeze %dma_wait3A_171 : memref<1x128xi32, #tpu.memory_space<vmem>> -> memref<128xi32, #tpu.memory_space<vmem>>
      %dma_wait3A_173 = arith.constant 0 : i32
      %dma_wait3A_174 = arith.constant 0 : i32
      %dma_wait3A_175 = tpu.memref_slice %arg2[%dma_wait3A_173, %dma_wait3A_174] : memref<10240x128xf32, #tpu.memory_space<hbm>> -> memref<10240x128xf32, #tpu.memory_space<hbm>>
      tpu.wait_indirect_dma semaphore(%arg12 : memref<!tpu.dma_semaphore, #tpu.memory_space<semaphore_mem>>) src(%dma_wait3A_175 : memref<10240x128xf32, #tpu.memory_space<hbm>>) dst(%arg9 : memref<128x128xf32, #tpu.memory_space<vmem>>)
      %add3A_176 = arith.constant 5 : i32
      %add3A_177 = arith.addi %mul3A_65, %add3A_176 : i32
      "tpu.region"() ({
        %run_scoped3A = tpu.sem_alloc : memref<!tpu.dma_semaphore, #tpu.memory_space<semaphore_mem>>
        %dma_start3A_205 = arith.constant 0 : i32
        %dma_start3A_206 = tpu.memref_slice %arg7[%add3A_177, %dma_start3A_205] : memref<40x128xi32, #tpu.memory_space<vmem>> -> memref<1x128xi32, #tpu.memory_space<vmem>>
        %dma_start3A_207 = tpu.memref_squeeze %dma_start3A_206 : memref<1x128xi32, #tpu.memory_space<vmem>> -> memref<128xi32, #tpu.memory_space<vmem>>
        %dma_start3A_208 = arith.constant 0 : i32
        %dma_start3A_209 = arith.constant 0 : i32
        %dma_start3A_210 = tpu.memref_slice %arg10[%dma_start3A_208, %dma_start3A_209] : memref<10240x128xf32, #tpu.memory_space<vmem_shared>> -> memref<10240x128xf32, #tpu.memory_space<vmem_shared>>
        tpu.enqueue_indirect_dma source(%arg9 : memref<128x128xf32, #tpu.memory_space<vmem>>) target(%dma_start3A_210 : memref<10240x128xf32, #tpu.memory_space<vmem_shared>>) offsets(%dma_start3A_207 : memref<128xi32, #tpu.memory_space<vmem>>) semaphore(%run_scoped3A : memref<!tpu.dma_semaphore, #tpu.memory_space<semaphore_mem>>) {add = true}
        %dma_wait3A_211 = arith.constant 0 : i32
        %dma_wait3A_212 = tpu.memref_slice %arg7[%add3A_177, %dma_wait3A_211] : memref<40x128xi32, #tpu.memory_space<vmem>> -> memref<1x128xi32, #tpu.memory_space<vmem>>
        %dma_wait3A_213 = tpu.memref_squeeze %dma_wait3A_212 : memref<1x128xi32, #tpu.memory_space<vmem>> -> memref<128xi32, #tpu.memory_space<vmem>>
        %dma_wait3A_214 = arith.constant 0 : i32
        %dma_wait3A_215 = arith.constant 0 : i32
        %dma_wait3A_216 = tpu.memref_slice %arg10[%dma_wait3A_214, %dma_wait3A_215] : memref<10240x128xf32, #tpu.memory_space<vmem_shared>> -> memref<10240x128xf32, #tpu.memory_space<vmem_shared>>
        tpu.wait_indirect_dma semaphore(%run_scoped3A : memref<!tpu.dma_semaphore, #tpu.memory_space<semaphore_mem>>) src(%arg9 : memref<128x128xf32, #tpu.memory_space<vmem>>) dst(%dma_wait3A_216 : memref<10240x128xf32, #tpu.memory_space<vmem_shared>>)
        tpu.yield
      }) : () -> ()
      %add3A_178 = arith.constant 5 : i32
      %add3A_179 = arith.addi %mul3A_65, %add3A_178 : i32
      %add3A_180 = arith.constant 2 : i32
      %add3A_181 = arith.addi %add3A_179, %add3A_180 : i32
      %dma_start3A_182 = arith.constant 0 : i32
      %dma_start3A_183 = tpu.memref_slice %arg6[%add3A_181, %dma_start3A_182] : memref<40x128xi32, #tpu.memory_space<vmem>> -> memref<1x128xi32, #tpu.memory_space<vmem>>
      %dma_start3A_184 = tpu.memref_squeeze %dma_start3A_183 : memref<1x128xi32, #tpu.memory_space<vmem>> -> memref<128xi32, #tpu.memory_space<vmem>>
      %dma_start3A_185 = arith.constant 0 : i32
      %dma_start3A_186 = arith.constant 0 : i32
      %dma_start3A_187 = tpu.memref_slice %arg2[%dma_start3A_185, %dma_start3A_186] : memref<10240x128xf32, #tpu.memory_space<hbm>> -> memref<10240x128xf32, #tpu.memory_space<hbm>>
      tpu.enqueue_indirect_dma source(%dma_start3A_187 : memref<10240x128xf32, #tpu.memory_space<hbm>>) target(%arg9 : memref<128x128xf32, #tpu.memory_space<vmem>>) offsets(%dma_start3A_184 : memref<128xi32, #tpu.memory_space<vmem>>) semaphore(%arg12 : memref<!tpu.dma_semaphore, #tpu.memory_space<semaphore_mem>>)
      %dma_wait3A_188 = arith.constant 0 : i32
      %dma_wait3A_189 = tpu.memref_slice %arg6[%add3A_163, %dma_wait3A_188] : memref<40x128xi32, #tpu.memory_space<vmem>> -> memref<1x128xi32, #tpu.memory_space<vmem>>
      %dma_wait3A_190 = tpu.memref_squeeze %dma_wait3A_189 : memref<1x128xi32, #tpu.memory_space<vmem>> -> memref<128xi32, #tpu.memory_space<vmem>>
      %dma_wait3A_191 = arith.constant 0 : i32
      %dma_wait3A_192 = arith.constant 0 : i32
      %dma_wait3A_193 = tpu.memref_slice %arg2[%dma_wait3A_191, %dma_wait3A_192] : memref<10240x128xf32, #tpu.memory_space<hbm>> -> memref<10240x128xf32, #tpu.memory_space<hbm>>
      tpu.wait_indirect_dma semaphore(%arg11 : memref<!tpu.dma_semaphore, #tpu.memory_space<semaphore_mem>>) src(%dma_wait3A_193 : memref<10240x128xf32, #tpu.memory_space<hbm>>) dst(%arg8 : memref<128x128xf32, #tpu.memory_space<vmem>>)
      %add3A_194 = arith.constant 6 : i32
      %add3A_195 = arith.addi %mul3A_65, %add3A_194 : i32
      "tpu.region"() ({
        %run_scoped3A = tpu.sem_alloc : memref<!tpu.dma_semaphore, #tpu.memory_space<semaphore_mem>>
        %dma_start3A_205 = arith.constant 0 : i32
        %dma_start3A_206 = tpu.memref_slice %arg7[%add3A_195, %dma_start3A_205] : memref<40x128xi32, #tpu.memory_space<vmem>> -> memref<1x128xi32, #tpu.memory_space<vmem>>
        %dma_start3A_207 = tpu.memref_squeeze %dma_start3A_206 : memref<1x128xi32, #tpu.memory_space<vmem>> -> memref<128xi32, #tpu.memory_space<vmem>>
        %dma_start3A_208 = arith.constant 0 : i32
        %dma_start3A_209 = arith.constant 0 : i32
        %dma_start3A_210 = tpu.memref_slice %arg10[%dma_start3A_208, %dma_start3A_209] : memref<10240x128xf32, #tpu.memory_space<vmem_shared>> -> memref<10240x128xf32, #tpu.memory_space<vmem_shared>>
        tpu.enqueue_indirect_dma source(%arg8 : memref<128x128xf32, #tpu.memory_space<vmem>>) target(%dma_start3A_210 : memref<10240x128xf32, #tpu.memory_space<vmem_shared>>) offsets(%dma_start3A_207 : memref<128xi32, #tpu.memory_space<vmem>>) semaphore(%run_scoped3A : memref<!tpu.dma_semaphore, #tpu.memory_space<semaphore_mem>>) {add = true}
        %dma_wait3A_211 = arith.constant 0 : i32
        %dma_wait3A_212 = tpu.memref_slice %arg7[%add3A_195, %dma_wait3A_211] : memref<40x128xi32, #tpu.memory_space<vmem>> -> memref<1x128xi32, #tpu.memory_space<vmem>>
        %dma_wait3A_213 = tpu.memref_squeeze %dma_wait3A_212 : memref<1x128xi32, #tpu.memory_space<vmem>> -> memref<128xi32, #tpu.memory_space<vmem>>
        %dma_wait3A_214 = arith.constant 0 : i32
        %dma_wait3A_215 = arith.constant 0 : i32
        %dma_wait3A_216 = tpu.memref_slice %arg10[%dma_wait3A_214, %dma_wait3A_215] : memref<10240x128xf32, #tpu.memory_space<vmem_shared>> -> memref<10240x128xf32, #tpu.memory_space<vmem_shared>>
        tpu.wait_indirect_dma semaphore(%run_scoped3A : memref<!tpu.dma_semaphore, #tpu.memory_space<semaphore_mem>>) src(%arg8 : memref<128x128xf32, #tpu.memory_space<vmem>>) dst(%dma_wait3A_216 : memref<10240x128xf32, #tpu.memory_space<vmem_shared>>)
        tpu.yield
      }) : () -> ()
      %dma_wait3A_196 = arith.constant 0 : i32
      %dma_wait3A_197 = tpu.memref_slice %arg6[%add3A_181, %dma_wait3A_196] : memref<40x128xi32, #tpu.memory_space<vmem>> -> memref<1x128xi32, #tpu.memory_space<vmem>>
      %dma_wait3A_198 = tpu.memref_squeeze %dma_wait3A_197 : memref<1x128xi32, #tpu.memory_space<vmem>> -> memref<128xi32, #tpu.memory_space<vmem>>
      %dma_wait3A_199 = arith.constant 0 : i32
      %dma_wait3A_200 = arith.constant 0 : i32
      %dma_wait3A_201 = tpu.memref_slice %arg2[%dma_wait3A_199, %dma_wait3A_200] : memref<10240x128xf32, #tpu.memory_space<hbm>> -> memref<10240x128xf32, #tpu.memory_space<hbm>>
      tpu.wait_indirect_dma semaphore(%arg12 : memref<!tpu.dma_semaphore, #tpu.memory_space<semaphore_mem>>) src(%dma_wait3A_201 : memref<10240x128xf32, #tpu.memory_space<hbm>>) dst(%arg9 : memref<128x128xf32, #tpu.memory_space<vmem>>)
      %add3A_202 = arith.constant 7 : i32
      %add3A_203 = arith.addi %mul3A_65, %add3A_202 : i32
      "tpu.region"() ({
        %run_scoped3A = tpu.sem_alloc : memref<!tpu.dma_semaphore, #tpu.memory_space<semaphore_mem>>
        %dma_start3A_205 = arith.constant 0 : i32
        %dma_start3A_206 = tpu.memref_slice %arg7[%add3A_203, %dma_start3A_205] : memref<40x128xi32, #tpu.memory_space<vmem>> -> memref<1x128xi32, #tpu.memory_space<vmem>>
        %dma_start3A_207 = tpu.memref_squeeze %dma_start3A_206 : memref<1x128xi32, #tpu.memory_space<vmem>> -> memref<128xi32, #tpu.memory_space<vmem>>
        %dma_start3A_208 = arith.constant 0 : i32
        %dma_start3A_209 = arith.constant 0 : i32
        %dma_start3A_210 = tpu.memref_slice %arg10[%dma_start3A_208, %dma_start3A_209] : memref<10240x128xf32, #tpu.memory_space<vmem_shared>> -> memref<10240x128xf32, #tpu.memory_space<vmem_shared>>
        tpu.enqueue_indirect_dma source(%arg9 : memref<128x128xf32, #tpu.memory_space<vmem>>) target(%dma_start3A_210 : memref<10240x128xf32, #tpu.memory_space<vmem_shared>>) offsets(%dma_start3A_207 : memref<128xi32, #tpu.memory_space<vmem>>) semaphore(%run_scoped3A : memref<!tpu.dma_semaphore, #tpu.memory_space<semaphore_mem>>) {add = true}
        %dma_wait3A_211 = arith.constant 0 : i32
        %dma_wait3A_212 = tpu.memref_slice %arg7[%add3A_203, %dma_wait3A_211] : memref<40x128xi32, #tpu.memory_space<vmem>> -> memref<1x128xi32, #tpu.memory_space<vmem>>
        %dma_wait3A_213 = tpu.memref_squeeze %dma_wait3A_212 : memref<1x128xi32, #tpu.memory_space<vmem>> -> memref<128xi32, #tpu.memory_space<vmem>>
        %dma_wait3A_214 = arith.constant 0 : i32
        %dma_wait3A_215 = arith.constant 0 : i32
        %dma_wait3A_216 = tpu.memref_slice %arg10[%dma_wait3A_214, %dma_wait3A_215] : memref<10240x128xf32, #tpu.memory_space<vmem_shared>> -> memref<10240x128xf32, #tpu.memory_space<vmem_shared>>
        tpu.wait_indirect_dma semaphore(%run_scoped3A : memref<!tpu.dma_semaphore, #tpu.memory_space<semaphore_mem>>) src(%arg9 : memref<128x128xf32, #tpu.memory_space<vmem>>) dst(%dma_wait3A_216 : memref<10240x128xf32, #tpu.memory_space<vmem_shared>>)
        tpu.yield
      }) : () -> ()
      %scan3A_204 = arith.constant 0 : i32
      scf.yield %scan3A_204 : i32
    }
    %scan3A_56 = arith.constant 5 : i32
    %barrier3A_57 = arith.constant 0 : index
    tpu.barrier barrier_id(%barrier3A_57)
    %mul3A_58 = arith.constant 640 : i32
    %mul3A_59 = arith.muli %arg1, %mul3A_58 : i32
    %mul3A_60 = arith.constant 640 : i32
    %mul3A_61 = arith.muli %arg1, %mul3A_60 : i32
    "tpu.region"() ({
      %run_scoped3A = tpu.sem_alloc : memref<!tpu.dma_semaphore, #tpu.memory_space<semaphore_mem>>
      %dma_start3A = arith.constant 0 : i32
      %dma_start3A_62 = tpu.memref_slice %arg5[%arg0, %mul3A_61, %dma_start3A] : memref<2x10240x128xf32, #tpu.memory_space<hbm>> -> memref<1x640x128xf32, #tpu.memory_space<hbm>>
      %dma_start3A_63 = tpu.memref_squeeze %dma_start3A_62 : memref<1x640x128xf32, #tpu.memory_space<hbm>> -> memref<640x128xf32, #tpu.memory_space<hbm>>
      %dma_start3A_64 = arith.constant 0 : i32
      %dma_start3A_65 = tpu.memref_slice %arg10[%mul3A_59, %dma_start3A_64] : memref<10240x128xf32, #tpu.memory_space<vmem_shared>> -> memref<640x128xf32, #tpu.memory_space<vmem_shared>>
      tpu.enqueue_dma source(%dma_start3A_65 : memref<640x128xf32, #tpu.memory_space<vmem_shared>>) target(%dma_start3A_63 : memref<640x128xf32, #tpu.memory_space<hbm>>) target_semaphore(%run_scoped3A : memref<!tpu.dma_semaphore, #tpu.memory_space<semaphore_mem>>)
      %dma_wait3A = arith.constant 0 : i32
      %dma_wait3A_66 = tpu.memref_slice %arg5[%arg0, %mul3A_61, %dma_wait3A] : memref<2x10240x128xf32, #tpu.memory_space<hbm>> -> memref<1x640x128xf32, #tpu.memory_space<hbm>>
      %dma_wait3A_67 = tpu.memref_squeeze %dma_wait3A_66 : memref<1x640x128xf32, #tpu.memory_space<hbm>> -> memref<640x128xf32, #tpu.memory_space<hbm>>
      %dma_wait3A_68 = arith.constant 0 : i32
      %dma_wait3A_69 = tpu.memref_slice %arg10[%mul3A_59, %dma_wait3A_68] : memref<10240x128xf32, #tpu.memory_space<vmem_shared>> -> memref<640x128xf32, #tpu.memory_space<vmem_shared>>
      tpu.wait_dma2 semaphore(%run_scoped3A : memref<!tpu.dma_semaphore, #tpu.memory_space<semaphore_mem>>) src(%dma_wait3A_69 : memref<640x128xf32, #tpu.memory_space<vmem_shared>>) dst(%dma_wait3A_67 : memref<640x128xf32, #tpu.memory_space<hbm>>)
      tpu.yield
    }) : () -> ()
    return
  }
}

#map = affine_map<(d0, d1) -> (0, 0)>
#map1 = affine_map<(d0, d1) -> (0, 0, 0)>
module attributes {stable_mosaic.version = 14 : i64} {
  func.func @_agg(%arg0: i32, %arg1: i32, %arg2: memref<10240x128xf32, #tpu.memory_space<hbm>>, %arg3: memref<2560x128xi32, #tpu.memory_space<hbm>>, %arg4: memref<2560x128xi32, #tpu.memory_space<hbm>>, %arg5: memref<2x10240x128xf32, #tpu.memory_space<hbm>>, %arg6: memref<40x128xi32, #tpu.memory_space<vmem>>, %arg7: memref<40x128xi32, #tpu.memory_space<vmem>>, %arg8: memref<128x128xf32, #tpu.memory_space<vmem>>, %arg9: memref<128x128xf32, #tpu.memory_space<vmem>>, %arg10: memref<10240x128xf32, #tpu.memory_space<vmem_shared>>, %arg11: memref<!tpu.dma_semaphore, #tpu.memory_space<semaphore_mem>>, %arg12: memref<!tpu.dma_semaphore, #tpu.memory_space<semaphore_mem>>) attributes {dimension_semantics = [#tpu.dimension_semantics<core_parallel>, #tpu.dimension_semantics<subcore_parallel>], iteration_bounds = array<i64: 2, 16>, scalar_prefetch = 0 : i64, scratch_operands = 7 : i64, tpu.core_type = #tpu.core_type<sc_vector_subcore>, window_params = [{transform_indices = #map}, {transform_indices = #map}, {transform_indices = #map}, {transform_indices = #map1}]} {
    %mul3A = arith.constant 16 : i32
    %mul3A_0 = arith.muli %arg0, %mul3A : i32
    %add3A = arith.addi %mul3A_0, %arg1 : i32
    %scan3A = arith.constant 0 : i32
    %scan3A_1 = arith.constant 0 : i32
    %scan3A_2 = arith.constant 128 : i32
    %scan3A_3 = arith.addi %scan3A_1, %scan3A_2 : i32
    %scan3A_4 = arith.constant 1 : i32
    %scan3A_5 = scf.for %scan3A_62 = %scan3A_1 to %scan3A_3 step %scan3A_4 iter_args(%scan3A_63 = %scan3A) -> (i32)  : i32 {
      %broadcast_in_dim3A = arith.constant 0.000000e+00 : f32
      %broadcast_in_dim3A_64 = vector.broadcast %broadcast_in_dim3A : f32 to vector<16xf32>
      %swap3A = arith.index_cast %scan3A_62 : i32 to index
      %swap3A_65 = arith.constant 0 : index
      %swap3A_66 = tpu.vector_load %arg8[%swap3A, %swap3A_65] {strides = array<i32>} : memref<128x128xf32, #tpu.memory_space<vmem>>, vector<1x16xf32>,
      %swap3A_67 = vector.shape_cast %swap3A_66 : vector<1x16xf32> to vector<16xf32>
      %swap3A_68 = vector.shape_cast %broadcast_in_dim3A_64 : vector<16xf32> to vector<1x16xf32>
      tpu.vector_store %arg8[%swap3A, %swap3A_65], %swap3A_68 {strides = array<i32>} : memref<128x128xf32, #tpu.memory_space<vmem>>, vector<1x16xf32>,
      %broadcast_in_dim3A_69 = arith.constant 0.000000e+00 : f32
      %broadcast_in_dim3A_70 = vector.broadcast %broadcast_in_dim3A_69 : f32 to vector<16xf32>
      %swap3A_71 = arith.index_cast %scan3A_62 : i32 to index
      %swap3A_72 = arith.constant 16 : index
      %swap3A_73 = tpu.vector_load %arg8[%swap3A_71, %swap3A_72] {strides = array<i32>} : memref<128x128xf32, #tpu.memory_space<vmem>>, vector<1x16xf32>,
      %swap3A_74 = vector.shape_cast %swap3A_73 : vector<1x16xf32> to vector<16xf32>
      %swap3A_75 = vector.shape_cast %broadcast_in_dim3A_70 : vector<16xf32> to vector<1x16xf32>
      tpu.vector_store %arg8[%swap3A_71, %swap3A_72], %swap3A_75 {strides = array<i32>} : memref<128x128xf32, #tpu.memory_space<vmem>>, vector<1x16xf32>,
      %broadcast_in_dim3A_76 = arith.constant 0.000000e+00 : f32
      %broadcast_in_dim3A_77 = vector.broadcast %broadcast_in_dim3A_76 : f32 to vector<16xf32>
      %swap3A_78 = arith.index_cast %scan3A_62 : i32 to index
      %swap3A_79 = arith.constant 32 : index
      %swap3A_80 = tpu.vector_load %arg8[%swap3A_78, %swap3A_79] {strides = array<i32>} : memref<128x128xf32, #tpu.memory_space<vmem>>, vector<1x16xf32>,
      %swap3A_81 = vector.shape_cast %swap3A_80 : vector<1x16xf32> to vector<16xf32>
      %swap3A_82 = vector.shape_cast %broadcast_in_dim3A_77 : vector<16xf32> to vector<1x16xf32>
      tpu.vector_store %arg8[%swap3A_78, %swap3A_79], %swap3A_82 {strides = array<i32>} : memref<128x128xf32, #tpu.memory_space<vmem>>, vector<1x16xf32>,
      %broadcast_in_dim3A_83 = arith.constant 0.000000e+00 : f32
      %broadcast_in_dim3A_84 = vector.broadcast %broadcast_in_dim3A_83 : f32 to vector<16xf32>
      %swap3A_85 = arith.index_cast %scan3A_62 : i32 to index
      %swap3A_86 = arith.constant 48 : index
      %swap3A_87 = tpu.vector_load %arg8[%swap3A_85, %swap3A_86] {strides = array<i32>} : memref<128x128xf32, #tpu.memory_space<vmem>>, vector<1x16xf32>,
      %swap3A_88 = vector.shape_cast %swap3A_87 : vector<1x16xf32> to vector<16xf32>
      %swap3A_89 = vector.shape_cast %broadcast_in_dim3A_84 : vector<16xf32> to vector<1x16xf32>
      tpu.vector_store %arg8[%swap3A_85, %swap3A_86], %swap3A_89 {strides = array<i32>} : memref<128x128xf32, #tpu.memory_space<vmem>>, vector<1x16xf32>,
      %broadcast_in_dim3A_90 = arith.constant 0.000000e+00 : f32
      %broadcast_in_dim3A_91 = vector.broadcast %broadcast_in_dim3A_90 : f32 to vector<16xf32>
      %swap3A_92 = arith.index_cast %scan3A_62 : i32 to index
      %swap3A_93 = arith.constant 64 : index
      %swap3A_94 = tpu.vector_load %arg8[%swap3A_92, %swap3A_93] {strides = array<i32>} : memref<128x128xf32, #tpu.memory_space<vmem>>, vector<1x16xf32>,
      %swap3A_95 = vector.shape_cast %swap3A_94 : vector<1x16xf32> to vector<16xf32>
      %swap3A_96 = vector.shape_cast %broadcast_in_dim3A_91 : vector<16xf32> to vector<1x16xf32>
      tpu.vector_store %arg8[%swap3A_92, %swap3A_93], %swap3A_96 {strides = array<i32>} : memref<128x128xf32, #tpu.memory_space<vmem>>, vector<1x16xf32>,
      %broadcast_in_dim3A_97 = arith.constant 0.000000e+00 : f32
      %broadcast_in_dim3A_98 = vector.broadcast %broadcast_in_dim3A_97 : f32 to vector<16xf32>
      %swap3A_99 = arith.index_cast %scan3A_62 : i32 to index
      %swap3A_100 = arith.constant 80 : index
      %swap3A_101 = tpu.vector_load %arg8[%swap3A_99, %swap3A_100] {strides = array<i32>} : memref<128x128xf32, #tpu.memory_space<vmem>>, vector<1x16xf32>,
      %swap3A_102 = vector.shape_cast %swap3A_101 : vector<1x16xf32> to vector<16xf32>
      %swap3A_103 = vector.shape_cast %broadcast_in_dim3A_98 : vector<16xf32> to vector<1x16xf32>
      tpu.vector_store %arg8[%swap3A_99, %swap3A_100], %swap3A_103 {strides = array<i32>} : memref<128x128xf32, #tpu.memory_space<vmem>>, vector<1x16xf32>,
      %broadcast_in_dim3A_104 = arith.constant 0.000000e+00 : f32
      %broadcast_in_dim3A_105 = vector.broadcast %broadcast_in_dim3A_104 : f32 to vector<16xf32>
      %swap3A_106 = arith.index_cast %scan3A_62 : i32 to index
      %swap3A_107 = arith.constant 96 : index
      %swap3A_108 = tpu.vector_load %arg8[%swap3A_106, %swap3A_107] {strides = array<i32>} : memref<128x128xf32, #tpu.memory_space<vmem>>, vector<1x16xf32>,
      %swap3A_109 = vector.shape_cast %swap3A_108 : vector<1x16xf32> to vector<16xf32>
      %swap3A_110 = vector.shape_cast %broadcast_in_dim3A_105 : vector<16xf32> to vector<1x16xf32>
      tpu.vector_store %arg8[%swap3A_106, %swap3A_107], %swap3A_110 {strides = array<i32>} : memref<128x128xf32, #tpu.memory_space<vmem>>, vector<1x16xf32>,
      %broadcast_in_dim3A_111 = arith.constant 0.000000e+00 : f32
      %broadcast_in_dim3A_112 = vector.broadcast %broadcast_in_dim3A_111 : f32 to vector<16xf32>
      %swap3A_113 = arith.index_cast %scan3A_62 : i32 to index
      %swap3A_114 = arith.constant 112 : index
      %swap3A_115 = tpu.vector_load %arg8[%swap3A_113, %swap3A_114] {strides = array<i32>} : memref<128x128xf32, #tpu.memory_space<vmem>>, vector<1x16xf32>,
      %swap3A_116 = vector.shape_cast %swap3A_115 : vector<1x16xf32> to vector<16xf32>
      %swap3A_117 = vector.shape_cast %broadcast_in_dim3A_112 : vector<16xf32> to vector<1x16xf32>
      tpu.vector_store %arg8[%swap3A_113, %swap3A_114], %swap3A_117 {strides = array<i32>} : memref<128x128xf32, #tpu.memory_space<vmem>>, vector<1x16xf32>,
      %scan3A_118 = arith.constant 0 : i32
      scf.yield %scan3A_118 : i32
    }
    %scan3A_6 = arith.constant 128 : i32
    %mul3A_7 = arith.constant 640 : i32
    %mul3A_8 = arith.muli %arg1, %mul3A_7 : i32
    %add3A_9 = arith.constant 0 : i32
    %add3A_10 = arith.addi %mul3A_8, %add3A_9 : i32
    "tpu.region"() ({
      %run_scoped3A = tpu.sem_alloc : memref<!tpu.dma_semaphore, #tpu.memory_space<semaphore_mem>>
      %dma_start3A = arith.constant 0 : i32
      %dma_start3A_62 = tpu.memref_slice %arg10[%add3A_10, %dma_start3A] : memref<10240x128xf32, #tpu.memory_space<vmem_shared>> -> memref<128x128xf32, #tpu.memory_space<vmem_shared>>
      %dma_start3A_63 = arith.constant 0 : i32
      %dma_start3A_64 = tpu.memref_slice %arg10[%add3A_10, %dma_start3A_63] : memref<10240x128xf32, #tpu.memory_space<vmem_shared>> -> memref<128x128xf32, #tpu.memory_space<vmem_shared>>
      tpu.enqueue_dma source(%arg8 : memref<128x128xf32, #tpu.memory_space<vmem>>) target(%dma_start3A_64 : memref<128x128xf32, #tpu.memory_space<vmem_shared>>) target_semaphore(%run_scoped3A : memref<!tpu.dma_semaphore, #tpu.memory_space<semaphore_mem>>)
      %dma_wait3A = arith.constant 0 : i32
      %dma_wait3A_65 = tpu.memref_slice %arg10[%add3A_10, %dma_wait3A] : memref<10240x128xf32, #tpu.memory_space<vmem_shared>> -> memref<128x128xf32, #tpu.memory_space<vmem_shared>>
      %dma_wait3A_66 = arith.constant 0 : i32
      %dma_wait3A_67 = tpu.memref_slice %arg10[%add3A_10, %dma_wait3A_66] : memref<10240x128xf32, #tpu.memory_space<vmem_shared>> -> memref<128x128xf32, #tpu.memory_space<vmem_shared>>
      tpu.wait_dma2 semaphore(%run_scoped3A : memref<!tpu.dma_semaphore, #tpu.memory_space<semaphore_mem>>) src(%arg8 : memref<128x128xf32, #tpu.memory_space<vmem>>) dst(%dma_wait3A_67 : memref<128x128xf32, #tpu.memory_space<vmem_shared>>)
      tpu.yield
    }) : () -> ()
    %mul3A_11 = arith.constant 640 : i32
    %mul3A_12 = arith.muli %arg1, %mul3A_11 : i32
    %add3A_13 = arith.constant 128 : i32
    %add3A_14 = arith.addi %mul3A_12, %add3A_13 : i32
    "tpu.region"() ({
      %run_scoped3A = tpu.sem_alloc : memref<!tpu.dma_semaphore, #tpu.memory_space<semaphore_mem>>
      %dma_start3A = arith.constant 0 : i32
      %dma_start3A_62 = tpu.memref_slice %arg10[%add3A_14, %dma_start3A] : memref<10240x128xf32, #tpu.memory_space<vmem_shared>> -> memref<128x128xf32, #tpu.memory_space<vmem_shared>>
      %dma_start3A_63 = arith.constant 0 : i32
      %dma_start3A_64 = tpu.memref_slice %arg10[%add3A_14, %dma_start3A_63] : memref<10240x128xf32, #tpu.memory_space<vmem_shared>> -> memref<128x128xf32, #tpu.memory_space<vmem_shared>>
      tpu.enqueue_dma source(%arg8 : memref<128x128xf32, #tpu.memory_space<vmem>>) target(%dma_start3A_64 : memref<128x128xf32, #tpu.memory_space<vmem_shared>>) target_semaphore(%run_scoped3A : memref<!tpu.dma_semaphore, #tpu.memory_space<semaphore_mem>>)
      %dma_wait3A = arith.constant 0 : i32
      %dma_wait3A_65 = tpu.memref_slice %arg10[%add3A_14, %dma_wait3A] : memref<10240x128xf32, #tpu.memory_space<vmem_shared>> -> memref<128x128xf32, #tpu.memory_space<vmem_shared>>
      %dma_wait3A_66 = arith.constant 0 : i32
      %dma_wait3A_67 = tpu.memref_slice %arg10[%add3A_14, %dma_wait3A_66] : memref<10240x128xf32, #tpu.memory_space<vmem_shared>> -> memref<128x128xf32, #tpu.memory_space<vmem_shared>>
      tpu.wait_dma2 semaphore(%run_scoped3A : memref<!tpu.dma_semaphore, #tpu.memory_space<semaphore_mem>>) src(%arg8 : memref<128x128xf32, #tpu.memory_space<vmem>>) dst(%dma_wait3A_67 : memref<128x128xf32, #tpu.memory_space<vmem_shared>>)
      tpu.yield
    }) : () -> ()
    %mul3A_15 = arith.constant 640 : i32
    %mul3A_16 = arith.muli %arg1, %mul3A_15 : i32
    %add3A_17 = arith.constant 256 : i32
    %add3A_18 = arith.addi %mul3A_16, %add3A_17 : i32
    "tpu.region"() ({
      %run_scoped3A = tpu.sem_alloc : memref<!tpu.dma_semaphore, #tpu.memory_space<semaphore_mem>>
      %dma_start3A = arith.constant 0 : i32
      %dma_start3A_62 = tpu.memref_slice %arg10[%add3A_18, %dma_start3A] : memref<10240x128xf32, #tpu.memory_space<vmem_shared>> -> memref<128x128xf32, #tpu.memory_space<vmem_shared>>
      %dma_start3A_63 = arith.constant 0 : i32
      %dma_start3A_64 = tpu.memref_slice %arg10[%add3A_18, %dma_start3A_63] : memref<10240x128xf32, #tpu.memory_space<vmem_shared>> -> memref<128x128xf32, #tpu.memory_space<vmem_shared>>
      tpu.enqueue_dma source(%arg8 : memref<128x128xf32, #tpu.memory_space<vmem>>) target(%dma_start3A_64 : memref<128x128xf32, #tpu.memory_space<vmem_shared>>) target_semaphore(%run_scoped3A : memref<!tpu.dma_semaphore, #tpu.memory_space<semaphore_mem>>)
      %dma_wait3A = arith.constant 0 : i32
      %dma_wait3A_65 = tpu.memref_slice %arg10[%add3A_18, %dma_wait3A] : memref<10240x128xf32, #tpu.memory_space<vmem_shared>> -> memref<128x128xf32, #tpu.memory_space<vmem_shared>>
      %dma_wait3A_66 = arith.constant 0 : i32
      %dma_wait3A_67 = tpu.memref_slice %arg10[%add3A_18, %dma_wait3A_66] : memref<10240x128xf32, #tpu.memory_space<vmem_shared>> -> memref<128x128xf32, #tpu.memory_space<vmem_shared>>
      tpu.wait_dma2 semaphore(%run_scoped3A : memref<!tpu.dma_semaphore, #tpu.memory_space<semaphore_mem>>) src(%arg8 : memref<128x128xf32, #tpu.memory_space<vmem>>) dst(%dma_wait3A_67 : memref<128x128xf32, #tpu.memory_space<vmem_shared>>)
      tpu.yield
    }) : () -> ()
    %mul3A_19 = arith.constant 640 : i32
    %mul3A_20 = arith.muli %arg1, %mul3A_19 : i32
    %add3A_21 = arith.constant 384 : i32
    %add3A_22 = arith.addi %mul3A_20, %add3A_21 : i32
    "tpu.region"() ({
      %run_scoped3A = tpu.sem_alloc : memref<!tpu.dma_semaphore, #tpu.memory_space<semaphore_mem>>
      %dma_start3A = arith.constant 0 : i32
      %dma_start3A_62 = tpu.memref_slice %arg10[%add3A_22, %dma_start3A] : memref<10240x128xf32, #tpu.memory_space<vmem_shared>> -> memref<128x128xf32, #tpu.memory_space<vmem_shared>>
      %dma_start3A_63 = arith.constant 0 : i32
      %dma_start3A_64 = tpu.memref_slice %arg10[%add3A_22, %dma_start3A_63] : memref<10240x128xf32, #tpu.memory_space<vmem_shared>> -> memref<128x128xf32, #tpu.memory_space<vmem_shared>>
      tpu.enqueue_dma source(%arg8 : memref<128x128xf32, #tpu.memory_space<vmem>>) target(%dma_start3A_64 : memref<128x128xf32, #tpu.memory_space<vmem_shared>>) target_semaphore(%run_scoped3A : memref<!tpu.dma_semaphore, #tpu.memory_space<semaphore_mem>>)
      %dma_wait3A = arith.constant 0 : i32
      %dma_wait3A_65 = tpu.memref_slice %arg10[%add3A_22, %dma_wait3A] : memref<10240x128xf32, #tpu.memory_space<vmem_shared>> -> memref<128x128xf32, #tpu.memory_space<vmem_shared>>
      %dma_wait3A_66 = arith.constant 0 : i32
      %dma_wait3A_67 = tpu.memref_slice %arg10[%add3A_22, %dma_wait3A_66] : memref<10240x128xf32, #tpu.memory_space<vmem_shared>> -> memref<128x128xf32, #tpu.memory_space<vmem_shared>>
      tpu.wait_dma2 semaphore(%run_scoped3A : memref<!tpu.dma_semaphore, #tpu.memory_space<semaphore_mem>>) src(%arg8 : memref<128x128xf32, #tpu.memory_space<vmem>>) dst(%dma_wait3A_67 : memref<128x128xf32, #tpu.memory_space<vmem_shared>>)
      tpu.yield
    }) : () -> ()
    %mul3A_23 = arith.constant 640 : i32
    %mul3A_24 = arith.muli %arg1, %mul3A_23 : i32
    %add3A_25 = arith.constant 512 : i32
    %add3A_26 = arith.addi %mul3A_24, %add3A_25 : i32
    "tpu.region"() ({
      %run_scoped3A = tpu.sem_alloc : memref<!tpu.dma_semaphore, #tpu.memory_space<semaphore_mem>>
      %dma_start3A = arith.constant 0 : i32
      %dma_start3A_62 = tpu.memref_slice %arg10[%add3A_26, %dma_start3A] : memref<10240x128xf32, #tpu.memory_space<vmem_shared>> -> memref<128x128xf32, #tpu.memory_space<vmem_shared>>
      %dma_start3A_63 = arith.constant 0 : i32
      %dma_start3A_64 = tpu.memref_slice %arg10[%add3A_26, %dma_start3A_63] : memref<10240x128xf32, #tpu.memory_space<vmem_shared>> -> memref<128x128xf32, #tpu.memory_space<vmem_shared>>
      tpu.enqueue_dma source(%arg8 : memref<128x128xf32, #tpu.memory_space<vmem>>) target(%dma_start3A_64 : memref<128x128xf32, #tpu.memory_space<vmem_shared>>) target_semaphore(%run_scoped3A : memref<!tpu.dma_semaphore, #tpu.memory_space<semaphore_mem>>)
      %dma_wait3A = arith.constant 0 : i32
      %dma_wait3A_65 = tpu.memref_slice %arg10[%add3A_26, %dma_wait3A] : memref<10240x128xf32, #tpu.memory_space<vmem_shared>> -> memref<128x128xf32, #tpu.memory_space<vmem_shared>>
      %dma_wait3A_66 = arith.constant 0 : i32
      %dma_wait3A_67 = tpu.memref_slice %arg10[%add3A_26, %dma_wait3A_66] : memref<10240x128xf32, #tpu.memory_space<vmem_shared>> -> memref<128x128xf32, #tpu.memory_space<vmem_shared>>
      tpu.wait_dma2 semaphore(%run_scoped3A : memref<!tpu.dma_semaphore, #tpu.memory_space<semaphore_mem>>) src(%arg8 : memref<128x128xf32, #tpu.memory_space<vmem>>) dst(%dma_wait3A_67 : memref<128x128xf32, #tpu.memory_space<vmem_shared>>)
      tpu.yield
    }) : () -> ()
    %barrier3A = arith.constant 0 : index
    tpu.barrier barrier_id(%barrier3A)
    %mul3A_27 = arith.constant 80 : i32
    %mul3A_28 = arith.muli %add3A, %mul3A_27 : i32
    %add3A_29 = arith.constant 0 : i32
    %add3A_30 = arith.addi %mul3A_28, %add3A_29 : i32
    "tpu.region"() ({
      %run_scoped3A = tpu.sem_alloc : memref<!tpu.dma_semaphore, #tpu.memory_space<semaphore_mem>>
      %dma_start3A = arith.constant 0 : i32
      %dma_start3A_62 = tpu.memref_slice %arg3[%add3A_30, %dma_start3A] : memref<2560x128xi32, #tpu.memory_space<hbm>> -> memref<40x128xi32, #tpu.memory_space<hbm>>
      %dma_start3A_63 = arith.constant 0 : i32
      %dma_start3A_64 = tpu.memref_slice %arg3[%add3A_30, %dma_start3A_63] : memref<2560x128xi32, #tpu.memory_space<hbm>> -> memref<40x128xi32, #tpu.memory_space<hbm>>
      tpu.enqueue_dma source(%dma_start3A_64 : memref<40x128xi32, #tpu.memory_space<hbm>>) target(%arg6 : memref<40x128xi32, #tpu.memory_space<vmem>>) target_semaphore(%run_scoped3A : memref<!tpu.dma_semaphore, #tpu.memory_space<semaphore_mem>>)
      %dma_wait3A = arith.constant 0 : i32
      %dma_wait3A_65 = tpu.memref_slice %arg3[%add3A_30, %dma_wait3A] : memref<2560x128xi32, #tpu.memory_space<hbm>> -> memref<40x128xi32, #tpu.memory_space<hbm>>
      %dma_wait3A_66 = arith.constant 0 : i32
      %dma_wait3A_67 = tpu.memref_slice %arg3[%add3A_30, %dma_wait3A_66] : memref<2560x128xi32, #tpu.memory_space<hbm>> -> memref<40x128xi32, #tpu.memory_space<hbm>>
      tpu.wait_dma2 semaphore(%run_scoped3A : memref<!tpu.dma_semaphore, #tpu.memory_space<semaphore_mem>>) src(%dma_wait3A_67 : memref<40x128xi32, #tpu.memory_space<hbm>>) dst(%arg6 : memref<40x128xi32, #tpu.memory_space<vmem>>)
      tpu.yield
    }) : () -> ()
    %mul3A_31 = arith.constant 80 : i32
    %mul3A_32 = arith.muli %add3A, %mul3A_31 : i32
    %add3A_33 = arith.constant 0 : i32
    %add3A_34 = arith.addi %mul3A_32, %add3A_33 : i32
    "tpu.region"() ({
      %run_scoped3A = tpu.sem_alloc : memref<!tpu.dma_semaphore, #tpu.memory_space<semaphore_mem>>
      %dma_start3A = arith.constant 0 : i32
      %dma_start3A_62 = tpu.memref_slice %arg4[%add3A_34, %dma_start3A] : memref<2560x128xi32, #tpu.memory_space<hbm>> -> memref<40x128xi32, #tpu.memory_space<hbm>>
      %dma_start3A_63 = arith.constant 0 : i32
      %dma_start3A_64 = tpu.memref_slice %arg4[%add3A_34, %dma_start3A_63] : memref<2560x128xi32, #tpu.memory_space<hbm>> -> memref<40x128xi32, #tpu.memory_space<hbm>>
      tpu.enqueue_dma source(%dma_start3A_64 : memref<40x128xi32, #tpu.memory_space<hbm>>) target(%arg7 : memref<40x128xi32, #tpu.memory_space<vmem>>) target_semaphore(%run_scoped3A : memref<!tpu.dma_semaphore, #tpu.memory_space<semaphore_mem>>)
      %dma_wait3A = arith.constant 0 : i32
      %dma_wait3A_65 = tpu.memref_slice %arg4[%add3A_34, %dma_wait3A] : memref<2560x128xi32, #tpu.memory_space<hbm>> -> memref<40x128xi32, #tpu.memory_space<hbm>>
      %dma_wait3A_66 = arith.constant 0 : i32
      %dma_wait3A_67 = tpu.memref_slice %arg4[%add3A_34, %dma_wait3A_66] : memref<2560x128xi32, #tpu.memory_space<hbm>> -> memref<40x128xi32, #tpu.memory_space<hbm>>
      tpu.wait_dma2 semaphore(%run_scoped3A : memref<!tpu.dma_semaphore, #tpu.memory_space<semaphore_mem>>) src(%dma_wait3A_67 : memref<40x128xi32, #tpu.memory_space<hbm>>) dst(%arg7 : memref<40x128xi32, #tpu.memory_space<vmem>>)
      tpu.yield
    }) : () -> ()
    %scan3A_35 = arith.constant 0 : i32
    %scan3A_36 = arith.constant 0 : i32
    %scan3A_37 = arith.constant 5 : i32
    %scan3A_38 = arith.addi %scan3A_36, %scan3A_37 : i32
    %scan3A_39 = arith.constant 1 : i32
    %scan3A_40 = scf.for %scan3A_62 = %scan3A_36 to %scan3A_38 step %scan3A_39 iter_args(%scan3A_63 = %scan3A_35) -> (i32)  : i32 {
      %mul3A_64 = arith.constant 8 : i32
      %mul3A_65 = arith.muli %scan3A_62, %mul3A_64 : i32
      %add3A_66 = arith.constant 0 : i32
      %add3A_67 = arith.addi %mul3A_65, %add3A_66 : i32
      %dma_start3A = arith.constant 0 : i32
      %dma_start3A_68 = tpu.memref_slice %arg6[%add3A_67, %dma_start3A] : memref<40x128xi32, #tpu.memory_space<vmem>> -> memref<1x128xi32, #tpu.memory_space<vmem>>
      %dma_start3A_69 = tpu.memref_squeeze %dma_start3A_68 : memref<1x128xi32, #tpu.memory_space<vmem>> -> memref<128xi32, #tpu.memory_space<vmem>>
      %dma_start3A_70 = arith.constant 0 : i32
      %dma_start3A_71 = arith.constant 0 : i32
      %dma_start3A_72 = tpu.memref_slice %arg2[%dma_start3A_70, %dma_start3A_71] : memref<10240x128xf32, #tpu.memory_space<hbm>> -> memref<10240x128xf32, #tpu.memory_space<hbm>>
      tpu.enqueue_indirect_dma source(%dma_start3A_72 : memref<10240x128xf32, #tpu.memory_space<hbm>>) target(%arg8 : memref<128x128xf32, #tpu.memory_space<vmem>>) offsets(%dma_start3A_69 : memref<128xi32, #tpu.memory_space<vmem>>) semaphore(%arg11 : memref<!tpu.dma_semaphore, #tpu.memory_space<semaphore_mem>>)
      %add3A_73 = arith.constant 1 : i32
      %add3A_74 = arith.addi %mul3A_65, %add3A_73 : i32
      %dma_start3A_75 = arith.constant 0 : i32
      %dma_start3A_76 = tpu.memref_slice %arg6[%add3A_74, %dma_start3A_75] : memref<40x128xi32, #tpu.memory_space<vmem>> -> memref<1x128xi32, #tpu.memory_space<vmem>>
      %dma_start3A_77 = tpu.memref_squeeze %dma_start3A_76 : memref<1x128xi32, #tpu.memory_space<vmem>> -> memref<128xi32, #tpu.memory_space<vmem>>
      %dma_start3A_78 = arith.constant 0 : i32
      %dma_start3A_79 = arith.constant 0 : i32
      %dma_start3A_80 = tpu.memref_slice %arg2[%dma_start3A_78, %dma_start3A_79] : memref<10240x128xf32, #tpu.memory_space<hbm>> -> memref<10240x128xf32, #tpu.memory_space<hbm>>
      tpu.enqueue_indirect_dma source(%dma_start3A_80 : memref<10240x128xf32, #tpu.memory_space<hbm>>) target(%arg9 : memref<128x128xf32, #tpu.memory_space<vmem>>) offsets(%dma_start3A_77 : memref<128xi32, #tpu.memory_space<vmem>>) semaphore(%arg12 : memref<!tpu.dma_semaphore, #tpu.memory_space<semaphore_mem>>)
      %dma_wait3A = arith.constant 0 : i32
      %dma_wait3A_81 = tpu.memref_slice %arg6[%add3A_67, %dma_wait3A] : memref<40x128xi32, #tpu.memory_space<vmem>> -> memref<1x128xi32, #tpu.memory_space<vmem>>
      %dma_wait3A_82 = tpu.memref_squeeze %dma_wait3A_81 : memref<1x128xi32, #tpu.memory_space<vmem>> -> memref<128xi32, #tpu.memory_space<vmem>>
      %dma_wait3A_83 = arith.constant 0 : i32
      %dma_wait3A_84 = arith.constant 0 : i32
      %dma_wait3A_85 = tpu.memref_slice %arg2[%dma_wait3A_83, %dma_wait3A_84] : memref<10240x128xf32, #tpu.memory_space<hbm>> -> memref<10240x128xf32, #tpu.memory_space<hbm>>
      tpu.wait_indirect_dma semaphore(%arg11 : memref<!tpu.dma_semaphore, #tpu.memory_space<semaphore_mem>>) src(%dma_wait3A_85 : memref<10240x128xf32, #tpu.memory_space<hbm>>) dst(%arg8 : memref<128x128xf32, #tpu.memory_space<vmem>>)
      %add3A_86 = arith.constant 0 : i32
      %add3A_87 = arith.addi %mul3A_65, %add3A_86 : i32
      "tpu.region"() ({
        %run_scoped3A = tpu.sem_alloc : memref<!tpu.dma_semaphore, #tpu.memory_space<semaphore_mem>>
        %dma_start3A_205 = arith.constant 0 : i32
        %dma_start3A_206 = tpu.memref_slice %arg7[%add3A_87, %dma_start3A_205] : memref<40x128xi32, #tpu.memory_space<vmem>> -> memref<1x128xi32, #tpu.memory_space<vmem>>
        %dma_start3A_207 = tpu.memref_squeeze %dma_start3A_206 : memref<1x128xi32, #tpu.memory_space<vmem>> -> memref<128xi32, #tpu.memory_space<vmem>>
        %dma_start3A_208 = arith.constant 0 : i32
        %dma_start3A_209 = arith.constant 0 : i32
        %dma_start3A_210 = tpu.memref_slice %arg10[%dma_start3A_208, %dma_start3A_209] : memref<10240x128xf32, #tpu.memory_space<vmem_shared>> -> memref<10240x128xf32, #tpu.memory_space<vmem_shared>>
        tpu.enqueue_indirect_dma source(%arg8 : memref<128x128xf32, #tpu.memory_space<vmem>>) target(%dma_start3A_210 : memref<10240x128xf32, #tpu.memory_space<vmem_shared>>) offsets(%dma_start3A_207 : memref<128xi32, #tpu.memory_space<vmem>>) semaphore(%run_scoped3A : memref<!tpu.dma_semaphore, #tpu.memory_space<semaphore_mem>>) {add = true}
        %dma_wait3A_211 = arith.constant 0 : i32
        %dma_wait3A_212 = tpu.memref_slice %arg7[%add3A_87, %dma_wait3A_211] : memref<40x128xi32, #tpu.memory_space<vmem>> -> memref<1x128xi32, #tpu.memory_space<vmem>>
        %dma_wait3A_213 = tpu.memref_squeeze %dma_wait3A_212 : memref<1x128xi32, #tpu.memory_space<vmem>> -> memref<128xi32, #tpu.memory_space<vmem>>
        %dma_wait3A_214 = arith.constant 0 : i32
        %dma_wait3A_215 = arith.constant 0 : i32
        %dma_wait3A_216 = tpu.memref_slice %arg10[%dma_wait3A_214, %dma_wait3A_215] : memref<10240x128xf32, #tpu.memory_space<vmem_shared>> -> memref<10240x128xf32, #tpu.memory_space<vmem_shared>>
        tpu.wait_indirect_dma semaphore(%run_scoped3A : memref<!tpu.dma_semaphore, #tpu.memory_space<semaphore_mem>>) src(%arg8 : memref<128x128xf32, #tpu.memory_space<vmem>>) dst(%dma_wait3A_216 : memref<10240x128xf32, #tpu.memory_space<vmem_shared>>)
        tpu.yield
      }) : () -> ()
      %add3A_88 = arith.constant 0 : i32
      %add3A_89 = arith.addi %mul3A_65, %add3A_88 : i32
      %add3A_90 = arith.constant 2 : i32
      %add3A_91 = arith.addi %add3A_89, %add3A_90 : i32
      %dma_start3A_92 = arith.constant 0 : i32
      %dma_start3A_93 = tpu.memref_slice %arg6[%add3A_91, %dma_start3A_92] : memref<40x128xi32, #tpu.memory_space<vmem>> -> memref<1x128xi32, #tpu.memory_space<vmem>>
      %dma_start3A_94 = tpu.memref_squeeze %dma_start3A_93 : memref<1x128xi32, #tpu.memory_space<vmem>> -> memref<128xi32, #tpu.memory_space<vmem>>
      %dma_start3A_95 = arith.constant 0 : i32
      %dma_start3A_96 = arith.constant 0 : i32
      %dma_start3A_97 = tpu.memref_slice %arg2[%dma_start3A_95, %dma_start3A_96] : memref<10240x128xf32, #tpu.memory_space<hbm>> -> memref<10240x128xf32, #tpu.memory_space<hbm>>
      tpu.enqueue_indirect_dma source(%dma_start3A_97 : memref<10240x128xf32, #tpu.memory_space<hbm>>) target(%arg8 : memref<128x128xf32, #tpu.memory_space<vmem>>) offsets(%dma_start3A_94 : memref<128xi32, #tpu.memory_space<vmem>>) semaphore(%arg11 : memref<!tpu.dma_semaphore, #tpu.memory_space<semaphore_mem>>)
      %dma_wait3A_98 = arith.constant 0 : i32
      %dma_wait3A_99 = tpu.memref_slice %arg6[%add3A_74, %dma_wait3A_98] : memref<40x128xi32, #tpu.memory_space<vmem>> -> memref<1x128xi32, #tpu.memory_space<vmem>>
      %dma_wait3A_100 = tpu.memref_squeeze %dma_wait3A_99 : memref<1x128xi32, #tpu.memory_space<vmem>> -> memref<128xi32, #tpu.memory_space<vmem>>
      %dma_wait3A_101 = arith.constant 0 : i32
      %dma_wait3A_102 = arith.constant 0 : i32
      %dma_wait3A_103 = tpu.memref_slice %arg2[%dma_wait3A_101, %dma_wait3A_102] : memref<10240x128xf32, #tpu.memory_space<hbm>> -> memref<10240x128xf32, #tpu.memory_space<hbm>>
      tpu.wait_indirect_dma semaphore(%arg12 : memref<!tpu.dma_semaphore, #tpu.memory_space<semaphore_mem>>) src(%dma_wait3A_103 : memref<10240x128xf32, #tpu.memory_space<hbm>>) dst(%arg9 : memref<128x128xf32, #tpu.memory_space<vmem>>)
      %add3A_104 = arith.constant 1 : i32
      %add3A_105 = arith.addi %mul3A_65, %add3A_104 : i32
      "tpu.region"() ({
        %run_scoped3A = tpu.sem_alloc : memref<!tpu.dma_semaphore, #tpu.memory_space<semaphore_mem>>
        %dma_start3A_205 = arith.constant 0 : i32
        %dma_start3A_206 = tpu.memref_slice %arg7[%add3A_105, %dma_start3A_205] : memref<40x128xi32, #tpu.memory_space<vmem>> -> memref<1x128xi32, #tpu.memory_space<vmem>>
        %dma_start3A_207 = tpu.memref_squeeze %dma_start3A_206 : memref<1x128xi32, #tpu.memory_space<vmem>> -> memref<128xi32, #tpu.memory_space<vmem>>
        %dma_start3A_208 = arith.constant 0 : i32
        %dma_start3A_209 = arith.constant 0 : i32
        %dma_start3A_210 = tpu.memref_slice %arg10[%dma_start3A_208, %dma_start3A_209] : memref<10240x128xf32, #tpu.memory_space<vmem_shared>> -> memref<10240x128xf32, #tpu.memory_space<vmem_shared>>
        tpu.enqueue_indirect_dma source(%arg9 : memref<128x128xf32, #tpu.memory_space<vmem>>) target(%dma_start3A_210 : memref<10240x128xf32, #tpu.memory_space<vmem_shared>>) offsets(%dma_start3A_207 : memref<128xi32, #tpu.memory_space<vmem>>) semaphore(%run_scoped3A : memref<!tpu.dma_semaphore, #tpu.memory_space<semaphore_mem>>) {add = true}
        %dma_wait3A_211 = arith.constant 0 : i32
        %dma_wait3A_212 = tpu.memref_slice %arg7[%add3A_105, %dma_wait3A_211] : memref<40x128xi32, #tpu.memory_space<vmem>> -> memref<1x128xi32, #tpu.memory_space<vmem>>
        %dma_wait3A_213 = tpu.memref_squeeze %dma_wait3A_212 : memref<1x128xi32, #tpu.memory_space<vmem>> -> memref<128xi32, #tpu.memory_space<vmem>>
        %dma_wait3A_214 = arith.constant 0 : i32
        %dma_wait3A_215 = arith.constant 0 : i32
        %dma_wait3A_216 = tpu.memref_slice %arg10[%dma_wait3A_214, %dma_wait3A_215] : memref<10240x128xf32, #tpu.memory_space<vmem_shared>> -> memref<10240x128xf32, #tpu.memory_space<vmem_shared>>
        tpu.wait_indirect_dma semaphore(%run_scoped3A : memref<!tpu.dma_semaphore, #tpu.memory_space<semaphore_mem>>) src(%arg9 : memref<128x128xf32, #tpu.memory_space<vmem>>) dst(%dma_wait3A_216 : memref<10240x128xf32, #tpu.memory_space<vmem_shared>>)
        tpu.yield
      }) : () -> ()
      %add3A_106 = arith.constant 1 : i32
      %add3A_107 = arith.addi %mul3A_65, %add3A_106 : i32
      %add3A_108 = arith.constant 2 : i32
      %add3A_109 = arith.addi %add3A_107, %add3A_108 : i32
      %dma_start3A_110 = arith.constant 0 : i32
      %dma_start3A_111 = tpu.memref_slice %arg6[%add3A_109, %dma_start3A_110] : memref<40x128xi32, #tpu.memory_space<vmem>> -> memref<1x128xi32, #tpu.memory_space<vmem>>
      %dma_start3A_112 = tpu.memref_squeeze %dma_start3A_111 : memref<1x128xi32, #tpu.memory_space<vmem>> -> memref<128xi32, #tpu.memory_space<vmem>>
      %dma_start3A_113 = arith.constant 0 : i32
      %dma_start3A_114 = arith.constant 0 : i32
      %dma_start3A_115 = tpu.memref_slice %arg2[%dma_start3A_113, %dma_start3A_114] : memref<10240x128xf32, #tpu.memory_space<hbm>> -> memref<10240x128xf32, #tpu.memory_space<hbm>>
      tpu.enqueue_indirect_dma source(%dma_start3A_115 : memref<10240x128xf32, #tpu.memory_space<hbm>>) target(%arg9 : memref<128x128xf32, #tpu.memory_space<vmem>>) offsets(%dma_start3A_112 : memref<128xi32, #tpu.memory_space<vmem>>) semaphore(%arg12 : memref<!tpu.dma_semaphore, #tpu.memory_space<semaphore_mem>>)
      %dma_wait3A_116 = arith.constant 0 : i32
      %dma_wait3A_117 = tpu.memref_slice %arg6[%add3A_91, %dma_wait3A_116] : memref<40x128xi32, #tpu.memory_space<vmem>> -> memref<1x128xi32, #tpu.memory_space<vmem>>
      %dma_wait3A_118 = tpu.memref_squeeze %dma_wait3A_117 : memref<1x128xi32, #tpu.memory_space<vmem>> -> memref<128xi32, #tpu.memory_space<vmem>>
      %dma_wait3A_119 = arith.constant 0 : i32
      %dma_wait3A_120 = arith.constant 0 : i32
      %dma_wait3A_121 = tpu.memref_slice %arg2[%dma_wait3A_119, %dma_wait3A_120] : memref<10240x128xf32, #tpu.memory_space<hbm>> -> memref<10240x128xf32, #tpu.memory_space<hbm>>
      tpu.wait_indirect_dma semaphore(%arg11 : memref<!tpu.dma_semaphore, #tpu.memory_space<semaphore_mem>>) src(%dma_wait3A_121 : memref<10240x128xf32, #tpu.memory_space<hbm>>) dst(%arg8 : memref<128x128xf32, #tpu.memory_space<vmem>>)
      %add3A_122 = arith.constant 2 : i32
      %add3A_123 = arith.addi %mul3A_65, %add3A_122 : i32
      "tpu.region"() ({
        %run_scoped3A = tpu.sem_alloc : memref<!tpu.dma_semaphore, #tpu.memory_space<semaphore_mem>>
        %dma_start3A_205 = arith.constant 0 : i32
        %dma_start3A_206 = tpu.memref_slice %arg7[%add3A_123, %dma_start3A_205] : memref<40x128xi32, #tpu.memory_space<vmem>> -> memref<1x128xi32, #tpu.memory_space<vmem>>
        %dma_start3A_207 = tpu.memref_squeeze %dma_start3A_206 : memref<1x128xi32, #tpu.memory_space<vmem>> -> memref<128xi32, #tpu.memory_space<vmem>>
        %dma_start3A_208 = arith.constant 0 : i32
        %dma_start3A_209 = arith.constant 0 : i32
        %dma_start3A_210 = tpu.memref_slice %arg10[%dma_start3A_208, %dma_start3A_209] : memref<10240x128xf32, #tpu.memory_space<vmem_shared>> -> memref<10240x128xf32, #tpu.memory_space<vmem_shared>>
        tpu.enqueue_indirect_dma source(%arg8 : memref<128x128xf32, #tpu.memory_space<vmem>>) target(%dma_start3A_210 : memref<10240x128xf32, #tpu.memory_space<vmem_shared>>) offsets(%dma_start3A_207 : memref<128xi32, #tpu.memory_space<vmem>>) semaphore(%run_scoped3A : memref<!tpu.dma_semaphore, #tpu.memory_space<semaphore_mem>>) {add = true}
        %dma_wait3A_211 = arith.constant 0 : i32
        %dma_wait3A_212 = tpu.memref_slice %arg7[%add3A_123, %dma_wait3A_211] : memref<40x128xi32, #tpu.memory_space<vmem>> -> memref<1x128xi32, #tpu.memory_space<vmem>>
        %dma_wait3A_213 = tpu.memref_squeeze %dma_wait3A_212 : memref<1x128xi32, #tpu.memory_space<vmem>> -> memref<128xi32, #tpu.memory_space<vmem>>
        %dma_wait3A_214 = arith.constant 0 : i32
        %dma_wait3A_215 = arith.constant 0 : i32
        %dma_wait3A_216 = tpu.memref_slice %arg10[%dma_wait3A_214, %dma_wait3A_215] : memref<10240x128xf32, #tpu.memory_space<vmem_shared>> -> memref<10240x128xf32, #tpu.memory_space<vmem_shared>>
        tpu.wait_indirect_dma semaphore(%run_scoped3A : memref<!tpu.dma_semaphore, #tpu.memory_space<semaphore_mem>>) src(%arg8 : memref<128x128xf32, #tpu.memory_space<vmem>>) dst(%dma_wait3A_216 : memref<10240x128xf32, #tpu.memory_space<vmem_shared>>)
        tpu.yield
      }) : () -> ()
      %add3A_124 = arith.constant 2 : i32
      %add3A_125 = arith.addi %mul3A_65, %add3A_124 : i32
      %add3A_126 = arith.constant 2 : i32
      %add3A_127 = arith.addi %add3A_125, %add3A_126 : i32
      %dma_start3A_128 = arith.constant 0 : i32
      %dma_start3A_129 = tpu.memref_slice %arg6[%add3A_127, %dma_start3A_128] : memref<40x128xi32, #tpu.memory_space<vmem>> -> memref<1x128xi32, #tpu.memory_space<vmem>>
      %dma_start3A_130 = tpu.memref_squeeze %dma_start3A_129 : memref<1x128xi32, #tpu.memory_space<vmem>> -> memref<128xi32, #tpu.memory_space<vmem>>
      %dma_start3A_131 = arith.constant 0 : i32
      %dma_start3A_132 = arith.constant 0 : i32
      %dma_start3A_133 = tpu.memref_slice %arg2[%dma_start3A_131, %dma_start3A_132] : memref<10240x128xf32, #tpu.memory_space<hbm>> -> memref<10240x128xf32, #tpu.memory_space<hbm>>
      tpu.enqueue_indirect_dma source(%dma_start3A_133 : memref<10240x128xf32, #tpu.memory_space<hbm>>) target(%arg8 : memref<128x128xf32, #tpu.memory_space<vmem>>) offsets(%dma_start3A_130 : memref<128xi32, #tpu.memory_space<vmem>>) semaphore(%arg11 : memref<!tpu.dma_semaphore, #tpu.memory_space<semaphore_mem>>)
      %dma_wait3A_134 = arith.constant 0 : i32
      %dma_wait3A_135 = tpu.memref_slice %arg6[%add3A_109, %dma_wait3A_134] : memref<40x128xi32, #tpu.memory_space<vmem>> -> memref<1x128xi32, #tpu.memory_space<vmem>>
      %dma_wait3A_136 = tpu.memref_squeeze %dma_wait3A_135 : memref<1x128xi32, #tpu.memory_space<vmem>> -> memref<128xi32, #tpu.memory_space<vmem>>
      %dma_wait3A_137 = arith.constant 0 : i32
      %dma_wait3A_138 = arith.constant 0 : i32
      %dma_wait3A_139 = tpu.memref_slice %arg2[%dma_wait3A_137, %dma_wait3A_138] : memref<10240x128xf32, #tpu.memory_space<hbm>> -> memref<10240x128xf32, #tpu.memory_space<hbm>>
      tpu.wait_indirect_dma semaphore(%arg12 : memref<!tpu.dma_semaphore, #tpu.memory_space<semaphore_mem>>) src(%dma_wait3A_139 : memref<10240x128xf32, #tpu.memory_space<hbm>>) dst(%arg9 : memref<128x128xf32, #tpu.memory_space<vmem>>)
      %add3A_140 = arith.constant 3 : i32
      %add3A_141 = arith.addi %mul3A_65, %add3A_140 : i32
      "tpu.region"() ({
        %run_scoped3A = tpu.sem_alloc : memref<!tpu.dma_semaphore, #tpu.memory_space<semaphore_mem>>
        %dma_start3A_205 = arith.constant 0 : i32
        %dma_start3A_206 = tpu.memref_slice %arg7[%add3A_141, %dma_start3A_205] : memref<40x128xi32, #tpu.memory_space<vmem>> -> memref<1x128xi32, #tpu.memory_space<vmem>>
        %dma_start3A_207 = tpu.memref_squeeze %dma_start3A_206 : memref<1x128xi32, #tpu.memory_space<vmem>> -> memref<128xi32, #tpu.memory_space<vmem>>
        %dma_start3A_208 = arith.constant 0 : i32
        %dma_start3A_209 = arith.constant 0 : i32
        %dma_start3A_210 = tpu.memref_slice %arg10[%dma_start3A_208, %dma_start3A_209] : memref<10240x128xf32, #tpu.memory_space<vmem_shared>> -> memref<10240x128xf32, #tpu.memory_space<vmem_shared>>
        tpu.enqueue_indirect_dma source(%arg9 : memref<128x128xf32, #tpu.memory_space<vmem>>) target(%dma_start3A_210 : memref<10240x128xf32, #tpu.memory_space<vmem_shared>>) offsets(%dma_start3A_207 : memref<128xi32, #tpu.memory_space<vmem>>) semaphore(%run_scoped3A : memref<!tpu.dma_semaphore, #tpu.memory_space<semaphore_mem>>) {add = true}
        %dma_wait3A_211 = arith.constant 0 : i32
        %dma_wait3A_212 = tpu.memref_slice %arg7[%add3A_141, %dma_wait3A_211] : memref<40x128xi32, #tpu.memory_space<vmem>> -> memref<1x128xi32, #tpu.memory_space<vmem>>
        %dma_wait3A_213 = tpu.memref_squeeze %dma_wait3A_212 : memref<1x128xi32, #tpu.memory_space<vmem>> -> memref<128xi32, #tpu.memory_space<vmem>>
        %dma_wait3A_214 = arith.constant 0 : i32
        %dma_wait3A_215 = arith.constant 0 : i32
        %dma_wait3A_216 = tpu.memref_slice %arg10[%dma_wait3A_214, %dma_wait3A_215] : memref<10240x128xf32, #tpu.memory_space<vmem_shared>> -> memref<10240x128xf32, #tpu.memory_space<vmem_shared>>
        tpu.wait_indirect_dma semaphore(%run_scoped3A : memref<!tpu.dma_semaphore, #tpu.memory_space<semaphore_mem>>) src(%arg9 : memref<128x128xf32, #tpu.memory_space<vmem>>) dst(%dma_wait3A_216 : memref<10240x128xf32, #tpu.memory_space<vmem_shared>>)
        tpu.yield
      }) : () -> ()
      %add3A_142 = arith.constant 3 : i32
      %add3A_143 = arith.addi %mul3A_65, %add3A_142 : i32
      %add3A_144 = arith.constant 2 : i32
      %add3A_145 = arith.addi %add3A_143, %add3A_144 : i32
      %dma_start3A_146 = arith.constant 0 : i32
      %dma_start3A_147 = tpu.memref_slice %arg6[%add3A_145, %dma_start3A_146] : memref<40x128xi32, #tpu.memory_space<vmem>> -> memref<1x128xi32, #tpu.memory_space<vmem>>
      %dma_start3A_148 = tpu.memref_squeeze %dma_start3A_147 : memref<1x128xi32, #tpu.memory_space<vmem>> -> memref<128xi32, #tpu.memory_space<vmem>>
      %dma_start3A_149 = arith.constant 0 : i32
      %dma_start3A_150 = arith.constant 0 : i32
      %dma_start3A_151 = tpu.memref_slice %arg2[%dma_start3A_149, %dma_start3A_150] : memref<10240x128xf32, #tpu.memory_space<hbm>> -> memref<10240x128xf32, #tpu.memory_space<hbm>>
      tpu.enqueue_indirect_dma source(%dma_start3A_151 : memref<10240x128xf32, #tpu.memory_space<hbm>>) target(%arg9 : memref<128x128xf32, #tpu.memory_space<vmem>>) offsets(%dma_start3A_148 : memref<128xi32, #tpu.memory_space<vmem>>) semaphore(%arg12 : memref<!tpu.dma_semaphore, #tpu.memory_space<semaphore_mem>>)
      %dma_wait3A_152 = arith.constant 0 : i32
      %dma_wait3A_153 = tpu.memref_slice %arg6[%add3A_127, %dma_wait3A_152] : memref<40x128xi32, #tpu.memory_space<vmem>> -> memref<1x128xi32, #tpu.memory_space<vmem>>
      %dma_wait3A_154 = tpu.memref_squeeze %dma_wait3A_153 : memref<1x128xi32, #tpu.memory_space<vmem>> -> memref<128xi32, #tpu.memory_space<vmem>>
      %dma_wait3A_155 = arith.constant 0 : i32
      %dma_wait3A_156 = arith.constant 0 : i32
      %dma_wait3A_157 = tpu.memref_slice %arg2[%dma_wait3A_155, %dma_wait3A_156] : memref<10240x128xf32, #tpu.memory_space<hbm>> -> memref<10240x128xf32, #tpu.memory_space<hbm>>
      tpu.wait_indirect_dma semaphore(%arg11 : memref<!tpu.dma_semaphore, #tpu.memory_space<semaphore_mem>>) src(%dma_wait3A_157 : memref<10240x128xf32, #tpu.memory_space<hbm>>) dst(%arg8 : memref<128x128xf32, #tpu.memory_space<vmem>>)
      %add3A_158 = arith.constant 4 : i32
      %add3A_159 = arith.addi %mul3A_65, %add3A_158 : i32
      "tpu.region"() ({
        %run_scoped3A = tpu.sem_alloc : memref<!tpu.dma_semaphore, #tpu.memory_space<semaphore_mem>>
        %dma_start3A_205 = arith.constant 0 : i32
        %dma_start3A_206 = tpu.memref_slice %arg7[%add3A_159, %dma_start3A_205] : memref<40x128xi32, #tpu.memory_space<vmem>> -> memref<1x128xi32, #tpu.memory_space<vmem>>
        %dma_start3A_207 = tpu.memref_squeeze %dma_start3A_206 : memref<1x128xi32, #tpu.memory_space<vmem>> -> memref<128xi32, #tpu.memory_space<vmem>>
        %dma_start3A_208 = arith.constant 0 : i32
        %dma_start3A_209 = arith.constant 0 : i32
        %dma_start3A_210 = tpu.memref_slice %arg10[%dma_start3A_208, %dma_start3A_209] : memref<10240x128xf32, #tpu.memory_space<vmem_shared>> -> memref<10240x128xf32, #tpu.memory_space<vmem_shared>>
        tpu.enqueue_indirect_dma source(%arg8 : memref<128x128xf32, #tpu.memory_space<vmem>>) target(%dma_start3A_210 : memref<10240x128xf32, #tpu.memory_space<vmem_shared>>) offsets(%dma_start3A_207 : memref<128xi32, #tpu.memory_space<vmem>>) semaphore(%run_scoped3A : memref<!tpu.dma_semaphore, #tpu.memory_space<semaphore_mem>>) {add = true}
        %dma_wait3A_211 = arith.constant 0 : i32
        %dma_wait3A_212 = tpu.memref_slice %arg7[%add3A_159, %dma_wait3A_211] : memref<40x128xi32, #tpu.memory_space<vmem>> -> memref<1x128xi32, #tpu.memory_space<vmem>>
        %dma_wait3A_213 = tpu.memref_squeeze %dma_wait3A_212 : memref<1x128xi32, #tpu.memory_space<vmem>> -> memref<128xi32, #tpu.memory_space<vmem>>
        %dma_wait3A_214 = arith.constant 0 : i32
        %dma_wait3A_215 = arith.constant 0 : i32
        %dma_wait3A_216 = tpu.memref_slice %arg10[%dma_wait3A_214, %dma_wait3A_215] : memref<10240x128xf32, #tpu.memory_space<vmem_shared>> -> memref<10240x128xf32, #tpu.memory_space<vmem_shared>>
        tpu.wait_indirect_dma semaphore(%run_scoped3A : memref<!tpu.dma_semaphore, #tpu.memory_space<semaphore_mem>>) src(%arg8 : memref<128x128xf32, #tpu.memory_space<vmem>>) dst(%dma_wait3A_216 : memref<10240x128xf32, #tpu.memory_space<vmem_shared>>)
        tpu.yield
      }) : () -> ()
      %add3A_160 = arith.constant 4 : i32
      %add3A_161 = arith.addi %mul3A_65, %add3A_160 : i32
      %add3A_162 = arith.constant 2 : i32
      %add3A_163 = arith.addi %add3A_161, %add3A_162 : i32
      %dma_start3A_164 = arith.constant 0 : i32
      %dma_start3A_165 = tpu.memref_slice %arg6[%add3A_163, %dma_start3A_164] : memref<40x128xi32, #tpu.memory_space<vmem>> -> memref<1x128xi32, #tpu.memory_space<vmem>>
      %dma_start3A_166 = tpu.memref_squeeze %dma_start3A_165 : memref<1x128xi32, #tpu.memory_space<vmem>> -> memref<128xi32, #tpu.memory_space<vmem>>
      %dma_start3A_167 = arith.constant 0 : i32
      %dma_start3A_168 = arith.constant 0 : i32
      %dma_start3A_169 = tpu.memref_slice %arg2[%dma_start3A_167, %dma_start3A_168] : memref<10240x128xf32, #tpu.memory_space<hbm>> -> memref<10240x128xf32, #tpu.memory_space<hbm>>
      tpu.enqueue_indirect_dma source(%dma_start3A_169 : memref<10240x128xf32, #tpu.memory_space<hbm>>) target(%arg8 : memref<128x128xf32, #tpu.memory_space<vmem>>) offsets(%dma_start3A_166 : memref<128xi32, #tpu.memory_space<vmem>>) semaphore(%arg11 : memref<!tpu.dma_semaphore, #tpu.memory_space<semaphore_mem>>)
      %dma_wait3A_170 = arith.constant 0 : i32
      %dma_wait3A_171 = tpu.memref_slice %arg6[%add3A_145, %dma_wait3A_170] : memref<40x128xi32, #tpu.memory_space<vmem>> -> memref<1x128xi32, #tpu.memory_space<vmem>>
      %dma_wait3A_172 = tpu.memref_squeeze %dma_wait3A_171 : memref<1x128xi32, #tpu.memory_space<vmem>> -> memref<128xi32, #tpu.memory_space<vmem>>
      %dma_wait3A_173 = arith.constant 0 : i32
      %dma_wait3A_174 = arith.constant 0 : i32
      %dma_wait3A_175 = tpu.memref_slice %arg2[%dma_wait3A_173, %dma_wait3A_174] : memref<10240x128xf32, #tpu.memory_space<hbm>> -> memref<10240x128xf32, #tpu.memory_space<hbm>>
      tpu.wait_indirect_dma semaphore(%arg12 : memref<!tpu.dma_semaphore, #tpu.memory_space<semaphore_mem>>) src(%dma_wait3A_175 : memref<10240x128xf32, #tpu.memory_space<hbm>>) dst(%arg9 : memref<128x128xf32, #tpu.memory_space<vmem>>)
      %add3A_176 = arith.constant 5 : i32
      %add3A_177 = arith.addi %mul3A_65, %add3A_176 : i32
      "tpu.region"() ({
        %run_scoped3A = tpu.sem_alloc : memref<!tpu.dma_semaphore, #tpu.memory_space<semaphore_mem>>
        %dma_start3A_205 = arith.constant 0 : i32
        %dma_start3A_206 = tpu.memref_slice %arg7[%add3A_177, %dma_start3A_205] : memref<40x128xi32, #tpu.memory_space<vmem>> -> memref<1x128xi32, #tpu.memory_space<vmem>>
        %dma_start3A_207 = tpu.memref_squeeze %dma_start3A_206 : memref<1x128xi32, #tpu.memory_space<vmem>> -> memref<128xi32, #tpu.memory_space<vmem>>
        %dma_start3A_208 = arith.constant 0 : i32
        %dma_start3A_209 = arith.constant 0 : i32
        %dma_start3A_210 = tpu.memref_slice %arg10[%dma_start3A_208, %dma_start3A_209] : memref<10240x128xf32, #tpu.memory_space<vmem_shared>> -> memref<10240x128xf32, #tpu.memory_space<vmem_shared>>
        tpu.enqueue_indirect_dma source(%arg9 : memref<128x128xf32, #tpu.memory_space<vmem>>) target(%dma_start3A_210 : memref<10240x128xf32, #tpu.memory_space<vmem_shared>>) offsets(%dma_start3A_207 : memref<128xi32, #tpu.memory_space<vmem>>) semaphore(%run_scoped3A : memref<!tpu.dma_semaphore, #tpu.memory_space<semaphore_mem>>) {add = true}
        %dma_wait3A_211 = arith.constant 0 : i32
        %dma_wait3A_212 = tpu.memref_slice %arg7[%add3A_177, %dma_wait3A_211] : memref<40x128xi32, #tpu.memory_space<vmem>> -> memref<1x128xi32, #tpu.memory_space<vmem>>
        %dma_wait3A_213 = tpu.memref_squeeze %dma_wait3A_212 : memref<1x128xi32, #tpu.memory_space<vmem>> -> memref<128xi32, #tpu.memory_space<vmem>>
        %dma_wait3A_214 = arith.constant 0 : i32
        %dma_wait3A_215 = arith.constant 0 : i32
        %dma_wait3A_216 = tpu.memref_slice %arg10[%dma_wait3A_214, %dma_wait3A_215] : memref<10240x128xf32, #tpu.memory_space<vmem_shared>> -> memref<10240x128xf32, #tpu.memory_space<vmem_shared>>
        tpu.wait_indirect_dma semaphore(%run_scoped3A : memref<!tpu.dma_semaphore, #tpu.memory_space<semaphore_mem>>) src(%arg9 : memref<128x128xf32, #tpu.memory_space<vmem>>) dst(%dma_wait3A_216 : memref<10240x128xf32, #tpu.memory_space<vmem_shared>>)
        tpu.yield
      }) : () -> ()
      %add3A_178 = arith.constant 5 : i32
      %add3A_179 = arith.addi %mul3A_65, %add3A_178 : i32
      %add3A_180 = arith.constant 2 : i32
      %add3A_181 = arith.addi %add3A_179, %add3A_180 : i32
      %dma_start3A_182 = arith.constant 0 : i32
      %dma_start3A_183 = tpu.memref_slice %arg6[%add3A_181, %dma_start3A_182] : memref<40x128xi32, #tpu.memory_space<vmem>> -> memref<1x128xi32, #tpu.memory_space<vmem>>
      %dma_start3A_184 = tpu.memref_squeeze %dma_start3A_183 : memref<1x128xi32, #tpu.memory_space<vmem>> -> memref<128xi32, #tpu.memory_space<vmem>>
      %dma_start3A_185 = arith.constant 0 : i32
      %dma_start3A_186 = arith.constant 0 : i32
      %dma_start3A_187 = tpu.memref_slice %arg2[%dma_start3A_185, %dma_start3A_186] : memref<10240x128xf32, #tpu.memory_space<hbm>> -> memref<10240x128xf32, #tpu.memory_space<hbm>>
      tpu.enqueue_indirect_dma source(%dma_start3A_187 : memref<10240x128xf32, #tpu.memory_space<hbm>>) target(%arg9 : memref<128x128xf32, #tpu.memory_space<vmem>>) offsets(%dma_start3A_184 : memref<128xi32, #tpu.memory_space<vmem>>) semaphore(%arg12 : memref<!tpu.dma_semaphore, #tpu.memory_space<semaphore_mem>>)
      %dma_wait3A_188 = arith.constant 0 : i32
      %dma_wait3A_189 = tpu.memref_slice %arg6[%add3A_163, %dma_wait3A_188] : memref<40x128xi32, #tpu.memory_space<vmem>> -> memref<1x128xi32, #tpu.memory_space<vmem>>
      %dma_wait3A_190 = tpu.memref_squeeze %dma_wait3A_189 : memref<1x128xi32, #tpu.memory_space<vmem>> -> memref<128xi32, #tpu.memory_space<vmem>>
      %dma_wait3A_191 = arith.constant 0 : i32
      %dma_wait3A_192 = arith.constant 0 : i32
      %dma_wait3A_193 = tpu.memref_slice %arg2[%dma_wait3A_191, %dma_wait3A_192] : memref<10240x128xf32, #tpu.memory_space<hbm>> -> memref<10240x128xf32, #tpu.memory_space<hbm>>
      tpu.wait_indirect_dma semaphore(%arg11 : memref<!tpu.dma_semaphore, #tpu.memory_space<semaphore_mem>>) src(%dma_wait3A_193 : memref<10240x128xf32, #tpu.memory_space<hbm>>) dst(%arg8 : memref<128x128xf32, #tpu.memory_space<vmem>>)
      %add3A_194 = arith.constant 6 : i32
      %add3A_195 = arith.addi %mul3A_65, %add3A_194 : i32
      "tpu.region"() ({
        %run_scoped3A = tpu.sem_alloc : memref<!tpu.dma_semaphore, #tpu.memory_space<semaphore_mem>>
        %dma_start3A_205 = arith.constant 0 : i32
        %dma_start3A_206 = tpu.memref_slice %arg7[%add3A_195, %dma_start3A_205] : memref<40x128xi32, #tpu.memory_space<vmem>> -> memref<1x128xi32, #tpu.memory_space<vmem>>
        %dma_start3A_207 = tpu.memref_squeeze %dma_start3A_206 : memref<1x128xi32, #tpu.memory_space<vmem>> -> memref<128xi32, #tpu.memory_space<vmem>>
        %dma_start3A_208 = arith.constant 0 : i32
        %dma_start3A_209 = arith.constant 0 : i32
        %dma_start3A_210 = tpu.memref_slice %arg10[%dma_start3A_208, %dma_start3A_209] : memref<10240x128xf32, #tpu.memory_space<vmem_shared>> -> memref<10240x128xf32, #tpu.memory_space<vmem_shared>>
        tpu.enqueue_indirect_dma source(%arg8 : memref<128x128xf32, #tpu.memory_space<vmem>>) target(%dma_start3A_210 : memref<10240x128xf32, #tpu.memory_space<vmem_shared>>) offsets(%dma_start3A_207 : memref<128xi32, #tpu.memory_space<vmem>>) semaphore(%run_scoped3A : memref<!tpu.dma_semaphore, #tpu.memory_space<semaphore_mem>>) {add = true}
        %dma_wait3A_211 = arith.constant 0 : i32
        %dma_wait3A_212 = tpu.memref_slice %arg7[%add3A_195, %dma_wait3A_211] : memref<40x128xi32, #tpu.memory_space<vmem>> -> memref<1x128xi32, #tpu.memory_space<vmem>>
        %dma_wait3A_213 = tpu.memref_squeeze %dma_wait3A_212 : memref<1x128xi32, #tpu.memory_space<vmem>> -> memref<128xi32, #tpu.memory_space<vmem>>
        %dma_wait3A_214 = arith.constant 0 : i32
        %dma_wait3A_215 = arith.constant 0 : i32
        %dma_wait3A_216 = tpu.memref_slice %arg10[%dma_wait3A_214, %dma_wait3A_215] : memref<10240x128xf32, #tpu.memory_space<vmem_shared>> -> memref<10240x128xf32, #tpu.memory_space<vmem_shared>>
        tpu.wait_indirect_dma semaphore(%run_scoped3A : memref<!tpu.dma_semaphore, #tpu.memory_space<semaphore_mem>>) src(%arg8 : memref<128x128xf32, #tpu.memory_space<vmem>>) dst(%dma_wait3A_216 : memref<10240x128xf32, #tpu.memory_space<vmem_shared>>)
        tpu.yield
      }) : () -> ()
      %dma_wait3A_196 = arith.constant 0 : i32
      %dma_wait3A_197 = tpu.memref_slice %arg6[%add3A_181, %dma_wait3A_196] : memref<40x128xi32, #tpu.memory_space<vmem>> -> memref<1x128xi32, #tpu.memory_space<vmem>>
      %dma_wait3A_198 = tpu.memref_squeeze %dma_wait3A_197 : memref<1x128xi32, #tpu.memory_space<vmem>> -> memref<128xi32, #tpu.memory_space<vmem>>
      %dma_wait3A_199 = arith.constant 0 : i32
      %dma_wait3A_200 = arith.constant 0 : i32
      %dma_wait3A_201 = tpu.memref_slice %arg2[%dma_wait3A_199, %dma_wait3A_200] : memref<10240x128xf32, #tpu.memory_space<hbm>> -> memref<10240x128xf32, #tpu.memory_space<hbm>>
      tpu.wait_indirect_dma semaphore(%arg12 : memref<!tpu.dma_semaphore, #tpu.memory_space<semaphore_mem>>) src(%dma_wait3A_201 : memref<10240x128xf32, #tpu.memory_space<hbm>>) dst(%arg9 : memref<128x128xf32, #tpu.memory_space<vmem>>)
      %add3A_202 = arith.constant 7 : i32
      %add3A_203 = arith.addi %mul3A_65, %add3A_202 : i32
      "tpu.region"() ({
        %run_scoped3A = tpu.sem_alloc : memref<!tpu.dma_semaphore, #tpu.memory_space<semaphore_mem>>
        %dma_start3A_205 = arith.constant 0 : i32
        %dma_start3A_206 = tpu.memref_slice %arg7[%add3A_203, %dma_start3A_205] : memref<40x128xi32, #tpu.memory_space<vmem>> -> memref<1x128xi32, #tpu.memory_space<vmem>>
        %dma_start3A_207 = tpu.memref_squeeze %dma_start3A_206 : memref<1x128xi32, #tpu.memory_space<vmem>> -> memref<128xi32, #tpu.memory_space<vmem>>
        %dma_start3A_208 = arith.constant 0 : i32
        %dma_start3A_209 = arith.constant 0 : i32
        %dma_start3A_210 = tpu.memref_slice %arg10[%dma_start3A_208, %dma_start3A_209] : memref<10240x128xf32, #tpu.memory_space<vmem_shared>> -> memref<10240x128xf32, #tpu.memory_space<vmem_shared>>
        tpu.enqueue_indirect_dma source(%arg9 : memref<128x128xf32, #tpu.memory_space<vmem>>) target(%dma_start3A_210 : memref<10240x128xf32, #tpu.memory_space<vmem_shared>>) offsets(%dma_start3A_207 : memref<128xi32, #tpu.memory_space<vmem>>) semaphore(%run_scoped3A : memref<!tpu.dma_semaphore, #tpu.memory_space<semaphore_mem>>) {add = true}
        %dma_wait3A_211 = arith.constant 0 : i32
        %dma_wait3A_212 = tpu.memref_slice %arg7[%add3A_203, %dma_wait3A_211] : memref<40x128xi32, #tpu.memory_space<vmem>> -> memref<1x128xi32, #tpu.memory_space<vmem>>
        %dma_wait3A_213 = tpu.memref_squeeze %dma_wait3A_212 : memref<1x128xi32, #tpu.memory_space<vmem>> -> memref<128xi32, #tpu.memory_space<vmem>>
        %dma_wait3A_214 = arith.constant 0 : i32
        %dma_wait3A_215 = arith.constant 0 : i32
        %dma_wait3A_216 = tpu.memref_slice %arg10[%dma_wait3A_214, %dma_wait3A_215] : memref<10240x128xf32, #tpu.memory_space<vmem_shared>> -> memref<10240x128xf32, #tpu.memory_space<vmem_shared>>
        tpu.wait_indirect_dma semaphore(%run_scoped3A : memref<!tpu.dma_semaphore, #tpu.memory_space<semaphore_mem>>) src(%arg9 : memref<128x128xf32, #tpu.memory_space<vmem>>) dst(%dma_wait3A_216 : memref<10240x128xf32, #tpu.memory_space<vmem_shared>>)
        tpu.yield
      }) : () -> ()
      %scan3A_204 = arith.constant 0 : i32
      scf.yield %scan3A_204 : i32
    }
    %scan3A_41 = arith.constant 5 : i32
    %mul3A_42 = arith.constant 80 : i32
    %mul3A_43 = arith.muli %add3A, %mul3A_42 : i32
    %add3A_44 = arith.constant 40 : i32
    %add3A_45 = arith.addi %mul3A_43, %add3A_44 : i32
    "tpu.region"() ({
      %run_scoped3A = tpu.sem_alloc : memref<!tpu.dma_semaphore, #tpu.memory_space<semaphore_mem>>
      %dma_start3A = arith.constant 0 : i32
      %dma_start3A_62 = tpu.memref_slice %arg3[%add3A_45, %dma_start3A] : memref<2560x128xi32, #tpu.memory_space<hbm>> -> memref<40x128xi32, #tpu.memory_space<hbm>>
      %dma_start3A_63 = arith.constant 0 : i32
      %dma_start3A_64 = tpu.memref_slice %arg3[%add3A_45, %dma_start3A_63] : memref<2560x128xi32, #tpu.memory_space<hbm>> -> memref<40x128xi32, #tpu.memory_space<hbm>>
      tpu.enqueue_dma source(%dma_start3A_64 : memref<40x128xi32, #tpu.memory_space<hbm>>) target(%arg6 : memref<40x128xi32, #tpu.memory_space<vmem>>) target_semaphore(%run_scoped3A : memref<!tpu.dma_semaphore, #tpu.memory_space<semaphore_mem>>)
      %dma_wait3A = arith.constant 0 : i32
      %dma_wait3A_65 = tpu.memref_slice %arg3[%add3A_45, %dma_wait3A] : memref<2560x128xi32, #tpu.memory_space<hbm>> -> memref<40x128xi32, #tpu.memory_space<hbm>>
      %dma_wait3A_66 = arith.constant 0 : i32
      %dma_wait3A_67 = tpu.memref_slice %arg3[%add3A_45, %dma_wait3A_66] : memref<2560x128xi32, #tpu.memory_space<hbm>> -> memref<40x128xi32, #tpu.memory_space<hbm>>
      tpu.wait_dma2 semaphore(%run_scoped3A : memref<!tpu.dma_semaphore, #tpu.memory_space<semaphore_mem>>) src(%dma_wait3A_67 : memref<40x128xi32, #tpu.memory_space<hbm>>) dst(%arg6 : memref<40x128xi32, #tpu.memory_space<vmem>>)
      tpu.yield
    }) : () -> ()
    %mul3A_46 = arith.constant 80 : i32
    %mul3A_47 = arith.muli %add3A, %mul3A_46 : i32
    %add3A_48 = arith.constant 40 : i32
    %add3A_49 = arith.addi %mul3A_47, %add3A_48 : i32
    "tpu.region"() ({
      %run_scoped3A = tpu.sem_alloc : memref<!tpu.dma_semaphore, #tpu.memory_space<semaphore_mem>>
      %dma_start3A = arith.constant 0 : i32
      %dma_start3A_62 = tpu.memref_slice %arg4[%add3A_49, %dma_start3A] : memref<2560x128xi32, #tpu.memory_space<hbm>> -> memref<40x128xi32, #tpu.memory_space<hbm>>
      %dma_start3A_63 = arith.constant 0 : i32
      %dma_start3A_64 = tpu.memref_slice %arg4[%add3A_49, %dma_start3A_63] : memref<2560x128xi32, #tpu.memory_space<hbm>> -> memref<40x128xi32, #tpu.memory_space<hbm>>
      tpu.enqueue_dma source(%dma_start3A_64 : memref<40x128xi32, #tpu.memory_space<hbm>>) target(%arg7 : memref<40x128xi32, #tpu.memory_space<vmem>>) target_semaphore(%run_scoped3A : memref<!tpu.dma_semaphore, #tpu.memory_space<semaphore_mem>>)
      %dma_wait3A = arith.constant 0 : i32
      %dma_wait3A_65 = tpu.memref_slice %arg4[%add3A_49, %dma_wait3A] : memref<2560x128xi32, #tpu.memory_space<hbm>> -> memref<40x128xi32, #tpu.memory_space<hbm>>
      %dma_wait3A_66 = arith.constant 0 : i32
      %dma_wait3A_67 = tpu.memref_slice %arg4[%add3A_49, %dma_wait3A_66] : memref<2560x128xi32, #tpu.memory_space<hbm>> -> memref<40x128xi32, #tpu.memory_space<hbm>>
      tpu.wait_dma2 semaphore(%run_scoped3A : memref<!tpu.dma_semaphore, #tpu.memory_space<semaphore_mem>>) src(%dma_wait3A_67 : memref<40x128xi32, #tpu.memory_space<hbm>>) dst(%arg7 : memref<40x128xi32, #tpu.memory_space<vmem>>)
      tpu.yield
    }) : () -> ()
    %scan3A_50 = arith.constant 0 : i32
    %scan3A_51 = arith.constant 0 : i32
    %scan3A_52 = arith.constant 5 : i32
    %scan3A_53 = arith.addi %scan3A_51, %scan3A_52 : i32
    %scan3A_54 = arith.constant 1 : i32
    %scan3A_55 = scf.for %scan3A_62 = %scan3A_51 to %scan3A_53 step %scan3A_54 iter_args(%scan3A_63 = %scan3A_50) -> (i32)  : i32 {
      %mul3A_64 = arith.constant 8 : i32
      %mul3A_65 = arith.muli %scan3A_62, %mul3A_64 : i32
      %add3A_66 = arith.constant 0 : i32
      %add3A_67 = arith.addi %mul3A_65, %add3A_66 : i32
      %dma_start3A = arith.constant 0 : i32
      %dma_start3A_68 = tpu.memref_slice %arg6[%add3A_67, %dma_start3A] : memref<40x128xi32, #tpu.memory_space<vmem>> -> memref<1x128xi32, #tpu.memory_space<vmem>>
      %dma_start3A_69 = tpu.memref_squeeze %dma_start3A_68 : memref<1x128xi32, #tpu.memory_space<vmem>> -> memref<128xi32, #tpu.memory_space<vmem>>
      %dma_start3A_70 = arith.constant 0 : i32
      %dma_start3A_71 = arith.constant 0 : i32
      %dma_start3A_72 = tpu.memref_slice %arg2[%dma_start3A_70, %dma_start3A_71] : memref<10240x128xf32, #tpu.memory_space<hbm>> -> memref<10240x128xf32, #tpu.memory_space<hbm>>
      tpu.enqueue_indirect_dma source(%dma_start3A_72 : memref<10240x128xf32, #tpu.memory_space<hbm>>) target(%arg8 : memref<128x128xf32, #tpu.memory_space<vmem>>) offsets(%dma_start3A_69 : memref<128xi32, #tpu.memory_space<vmem>>) semaphore(%arg11 : memref<!tpu.dma_semaphore, #tpu.memory_space<semaphore_mem>>)
      %add3A_73 = arith.constant 1 : i32
      %add3A_74 = arith.addi %mul3A_65, %add3A_73 : i32
      %dma_start3A_75 = arith.constant 0 : i32
      %dma_start3A_76 = tpu.memref_slice %arg6[%add3A_74, %dma_start3A_75] : memref<40x128xi32, #tpu.memory_space<vmem>> -> memref<1x128xi32, #tpu.memory_space<vmem>>
      %dma_start3A_77 = tpu.memref_squeeze %dma_start3A_76 : memref<1x128xi32, #tpu.memory_space<vmem>> -> memref<128xi32, #tpu.memory_space<vmem>>
      %dma_start3A_78 = arith.constant 0 : i32
      %dma_start3A_79 = arith.constant 0 : i32
      %dma_start3A_80 = tpu.memref_slice %arg2[%dma_start3A_78, %dma_start3A_79] : memref<10240x128xf32, #tpu.memory_space<hbm>> -> memref<10240x128xf32, #tpu.memory_space<hbm>>
      tpu.enqueue_indirect_dma source(%dma_start3A_80 : memref<10240x128xf32, #tpu.memory_space<hbm>>) target(%arg9 : memref<128x128xf32, #tpu.memory_space<vmem>>) offsets(%dma_start3A_77 : memref<128xi32, #tpu.memory_space<vmem>>) semaphore(%arg12 : memref<!tpu.dma_semaphore, #tpu.memory_space<semaphore_mem>>)
      %dma_wait3A = arith.constant 0 : i32
      %dma_wait3A_81 = tpu.memref_slice %arg6[%add3A_67, %dma_wait3A] : memref<40x128xi32, #tpu.memory_space<vmem>> -> memref<1x128xi32, #tpu.memory_space<vmem>>
      %dma_wait3A_82 = tpu.memref_squeeze %dma_wait3A_81 : memref<1x128xi32, #tpu.memory_space<vmem>> -> memref<128xi32, #tpu.memory_space<vmem>>
      %dma_wait3A_83 = arith.constant 0 : i32
      %dma_wait3A_84 = arith.constant 0 : i32
      %dma_wait3A_85 = tpu.memref_slice %arg2[%dma_wait3A_83, %dma_wait3A_84] : memref<10240x128xf32, #tpu.memory_space<hbm>> -> memref<10240x128xf32, #tpu.memory_space<hbm>>
      tpu.wait_indirect_dma semaphore(%arg11 : memref<!tpu.dma_semaphore, #tpu.memory_space<semaphore_mem>>) src(%dma_wait3A_85 : memref<10240x128xf32, #tpu.memory_space<hbm>>) dst(%arg8 : memref<128x128xf32, #tpu.memory_space<vmem>>)
      %add3A_86 = arith.constant 0 : i32
      %add3A_87 = arith.addi %mul3A_65, %add3A_86 : i32
      "tpu.region"() ({
        %run_scoped3A = tpu.sem_alloc : memref<!tpu.dma_semaphore, #tpu.memory_space<semaphore_mem>>
        %dma_start3A_205 = arith.constant 0 : i32
        %dma_start3A_206 = tpu.memref_slice %arg7[%add3A_87, %dma_start3A_205] : memref<40x128xi32, #tpu.memory_space<vmem>> -> memref<1x128xi32, #tpu.memory_space<vmem>>
        %dma_start3A_207 = tpu.memref_squeeze %dma_start3A_206 : memref<1x128xi32, #tpu.memory_space<vmem>> -> memref<128xi32, #tpu.memory_space<vmem>>
        %dma_start3A_208 = arith.constant 0 : i32
        %dma_start3A_209 = arith.constant 0 : i32
        %dma_start3A_210 = tpu.memref_slice %arg10[%dma_start3A_208, %dma_start3A_209] : memref<10240x128xf32, #tpu.memory_space<vmem_shared>> -> memref<10240x128xf32, #tpu.memory_space<vmem_shared>>
        tpu.enqueue_indirect_dma source(%arg8 : memref<128x128xf32, #tpu.memory_space<vmem>>) target(%dma_start3A_210 : memref<10240x128xf32, #tpu.memory_space<vmem_shared>>) offsets(%dma_start3A_207 : memref<128xi32, #tpu.memory_space<vmem>>) semaphore(%run_scoped3A : memref<!tpu.dma_semaphore, #tpu.memory_space<semaphore_mem>>) {add = true}
        %dma_wait3A_211 = arith.constant 0 : i32
        %dma_wait3A_212 = tpu.memref_slice %arg7[%add3A_87, %dma_wait3A_211] : memref<40x128xi32, #tpu.memory_space<vmem>> -> memref<1x128xi32, #tpu.memory_space<vmem>>
        %dma_wait3A_213 = tpu.memref_squeeze %dma_wait3A_212 : memref<1x128xi32, #tpu.memory_space<vmem>> -> memref<128xi32, #tpu.memory_space<vmem>>
        %dma_wait3A_214 = arith.constant 0 : i32
        %dma_wait3A_215 = arith.constant 0 : i32
        %dma_wait3A_216 = tpu.memref_slice %arg10[%dma_wait3A_214, %dma_wait3A_215] : memref<10240x128xf32, #tpu.memory_space<vmem_shared>> -> memref<10240x128xf32, #tpu.memory_space<vmem_shared>>
        tpu.wait_indirect_dma semaphore(%run_scoped3A : memref<!tpu.dma_semaphore, #tpu.memory_space<semaphore_mem>>) src(%arg8 : memref<128x128xf32, #tpu.memory_space<vmem>>) dst(%dma_wait3A_216 : memref<10240x128xf32, #tpu.memory_space<vmem_shared>>)
        tpu.yield
      }) : () -> ()
      %add3A_88 = arith.constant 0 : i32
      %add3A_89 = arith.addi %mul3A_65, %add3A_88 : i32
      %add3A_90 = arith.constant 2 : i32
      %add3A_91 = arith.addi %add3A_89, %add3A_90 : i32
      %dma_start3A_92 = arith.constant 0 : i32
      %dma_start3A_93 = tpu.memref_slice %arg6[%add3A_91, %dma_start3A_92] : memref<40x128xi32, #tpu.memory_space<vmem>> -> memref<1x128xi32, #tpu.memory_space<vmem>>
      %dma_start3A_94 = tpu.memref_squeeze %dma_start3A_93 : memref<1x128xi32, #tpu.memory_space<vmem>> -> memref<128xi32, #tpu.memory_space<vmem>>
      %dma_start3A_95 = arith.constant 0 : i32
      %dma_start3A_96 = arith.constant 0 : i32
      %dma_start3A_97 = tpu.memref_slice %arg2[%dma_start3A_95, %dma_start3A_96] : memref<10240x128xf32, #tpu.memory_space<hbm>> -> memref<10240x128xf32, #tpu.memory_space<hbm>>
      tpu.enqueue_indirect_dma source(%dma_start3A_97 : memref<10240x128xf32, #tpu.memory_space<hbm>>) target(%arg8 : memref<128x128xf32, #tpu.memory_space<vmem>>) offsets(%dma_start3A_94 : memref<128xi32, #tpu.memory_space<vmem>>) semaphore(%arg11 : memref<!tpu.dma_semaphore, #tpu.memory_space<semaphore_mem>>)
      %dma_wait3A_98 = arith.constant 0 : i32
      %dma_wait3A_99 = tpu.memref_slice %arg6[%add3A_74, %dma_wait3A_98] : memref<40x128xi32, #tpu.memory_space<vmem>> -> memref<1x128xi32, #tpu.memory_space<vmem>>
      %dma_wait3A_100 = tpu.memref_squeeze %dma_wait3A_99 : memref<1x128xi32, #tpu.memory_space<vmem>> -> memref<128xi32, #tpu.memory_space<vmem>>
      %dma_wait3A_101 = arith.constant 0 : i32
      %dma_wait3A_102 = arith.constant 0 : i32
      %dma_wait3A_103 = tpu.memref_slice %arg2[%dma_wait3A_101, %dma_wait3A_102] : memref<10240x128xf32, #tpu.memory_space<hbm>> -> memref<10240x128xf32, #tpu.memory_space<hbm>>
      tpu.wait_indirect_dma semaphore(%arg12 : memref<!tpu.dma_semaphore, #tpu.memory_space<semaphore_mem>>) src(%dma_wait3A_103 : memref<10240x128xf32, #tpu.memory_space<hbm>>) dst(%arg9 : memref<128x128xf32, #tpu.memory_space<vmem>>)
      %add3A_104 = arith.constant 1 : i32
      %add3A_105 = arith.addi %mul3A_65, %add3A_104 : i32
      "tpu.region"() ({
        %run_scoped3A = tpu.sem_alloc : memref<!tpu.dma_semaphore, #tpu.memory_space<semaphore_mem>>
        %dma_start3A_205 = arith.constant 0 : i32
        %dma_start3A_206 = tpu.memref_slice %arg7[%add3A_105, %dma_start3A_205] : memref<40x128xi32, #tpu.memory_space<vmem>> -> memref<1x128xi32, #tpu.memory_space<vmem>>
        %dma_start3A_207 = tpu.memref_squeeze %dma_start3A_206 : memref<1x128xi32, #tpu.memory_space<vmem>> -> memref<128xi32, #tpu.memory_space<vmem>>
        %dma_start3A_208 = arith.constant 0 : i32
        %dma_start3A_209 = arith.constant 0 : i32
        %dma_start3A_210 = tpu.memref_slice %arg10[%dma_start3A_208, %dma_start3A_209] : memref<10240x128xf32, #tpu.memory_space<vmem_shared>> -> memref<10240x128xf32, #tpu.memory_space<vmem_shared>>
        tpu.enqueue_indirect_dma source(%arg9 : memref<128x128xf32, #tpu.memory_space<vmem>>) target(%dma_start3A_210 : memref<10240x128xf32, #tpu.memory_space<vmem_shared>>) offsets(%dma_start3A_207 : memref<128xi32, #tpu.memory_space<vmem>>) semaphore(%run_scoped3A : memref<!tpu.dma_semaphore, #tpu.memory_space<semaphore_mem>>) {add = true}
        %dma_wait3A_211 = arith.constant 0 : i32
        %dma_wait3A_212 = tpu.memref_slice %arg7[%add3A_105, %dma_wait3A_211] : memref<40x128xi32, #tpu.memory_space<vmem>> -> memref<1x128xi32, #tpu.memory_space<vmem>>
        %dma_wait3A_213 = tpu.memref_squeeze %dma_wait3A_212 : memref<1x128xi32, #tpu.memory_space<vmem>> -> memref<128xi32, #tpu.memory_space<vmem>>
        %dma_wait3A_214 = arith.constant 0 : i32
        %dma_wait3A_215 = arith.constant 0 : i32
        %dma_wait3A_216 = tpu.memref_slice %arg10[%dma_wait3A_214, %dma_wait3A_215] : memref<10240x128xf32, #tpu.memory_space<vmem_shared>> -> memref<10240x128xf32, #tpu.memory_space<vmem_shared>>
        tpu.wait_indirect_dma semaphore(%run_scoped3A : memref<!tpu.dma_semaphore, #tpu.memory_space<semaphore_mem>>) src(%arg9 : memref<128x128xf32, #tpu.memory_space<vmem>>) dst(%dma_wait3A_216 : memref<10240x128xf32, #tpu.memory_space<vmem_shared>>)
        tpu.yield
      }) : () -> ()
      %add3A_106 = arith.constant 1 : i32
      %add3A_107 = arith.addi %mul3A_65, %add3A_106 : i32
      %add3A_108 = arith.constant 2 : i32
      %add3A_109 = arith.addi %add3A_107, %add3A_108 : i32
      %dma_start3A_110 = arith.constant 0 : i32
      %dma_start3A_111 = tpu.memref_slice %arg6[%add3A_109, %dma_start3A_110] : memref<40x128xi32, #tpu.memory_space<vmem>> -> memref<1x128xi32, #tpu.memory_space<vmem>>
      %dma_start3A_112 = tpu.memref_squeeze %dma_start3A_111 : memref<1x128xi32, #tpu.memory_space<vmem>> -> memref<128xi32, #tpu.memory_space<vmem>>
      %dma_start3A_113 = arith.constant 0 : i32
      %dma_start3A_114 = arith.constant 0 : i32
      %dma_start3A_115 = tpu.memref_slice %arg2[%dma_start3A_113, %dma_start3A_114] : memref<10240x128xf32, #tpu.memory_space<hbm>> -> memref<10240x128xf32, #tpu.memory_space<hbm>>
      tpu.enqueue_indirect_dma source(%dma_start3A_115 : memref<10240x128xf32, #tpu.memory_space<hbm>>) target(%arg9 : memref<128x128xf32, #tpu.memory_space<vmem>>) offsets(%dma_start3A_112 : memref<128xi32, #tpu.memory_space<vmem>>) semaphore(%arg12 : memref<!tpu.dma_semaphore, #tpu.memory_space<semaphore_mem>>)
      %dma_wait3A_116 = arith.constant 0 : i32
      %dma_wait3A_117 = tpu.memref_slice %arg6[%add3A_91, %dma_wait3A_116] : memref<40x128xi32, #tpu.memory_space<vmem>> -> memref<1x128xi32, #tpu.memory_space<vmem>>
      %dma_wait3A_118 = tpu.memref_squeeze %dma_wait3A_117 : memref<1x128xi32, #tpu.memory_space<vmem>> -> memref<128xi32, #tpu.memory_space<vmem>>
      %dma_wait3A_119 = arith.constant 0 : i32
      %dma_wait3A_120 = arith.constant 0 : i32
      %dma_wait3A_121 = tpu.memref_slice %arg2[%dma_wait3A_119, %dma_wait3A_120] : memref<10240x128xf32, #tpu.memory_space<hbm>> -> memref<10240x128xf32, #tpu.memory_space<hbm>>
      tpu.wait_indirect_dma semaphore(%arg11 : memref<!tpu.dma_semaphore, #tpu.memory_space<semaphore_mem>>) src(%dma_wait3A_121 : memref<10240x128xf32, #tpu.memory_space<hbm>>) dst(%arg8 : memref<128x128xf32, #tpu.memory_space<vmem>>)
      %add3A_122 = arith.constant 2 : i32
      %add3A_123 = arith.addi %mul3A_65, %add3A_122 : i32
      "tpu.region"() ({
        %run_scoped3A = tpu.sem_alloc : memref<!tpu.dma_semaphore, #tpu.memory_space<semaphore_mem>>
        %dma_start3A_205 = arith.constant 0 : i32
        %dma_start3A_206 = tpu.memref_slice %arg7[%add3A_123, %dma_start3A_205] : memref<40x128xi32, #tpu.memory_space<vmem>> -> memref<1x128xi32, #tpu.memory_space<vmem>>
        %dma_start3A_207 = tpu.memref_squeeze %dma_start3A_206 : memref<1x128xi32, #tpu.memory_space<vmem>> -> memref<128xi32, #tpu.memory_space<vmem>>
        %dma_start3A_208 = arith.constant 0 : i32
        %dma_start3A_209 = arith.constant 0 : i32
        %dma_start3A_210 = tpu.memref_slice %arg10[%dma_start3A_208, %dma_start3A_209] : memref<10240x128xf32, #tpu.memory_space<vmem_shared>> -> memref<10240x128xf32, #tpu.memory_space<vmem_shared>>
        tpu.enqueue_indirect_dma source(%arg8 : memref<128x128xf32, #tpu.memory_space<vmem>>) target(%dma_start3A_210 : memref<10240x128xf32, #tpu.memory_space<vmem_shared>>) offsets(%dma_start3A_207 : memref<128xi32, #tpu.memory_space<vmem>>) semaphore(%run_scoped3A : memref<!tpu.dma_semaphore, #tpu.memory_space<semaphore_mem>>) {add = true}
        %dma_wait3A_211 = arith.constant 0 : i32
        %dma_wait3A_212 = tpu.memref_slice %arg7[%add3A_123, %dma_wait3A_211] : memref<40x128xi32, #tpu.memory_space<vmem>> -> memref<1x128xi32, #tpu.memory_space<vmem>>
        %dma_wait3A_213 = tpu.memref_squeeze %dma_wait3A_212 : memref<1x128xi32, #tpu.memory_space<vmem>> -> memref<128xi32, #tpu.memory_space<vmem>>
        %dma_wait3A_214 = arith.constant 0 : i32
        %dma_wait3A_215 = arith.constant 0 : i32
        %dma_wait3A_216 = tpu.memref_slice %arg10[%dma_wait3A_214, %dma_wait3A_215] : memref<10240x128xf32, #tpu.memory_space<vmem_shared>> -> memref<10240x128xf32, #tpu.memory_space<vmem_shared>>
        tpu.wait_indirect_dma semaphore(%run_scoped3A : memref<!tpu.dma_semaphore, #tpu.memory_space<semaphore_mem>>) src(%arg8 : memref<128x128xf32, #tpu.memory_space<vmem>>) dst(%dma_wait3A_216 : memref<10240x128xf32, #tpu.memory_space<vmem_shared>>)
        tpu.yield
      }) : () -> ()
      %add3A_124 = arith.constant 2 : i32
      %add3A_125 = arith.addi %mul3A_65, %add3A_124 : i32
      %add3A_126 = arith.constant 2 : i32
      %add3A_127 = arith.addi %add3A_125, %add3A_126 : i32
      %dma_start3A_128 = arith.constant 0 : i32
      %dma_start3A_129 = tpu.memref_slice %arg6[%add3A_127, %dma_start3A_128] : memref<40x128xi32, #tpu.memory_space<vmem>> -> memref<1x128xi32, #tpu.memory_space<vmem>>
      %dma_start3A_130 = tpu.memref_squeeze %dma_start3A_129 : memref<1x128xi32, #tpu.memory_space<vmem>> -> memref<128xi32, #tpu.memory_space<vmem>>
      %dma_start3A_131 = arith.constant 0 : i32
      %dma_start3A_132 = arith.constant 0 : i32
      %dma_start3A_133 = tpu.memref_slice %arg2[%dma_start3A_131, %dma_start3A_132] : memref<10240x128xf32, #tpu.memory_space<hbm>> -> memref<10240x128xf32, #tpu.memory_space<hbm>>
      tpu.enqueue_indirect_dma source(%dma_start3A_133 : memref<10240x128xf32, #tpu.memory_space<hbm>>) target(%arg8 : memref<128x128xf32, #tpu.memory_space<vmem>>) offsets(%dma_start3A_130 : memref<128xi32, #tpu.memory_space<vmem>>) semaphore(%arg11 : memref<!tpu.dma_semaphore, #tpu.memory_space<semaphore_mem>>)
      %dma_wait3A_134 = arith.constant 0 : i32
      %dma_wait3A_135 = tpu.memref_slice %arg6[%add3A_109, %dma_wait3A_134] : memref<40x128xi32, #tpu.memory_space<vmem>> -> memref<1x128xi32, #tpu.memory_space<vmem>>
      %dma_wait3A_136 = tpu.memref_squeeze %dma_wait3A_135 : memref<1x128xi32, #tpu.memory_space<vmem>> -> memref<128xi32, #tpu.memory_space<vmem>>
      %dma_wait3A_137 = arith.constant 0 : i32
      %dma_wait3A_138 = arith.constant 0 : i32
      %dma_wait3A_139 = tpu.memref_slice %arg2[%dma_wait3A_137, %dma_wait3A_138] : memref<10240x128xf32, #tpu.memory_space<hbm>> -> memref<10240x128xf32, #tpu.memory_space<hbm>>
      tpu.wait_indirect_dma semaphore(%arg12 : memref<!tpu.dma_semaphore, #tpu.memory_space<semaphore_mem>>) src(%dma_wait3A_139 : memref<10240x128xf32, #tpu.memory_space<hbm>>) dst(%arg9 : memref<128x128xf32, #tpu.memory_space<vmem>>)
      %add3A_140 = arith.constant 3 : i32
      %add3A_141 = arith.addi %mul3A_65, %add3A_140 : i32
      "tpu.region"() ({
        %run_scoped3A = tpu.sem_alloc : memref<!tpu.dma_semaphore, #tpu.memory_space<semaphore_mem>>
        %dma_start3A_205 = arith.constant 0 : i32
        %dma_start3A_206 = tpu.memref_slice %arg7[%add3A_141, %dma_start3A_205] : memref<40x128xi32, #tpu.memory_space<vmem>> -> memref<1x128xi32, #tpu.memory_space<vmem>>
        %dma_start3A_207 = tpu.memref_squeeze %dma_start3A_206 : memref<1x128xi32, #tpu.memory_space<vmem>> -> memref<128xi32, #tpu.memory_space<vmem>>
        %dma_start3A_208 = arith.constant 0 : i32
        %dma_start3A_209 = arith.constant 0 : i32
        %dma_start3A_210 = tpu.memref_slice %arg10[%dma_start3A_208, %dma_start3A_209] : memref<10240x128xf32, #tpu.memory_space<vmem_shared>> -> memref<10240x128xf32, #tpu.memory_space<vmem_shared>>
        tpu.enqueue_indirect_dma source(%arg9 : memref<128x128xf32, #tpu.memory_space<vmem>>) target(%dma_start3A_210 : memref<10240x128xf32, #tpu.memory_space<vmem_shared>>) offsets(%dma_start3A_207 : memref<128xi32, #tpu.memory_space<vmem>>) semaphore(%run_scoped3A : memref<!tpu.dma_semaphore, #tpu.memory_space<semaphore_mem>>) {add = true}
        %dma_wait3A_211 = arith.constant 0 : i32
        %dma_wait3A_212 = tpu.memref_slice %arg7[%add3A_141, %dma_wait3A_211] : memref<40x128xi32, #tpu.memory_space<vmem>> -> memref<1x128xi32, #tpu.memory_space<vmem>>
        %dma_wait3A_213 = tpu.memref_squeeze %dma_wait3A_212 : memref<1x128xi32, #tpu.memory_space<vmem>> -> memref<128xi32, #tpu.memory_space<vmem>>
        %dma_wait3A_214 = arith.constant 0 : i32
        %dma_wait3A_215 = arith.constant 0 : i32
        %dma_wait3A_216 = tpu.memref_slice %arg10[%dma_wait3A_214, %dma_wait3A_215] : memref<10240x128xf32, #tpu.memory_space<vmem_shared>> -> memref<10240x128xf32, #tpu.memory_space<vmem_shared>>
        tpu.wait_indirect_dma semaphore(%run_scoped3A : memref<!tpu.dma_semaphore, #tpu.memory_space<semaphore_mem>>) src(%arg9 : memref<128x128xf32, #tpu.memory_space<vmem>>) dst(%dma_wait3A_216 : memref<10240x128xf32, #tpu.memory_space<vmem_shared>>)
        tpu.yield
      }) : () -> ()
      %add3A_142 = arith.constant 3 : i32
      %add3A_143 = arith.addi %mul3A_65, %add3A_142 : i32
      %add3A_144 = arith.constant 2 : i32
      %add3A_145 = arith.addi %add3A_143, %add3A_144 : i32
      %dma_start3A_146 = arith.constant 0 : i32
      %dma_start3A_147 = tpu.memref_slice %arg6[%add3A_145, %dma_start3A_146] : memref<40x128xi32, #tpu.memory_space<vmem>> -> memref<1x128xi32, #tpu.memory_space<vmem>>
      %dma_start3A_148 = tpu.memref_squeeze %dma_start3A_147 : memref<1x128xi32, #tpu.memory_space<vmem>> -> memref<128xi32, #tpu.memory_space<vmem>>
      %dma_start3A_149 = arith.constant 0 : i32
      %dma_start3A_150 = arith.constant 0 : i32
      %dma_start3A_151 = tpu.memref_slice %arg2[%dma_start3A_149, %dma_start3A_150] : memref<10240x128xf32, #tpu.memory_space<hbm>> -> memref<10240x128xf32, #tpu.memory_space<hbm>>
      tpu.enqueue_indirect_dma source(%dma_start3A_151 : memref<10240x128xf32, #tpu.memory_space<hbm>>) target(%arg9 : memref<128x128xf32, #tpu.memory_space<vmem>>) offsets(%dma_start3A_148 : memref<128xi32, #tpu.memory_space<vmem>>) semaphore(%arg12 : memref<!tpu.dma_semaphore, #tpu.memory_space<semaphore_mem>>)
      %dma_wait3A_152 = arith.constant 0 : i32
      %dma_wait3A_153 = tpu.memref_slice %arg6[%add3A_127, %dma_wait3A_152] : memref<40x128xi32, #tpu.memory_space<vmem>> -> memref<1x128xi32, #tpu.memory_space<vmem>>
      %dma_wait3A_154 = tpu.memref_squeeze %dma_wait3A_153 : memref<1x128xi32, #tpu.memory_space<vmem>> -> memref<128xi32, #tpu.memory_space<vmem>>
      %dma_wait3A_155 = arith.constant 0 : i32
      %dma_wait3A_156 = arith.constant 0 : i32
      %dma_wait3A_157 = tpu.memref_slice %arg2[%dma_wait3A_155, %dma_wait3A_156] : memref<10240x128xf32, #tpu.memory_space<hbm>> -> memref<10240x128xf32, #tpu.memory_space<hbm>>
      tpu.wait_indirect_dma semaphore(%arg11 : memref<!tpu.dma_semaphore, #tpu.memory_space<semaphore_mem>>) src(%dma_wait3A_157 : memref<10240x128xf32, #tpu.memory_space<hbm>>) dst(%arg8 : memref<128x128xf32, #tpu.memory_space<vmem>>)
      %add3A_158 = arith.constant 4 : i32
      %add3A_159 = arith.addi %mul3A_65, %add3A_158 : i32
      "tpu.region"() ({
        %run_scoped3A = tpu.sem_alloc : memref<!tpu.dma_semaphore, #tpu.memory_space<semaphore_mem>>
        %dma_start3A_205 = arith.constant 0 : i32
        %dma_start3A_206 = tpu.memref_slice %arg7[%add3A_159, %dma_start3A_205] : memref<40x128xi32, #tpu.memory_space<vmem>> -> memref<1x128xi32, #tpu.memory_space<vmem>>
        %dma_start3A_207 = tpu.memref_squeeze %dma_start3A_206 : memref<1x128xi32, #tpu.memory_space<vmem>> -> memref<128xi32, #tpu.memory_space<vmem>>
        %dma_start3A_208 = arith.constant 0 : i32
        %dma_start3A_209 = arith.constant 0 : i32
        %dma_start3A_210 = tpu.memref_slice %arg10[%dma_start3A_208, %dma_start3A_209] : memref<10240x128xf32, #tpu.memory_space<vmem_shared>> -> memref<10240x128xf32, #tpu.memory_space<vmem_shared>>
        tpu.enqueue_indirect_dma source(%arg8 : memref<128x128xf32, #tpu.memory_space<vmem>>) target(%dma_start3A_210 : memref<10240x128xf32, #tpu.memory_space<vmem_shared>>) offsets(%dma_start3A_207 : memref<128xi32, #tpu.memory_space<vmem>>) semaphore(%run_scoped3A : memref<!tpu.dma_semaphore, #tpu.memory_space<semaphore_mem>>) {add = true}
        %dma_wait3A_211 = arith.constant 0 : i32
        %dma_wait3A_212 = tpu.memref_slice %arg7[%add3A_159, %dma_wait3A_211] : memref<40x128xi32, #tpu.memory_space<vmem>> -> memref<1x128xi32, #tpu.memory_space<vmem>>
        %dma_wait3A_213 = tpu.memref_squeeze %dma_wait3A_212 : memref<1x128xi32, #tpu.memory_space<vmem>> -> memref<128xi32, #tpu.memory_space<vmem>>
        %dma_wait3A_214 = arith.constant 0 : i32
        %dma_wait3A_215 = arith.constant 0 : i32
        %dma_wait3A_216 = tpu.memref_slice %arg10[%dma_wait3A_214, %dma_wait3A_215] : memref<10240x128xf32, #tpu.memory_space<vmem_shared>> -> memref<10240x128xf32, #tpu.memory_space<vmem_shared>>
        tpu.wait_indirect_dma semaphore(%run_scoped3A : memref<!tpu.dma_semaphore, #tpu.memory_space<semaphore_mem>>) src(%arg8 : memref<128x128xf32, #tpu.memory_space<vmem>>) dst(%dma_wait3A_216 : memref<10240x128xf32, #tpu.memory_space<vmem_shared>>)
        tpu.yield
      }) : () -> ()
      %add3A_160 = arith.constant 4 : i32
      %add3A_161 = arith.addi %mul3A_65, %add3A_160 : i32
      %add3A_162 = arith.constant 2 : i32
      %add3A_163 = arith.addi %add3A_161, %add3A_162 : i32
      %dma_start3A_164 = arith.constant 0 : i32
      %dma_start3A_165 = tpu.memref_slice %arg6[%add3A_163, %dma_start3A_164] : memref<40x128xi32, #tpu.memory_space<vmem>> -> memref<1x128xi32, #tpu.memory_space<vmem>>
      %dma_start3A_166 = tpu.memref_squeeze %dma_start3A_165 : memref<1x128xi32, #tpu.memory_space<vmem>> -> memref<128xi32, #tpu.memory_space<vmem>>
      %dma_start3A_167 = arith.constant 0 : i32
      %dma_start3A_168 = arith.constant 0 : i32
      %dma_start3A_169 = tpu.memref_slice %arg2[%dma_start3A_167, %dma_start3A_168] : memref<10240x128xf32, #tpu.memory_space<hbm>> -> memref<10240x128xf32, #tpu.memory_space<hbm>>
      tpu.enqueue_indirect_dma source(%dma_start3A_169 : memref<10240x128xf32, #tpu.memory_space<hbm>>) target(%arg8 : memref<128x128xf32, #tpu.memory_space<vmem>>) offsets(%dma_start3A_166 : memref<128xi32, #tpu.memory_space<vmem>>) semaphore(%arg11 : memref<!tpu.dma_semaphore, #tpu.memory_space<semaphore_mem>>)
      %dma_wait3A_170 = arith.constant 0 : i32
      %dma_wait3A_171 = tpu.memref_slice %arg6[%add3A_145, %dma_wait3A_170] : memref<40x128xi32, #tpu.memory_space<vmem>> -> memref<1x128xi32, #tpu.memory_space<vmem>>
      %dma_wait3A_172 = tpu.memref_squeeze %dma_wait3A_171 : memref<1x128xi32, #tpu.memory_space<vmem>> -> memref<128xi32, #tpu.memory_space<vmem>>
      %dma_wait3A_173 = arith.constant 0 : i32
      %dma_wait3A_174 = arith.constant 0 : i32
      %dma_wait3A_175 = tpu.memref_slice %arg2[%dma_wait3A_173, %dma_wait3A_174] : memref<10240x128xf32, #tpu.memory_space<hbm>> -> memref<10240x128xf32, #tpu.memory_space<hbm>>
      tpu.wait_indirect_dma semaphore(%arg12 : memref<!tpu.dma_semaphore, #tpu.memory_space<semaphore_mem>>) src(%dma_wait3A_175 : memref<10240x128xf32, #tpu.memory_space<hbm>>) dst(%arg9 : memref<128x128xf32, #tpu.memory_space<vmem>>)
      %add3A_176 = arith.constant 5 : i32
      %add3A_177 = arith.addi %mul3A_65, %add3A_176 : i32
      "tpu.region"() ({
        %run_scoped3A = tpu.sem_alloc : memref<!tpu.dma_semaphore, #tpu.memory_space<semaphore_mem>>
        %dma_start3A_205 = arith.constant 0 : i32
        %dma_start3A_206 = tpu.memref_slice %arg7[%add3A_177, %dma_start3A_205] : memref<40x128xi32, #tpu.memory_space<vmem>> -> memref<1x128xi32, #tpu.memory_space<vmem>>
        %dma_start3A_207 = tpu.memref_squeeze %dma_start3A_206 : memref<1x128xi32, #tpu.memory_space<vmem>> -> memref<128xi32, #tpu.memory_space<vmem>>
        %dma_start3A_208 = arith.constant 0 : i32
        %dma_start3A_209 = arith.constant 0 : i32
        %dma_start3A_210 = tpu.memref_slice %arg10[%dma_start3A_208, %dma_start3A_209] : memref<10240x128xf32, #tpu.memory_space<vmem_shared>> -> memref<10240x128xf32, #tpu.memory_space<vmem_shared>>
        tpu.enqueue_indirect_dma source(%arg9 : memref<128x128xf32, #tpu.memory_space<vmem>>) target(%dma_start3A_210 : memref<10240x128xf32, #tpu.memory_space<vmem_shared>>) offsets(%dma_start3A_207 : memref<128xi32, #tpu.memory_space<vmem>>) semaphore(%run_scoped3A : memref<!tpu.dma_semaphore, #tpu.memory_space<semaphore_mem>>) {add = true}
        %dma_wait3A_211 = arith.constant 0 : i32
        %dma_wait3A_212 = tpu.memref_slice %arg7[%add3A_177, %dma_wait3A_211] : memref<40x128xi32, #tpu.memory_space<vmem>> -> memref<1x128xi32, #tpu.memory_space<vmem>>
        %dma_wait3A_213 = tpu.memref_squeeze %dma_wait3A_212 : memref<1x128xi32, #tpu.memory_space<vmem>> -> memref<128xi32, #tpu.memory_space<vmem>>
        %dma_wait3A_214 = arith.constant 0 : i32
        %dma_wait3A_215 = arith.constant 0 : i32
        %dma_wait3A_216 = tpu.memref_slice %arg10[%dma_wait3A_214, %dma_wait3A_215] : memref<10240x128xf32, #tpu.memory_space<vmem_shared>> -> memref<10240x128xf32, #tpu.memory_space<vmem_shared>>
        tpu.wait_indirect_dma semaphore(%run_scoped3A : memref<!tpu.dma_semaphore, #tpu.memory_space<semaphore_mem>>) src(%arg9 : memref<128x128xf32, #tpu.memory_space<vmem>>) dst(%dma_wait3A_216 : memref<10240x128xf32, #tpu.memory_space<vmem_shared>>)
        tpu.yield
      }) : () -> ()
      %add3A_178 = arith.constant 5 : i32
      %add3A_179 = arith.addi %mul3A_65, %add3A_178 : i32
      %add3A_180 = arith.constant 2 : i32
      %add3A_181 = arith.addi %add3A_179, %add3A_180 : i32
      %dma_start3A_182 = arith.constant 0 : i32
      %dma_start3A_183 = tpu.memref_slice %arg6[%add3A_181, %dma_start3A_182] : memref<40x128xi32, #tpu.memory_space<vmem>> -> memref<1x128xi32, #tpu.memory_space<vmem>>
      %dma_start3A_184 = tpu.memref_squeeze %dma_start3A_183 : memref<1x128xi32, #tpu.memory_space<vmem>> -> memref<128xi32, #tpu.memory_space<vmem>>
      %dma_start3A_185 = arith.constant 0 : i32
      %dma_start3A_186 = arith.constant 0 : i32
      %dma_start3A_187 = tpu.memref_slice %arg2[%dma_start3A_185, %dma_start3A_186] : memref<10240x128xf32, #tpu.memory_space<hbm>> -> memref<10240x128xf32, #tpu.memory_space<hbm>>
      tpu.enqueue_indirect_dma source(%dma_start3A_187 : memref<10240x128xf32, #tpu.memory_space<hbm>>) target(%arg9 : memref<128x128xf32, #tpu.memory_space<vmem>>) offsets(%dma_start3A_184 : memref<128xi32, #tpu.memory_space<vmem>>) semaphore(%arg12 : memref<!tpu.dma_semaphore, #tpu.memory_space<semaphore_mem>>)
      %dma_wait3A_188 = arith.constant 0 : i32
      %dma_wait3A_189 = tpu.memref_slice %arg6[%add3A_163, %dma_wait3A_188] : memref<40x128xi32, #tpu.memory_space<vmem>> -> memref<1x128xi32, #tpu.memory_space<vmem>>
      %dma_wait3A_190 = tpu.memref_squeeze %dma_wait3A_189 : memref<1x128xi32, #tpu.memory_space<vmem>> -> memref<128xi32, #tpu.memory_space<vmem>>
      %dma_wait3A_191 = arith.constant 0 : i32
      %dma_wait3A_192 = arith.constant 0 : i32
      %dma_wait3A_193 = tpu.memref_slice %arg2[%dma_wait3A_191, %dma_wait3A_192] : memref<10240x128xf32, #tpu.memory_space<hbm>> -> memref<10240x128xf32, #tpu.memory_space<hbm>>
      tpu.wait_indirect_dma semaphore(%arg11 : memref<!tpu.dma_semaphore, #tpu.memory_space<semaphore_mem>>) src(%dma_wait3A_193 : memref<10240x128xf32, #tpu.memory_space<hbm>>) dst(%arg8 : memref<128x128xf32, #tpu.memory_space<vmem>>)
      %add3A_194 = arith.constant 6 : i32
      %add3A_195 = arith.addi %mul3A_65, %add3A_194 : i32
      "tpu.region"() ({
        %run_scoped3A = tpu.sem_alloc : memref<!tpu.dma_semaphore, #tpu.memory_space<semaphore_mem>>
        %dma_start3A_205 = arith.constant 0 : i32
        %dma_start3A_206 = tpu.memref_slice %arg7[%add3A_195, %dma_start3A_205] : memref<40x128xi32, #tpu.memory_space<vmem>> -> memref<1x128xi32, #tpu.memory_space<vmem>>
        %dma_start3A_207 = tpu.memref_squeeze %dma_start3A_206 : memref<1x128xi32, #tpu.memory_space<vmem>> -> memref<128xi32, #tpu.memory_space<vmem>>
        %dma_start3A_208 = arith.constant 0 : i32
        %dma_start3A_209 = arith.constant 0 : i32
        %dma_start3A_210 = tpu.memref_slice %arg10[%dma_start3A_208, %dma_start3A_209] : memref<10240x128xf32, #tpu.memory_space<vmem_shared>> -> memref<10240x128xf32, #tpu.memory_space<vmem_shared>>
        tpu.enqueue_indirect_dma source(%arg8 : memref<128x128xf32, #tpu.memory_space<vmem>>) target(%dma_start3A_210 : memref<10240x128xf32, #tpu.memory_space<vmem_shared>>) offsets(%dma_start3A_207 : memref<128xi32, #tpu.memory_space<vmem>>) semaphore(%run_scoped3A : memref<!tpu.dma_semaphore, #tpu.memory_space<semaphore_mem>>) {add = true}
        %dma_wait3A_211 = arith.constant 0 : i32
        %dma_wait3A_212 = tpu.memref_slice %arg7[%add3A_195, %dma_wait3A_211] : memref<40x128xi32, #tpu.memory_space<vmem>> -> memref<1x128xi32, #tpu.memory_space<vmem>>
        %dma_wait3A_213 = tpu.memref_squeeze %dma_wait3A_212 : memref<1x128xi32, #tpu.memory_space<vmem>> -> memref<128xi32, #tpu.memory_space<vmem>>
        %dma_wait3A_214 = arith.constant 0 : i32
        %dma_wait3A_215 = arith.constant 0 : i32
        %dma_wait3A_216 = tpu.memref_slice %arg10[%dma_wait3A_214, %dma_wait3A_215] : memref<10240x128xf32, #tpu.memory_space<vmem_shared>> -> memref<10240x128xf32, #tpu.memory_space<vmem_shared>>
        tpu.wait_indirect_dma semaphore(%run_scoped3A : memref<!tpu.dma_semaphore, #tpu.memory_space<semaphore_mem>>) src(%arg8 : memref<128x128xf32, #tpu.memory_space<vmem>>) dst(%dma_wait3A_216 : memref<10240x128xf32, #tpu.memory_space<vmem_shared>>)
        tpu.yield
      }) : () -> ()
      %dma_wait3A_196 = arith.constant 0 : i32
      %dma_wait3A_197 = tpu.memref_slice %arg6[%add3A_181, %dma_wait3A_196] : memref<40x128xi32, #tpu.memory_space<vmem>> -> memref<1x128xi32, #tpu.memory_space<vmem>>
      %dma_wait3A_198 = tpu.memref_squeeze %dma_wait3A_197 : memref<1x128xi32, #tpu.memory_space<vmem>> -> memref<128xi32, #tpu.memory_space<vmem>>
      %dma_wait3A_199 = arith.constant 0 : i32
      %dma_wait3A_200 = arith.constant 0 : i32
      %dma_wait3A_201 = tpu.memref_slice %arg2[%dma_wait3A_199, %dma_wait3A_200] : memref<10240x128xf32, #tpu.memory_space<hbm>> -> memref<10240x128xf32, #tpu.memory_space<hbm>>
      tpu.wait_indirect_dma semaphore(%arg12 : memref<!tpu.dma_semaphore, #tpu.memory_space<semaphore_mem>>) src(%dma_wait3A_201 : memref<10240x128xf32, #tpu.memory_space<hbm>>) dst(%arg9 : memref<128x128xf32, #tpu.memory_space<vmem>>)
      %add3A_202 = arith.constant 7 : i32
      %add3A_203 = arith.addi %mul3A_65, %add3A_202 : i32
      "tpu.region"() ({
        %run_scoped3A = tpu.sem_alloc : memref<!tpu.dma_semaphore, #tpu.memory_space<semaphore_mem>>
        %dma_start3A_205 = arith.constant 0 : i32
        %dma_start3A_206 = tpu.memref_slice %arg7[%add3A_203, %dma_start3A_205] : memref<40x128xi32, #tpu.memory_space<vmem>> -> memref<1x128xi32, #tpu.memory_space<vmem>>
        %dma_start3A_207 = tpu.memref_squeeze %dma_start3A_206 : memref<1x128xi32, #tpu.memory_space<vmem>> -> memref<128xi32, #tpu.memory_space<vmem>>
        %dma_start3A_208 = arith.constant 0 : i32
        %dma_start3A_209 = arith.constant 0 : i32
        %dma_start3A_210 = tpu.memref_slice %arg10[%dma_start3A_208, %dma_start3A_209] : memref<10240x128xf32, #tpu.memory_space<vmem_shared>> -> memref<10240x128xf32, #tpu.memory_space<vmem_shared>>
        tpu.enqueue_indirect_dma source(%arg9 : memref<128x128xf32, #tpu.memory_space<vmem>>) target(%dma_start3A_210 : memref<10240x128xf32, #tpu.memory_space<vmem_shared>>) offsets(%dma_start3A_207 : memref<128xi32, #tpu.memory_space<vmem>>) semaphore(%run_scoped3A : memref<!tpu.dma_semaphore, #tpu.memory_space<semaphore_mem>>) {add = true}
        %dma_wait3A_211 = arith.constant 0 : i32
        %dma_wait3A_212 = tpu.memref_slice %arg7[%add3A_203, %dma_wait3A_211] : memref<40x128xi32, #tpu.memory_space<vmem>> -> memref<1x128xi32, #tpu.memory_space<vmem>>
        %dma_wait3A_213 = tpu.memref_squeeze %dma_wait3A_212 : memref<1x128xi32, #tpu.memory_space<vmem>> -> memref<128xi32, #tpu.memory_space<vmem>>
        %dma_wait3A_214 = arith.constant 0 : i32
        %dma_wait3A_215 = arith.constant 0 : i32
        %dma_wait3A_216 = tpu.memref_slice %arg10[%dma_wait3A_214, %dma_wait3A_215] : memref<10240x128xf32, #tpu.memory_space<vmem_shared>> -> memref<10240x128xf32, #tpu.memory_space<vmem_shared>>
        tpu.wait_indirect_dma semaphore(%run_scoped3A : memref<!tpu.dma_semaphore, #tpu.memory_space<semaphore_mem>>) src(%arg9 : memref<128x128xf32, #tpu.memory_space<vmem>>) dst(%dma_wait3A_216 : memref<10240x128xf32, #tpu.memory_space<vmem_shared>>)
        tpu.yield
      }) : () -> ()
      %scan3A_204 = arith.constant 0 : i32
      scf.yield %scan3A_204 : i32
    }
    %scan3A_56 = arith.constant 5 : i32
    %barrier3A_57 = arith.constant 0 : index
    tpu.barrier barrier_id(%barrier3A_57)
    %mul3A_58 = arith.constant 640 : i32
    %mul3A_59 = arith.muli %arg1, %mul3A_58 : i32
    %mul3A_60 = arith.constant 640 : i32
    %mul3A_61 = arith.muli %arg1, %mul3A_60 : i32
    "tpu.region"() ({
      %run_scoped3A = tpu.sem_alloc : memref<!tpu.dma_semaphore, #tpu.memory_space<semaphore_mem>>
      %dma_start3A = arith.constant 0 : i32
      %dma_start3A_62 = tpu.memref_slice %arg5[%arg0, %mul3A_61, %dma_start3A] : memref<2x10240x128xf32, #tpu.memory_space<hbm>> -> memref<1x640x128xf32, #tpu.memory_space<hbm>>
      %dma_start3A_63 = tpu.memref_squeeze %dma_start3A_62 : memref<1x640x128xf32, #tpu.memory_space<hbm>> -> memref<640x128xf32, #tpu.memory_space<hbm>>
      %dma_start3A_64 = arith.constant 0 : i32
      %dma_start3A_65 = tpu.memref_slice %arg10[%mul3A_59, %dma_start3A_64] : memref<10240x128xf32, #tpu.memory_space<vmem_shared>> -> memref<640x128xf32, #tpu.memory_space<vmem_shared>>
      tpu.enqueue_dma source(%dma_start3A_65 : memref<640x128xf32, #tpu.memory_space<vmem_shared>>) target(%dma_start3A_63 : memref<640x128xf32, #tpu.memory_space<hbm>>) target_semaphore(%run_scoped3A : memref<!tpu.dma_semaphore, #tpu.memory_space<semaphore_mem>>)
      %dma_wait3A = arith.constant 0 : i32
      %dma_wait3A_66 = tpu.memref_slice %arg5[%arg0, %mul3A_61, %dma_wait3A] : memref<2x10240x128xf32, #tpu.memory_space<hbm>> -> memref<1x640x128xf32, #tpu.memory_space<hbm>>
      %dma_wait3A_67 = tpu.memref_squeeze %dma_wait3A_66 : memref<1x640x128xf32, #tpu.memory_space<hbm>> -> memref<640x128xf32, #tpu.memory_space<hbm>>
      %dma_wait3A_68 = arith.constant 0 : i32
      %dma_wait3A_69 = tpu.memref_slice %arg10[%mul3A_59, %dma_wait3A_68] : memref<10240x128xf32, #tpu.memory_space<vmem_shared>> -> memref<640x128xf32, #tpu.memory_space<vmem_shared>>
      tpu.wait_dma2 semaphore(%run_scoped3A : memref<!tpu.dma_semaphore, #tpu.memory_space<semaphore_mem>>) src(%dma_wait3A_69 : memref<640x128xf32, #tpu.memory_space<vmem_shared>>) dst(%dma_wait3A_67 : memref<640x128xf32, #tpu.memory_space<hbm>>)
      tpu.yield
    }) : () -> ()
    return
  }
}

module attributes {stable_mosaic.version = 14 : i64} {
  func.func @_dk_body(%arg0: memref<2x80x128xf32, #tpu.memory_space<vmem>>, %arg1: memref<80x128xf32, #tpu.memory_space<vmem>>) attributes {dimension_semantics = [], scalar_prefetch = 0 : i64, scratch_operands = 0 : i64, tpu.core_type = #tpu.core_type<tc>} {
    %get3A = arith.constant 0 : index
    %get3A_0 = arith.constant 0 : index
    %get3A_1 = arith.constant 0 : index
    %get3A_2 = vector.load %arg0[%get3A, %get3A_0, %get3A_1] : memref<2x80x128xf32, #tpu.memory_space<vmem>>, vector<1x80x128xf32>
    %get3A_3 = vector.shape_cast %get3A_2 : vector<1x80x128xf32> to vector<80x128xf32>
    %get3A_4 = arith.constant 1 : index
    %get3A_5 = arith.constant 0 : index
    %get3A_6 = arith.constant 0 : index
    %get3A_7 = vector.load %arg0[%get3A_4, %get3A_5, %get3A_6] : memref<2x80x128xf32, #tpu.memory_space<vmem>>, vector<1x80x128xf32>
    %get3A_8 = vector.shape_cast %get3A_7 : vector<1x80x128xf32> to vector<80x128xf32>
    %add3A = arith.addf %get3A_3, %get3A_8 : vector<80x128xf32>
    %add3A_9 = arith.constant 1.000000e+00 : f32
    %add3A_10 = vector.broadcast %add3A_9 : f32 to vector<80x128xf32>
    %add3A_11 = arith.addf %add3A, %add3A_10 : vector<80x128xf32>
    %rsqrt3A = math.rsqrt %add3A_11 : vector<80x128xf32>
    %swap3A = arith.constant 0 : index
    %swap3A_12 = arith.constant 0 : index
    %swap3A_13 = vector.load %arg1[%swap3A, %swap3A_12] : memref<80x128xf32, #tpu.memory_space<vmem>>, vector<80x128xf32>
    tpu.vector_store %arg1[%swap3A, %swap3A_12], %rsqrt3A {strides = array<i32>} : memref<80x128xf32, #tpu.memory_space<vmem>>, vector<80x128xf32>,
    return
  }
}

module attributes {stable_mosaic.version = 14 : i64} {
  func.func @_mm1_body(%arg0: i32, %arg1: memref<256x128xf32, #tpu.memory_space<vmem>>, %arg2: memref<128x128xf32, #tpu.memory_space<vmem>>, %arg3: memref<256x1xf32, #tpu.memory_space<vmem>>, %arg4: memref<256x128xf32, #tpu.memory_space<vmem>>) attributes {dimension_semantics = [#tpu.dimension_semantics<arbitrary>], iteration_bounds = array<i64: 40>, scalar_prefetch = 0 : i64, scratch_operands = 0 : i64, tpu.core_type = #tpu.core_type<tc>, window_params = [{transform_indices = @transform_0, window_bounds = array<i64: 256, 128>}, {pipeline_mode = #tpu.pipeline_mode<synchronous>, transform_indices = @transform_1, window_bounds = array<i64: 128, 128>}, {transform_indices = @transform_2, window_bounds = array<i64: 256, 1>}, {transform_indices = @transform_3, window_bounds = array<i64: 256, 128>}]} {
    %get3A = arith.constant 0 : index
    %get3A_0 = arith.constant 0 : index
    %get3A_1 = vector.load %arg1[%get3A, %get3A_0] : memref<256x128xf32, #tpu.memory_space<vmem>>, vector<256x128xf32>
    %get3A_2 = arith.constant 0 : index
    %get3A_3 = arith.constant 0 : index
    %get3A_4 = vector.load %arg2[%get3A_2, %get3A_3] : memref<128x128xf32, #tpu.memory_space<vmem>>, vector<128x128xf32>
    %dot_general3A = arith.constant dense<0.000000e+00> : vector<256x128xf32>
    %dot_general3A_5 = tpu.matmul %get3A_1, %get3A_4, %dot_general3A {dimension_numbers = #tpu.dot_dimension_numbers<[1], [0], [0], [1], [0, 0, 1, 1], [], []>, transpose_lhs_hint = false} : vector<256x128xf32>, vector<128x128xf32>, vector<256x128xf32> -> vector<256x128xf32>
    %get3A_6 = arith.constant 0 : index
    %get3A_7 = arith.constant 0 : index
    %get3A_8 = vector.load %arg3[%get3A_6, %get3A_7] : memref<256x1xf32, #tpu.memory_space<vmem>>, vector<256x1xf32>
    %mul3A = vector.broadcast %get3A_8 : vector<256x1xf32> to vector<256x128xf32>
    %mul3A_9 = arith.mulf %mul3A, %dot_general3A_5 : vector<256x128xf32>
    %swap3A = arith.constant 0 : index
    %swap3A_10 = arith.constant 0 : index
    %swap3A_11 = vector.load %arg4[%swap3A, %swap3A_10] : memref<256x128xf32, #tpu.memory_space<vmem>>, vector<256x128xf32>
    tpu.vector_store %arg4[%swap3A, %swap3A_10], %mul3A_9 {strides = array<i32>} : memref<256x128xf32, #tpu.memory_space<vmem>>, vector<256x128xf32>,
    return
  }
  func.func @transform_0(%arg0: i32) -> (i32, i32) {
    %c0_i32 = arith.constant 0 : i32
    %c0_i32_0 = arith.constant 0 : i32
    return %arg0, %c0_i32 : i32, i32
  }
  func.func @transform_1(%arg0: i32) -> (i32, i32) {
    %c0_i32 = arith.constant 0 : i32
    %c0_i32_0 = arith.constant 0 : i32
    %c0_i32_1 = arith.constant 0 : i32
    return %c0_i32, %c0_i32_0 : i32, i32
  }
  func.func @transform_2(%arg0: i32) -> (i32, i32) {
    %c0_i32 = arith.constant 0 : i32
    %c0_i32_0 = arith.constant 0 : i32
    return %arg0, %c0_i32 : i32, i32
  }
  func.func @transform_3(%arg0: i32) -> (i32, i32) {
    %c0_i32 = arith.constant 0 : i32
    %c0_i32_0 = arith.constant 0 : i32
    return %arg0, %c0_i32 : i32, i32
  }
}

module attributes {stable_mosaic.version = 14 : i64} {
  func.func @_mid_body(%arg0: i32, %arg1: memref<256x128xf32, #tpu.memory_space<vmem>>, %arg2: memref<256x128xf32, #tpu.memory_space<vmem>>, %arg3: memref<256x128xf32, #tpu.memory_space<vmem>>, %arg4: memref<256x1xf32, #tpu.memory_space<vmem>>, %arg5: memref<128x128xf32, #tpu.memory_space<vmem>>, %arg6: memref<1x128xf32, #tpu.memory_space<vmem>>, %arg7: memref<1x128xf32, #tpu.memory_space<vmem>>, %arg8: memref<1x128xf32, #tpu.memory_space<vmem>>, %arg9: memref<256x128xf32, #tpu.memory_space<vmem>>) attributes {dimension_semantics = [#tpu.dimension_semantics<arbitrary>], iteration_bounds = array<i64: 40>, scalar_prefetch = 0 : i64, scratch_operands = 0 : i64, tpu.core_type = #tpu.core_type<tc>, window_params = [{transform_indices = @transform_0, window_bounds = array<i64: 256, 128>}, {transform_indices = @transform_1, window_bounds = array<i64: 256, 128>}, {transform_indices = @transform_2, window_bounds = array<i64: 256, 128>}, {transform_indices = @transform_3, window_bounds = array<i64: 256, 1>}, {pipeline_mode = #tpu.pipeline_mode<synchronous>, transform_indices = @transform_4, window_bounds = array<i64: 128, 128>}, {pipeline_mode = #tpu.pipeline_mode<synchronous>, transform_indices = @transform_5, window_bounds = array<i64: 1, 128>}, {pipeline_mode = #tpu.pipeline_mode<synchronous>, transform_indices = @transform_6, window_bounds = array<i64: 1, 128>}, {pipeline_mode = #tpu.pipeline_mode<synchronous>, transform_indices = @transform_7, window_bounds = array<i64: 1, 128>}, {transform_indices = @transform_8, window_bounds = array<i64: 256, 128>}]} {
    %get3A = arith.constant 0 : index
    %get3A_0 = arith.constant 0 : index
    %get3A_1 = vector.load %arg4[%get3A, %get3A_0] : memref<256x1xf32, #tpu.memory_space<vmem>>, vector<256x1xf32>
    %get3A_2 = arith.constant 0 : index
    %get3A_3 = arith.constant 0 : index
    %get3A_4 = vector.load %arg1[%get3A_2, %get3A_3] : memref<256x128xf32, #tpu.memory_space<vmem>>, vector<256x128xf32>
    %get3A_5 = arith.constant 0 : index
    %get3A_6 = arith.constant 0 : index
    %get3A_7 = vector.load %arg2[%get3A_5, %get3A_6] : memref<256x128xf32, #tpu.memory_space<vmem>>, vector<256x128xf32>
    %add3A = arith.addf %get3A_4, %get3A_7 : vector<256x128xf32>
    %get3A_8 = arith.constant 0 : index
    %get3A_9 = arith.constant 0 : index
    %get3A_10 = vector.load %arg3[%get3A_8, %get3A_9] : memref<256x128xf32, #tpu.memory_space<vmem>>, vector<256x128xf32>
    %add3A_11 = arith.addf %add3A, %get3A_10 : vector<256x128xf32>
    %mul3A = vector.broadcast %get3A_1 : vector<256x1xf32> to vector<256x128xf32>
    %mul3A_12 = arith.mulf %mul3A, %add3A_11 : vector<256x128xf32>
    %get3A_13 = arith.constant 0 : index
    %get3A_14 = arith.constant 0 : index
    %get3A_15 = vector.load %arg8[%get3A_13, %get3A_14] : memref<1x128xf32, #tpu.memory_space<vmem>>, vector<1x128xf32>
    %add3A_16 = vector.broadcast %get3A_15 : vector<1x128xf32> to vector<256x128xf32>
    %add3A_17 = arith.addf %mul3A_12, %add3A_16 : vector<256x128xf32>
    %get3A_18 = arith.constant 0 : index
    %get3A_19 = arith.constant 0 : index
    %get3A_20 = vector.load %arg6[%get3A_18, %get3A_19] : memref<1x128xf32, #tpu.memory_space<vmem>>, vector<1x128xf32>
    %mul3A_21 = vector.broadcast %get3A_20 : vector<1x128xf32> to vector<256x128xf32>
    %mul3A_22 = arith.mulf %mul3A_21, %add3A_17 : vector<256x128xf32>
    %get3A_23 = arith.constant 0 : index
    %get3A_24 = arith.constant 0 : index
    %get3A_25 = vector.load %arg7[%get3A_23, %get3A_24] : memref<1x128xf32, #tpu.memory_space<vmem>>, vector<1x128xf32>
    %add3A_26 = vector.broadcast %get3A_25 : vector<1x128xf32> to vector<256x128xf32>
    %add3A_27 = arith.addf %mul3A_22, %add3A_26 : vector<256x128xf32>
    %max3A = arith.constant 0.000000e+00 : f32
    %max3A_28 = vector.broadcast %max3A : f32 to vector<256x128xf32>
    %max3A_29 = arith.maximumf %add3A_27, %max3A_28 : vector<256x128xf32>
    %get3A_30 = arith.constant 0 : index
    %get3A_31 = arith.constant 0 : index
    %get3A_32 = vector.load %arg4[%get3A_30, %get3A_31] : memref<256x1xf32, #tpu.memory_space<vmem>>, vector<256x1xf32>
    %get3A_33 = arith.constant 0 : index
    %get3A_34 = arith.constant 0 : index
    %get3A_35 = vector.load %arg5[%get3A_33, %get3A_34] : memref<128x128xf32, #tpu.memory_space<vmem>>, vector<128x128xf32>
    %dot_general3A = arith.constant dense<0.000000e+00> : vector<256x128xf32>
    %dot_general3A_36 = tpu.matmul %max3A_29, %get3A_35, %dot_general3A {dimension_numbers = #tpu.dot_dimension_numbers<[1], [0], [0], [1], [0, 0, 1, 1], [], []>, transpose_lhs_hint = false} : vector<256x128xf32>, vector<128x128xf32>, vector<256x128xf32> -> vector<256x128xf32>
    %mul3A_37 = vector.broadcast %get3A_32 : vector<256x1xf32> to vector<256x128xf32>
    %mul3A_38 = arith.mulf %mul3A_37, %dot_general3A_36 : vector<256x128xf32>
    %swap3A = arith.constant 0 : index
    %swap3A_39 = arith.constant 0 : index
    %swap3A_40 = vector.load %arg9[%swap3A, %swap3A_39] : memref<256x128xf32, #tpu.memory_space<vmem>>, vector<256x128xf32>
    tpu.vector_store %arg9[%swap3A, %swap3A_39], %mul3A_38 {strides = array<i32>} : memref<256x128xf32, #tpu.memory_space<vmem>>, vector<256x128xf32>,
    return
  }
  func.func @transform_0(%arg0: i32) -> (i32, i32) {
    %c0_i32 = arith.constant 0 : i32
    %c0_i32_0 = arith.constant 0 : i32
    return %arg0, %c0_i32 : i32, i32
  }
  func.func @transform_1(%arg0: i32) -> (i32, i32) {
    %c0_i32 = arith.constant 0 : i32
    %c0_i32_0 = arith.constant 0 : i32
    return %arg0, %c0_i32 : i32, i32
  }
  func.func @transform_2(%arg0: i32) -> (i32, i32) {
    %c0_i32 = arith.constant 0 : i32
    %c0_i32_0 = arith.constant 0 : i32
    return %arg0, %c0_i32 : i32, i32
  }
  func.func @transform_3(%arg0: i32) -> (i32, i32) {
    %c0_i32 = arith.constant 0 : i32
    %c0_i32_0 = arith.constant 0 : i32
    return %arg0, %c0_i32 : i32, i32
  }
  func.func @transform_4(%arg0: i32) -> (i32, i32) {
    %c0_i32 = arith.constant 0 : i32
    %c0_i32_0 = arith.constant 0 : i32
    %c0_i32_1 = arith.constant 0 : i32
    return %c0_i32, %c0_i32_0 : i32, i32
  }
  func.func @transform_5(%arg0: i32) -> (i32, i32) {
    %c0_i32 = arith.constant 0 : i32
    %c0_i32_0 = arith.constant 0 : i32
    %c0_i32_1 = arith.constant 0 : i32
    return %c0_i32, %c0_i32_0 : i32, i32
  }
  func.func @transform_6(%arg0: i32) -> (i32, i32) {
    %c0_i32 = arith.constant 0 : i32
    %c0_i32_0 = arith.constant 0 : i32
    %c0_i32_1 = arith.constant 0 : i32
    return %c0_i32, %c0_i32_0 : i32, i32
  }
  func.func @transform_7(%arg0: i32) -> (i32, i32) {
    %c0_i32 = arith.constant 0 : i32
    %c0_i32_0 = arith.constant 0 : i32
    %c0_i32_1 = arith.constant 0 : i32
    return %c0_i32, %c0_i32_0 : i32, i32
  }
  func.func @transform_8(%arg0: i32) -> (i32, i32) {
    %c0_i32 = arith.constant 0 : i32
    %c0_i32_0 = arith.constant 0 : i32
    return %arg0, %c0_i32 : i32, i32
  }
}

module attributes {stable_mosaic.version = 14 : i64} {
  func.func @_fin_body(%arg0: i32, %arg1: memref<256x128xf32, #tpu.memory_space<vmem>>, %arg2: memref<256x128xf32, #tpu.memory_space<vmem>>, %arg3: memref<256x128xf32, #tpu.memory_space<vmem>>, %arg4: memref<256x1xf32, #tpu.memory_space<vmem>>, %arg5: memref<1x128xf32, #tpu.memory_space<vmem>>, %arg6: memref<256x128xf32, #tpu.memory_space<vmem>>) attributes {dimension_semantics = [#tpu.dimension_semantics<arbitrary>], iteration_bounds = array<i64: 40>, scalar_prefetch = 0 : i64, scratch_operands = 0 : i64, tpu.core_type = #tpu.core_type<tc>, window_params = [{transform_indices = @transform_0, window_bounds = array<i64: 256, 128>}, {transform_indices = @transform_1, window_bounds = array<i64: 256, 128>}, {transform_indices = @transform_2, window_bounds = array<i64: 256, 128>}, {transform_indices = @transform_3, window_bounds = array<i64: 256, 1>}, {pipeline_mode = #tpu.pipeline_mode<synchronous>, transform_indices = @transform_4, window_bounds = array<i64: 1, 128>}, {transform_indices = @transform_5, window_bounds = array<i64: 256, 128>}]} {
    %get3A = arith.constant 0 : index
    %get3A_0 = arith.constant 0 : index
    %get3A_1 = vector.load %arg4[%get3A, %get3A_0] : memref<256x1xf32, #tpu.memory_space<vmem>>, vector<256x1xf32>
    %get3A_2 = arith.constant 0 : index
    %get3A_3 = arith.constant 0 : index
    %get3A_4 = vector.load %arg1[%get3A_2, %get3A_3] : memref<256x128xf32, #tpu.memory_space<vmem>>, vector<256x128xf32>
    %get3A_5 = arith.constant 0 : index
    %get3A_6 = arith.constant 0 : index
    %get3A_7 = vector.load %arg2[%get3A_5, %get3A_6] : memref<256x128xf32, #tpu.memory_space<vmem>>, vector<256x128xf32>
    %add3A = arith.addf %get3A_4, %get3A_7 : vector<256x128xf32>
    %get3A_8 = arith.constant 0 : index
    %get3A_9 = arith.constant 0 : index
    %get3A_10 = vector.load %arg3[%get3A_8, %get3A_9] : memref<256x128xf32, #tpu.memory_space<vmem>>, vector<256x128xf32>
    %add3A_11 = arith.addf %add3A, %get3A_10 : vector<256x128xf32>
    %mul3A = vector.broadcast %get3A_1 : vector<256x1xf32> to vector<256x128xf32>
    %mul3A_12 = arith.mulf %mul3A, %add3A_11 : vector<256x128xf32>
    %get3A_13 = arith.constant 0 : index
    %get3A_14 = arith.constant 0 : index
    %get3A_15 = vector.load %arg5[%get3A_13, %get3A_14] : memref<1x128xf32, #tpu.memory_space<vmem>>, vector<1x128xf32>
    %add3A_16 = vector.broadcast %get3A_15 : vector<1x128xf32> to vector<256x128xf32>
    %add3A_17 = arith.addf %mul3A_12, %add3A_16 : vector<256x128xf32>
    %mul3A_18 = arith.mulf %add3A_17, %add3A_17 : vector<256x128xf32>
    %reduce_sum3A = arith.constant dense<0.000000e+00> : vector<256xf32>
    %reduce_sum3A_19 = vector.multi_reduction <add>, %mul3A_18, %reduce_sum3A [1] : vector<256x128xf32> to vector<256xf32>
    %broadcast_in_dim3A = vector.shape_cast %reduce_sum3A_19 : vector<256xf32> to vector<256x1xf32>
    %sqrt3A = math.sqrt %broadcast_in_dim3A : vector<256x1xf32>
    %max3A = arith.constant 9.99999996E-13 : f32
    %max3A_20 = vector.broadcast %max3A : f32 to vector<256x1xf32>
    %max3A_21 = arith.maximumf %sqrt3A, %max3A_20 : vector<256x1xf32>
    %div3A = vector.broadcast %max3A_21 : vector<256x1xf32> to vector<256x128xf32>
    %div3A_22 = arith.divf %add3A_17, %div3A : vector<256x128xf32>
    %swap3A = arith.constant 0 : index
    %swap3A_23 = arith.constant 0 : index
    %swap3A_24 = vector.load %arg6[%swap3A, %swap3A_23] : memref<256x128xf32, #tpu.memory_space<vmem>>, vector<256x128xf32>
    tpu.vector_store %arg6[%swap3A, %swap3A_23], %div3A_22 {strides = array<i32>} : memref<256x128xf32, #tpu.memory_space<vmem>>, vector<256x128xf32>,
    return
  }
  func.func @transform_0(%arg0: i32) -> (i32, i32) {
    %c0_i32 = arith.constant 0 : i32
    %c0_i32_0 = arith.constant 0 : i32
    return %arg0, %c0_i32 : i32, i32
  }
  func.func @transform_1(%arg0: i32) -> (i32, i32) {
    %c0_i32 = arith.constant 0 : i32
    %c0_i32_0 = arith.constant 0 : i32
    return %arg0, %c0_i32 : i32, i32
  }
  func.func @transform_2(%arg0: i32) -> (i32, i32) {
    %c0_i32 = arith.constant 0 : i32
    %c0_i32_0 = arith.constant 0 : i32
    return %arg0, %c0_i32 : i32, i32
  }
  func.func @transform_3(%arg0: i32) -> (i32, i32) {
    %c0_i32 = arith.constant 0 : i32
    %c0_i32_0 = arith.constant 0 : i32
    return %arg0, %c0_i32 : i32, i32
  }
  func.func @transform_4(%arg0: i32) -> (i32, i32) {
    %c0_i32 = arith.constant 0 : i32
    %c0_i32_0 = arith.constant 0 : i32
    %c0_i32_1 = arith.constant 0 : i32
    return %c0_i32, %c0_i32_0 : i32, i32
  }
  func.func @transform_5(%arg0: i32) -> (i32, i32) {
    %c0_i32 = arith.constant 0 : i32
    %c0_i32_0 = arith.constant 0 : i32
    return %arg0, %c0_i32 : i32, i32
  }
}

</mosaic_0001>

<sc_bundles>
// kernel: kernel.11.cloned.1.call-start
scs
__scs_entry_jumppad:
0x0: {  	(pc) =	sbr.rel $0x88, $3  }
0x1: {  	(tag) =	ssettag $0x0;
	lr =	simm.s32 $0x1  }
0x2: {  	[smem:$0x3F91] =	sst lr;
	_ =	strace $0xD0000000  }
0x3: {  	_ = 	snop  }
0x4: {  	_ = 	snop  }
0x5: {  	_ = 	snop  }
0x6: {  	_ = 	snop  }
0x7: {  	_ = 	snop  }
__scs_overlays_trampoline_lowered:
0x8: {  	[smem:$0x3FA0] =	sst s0  }
0x9: {  	[smem:$0x3FA1] =	sst s1  }
0xa: {  	[smem:$0x3FA2] =	sst s2  }
0xb: {  	[smem:$0x3FA3] =	sst s3  }
0xc: {  	[smem:$0x3FA4] =	sst s4  }
0xd: {  	[smem:$0x3FA5] =	sst s5  }
0xe: {  	[smem:$0x3FA6] =	sst s6  }
0xf: {  	[smem:$0x3FA7] =	sst s7  }
0x10: {  	[smem:$0x3FA8] =	sst s8  }
0x11: {  	[smem:$0x3FA9] =	sst s9;
	s0 =	simm.s32 @!p0 $0x0  }
0x12: {  	s1 =	sld [smem:$0x3F8F];
	s0 =	simm.s32 @p0 $0x1  }
0x13: {  	[smem:$0x3FAA] =	sst s0;
	s0 =	simm.s32 @!p1 $0x0  }
0x14: {  	s2 =	sld [smem:$0x3F8E];
	s0 =	simm.s32 @p1 $0x1  }
0x15: {  	[smem:$0x3FAB] =	sst s0;
	s0 =	simm.s32 @!p2 $0x0  }
0x16: {  	s3 =	sld [smem:$0x3FDB];
	s0 =	simm.s32 @p2 $0x1  }
0x17: {  	s4 =	simm.s32 $0x1BF5;
	[smem:$0x3FAD] =	sst s0  }
0x18: {  	s0 =	sld [smem:$0x3F90];
	_ =	swait.ge [sflag:s4], $0x0  }
0x19: {  	s7 =	sld [smem:$0x3F91]  }
0x1a: {  	s8 =	sadd.s32 $0xFFFFE003, lr  }
0x1b: {  	s9 =	sadd.s32 $0xFFFFFEF7, lr;
	s5 =	simm.s32 $0xFFFFFFFF;
	p2 =	slt.u32 s8, $0xFFFFF086  }
0x1c: {  	p1 =	slt.u32 s9, $0xF7A;
	s5 =	simm.s32 @!p2 $0x0  }
0x1d: {  	s5 =	simm.s32 @p1 $0x1;
	p0 =	seq.s32 s7, s2  }
0x1e: {  	s7 =	smul.u32 @!p0 $0xF7A, s2;
	p2 =	seq.s32 @!p0 s5, $0x0  }
0x1f: {  	s9 =	smul.u32 $0xF7A, s1;
	s8 =	simm.s32 @!p0 $0x1BF5;
	p2 =	por !p2, p0  }
0x20: {  	[sflag:s8] =	ssyncset.s32 @!p0 $0xFFFFF086;
	s6 =	sadd.s32 @!p0 s3, s7;
	s7 =	simm.s32 @!p0 $0x108  }
0x21: {  	s3 =	sadd.s32 s3, s9;
	s6 =	sadd.s32 @!p0 $0x88, s6;
	s7 =	simm.s32 @p2 $0x1082  }
0x22: {  	[simem:s7], [sflag:s8] =	dma.local @!p0 [hbm:s6], $0xF7A  }
0x23: {  	s9 =	sor.u32 $0xD0000000, s2;
	s6 =	simm.s32 $0x108;
	_ =	swait.ge @!p0 [sflag:s8], $0x0  }
0x24: {  	s3 =	sadd.s32 $0x88, s3;
	s6 =	simm.s32 @!p1 $0x1082;
	[sflag:s4] =	ssyncset.s32 $0xFFFFF086  }
0x25: {  	[simem:s6], [sflag:s4] =	dma.local [hbm:s3], $0xF7A  }
0x26: {  	[smem:$0x3F91] =	sst s1;
	(tag) =	ssettag s2;
	_ =	strace s9  }
0x27: {  	s1 =	sld [smem:$0x3FA1]  }
0x28: {  	s2 =	sld [smem:$0x3FA2]  }
0x29: {  	s4 =	sld [smem:$0x3FA4]  }
0x2a: {  	p0 =	seq.s32 s5, $0x0;
	s5 =	sld [smem:$0x3FA5]  }
0x2b: {  	s6 =	sld [smem:$0x3FA6]  }
0x2c: {  	s7 =	sld [smem:$0x3FA7]  }
0x2d: {  	s3 =	simm.s32 $0x108;
	s8 =	sld [smem:$0x3FA8]  }
0x2e: {  	s3 =	simm.s32 @!p0 $0x1082;
	s9 =	sld [smem:$0x3FA9]  }
0x2f: {  	lr =	sadd.s32 s0, s3;
	s0 =	sld [smem:$0x3FA0]  }
0x30: {  	s3 =	sld [smem:$0x3FA3]  }
0x31: {  	[smem:$0x3FAC] =	sst s10  }
0x32: {  	s10 =	sld [smem:$0x3FAA];
	_ =	sdelay $0x3  }
0x33: {  	p0 =	seq.s32 s10, $0x1;
	s10 =	sld [smem:$0x3FAC];
	_ =	sdelay $0x3  }
0x34: {  	[smem:$0x3FAC] =	sst s10  }
0x35: {  	s10 =	sld [smem:$0x3FAB];
	_ =	sdelay $0x3  }
0x36: {  	p1 =	seq.s32 s10, $0x1;
	s10 =	sld [smem:$0x3FAC];
	_ =	sdelay $0x3  }
0x37: {  	[smem:$0x3FAC] =	sst s10  }
0x38: {  	s10 =	sld [smem:$0x3FAD]  }
0x39: {  	_ = 	snop;
	(pc) =	sbr.ind lr, $3  }
0x3a: {  	_ = 	snop  }
0x3b: {  	_ = 	snop  }
0x3c: {  	p2 =	seq.s32 s10, $0x1;
	s10 =	sld [smem:$0x3FAC]  }
0x3d: {  	_ =	shalt  }
0x3e: {  	_ =	shalt  }
0x3f: {  	_ =	shalt  }
0x40: {  	_ =	shalt  }
0x41: {  	_ =	shalt  }
0x42: {  	_ =	shalt  }
0x43: {  	_ =	shalt  }
0x44: {  	_ =	shalt  }
0x45: {  	_ =	shalt  }
0x46: {  	_ =	shalt  }
0x47: {  	_ =	shalt  }
0x48: {  	_ =	shalt  }
0x49: {  	_ =	shalt  }
0x4a: {  	_ =	shalt  }
0x4b: {  	_ =	shalt  }
0x4c: {  	_ =	shalt  }
0x4d: {  	_ =	shalt  }
0x4e: {  	_ =	shalt  }
0x4f: {  	_ =	shalt  }
0x50: {  	_ =	shalt  }
0x51: {  	_ =	shalt  }
0x52: {  	_ =	shalt  }
0x53: {  	_ =	shalt  }
0x54: {  	_ =	shalt  }
0x55: {  	_ =	shalt  }
0x56: {  	_ =	shalt  }
0x57: {  	_ =	shalt  }
0x58: {  	_ =	shalt  }
0x59: {  	_ =	shalt  }
0x5a: {  	_ =	shalt  }
0x5b: {  	_ =	shalt  }
0x5c: {  	_ =	shalt  }
0x5d: {  	_ =	shalt  }
0x5e: {  	_ =	shalt  }
0x5f: {  	_ =	shalt  }
0x60: {  	_ =	shalt  }
0x61: {  	_ =	shalt  }
0x62: {  	_ =	shalt  }
0x63: {  	_ =	shalt  }
0x64: {  	_ =	shalt  }
0x65: {  	_ =	shalt  }
0x66: {  	_ =	shalt  }
0x67: {  	_ =	shalt  }
0x68: {  	_ =	shalt  }
0x69: {  	_ =	shalt  }
0x6a: {  	_ =	shalt  }
0x6b: {  	_ =	shalt  }
0x6c: {  	_ =	shalt  }
0x6d: {  	_ =	shalt  }
0x6e: {  	_ =	shalt  }
0x6f: {  	_ =	shalt  }
0x70: {  	_ =	shalt  }
0x71: {  	_ =	shalt  }
0x72: {  	_ =	shalt  }
0x73: {  	_ =	shalt  }
0x74: {  	_ =	shalt  }
0x75: {  	_ =	shalt  }
0x76: {  	_ =	shalt  }
0x77: {  	_ =	shalt  }
0x78: {  	_ =	shalt  }
0x79: {  	_ =	shalt  }
0x7a: {  	_ =	shalt  }
0x7b: {  	_ =	shalt  }
0x7c: {  	_ =	shalt  }
0x7d: {  	_ =	shalt  }
0x7e: {  	_ =	shalt  }
0x7f: {  	_ =	shalt  }
0x80: {  	_ =	shalt  }
0x81: {  	_ =	shalt  }
0x82: {  	_ =	shalt  }
0x83: {  	_ =	shalt  }
0x84: {  	_ =	shalt  }
0x85: {  	_ =	shalt  }
0x86: {  	_ =	shalt  }
0x87: {  	_ =	shalt  }
.Lfunc_end0:
.L_simem_size_0:
called_computation_lowered:
.L_overlay_start_0:
0x88: {  	s2 =	sld [smem:$0x3FD9]  }
0x89: {  	s3 =	sld [smem:$0x3FFE];
	_ =	sdelay $0x1  }
0x8a: {  	s1 =	srdreg.scid  }
0x8b: {  	s0 =	sand.u32 $0x1, s1  }
0x8c: {  	s16 =	sshll.u32 s0, $0xA;
	s2 =	sadd.s32 s3, s2  }
0x8d: {  	s2 =	sadd.s32 s2, s16  }
0x8e: {  	[smem:$0x3FB8] =	sst s2  }
0x8f: {  	_ = 	snop  }
0x90: {  	(tm) =	ssettm $0x1  }
0x91: {  	s17 =	sld [smem:$0x3FFB];
	_ =	sdelay $0x3  }
0x92: {  	_ =	strace s17  }
0x93: {  	s2 =	sld [smem:$0x3FFC];
	_ =	sdelay $0x3  }
0x94: {  	_ =	strace s2  }
0x95: {  	s2 =	sld [smem:$0x3FFD];
	_ =	sdelay $0x3  }
0x96: {  	_ =	strace s2  }
0x97: {  	_ =	strace $0x8FFFFFFF  }
0x98: {  	s18 =	sld [smem:$0x3FDB];
	_ =	sdelay $0x1  }
0x99: {  	s19 =	simm.s32 $_scs_section_size  }
0x9a: {  	s4 =	simm.s32 $_size__tile_overlayer_lowered;
	s5 =	simm.s32 $_tile_overlayer_lowered  }
0x9b: {  	s22 =	simm.s32 $0x1BFF;
	s21 =	sshll.u32 s5, $0x1;
	s2 =	sadd.s32 s19, s18  }
0x9c: {  	s6 =	simm.s32 $0x0;
	s20 =	sshll.u32 s4, $0x1;
	s4 =	sadd.s32 s21, s2  }
0x9d: {  	[timem:s6], [sflag:s22] =	dma.local [hbm:s4], s20  }
0x9e: {  	_ =	swait.ge [sflag:s22], s20  }
0x9f: {  	s3 =	ssub.s32 $0x0, s20;
	[sflag:s22] =	ssyncset.done $0x0  }
0xa0: {  	[sflag:s22] =	ssyncadd.s32 s3;
	_ =	sdelay $0x1  }
0xa1: {  	s23 =	simm.s32 $0x1B8B  }
0xa2: {  	_ =	swait.ge [sflag:s23], $0x1  }
0xa3: {  	[sflag:s23] =	ssyncset.done $0x0  }
0xa4: {  	s25 =	simm.s32 $0x1B8E;
	s24 =	sld [smem:$0x3FFE];
	[sflag:s23] =	ssyncadd.s32 $0xFFFFFFFF  }
0xa5: {  	s26 =	simm.s32 $execute0_lowered;
	[smem:$0x3FD2] =	sst s25  }
0xa6: {  	s4 =	sshll.u32 s26, $0x1;
	_ =	strace $0x80000046;
	[dreg:$0x1] =	wrdreg $0xFFFFFFFF  }
0xa7: {  	s28 =	simm.s32 $_size_execute0_lowered;
	s2 =	sadd.s32 s2, s4;
	[dreg:$0x0] =	wrdreg $0x0  }
0xa8: {  	s4 =	sshll.u32 s28, $0x1;
	[dreg:$0x2] =	wrdreg s2  }
0xa9: {  	[dreg:$0x3] =	wrdreg s4  }
0xaa: {  	[dreg:$0x4] =	wrdreg $0xC0  }
0xab: {  	_ =	task [dreg:s6], $0x5FFFF  }
0xac: {  	[dreg:$0x1] =	wrdreg $0xFFFFFFFF  }
0xad: {  	[dreg:$0x0] =	wrdreg $0x60  }
0xae: {  	[dreg:$0x2] =	wrdreg s24  }
0xaf: {  	[dreg:$0x3] =	wrdreg $0x28800  }
0xb0: {  	[dreg:$0x4] =	wrdreg $0x9  }
0xb1: {  	_ =	task.clear_ibuf [dreg:s6], $0x5FFFF;
	_ =	strace $0x90000046  }
0xb2: {  	s29 =	simm.s32 $0x9;
	_ =	strace $0x80000048  }
0xb3: {  	_ =	swait.ge [sflag:s29], $0x1  }
0xb4: {  	[sflag:s29] =	ssyncadd.s32 $0xFFFFFFFF  }
0xb5: {  	_ =	strace $0x90000048  }
0xb6: {  	_ =	sfence  }
0xb7: {  	s30 =	sld [smem:$0x0];
	_ =	sdelay $0x2  }
0xb8: {  	s31 =	sshll.u32 s1, $0xD;
	s1 =	sshrl.u32 s1, $0x2  }
0xb9: {  	s3 =	sand.u32 $0x4000, s31;
	s1 =	sadd.s32 s1, s30  }
0xba: {  	s0 =	sor.u32 s3, s0;
	s1 =	sshll.u32 s1, $0x11  }
0xbb: {  	s0 =	sor.u32 s1, s0  }
0xbc: {  	s0 =	sadd.s32 $0x8F2B, s0  }
0xbd: {  	[sflag:s0] =	ssyncadd.remote.s32 $0x1  }
0xbe: {  	_ =	sfence.sel $0xFFFF  }
0xbf: {  	[dreg:$0x0] =	wrdreg $0xFFFFFFFF;
	(pc) =	sbr.abs _section_cstart, $3  }
0xc0: {  	[dreg:$0x1] =	wrdreg $0xFFFFFFFF  }
0xc1: {  	_ =	task.clear_ibuf [dreg:s6], $0x2FFFF;
	_ =	strace $0x9FFFFFFF  }
0xc2: {  	(tm) =	ssettm $0x7FFFFFFF  }
0xc3: {  	_ =	shalt  }
tec
execute0_lowered:
.L_overlay_start_1:
0x0: {  	(tag) =	ssettag $0x1  }
0x1: {  	s5 =	rddreg [dreg:$0x0]  }
0x2: {  	s0 =	srdreg.scid;
	s2 =	rddreg [dreg:$0x1];
	s3 =	simm.s32 $0x0  }
0x3: {  	s12 =	simm.s32 $0x2800;
	s13 =	simm.s32 $0x1;
	s14 =	simm.s32 $0x80  }
0x4: {  	s17 =	simm.s32 $0x20;
	s4 =	sand.u32 $0x1, s0;
	s0 =	stileid.u32  }
0x5: {  	s18 =	simm.s32 $0x10;
	s19 =	simm.s32 $0x0;
	s7 =	smul.u32 $0x500, s0  }
0x6: {  	[smem:$0x7FF] =	sst s3;
	s1 =	sshll.u32 s4, $0x4;
	s8 =	smul.u32 $0xA00, s0  }
0x7: {  	s28 =	sshll.u32 s4, $0x7;
	s29 =	ssub.s32 $0x2, s4;
	s15 =	sshll.u32 s0, $0x6  }
0x8: {  	s1 =	sor.u32 s0, s1;
	s31 =	sshrl.u32 s29, $0x1;
	s15 =	sor.u32 $0x1C01, s15  }
0x9: {  	s6 =	smul.u32 $0x500, s1;
	s1 =	rddreg [dreg:$0x2];
	s30 =	sshrl.u32 s8, $0x2  }
0xa: {  	_ =	strace $0x80000047;
	s11 =	ssub.s32 s29, s31;
	s4 =	sadd.s32 s30, s2  }
0xb: {  	s11 =	smax.u32 s11, $0x1;
	s9 =	sadd.s32 s6, s5;
	s6 =	sor.u32 s28, s7  }
0xc: {  	s7 =	sadd.s32 $0x180, s4;
	s8 =	sadd.s32 $0x200, s4;
	s6 =	sshrl.u32 s6, $0x3  }
0xd: {  	s16 =	sshrl.u32 s4, $0x3;
	s9 =	sadd.s32 $0x5200, s9;
	s10 =	sadd.s32 s6, s5  }
0xe: {  	v0 =	vimm.f32 $0.0e+00;
	v1 =	vimm.f32 $1.000000000e+00;
	s5 =	sadd.s32 $0x80, s4;
	s6 =	sadd.s32 $0x100, s4;
	s10 =	sadd.s32 $0xF200, s10  }
.LBB2_1:
0xf: {  	[tilespmem:$0x2800] =	vst v0  }
0x10: {  	[tilespmem:$0x2810] =	vst v0  }
0x11: {  	[tilespmem:$0x2820] =	vst v0  }
0x12: {  	[tilespmem:$0x2830] =	vst v0  }
0x13: {  	[tilespmem:$0x2840] =	vst v0  }
0x14: {  	[tilespmem:$0x2850] =	vst v0  }
0x15: {  	[tilespmem:$0x2860] =	vst v0  }
0x16: {  	[tilespmem:$0x2870] =	vst v0  }
0x17: {  	[spmem:s4] =	stream.linear.scatter [tilespmem:s12], [sflag:$0x1], $0x80, $0x38;
	[tilespmem:$0x2B00] =	vst v63  }
0x18: {  	_ =	swait.ge [sflag:s13], $0x80  }
0x19: {  	[sflag:s13] =	ssyncset.done $0x0  }
0x1a: {  	[sflag:s13] =	ssyncadd.s32 $0xFFFFFF80  }
0x1b: {  	[spmem:s5] =	stream.linear.scatter [tilespmem:s12], [sflag:$0x1], $0x80, $0x38;
	[tilespmem:$0x2B00] =	vst v63  }
0x1c: {  	_ =	swait.ge [sflag:s13], $0x80  }
0x1d: {  	[sflag:s13] =	ssyncset.done $0x0  }
0x1e: {  	[sflag:s13] =	ssyncadd.s32 $0xFFFFFF80  }
0x1f: {  	[spmem:s6] =	stream.linear.scatter [tilespmem:s12], [sflag:$0x1], $0x80, $0x38;
	[tilespmem:$0x2B00] =	vst v63  }
0x20: {  	_ =	swait.ge [sflag:s13], $0x80  }
0x21: {  	[sflag:s13] =	ssyncset.done $0x0  }
0x22: {  	[sflag:s13] =	ssyncadd.s32 $0xFFFFFF80  }
0x23: {  	[spmem:s7] =	stream.linear.scatter [tilespmem:s12], [sflag:$0x1], $0x80, $0x38;
	[tilespmem:$0x2B00] =	vst v63  }
0x24: {  	_ =	swait.ge [sflag:s13], $0x80  }
0x25: {  	[sflag:s13] =	ssyncset.done $0x0  }
0x26: {  	[sflag:s13] =	ssyncadd.s32 $0xFFFFFF80  }
0x27: {  	[spmem:s8] =	stream.linear.scatter [tilespmem:s12], [sflag:$0x1], $0x80, $0x38;
	[tilespmem:$0x2B00] =	vst v63  }
0x28: {  	_ =	swait.ge [sflag:s13], $0x80  }
0x29: {  	[sflag:s13] =	ssyncset.done $0x0  }
0x2a: {  	[sflag:s13] =	ssyncadd.s32 $0xFFFFFF80  }
0x2b: {  	[tilespmem:$0x2800] =	vst v1  }
0x2c: {  	[tilespmem:$0x2810] =	vst v1  }
0x2d: {  	[tilespmem:$0x2820] =	vst v1  }
0x2e: {  	[tilespmem:$0x2830] =	vst v1  }
0x2f: {  	[tilespmem:$0x2840] =	vst v1  }
0x30: {  	[tilespmem:$0x2850] =	vst v1  }
0x31: {  	[tilespmem:$0x2860] =	vst v1  }
0x32: {  	[tilespmem:$0x2870] =	vst v1  }
0x33: {  	[bflag:$0x0] =	sbarrier.arrive $0xFFFF  }
0x34: {  	[tilespmem:s3], [sflag:$0x1] =	stream.linear.gather [hbm4b:s9+s3], $0x2800, $0x38;
	[tilespmem:$0x2B00] =	vst v63  }
0x35: {  	_ =	swait.ge [sflag:s13], $0x2800  }
0x36: {  	[sflag:s13] =	ssyncset.done $0x0  }
0x37: {  	s20 =	simm.s32 $0x0;
	[sflag:s13] =	ssyncadd.s32 $0xFFFFD800  }
0x38: {  	[spmem:s2] =	stream.indirect.scatter.add.f32 [tilespmem:s12], [sflag:$0x1], $0x1, s20, s14, $0xb8;
	[tilespmem:$0x2B00] =	vst v63  }
0x39: {  	_ =	swait.ge [sflag:s13], $0x80  }
0x3a: {  	s20 =	simm.s32 $0x200;
	[sflag:s13] =	ssyncset.done $0x0  }
.LBB2_2:
0x3b: {  	s21 =	sshra.s32 s20, $0x2;
	[sflag:s13] =	ssyncadd.s32 $0xFFFFFF80;
	p0 =	sne.s32 s20, $0x9E00  }
0x3c: {  	[spmem:s2] =	stream.indirect.scatter.add.f32 [tilespmem:s12], [sflag:$0x1], $0x1, s21, s14, $0xb8;
	[tilespmem:$0x2B00] =	vst v63  }
.Ltmp0:
0x3d: {  	_ = 	snop;
	(pc) =	sbr.rel @p0 .LBB2_2-.Ltmp0, $4  }
0x3e: {  	_ = 	snop  }
0x3f: {  	s20 =	sadd.s32 $0x200, s20  }
0x40: {  	_ =	swait.ge [sflag:s13], $0x80  }
0x41: {  	[sflag:s13] =	ssyncset.done $0x0  }
0x42: {  	s19 =	sadd.s32 $0x1, s19  }
0x43: {  	[sflag:s13] =	ssyncadd.s32 $0xFFFFFF80;
	p0 =	sne.s32 s19, s11  }
.Ltmp1:
0x44: {  	[bflag:$0x0] =	sbarrier.arrive $0xFFFF;
	(pc) =	sbr.rel @p0 .LBB2_1-.Ltmp1, $4  }
0x45: {  	[hbm:s10@s17], [sflag:s15] =	dma.strided [spmem:s16@s18], $0x50, s13, $0x10   }
0x46: {  	_ =	swait.ge [sflag:s13], $0x50  }
0x47: {  	[sflag:s13] =	ssyncset.done $0x0  }
0x48: {  	[sflag:s13] =	ssyncadd.s32 $0xFFFFFFB0  }
0x49: {  	_ =	sfence.sel $0x180000  }
0x4a: {  	[bflag:$0x0] =	sbarrier.arrive $0xFFFF  }
0x4b: {  	p0 =	sne.s32 s0, $0x0;
	_ =	strace $0x90000047  }
0x4c: {  	s0 =	sadd.s32 @!p0 $0x100000, s1;
	[bflag:$0x2] =	sbarrier.arrive $0xFFFF  }
0x4d: {  	[sflag:s0] =	ssyncadd.tile.s32 @!p0 $0x1;
	_ =	shalt  }
.Lfunc_end2:
_tile_overlayer_lowered:
.L_overlay_start_2:
0x4e: {  	(tag) =	ssettag $0x2  }
0x4f: {  	s0 =	rddreg [dreg:$0x0];
	s2 =	stileid.u32  }
0x50: {  	s1 =	rddreg [dreg:$0x1];
	p0 =	sne.s32 s2, $0x0  }
0x51: {  	s3 =	rddreg [dreg:$0x2];
	[bflag:$0x3] =	sbarrier.arrive $0xFFFF;
	s2 =	simm.s32 @!p0 $0x1C01  }
0x52: {  	[timem:s3], [sflag:s2] =	dma.local @!p0 [hbm:s0], s1  }
0x53: {  	s0 =	simm.s32 @!p0 $0x1  }
0x54: {  	_ =	swait.ge @!p0 [sflag:s0], s1  }
0x55: {  	s1 =	ssub.s32 @!p0 $0x0, s1;
	[sflag:s0] =	ssyncset.done @!p0 $0x0  }
0x56: {  	[sflag:s0] =	ssyncadd.s32 @!p0 s1  }
0x57: {  	[bflag:$0x3] =	sbarrier.arrive $0xFFFF  }
0x58: {  	_ =	shalt  }

// kernel: kernel.14.cloned.1.call-start
scs
__scs_entry_jumppad:
0x0: {  	(pc) =	sbr.rel $0x88, $3  }
0x1: {  	(tag) =	ssettag $0x0;
	lr =	simm.s32 $0x1  }
0x2: {  	[smem:$0x3F91] =	sst lr;
	_ =	strace $0xD0000000  }
0x3: {  	_ = 	snop  }
0x4: {  	_ = 	snop  }
0x5: {  	_ = 	snop  }
0x6: {  	_ = 	snop  }
0x7: {  	_ = 	snop  }
__scs_overlays_trampoline_lowered:
0x8: {  	[smem:$0x3FA0] =	sst s0  }
0x9: {  	[smem:$0x3FA1] =	sst s1  }
0xa: {  	[smem:$0x3FA2] =	sst s2  }
0xb: {  	[smem:$0x3FA3] =	sst s3  }
0xc: {  	[smem:$0x3FA4] =	sst s4  }
0xd: {  	[smem:$0x3FA5] =	sst s5  }
0xe: {  	[smem:$0x3FA6] =	sst s6  }
0xf: {  	[smem:$0x3FA7] =	sst s7  }
0x10: {  	[smem:$0x3FA8] =	sst s8  }
0x11: {  	[smem:$0x3FA9] =	sst s9;
	s0 =	simm.s32 @!p0 $0x0  }
0x12: {  	s1 =	sld [smem:$0x3F8F];
	s0 =	simm.s32 @p0 $0x1  }
0x13: {  	[smem:$0x3FAA] =	sst s0;
	s0 =	simm.s32 @!p1 $0x0  }
0x14: {  	s2 =	sld [smem:$0x3F8E];
	s0 =	simm.s32 @p1 $0x1  }
0x15: {  	[smem:$0x3FAB] =	sst s0;
	s0 =	simm.s32 @!p2 $0x0  }
0x16: {  	s3 =	sld [smem:$0x3FDB];
	s0 =	simm.s32 @p2 $0x1  }
0x17: {  	s4 =	simm.s32 $0x1BF5;
	[smem:$0x3FAD] =	sst s0  }
0x18: {  	s0 =	sld [smem:$0x3F90];
	_ =	swait.ge [sflag:s4], $0x0  }
0x19: {  	s7 =	sld [smem:$0x3F91]  }
0x1a: {  	s8 =	sadd.s32 $0xFFFFE003, lr  }
0x1b: {  	s9 =	sadd.s32 $0xFFFFFEF7, lr;
	s5 =	simm.s32 $0xFFFFFFFF;
	p2 =	slt.u32 s8, $0xFFFFF086  }
0x1c: {  	p1 =	slt.u32 s9, $0xF7A;
	s5 =	simm.s32 @!p2 $0x0  }
0x1d: {  	s5 =	simm.s32 @p1 $0x1;
	p0 =	seq.s32 s7, s2  }
0x1e: {  	s7 =	smul.u32 @!p0 $0xF7A, s2;
	p2 =	seq.s32 @!p0 s5, $0x0  }
0x1f: {  	s9 =	smul.u32 $0xF7A, s1;
	s8 =	simm.s32 @!p0 $0x1BF5;
	p2 =	por !p2, p0  }
0x20: {  	[sflag:s8] =	ssyncset.s32 @!p0 $0xFFFFF086;
	s6 =	sadd.s32 @!p0 s3, s7;
	s7 =	simm.s32 @!p0 $0x108  }
0x21: {  	s3 =	sadd.s32 s3, s9;
	s6 =	sadd.s32 @!p0 $0x88, s6;
	s7 =	simm.s32 @p2 $0x1082  }
0x22: {  	[simem:s7], [sflag:s8] =	dma.local @!p0 [hbm:s6], $0xF7A  }
0x23: {  	s9 =	sor.u32 $0xD0000000, s2;
	s6 =	simm.s32 $0x108;
	_ =	swait.ge @!p0 [sflag:s8], $0x0  }
0x24: {  	s3 =	sadd.s32 $0x88, s3;
	s6 =	simm.s32 @!p1 $0x1082;
	[sflag:s4] =	ssyncset.s32 $0xFFFFF086  }
0x25: {  	[simem:s6], [sflag:s4] =	dma.local [hbm:s3], $0xF7A  }
0x26: {  	[smem:$0x3F91] =	sst s1;
	(tag) =	ssettag s2;
	_ =	strace s9  }
0x27: {  	s1 =	sld [smem:$0x3FA1]  }
0x28: {  	s2 =	sld [smem:$0x3FA2]  }
0x29: {  	s4 =	sld [smem:$0x3FA4]  }
0x2a: {  	p0 =	seq.s32 s5, $0x0;
	s5 =	sld [smem:$0x3FA5]  }
0x2b: {  	s6 =	sld [smem:$0x3FA6]  }
0x2c: {  	s7 =	sld [smem:$0x3FA7]  }
0x2d: {  	s3 =	simm.s32 $0x108;
	s8 =	sld [smem:$0x3FA8]  }
0x2e: {  	s3 =	simm.s32 @!p0 $0x1082;
	s9 =	sld [smem:$0x3FA9]  }
0x2f: {  	lr =	sadd.s32 s0, s3;
	s0 =	sld [smem:$0x3FA0]  }
0x30: {  	s3 =	sld [smem:$0x3FA3]  }
0x31: {  	[smem:$0x3FAC] =	sst s10  }
0x32: {  	s10 =	sld [smem:$0x3FAA];
	_ =	sdelay $0x3  }
0x33: {  	p0 =	seq.s32 s10, $0x1;
	s10 =	sld [smem:$0x3FAC];
	_ =	sdelay $0x3  }
0x34: {  	[smem:$0x3FAC] =	sst s10  }
0x35: {  	s10 =	sld [smem:$0x3FAB];
	_ =	sdelay $0x3  }
0x36: {  	p1 =	seq.s32 s10, $0x1;
	s10 =	sld [smem:$0x3FAC];
	_ =	sdelay $0x3  }
0x37: {  	[smem:$0x3FAC] =	sst s10  }
0x38: {  	s10 =	sld [smem:$0x3FAD]  }
0x39: {  	_ = 	snop;
	(pc) =	sbr.ind lr, $3  }
0x3a: {  	_ = 	snop  }
0x3b: {  	_ = 	snop  }
0x3c: {  	p2 =	seq.s32 s10, $0x1;
	s10 =	sld [smem:$0x3FAC]  }
0x3d: {  	_ =	shalt  }
0x3e: {  	_ =	shalt  }
0x3f: {  	_ =	shalt  }
0x40: {  	_ =	shalt  }
0x41: {  	_ =	shalt  }
0x42: {  	_ =	shalt  }
0x43: {  	_ =	shalt  }
0x44: {  	_ =	shalt  }
0x45: {  	_ =	shalt  }
0x46: {  	_ =	shalt  }
0x47: {  	_ =	shalt  }
0x48: {  	_ =	shalt  }
0x49: {  	_ =	shalt  }
0x4a: {  	_ =	shalt  }
0x4b: {  	_ =	shalt  }
0x4c: {  	_ =	shalt  }
0x4d: {  	_ =	shalt  }
0x4e: {  	_ =	shalt  }
0x4f: {  	_ =	shalt  }
0x50: {  	_ =	shalt  }
0x51: {  	_ =	shalt  }
0x52: {  	_ =	shalt  }
0x53: {  	_ =	shalt  }
0x54: {  	_ =	shalt  }
0x55: {  	_ =	shalt  }
0x56: {  	_ =	shalt  }
0x57: {  	_ =	shalt  }
0x58: {  	_ =	shalt  }
0x59: {  	_ =	shalt  }
0x5a: {  	_ =	shalt  }
0x5b: {  	_ =	shalt  }
0x5c: {  	_ =	shalt  }
0x5d: {  	_ =	shalt  }
0x5e: {  	_ =	shalt  }
0x5f: {  	_ =	shalt  }
0x60: {  	_ =	shalt  }
0x61: {  	_ =	shalt  }
0x62: {  	_ =	shalt  }
0x63: {  	_ =	shalt  }
0x64: {  	_ =	shalt  }
0x65: {  	_ =	shalt  }
0x66: {  	_ =	shalt  }
0x67: {  	_ =	shalt  }
0x68: {  	_ =	shalt  }
0x69: {  	_ =	shalt  }
0x6a: {  	_ =	shalt  }
0x6b: {  	_ =	shalt  }
0x6c: {  	_ =	shalt  }
0x6d: {  	_ =	shalt  }
0x6e: {  	_ =	shalt  }
0x6f: {  	_ =	shalt  }
0x70: {  	_ =	shalt  }
0x71: {  	_ =	shalt  }
0x72: {  	_ =	shalt  }
0x73: {  	_ =	shalt  }
0x74: {  	_ =	shalt  }
0x75: {  	_ =	shalt  }
0x76: {  	_ =	shalt  }
0x77: {  	_ =	shalt  }
0x78: {  	_ =	shalt  }
0x79: {  	_ =	shalt  }
0x7a: {  	_ =	shalt  }
0x7b: {  	_ =	shalt  }
0x7c: {  	_ =	shalt  }
0x7d: {  	_ =	shalt  }
0x7e: {  	_ =	shalt  }
0x7f: {  	_ =	shalt  }
0x80: {  	_ =	shalt  }
0x81: {  	_ =	shalt  }
0x82: {  	_ =	shalt  }
0x83: {  	_ =	shalt  }
0x84: {  	_ =	shalt  }
0x85: {  	_ =	shalt  }
0x86: {  	_ =	shalt  }
0x87: {  	_ =	shalt  }
.Lfunc_end0:
.L_simem_size_0:
called_computation.1_lowered:
.L_overlay_start_0:
0x88: {  	s2 =	sld [smem:$0x3FD9]  }
0x89: {  	s3 =	sld [smem:$0x3FFE];
	_ =	sdelay $0x1  }
0x8a: {  	s1 =	srdreg.scid  }
0x8b: {  	s0 =	sand.u32 $0x1, s1  }
0x8c: {  	s17 =	sshll.u32 s0, $0xA;
	s2 =	sadd.s32 s3, s2  }
0x8d: {  	s2 =	sadd.s32 s2, s17  }
0x8e: {  	[smem:$0x3FB8] =	sst s2  }
0x8f: {  	_ = 	snop  }
0x90: {  	s2 =	sld [smem:$0x3FD0];
	(tm) =	ssettm $0x1  }
0x91: {  	s18 =	sld [smem:$0x3FFB];
	_ =	sdelay $0x3  }
0x92: {  	_ =	strace s18  }
0x93: {  	s3 =	sld [smem:$0x3FFC];
	_ =	sdelay $0x3  }
0x94: {  	_ =	strace s3  }
0x95: {  	s3 =	sld [smem:$0x3FFD];
	_ =	sdelay $0x3  }
0x96: {  	_ =	strace s3  }
0x97: {  	_ =	strace $0x8FFFFFFF  }
0x98: {  	s19 =	sld [smem:$0x3FDB];
	_ =	sdelay $0x1  }
0x99: {  	s4 =	simm.s32 $_scs_section_size  }
0x9a: {  	s5 =	simm.s32 $_size__tile_overlayer_lowered;
	s6 =	simm.s32 $_tile_overlayer_lowered  }
0x9b: {  	s22 =	simm.s32 $0x1BFF;
	s21 =	sshll.u32 s6, $0x1;
	s3 =	sadd.s32 s4, s19  }
0x9c: {  	s7 =	simm.s32 $0x0;
	s20 =	sshll.u32 s5, $0x1;
	s5 =	sadd.s32 s21, s3  }
0x9d: {  	[timem:s7], [sflag:s22] =	dma.local [hbm:s5], s20  }
0x9e: {  	_ =	swait.ge [sflag:s22], s20  }
0x9f: {  	s4 =	ssub.s32 $0x0, s20;
	[sflag:s22] =	ssyncset.done $0x0  }
0xa0: {  	[sflag:s22] =	ssyncadd.s32 s4;
	_ =	sdelay $0x1  }
0xa1: {  	s23 =	simm.s32 $0x1B8B  }
0xa2: {  	_ =	swait.ge [sflag:s23], $0x1  }
0xa3: {  	[sflag:s23] =	ssyncset.done $0x0  }
0xa4: {  	s25 =	simm.s32 $0x1B8E;
	s24 =	sld [smem:$0x3FFE];
	[sflag:s23] =	ssyncadd.s32 $0xFFFFFFFF  }
0xa5: {  	s26 =	simm.s32 $execute0_lowered;
	[smem:$0x3FD2] =	sst s25  }
0xa6: {  	s5 =	sshll.u32 s26, $0x1;
	_ =	strace $0x80000049;
	[dreg:$0x1] =	wrdreg $0xFFFFFFFF  }
0xa7: {  	s28 =	simm.s32 $_size_execute0_lowered;
	s3 =	sadd.s32 s3, s5;
	[dreg:$0x0] =	wrdreg $0x0  }
0xa8: {  	s5 =	sshll.u32 s28, $0x1;
	[dreg:$0x2] =	wrdreg s3  }
0xa9: {  	[dreg:$0x3] =	wrdreg s5  }
0xaa: {  	[dreg:$0x4] =	wrdreg $0xC0  }
0xab: {  	_ =	task [dreg:s7], $0x5FFFF  }
0xac: {  	[dreg:$0x1] =	wrdreg $0xFFFFFFFF  }
0xad: {  	[dreg:$0x0] =	wrdreg $0x60  }
0xae: {  	[dreg:$0x2] =	wrdreg s24  }
0xaf: {  	[dreg:$0x3] =	wrdreg s2  }
0xb0: {  	[dreg:$0x4] =	wrdreg $0xA8000  }
0xb1: {  	[dreg:$0x5] =	wrdreg $0x9  }
0xb2: {  	_ =	task.clear_ibuf [dreg:s7], $0x6FFFF;
	_ =	strace $0x90000049  }
0xb3: {  	s29 =	simm.s32 $0x9;
	_ =	strace $0x8000004B  }
0xb4: {  	_ =	swait.ge [sflag:s29], $0x1  }
0xb5: {  	[sflag:s29] =	ssyncadd.s32 $0xFFFFFFFF  }
0xb6: {  	_ =	strace $0x9000004B  }
0xb7: {  	_ =	sfence  }
0xb8: {  	s30 =	sld [smem:$0x0];
	_ =	sdelay $0x2  }
0xb9: {  	s31 =	sshll.u32 s1, $0xD;
	s1 =	sshrl.u32 s1, $0x2  }
0xba: {  	s3 =	sand.u32 $0x4000, s31;
	s1 =	sadd.s32 s1, s30  }
0xbb: {  	s0 =	sor.u32 s3, s0;
	s1 =	sshll.u32 s1, $0x11  }
0xbc: {  	s0 =	sor.u32 s1, s0  }
0xbd: {  	s0 =	sadd.s32 $0x8F2B, s0  }
0xbe: {  	[sflag:s0] =	ssyncadd.remote.s32 $0x1  }
0xbf: {  	_ =	sfence.sel $0xFFFF  }
0xc0: {  	[dreg:$0x0] =	wrdreg $0xFFFFFFFF;
	(pc) =	sbr.abs _section_cstart, $3  }
0xc1: {  	[dreg:$0x1] =	wrdreg $0xFFFFFFFF  }
0xc2: {  	_ =	task.clear_ibuf [dreg:s7], $0x2FFFF;
	_ =	strace $0x9FFFFFFF  }
0xc3: {  	(tm) =	ssettm $0x7FFFFFFF  }
tec
execute0_lowered:
.L_overlay_start_1:
0x0: {  	(tag) =	ssettag $0x1  }
0x1: {  	s5 =	rddreg [dreg:$0x0]  }
0x2: {  	s12 =	rddreg [dreg:$0x1]  }
0x3: {  	s0 =	srdreg.scid;
	s2 =	rddreg [dreg:$0x2]  }
0x4: {  	s1 =	stileid.u32;
	s3 =	simm.s32 $0x0;
	s17 =	simm.s32 $0x3  }
0x5: {  	s18 =	simm.s32 $0x1400;
	s19 =	simm.s32 $0x80;
	s20 =	simm.s32 $0x6800  }
0x6: {  	s21 =	simm.s32 $0x1;
	s22 =	simm.s32 $0x2;
	s7 =	smul.u32 $0x14000, s1  }
0x7: {  	s6 =	sand.u32 $0x1, s0;
	s0 =	rddreg [dreg:$0x3];
	s8 =	smul.u32 $0x50000, s1  }
0x8: {  	[smem:$0x7FF] =	sst s3;
	s13 =	sadd.s32 $0x5200, s5;
	s4 =	smul.u32 $0x140000, s6  }
0x9: {  	_ =	strace $0x8000004A;
	s28 =	sshll.u32 s6, $0x4;
	s6 =	ssub.s32 $0x2, s6  }
0xa: {  	s29 =	sor.u32 s1, s28;
	s30 =	sshrl.u32 s8, $0x2;
	s31 =	sshrl.u32 s6, $0x1  }
0xb: {  	s7 =	sadd.s32 s7, s4;
	s4 =	sadd.s32 $0x37200, s5;
	s9 =	smul.u32 $0x2800, s29  }
0xc: {  	s15 =	ssub.s32 s6, s31;
	s11 =	smul.u32 $0x500, s29;
	s7 =	sshrl.u32 s7, $0x3  }
0xd: {  	s15 =	smax.u32 s15, $0x1;
	s14 =	sadd.s32 s7, s5;
	s5 =	sadd.s32 s30, s2  }
0xe: {  	s16 =	sshrl.u32 s9, $0x3;
	s10 =	sadd.s32 s12, s11;
	s11 =	sadd.s32 s13, s11  }
0xf: {  	s6 =	sadd.s32 $0x4000, s5;
	s7 =	sadd.s32 $0x8000, s5;
	s8 =	sadd.s32 $0xC000, s5  }
0x10: {  	s9 =	sadd.s32 $0x10000, s5;
	s16 =	sadd.s32 $0x280, s16;
	s14 =	sadd.s32 $0x5F200, s14  }
0x11: {  	v0 =	vimm.f32 $0.0e+00;
	s12 =	sadd.s32 s12, s16;
	s13 =	sadd.s32 s13, s16;
	s16 =	simm.s32 $0x2800  }
.LBB2_1:
0x12: {  	s23 =	simm.s32 $0x0;
	s24 =	simm.s32 $0x200  }
.LBB2_2:
0x13: {  	p0 =	sne.s32 s24, $0xFE00;
	[tilespmem:s23+$0x2870] =	vst v0  }
0x14: {  	[tilespmem:s23+$0x2800] =	vst v0  }
0x15: {  	[tilespmem:s23+$0x2810] =	vst v0  }
.Ltmp0:
0x16: {  	[tilespmem:s23+$0x2820] =	vst v0;
	(pc) =	sbr.rel @p0 .LBB2_2-.Ltmp0, $4  }
0x17: {  	[tilespmem:s23+$0x2830] =	vst v0  }
0x18: {  	[tilespmem:s23+$0x2840] =	vst v0  }
0x19: {  	[tilespmem:s23+$0x2850] =	vst v0  }
0x1a: {  	[tilespmem:s23+$0x2860] =	vst v0;
	s23 =	sshra.s32 s24, $0x2;
	s24 =	sadd.s32 $0x200, s24  }
0x1b: {  	[tilespmem:s23+$0x2870] =	vst v0  }
0x1c: {  	[tilespmem:s23+$0x2800] =	vst v0  }
0x1d: {  	[tilespmem:s23+$0x2810] =	vst v0  }
0x1e: {  	[tilespmem:s23+$0x2820] =	vst v0  }
0x1f: {  	[tilespmem:s23+$0x2830] =	vst v0  }
0x20: {  	[tilespmem:s23+$0x2840] =	vst v0  }
0x21: {  	[tilespmem:s23+$0x2850] =	vst v0  }
0x22: {  	[tilespmem:s23+$0x2860] =	vst v0  }
0x23: {  	[spmem:s5] =	stream.linear.scatter [tilespmem:s16], [sflag:$0x3], $0x4000, $0x38;
	[tilespmem:$0x1E800] =	vst v63  }
0x24: {  	_ =	swait.ge [sflag:s17], $0x4000  }
0x25: {  	[sflag:s17] =	ssyncset.done $0x0  }
0x26: {  	[sflag:s17] =	ssyncadd.s32 $0xFFFFC000  }
0x27: {  	[spmem:s6] =	stream.linear.scatter [tilespmem:s16], [sflag:$0x3], $0x4000, $0x38;
	[tilespmem:$0x1E800] =	vst v63  }
0x28: {  	_ =	swait.ge [sflag:s17], $0x4000  }
0x29: {  	[sflag:s17] =	ssyncset.done $0x0  }
0x2a: {  	[sflag:s17] =	ssyncadd.s32 $0xFFFFC000  }
0x2b: {  	[spmem:s7] =	stream.linear.scatter [tilespmem:s16], [sflag:$0x3], $0x4000, $0x38;
	[tilespmem:$0x1E800] =	vst v63  }
0x2c: {  	_ =	swait.ge [sflag:s17], $0x4000  }
0x2d: {  	[sflag:s17] =	ssyncset.done $0x0  }
0x2e: {  	[sflag:s17] =	ssyncadd.s32 $0xFFFFC000  }
0x2f: {  	[spmem:s8] =	stream.linear.scatter [tilespmem:s16], [sflag:$0x3], $0x4000, $0x38;
	[tilespmem:$0x1E800] =	vst v63  }
0x30: {  	_ =	swait.ge [sflag:s17], $0x4000  }
0x31: {  	[sflag:s17] =	ssyncset.done $0x0  }
0x32: {  	[sflag:s17] =	ssyncadd.s32 $0xFFFFC000  }
0x33: {  	[spmem:s9] =	stream.linear.scatter [tilespmem:s16], [sflag:$0x3], $0x4000, $0x38;
	[tilespmem:$0x1E800] =	vst v63  }
0x34: {  	_ =	swait.ge [sflag:s17], $0x4000  }
0x35: {  	[sflag:s17] =	ssyncset.done $0x0  }
0x36: {  	[sflag:s17] =	ssyncadd.s32 $0xFFFFC000  }
0x37: {  	s29 =	simm.s32 $0x0;
	[bflag:$0x0] =	sbarrier.arrive $0xFFFF  }
0x38: {  	[tilespmem:s29], [sflag:$0x3] =	stream.linear.gather [hbm4b:s10+s29], $0x1400, $0x38;
	[tilespmem:$0x1E800] =	vst v63  }
0x39: {  	_ =	swait.ge [sflag:s17], $0x1400  }
0x3a: {  	[sflag:s17] =	ssyncset.done $0x0  }
0x3b: {  	[sflag:s17] =	ssyncadd.s32 $0xFFFFEC00  }
0x3c: {  	[tilespmem:s18], [sflag:$0x3] =	stream.linear.gather [hbm4b:s11+s29], $0x1400, $0x38;
	[tilespmem:$0x1E800] =	vst v63  }
0x3d: {  	_ =	swait.ge [sflag:s17], $0x1400  }
0x3e: {  	[sflag:s17] =	ssyncset.done $0x0  }
0x3f: {  	s30 =	simm.s32 $0x0;
	[sflag:s17] =	ssyncadd.s32 $0xFFFFEC00  }
0x40: {  	[tilespmem:s16], [sflag:$0x1] =	stream.indirect.gather [hbm4b:s4+s19], $0x80, s30, s19, $0xb8;
	[tilespmem:$0x1E800] =	vst v63  }
0x41: {  	s31 =	simm.s32 $0x80  }
0x42: {  	[tilespmem:s20], [sflag:$0x2] =	stream.indirect.gather [hbm4b:s4+s19], $0x80, s31, s19, $0xb8;
	[tilespmem:$0x1E800] =	vst v63  }
0x43: {  	_ =	swait.ge [sflag:s21], $0x4000  }
0x44: {  	[sflag:s21] =	ssyncset.done $0x0  }
0x45: {  	s24 =	simm.s32 $0x1400;
	[sflag:s21] =	ssyncadd.s32 $0xFFFFC000  }
0x46: {  	[spmem:s2] =	stream.indirect.scatter.add.f32 [tilespmem:s16], [sflag:$0x3], $0x80, s24, s19, $0xb8;
	[tilespmem:$0x1E800] =	vst v63  }
0x47: {  	_ =	swait.ge [sflag:s17], $0x4000  }
0x48: {  	[sflag:s17] =	ssyncset.done $0x0  }
0x49: {  	s25 =	simm.s32 $0x100;
	[sflag:s17] =	ssyncadd.s32 $0xFFFFC000  }
0x4a: {  	[tilespmem:s16], [sflag:$0x1] =	stream.indirect.gather [hbm4b:s4+s19], $0x80, s25, s19, $0xb8;
	[tilespmem:$0x1E800] =	vst v63  }
0x4b: {  	_ =	swait.ge [sflag:s22], $0x4000  }
0x4c: {  	[sflag:s22] =	ssyncset.done $0x0  }
0x4d: {  	s26 =	simm.s32 $0x1480;
	[sflag:s22] =	ssyncadd.s32 $0xFFFFC000  }
0x4e: {  	[spmem:s2] =	stream.indirect.scatter.add.f32 [tilespmem:s20], [sflag:$0x3], $0x80, s26, s19, $0xb8;
	[tilespmem:$0x1E800] =	vst v63  }
0x4f: {  	_ =	swait.ge [sflag:s17], $0x4000  }
0x50: {  	[sflag:s17] =	ssyncset.done $0x0  }
0x51: {  	s28 =	simm.s32 $0x180;
	[sflag:s17] =	ssyncadd.s32 $0xFFFFC000  }
0x52: {  	[tilespmem:s20], [sflag:$0x2] =	stream.indirect.gather [hbm4b:s4+s19], $0x80, s28, s19, $0xb8;
	[tilespmem:$0x1E800] =	vst v63  }
0x53: {  	_ =	swait.ge [sflag:s21], $0x4000  }
0x54: {  	[sflag:s21] =	ssyncset.done $0x0  }
0x55: {  	s29 =	simm.s32 $0x1500;
	[sflag:s21] =	ssyncadd.s32 $0xFFFFC000  }
0x56: {  	[spmem:s2] =	stream.indirect.scatter.add.f32 [tilespmem:s16], [sflag:$0x3], $0x80, s29, s19, $0xb8;
	[tilespmem:$0x1E800] =	vst v63  }
0x57: {  	_ =	swait.ge [sflag:s17], $0x4000  }
0x58: {  	[sflag:s17] =	ssyncset.done $0x0  }
0x59: {  	s30 =	simm.s32 $0x200;
	[sflag:s17] =	ssyncadd.s32 $0xFFFFC000  }
0x5a: {  	[tilespmem:s16], [sflag:$0x1] =	stream.indirect.gather [hbm4b:s4+s19], $0x80, s30, s19, $0xb8;
	[tilespmem:$0x1E800] =	vst v63  }
0x5b: {  	_ =	swait.ge [sflag:s22], $0x4000  }
0x5c: {  	[sflag:s22] =	ssyncset.done $0x0  }
0x5d: {  	s31 =	simm.s32 $0x1580;
	[sflag:s22] =	ssyncadd.s32 $0xFFFFC000  }
0x5e: {  	[spmem:s2] =	stream.indirect.scatter.add.f32 [tilespmem:s20], [sflag:$0x3], $0x80, s31, s19, $0xb8;
	[tilespmem:$0x1E800] =	vst v63  }
0x5f: {  	_ =	swait.ge [sflag:s17], $0x4000  }
0x60: {  	[sflag:s17] =	ssyncset.done $0x0  }
0x61: {  	s24 =	simm.s32 $0x280;
	[sflag:s17] =	ssyncadd.s32 $0xFFFFC000  }
0x62: {  	[tilespmem:s20], [sflag:$0x2] =	stream.indirect.gather [hbm4b:s4+s19], $0x80, s24, s19, $0xb8;
	[tilespmem:$0x1E800] =	vst v63  }
0x63: {  	_ =	swait.ge [sflag:s21], $0x4000  }
0x64: {  	[sflag:s21] =	ssyncset.done $0x0  }
0x65: {  	s25 =	simm.s32 $0x1600;
	[sflag:s21] =	ssyncadd.s32 $0xFFFFC000  }
0x66: {  	[spmem:s2] =	stream.indirect.scatter.add.f32 [tilespmem:s16], [sflag:$0x3], $0x80, s25, s19, $0xb8;
	[tilespmem:$0x1E800] =	vst v63  }
0x67: {  	_ =	swait.ge [sflag:s17], $0x4000  }
0x68: {  	[sflag:s17] =	ssyncset.done $0x0  }
0x69: {  	s26 =	simm.s32 $0x300;
	[sflag:s17] =	ssyncadd.s32 $0xFFFFC000  }
0x6a: {  	[tilespmem:s16], [sflag:$0x1] =	stream.indirect.gather [hbm4b:s4+s19], $0x80, s26, s19, $0xb8;
	[tilespmem:$0x1E800] =	vst v63  }
0x6b: {  	_ =	swait.ge [sflag:s22], $0x4000  }
0x6c: {  	[sflag:s22] =	ssyncset.done $0x0  }
0x6d: {  	s28 =	simm.s32 $0x1680;
	[sflag:s22] =	ssyncadd.s32 $0xFFFFC000  }
0x6e: {  	[spmem:s2] =	stream.indirect.scatter.add.f32 [tilespmem:s20], [sflag:$0x3], $0x80, s28, s19, $0xb8;
	[tilespmem:$0x1E800] =	vst v63  }
0x6f: {  	_ =	swait.ge [sflag:s17], $0x4000  }
0x70: {  	[sflag:s17] =	ssyncset.done $0x0  }
0x71: {  	s29 =	simm.s32 $0x380;
	[sflag:s17] =	ssyncadd.s32 $0xFFFFC000  }
0x72: {  	[tilespmem:s20], [sflag:$0x2] =	stream.indirect.gather [hbm4b:s4+s19], $0x80, s29, s19, $0xb8;
	[tilespmem:$0x1E800] =	vst v63  }
0x73: {  	_ =	swait.ge [sflag:s21], $0x4000  }
0x74: {  	[sflag:s21] =	ssyncset.done $0x0  }
0x75: {  	s30 =	simm.s32 $0x1700;
	[sflag:s21] =	ssyncadd.s32 $0xFFFFC000  }
0x76: {  	[spmem:s2] =	stream.indirect.scatter.add.f32 [tilespmem:s16], [sflag:$0x3], $0x80, s30, s19, $0xb8;
	[tilespmem:$0x1E800] =	vst v63  }
0x77: {  	_ =	swait.ge [sflag:s17], $0x4000  }
0x78: {  	[sflag:s17] =	ssyncset.done $0x0  }
0x79: {  	[sflag:s17] =	ssyncadd.s32 $0xFFFFC000  }
0x7a: {  	_ =	swait.ge [sflag:s22], $0x4000  }
0x7b: {  	[sflag:s22] =	ssyncset.done $0x0  }
0x7c: {  	s31 =	simm.s32 $0x1780;
	[sflag:s22] =	ssyncadd.s32 $0xFFFFC000  }
0x7d: {  	[spmem:s2] =	stream.indirect.scatter.add.f32 [tilespmem:s20], [sflag:$0x3], $0x80, s31, s19, $0xb8;
	[tilespmem:$0x1E800] =	vst v63  }
0x7e: {  	_ =	swait.ge [sflag:s17], $0x4000  }
0x7f: {  	s23 =	simm.s32 $0x1000;
	s26 =	simm.s32 $0x2000;
	[sflag:s17] =	ssyncset.done $0x0  }
.LBB2_4:
0x80: {  	s25 =	sshra.s32 s23, $0x2  }
0x81: {  	[sflag:s17] =	ssyncadd.s32 $0xFFFFC000;
	s23 =	smov.u32 s26;
	s24 =	sadd.s32 $0x1000, s26  }
0x82: {  	[tilespmem:s16], [sflag:$0x1] =	stream.indirect.gather [hbm4b:s4+s19], $0x80, s25, s19, $0xb8;
	[tilespmem:$0x1E800] =	vst v63  }
0x83: {  	p0 =	sne.s32 s26, $0x4000;
	s26 =	sadd.s32 $0x80, s25  }
0x84: {  	[tilespmem:s20], [sflag:$0x2] =	stream.indirect.gather [hbm4b:s4+s19], $0x80, s26, s19, $0xb8;
	[tilespmem:$0x1E800] =	vst v63  }
0x85: {  	_ =	swait.ge [sflag:s21], $0x4000  }
0x86: {  	[sflag:s21] =	ssyncset.done $0x0  }
0x87: {  	s26 =	sadd.s32 $0x1400, s25;
	[sflag:s21] =	ssyncadd.s32 $0xFFFFC000  }
0x88: {  	[spmem:s2] =	stream.indirect.scatter.add.f32 [tilespmem:s16], [sflag:$0x3], $0x80, s26, s19, $0xb8;
	[tilespmem:$0x1E800] =	vst v63  }
0x89: {  	_ =	swait.ge [sflag:s17], $0x4000  }
0x8a: {  	[sflag:s17] =	ssyncset.done $0x0  }
0x8b: {  	s26 =	sadd.s32 $0x100, s25;
	[sflag:s17] =	ssyncadd.s32 $0xFFFFC000  }
0x8c: {  	[tilespmem:s16], [sflag:$0x1] =	stream.indirect.gather [hbm4b:s4+s19], $0x80, s26, s19, $0xb8;
	[tilespmem:$0x1E800] =	vst v63  }
0x8d: {  	_ =	swait.ge [sflag:s22], $0x4000  }
0x8e: {  	[sflag:s22] =	ssyncset.done $0x0  }
0x8f: {  	s26 =	sadd.s32 $0x1480, s25;
	[sflag:s22] =	ssyncadd.s32 $0xFFFFC000  }
0x90: {  	[spmem:s2] =	stream.indirect.scatter.add.f32 [tilespmem:s20], [sflag:$0x3], $0x80, s26, s19, $0xb8;
	[tilespmem:$0x1E800] =	vst v63  }
0x91: {  	_ =	swait.ge [sflag:s17], $0x4000  }
0x92: {  	[sflag:s17] =	ssyncset.done $0x0  }
0x93: {  	s26 =	sadd.s32 $0x180, s25;
	[sflag:s17] =	ssyncadd.s32 $0xFFFFC000  }
0x94: {  	[tilespmem:s20], [sflag:$0x2] =	stream.indirect.gather [hbm4b:s4+s19], $0x80, s26, s19, $0xb8;
	[tilespmem:$0x1E800] =	vst v63  }
0x95: {  	_ =	swait.ge [sflag:s21], $0x4000  }
0x96: {  	[sflag:s21] =	ssyncset.done $0x0  }
0x97: {  	s26 =	sadd.s32 $0x1500, s25;
	[sflag:s21] =	ssyncadd.s32 $0xFFFFC000  }
0x98: {  	[spmem:s2] =	stream.indirect.scatter.add.f32 [tilespmem:s16], [sflag:$0x3], $0x80, s26, s19, $0xb8;
	[tilespmem:$0x1E800] =	vst v63  }
0x99: {  	_ =	swait.ge [sflag:s17], $0x4000  }
0x9a: {  	[sflag:s17] =	ssyncset.done $0x0  }
0x9b: {  	s26 =	sadd.s32 $0x200, s25;
	[sflag:s17] =	ssyncadd.s32 $0xFFFFC000  }
0x9c: {  	[tilespmem:s16], [sflag:$0x1] =	stream.indirect.gather [hbm4b:s4+s19], $0x80, s26, s19, $0xb8;
	[tilespmem:$0x1E800] =	vst v63  }
0x9d: {  	_ =	swait.ge [sflag:s22], $0x4000  }
0x9e: {  	[sflag:s22] =	ssyncset.done $0x0  }
0x9f: {  	s26 =	sadd.s32 $0x1580, s25;
	[sflag:s22] =	ssyncadd.s32 $0xFFFFC000  }
0xa0: {  	[spmem:s2] =	stream.indirect.scatter.add.f32 [tilespmem:s20], [sflag:$0x3], $0x80, s26, s19, $0xb8;
	[tilespmem:$0x1E800] =	vst v63  }
0xa1: {  	_ =	swait.ge [sflag:s17], $0x4000  }
0xa2: {  	[sflag:s17] =	ssyncset.done $0x0  }
0xa3: {  	s26 =	sadd.s32 $0x280, s25;
	[sflag:s17] =	ssyncadd.s32 $0xFFFFC000  }
0xa4: {  	[tilespmem:s20], [sflag:$0x2] =	stream.indirect.gather [hbm4b:s4+s19], $0x80, s26, s19, $0xb8;
	[tilespmem:$0x1E800] =	vst v63  }
0xa5: {  	_ =	swait.ge [sflag:s21], $0x4000  }
0xa6: {  	[sflag:s21] =	ssyncset.done $0x0  }
0xa7: {  	s26 =	sadd.s32 $0x1600, s25;
	[sflag:s21] =	ssyncadd.s32 $0xFFFFC000  }
0xa8: {  	[spmem:s2] =	stream.indirect.scatter.add.f32 [tilespmem:s16], [sflag:$0x3], $0x80, s26, s19, $0xb8;
	[tilespmem:$0x1E800] =	vst v63  }
0xa9: {  	_ =	swait.ge [sflag:s17], $0x4000  }
0xaa: {  	[sflag:s17] =	ssyncset.done $0x0  }
0xab: {  	s26 =	sadd.s32 $0x300, s25;
	[sflag:s17] =	ssyncadd.s32 $0xFFFFC000  }
0xac: {  	[tilespmem:s16], [sflag:$0x1] =	stream.indirect.gather [hbm4b:s4+s19], $0x80, s26, s19, $0xb8;
	[tilespmem:$0x1E800] =	vst v63  }
0xad: {  	_ =	swait.ge [sflag:s22], $0x4000  }
0xae: {  	[sflag:s22] =	ssyncset.done $0x0  }
0xaf: {  	s26 =	sadd.s32 $0x1680, s25;
	[sflag:s22] =	ssyncadd.s32 $0xFFFFC000  }
0xb0: {  	[spmem:s2] =	stream.indirect.scatter.add.f32 [tilespmem:s20], [sflag:$0x3], $0x80, s26, s19, $0xb8;
	[tilespmem:$0x1E800] =	vst v63  }
0xb1: {  	_ =	swait.ge [sflag:s17], $0x4000  }
0xb2: {  	[sflag:s17] =	ssyncset.done $0x0  }
0xb3: {  	s26 =	sadd.s32 $0x380, s25;
	[sflag:s17] =	ssyncadd.s32 $0xFFFFC000  }
0xb4: {  	[tilespmem:s20], [sflag:$0x2] =	stream.indirect.gather [hbm4b:s4+s19], $0x80, s26, s19, $0xb8;
	[tilespmem:$0x1E800] =	vst v63  }
0xb5: {  	_ =	swait.ge [sflag:s21], $0x4000  }
0xb6: {  	[sflag:s21] =	ssyncset.done $0x0  }
0xb7: {  	s26 =	sadd.s32 $0x1700, s25;
	[sflag:s21] =	ssyncadd.s32 $0xFFFFC000  }
0xb8: {  	[spmem:s2] =	stream.indirect.scatter.add.f32 [tilespmem:s16], [sflag:$0x3], $0x80, s26, s19, $0xb8;
	[tilespmem:$0x1E800] =	vst v63  }
0xb9: {  	_ =	swait.ge [sflag:s17], $0x4000  }
0xba: {  	[sflag:s17] =	ssyncset.done $0x0  }
0xbb: {  	[sflag:s17] =	ssyncadd.s32 $0xFFFFC000  }
0xbc: {  	_ =	swait.ge [sflag:s22], $0x4000  }
.Ltmp1:
0xbd: {  	[sflag:s22] =	ssyncset.done $0x0;
	(pc) =	sbr.rel @p0 .LBB2_4-.Ltmp1, $4  }
0xbe: {  	s25 =	sadd.s32 $0x1780, s25;
	[sflag:s22] =	ssyncadd.s32 $0xFFFFC000  }
0xbf: {  	[spmem:s2] =	stream.indirect.scatter.add.f32 [tilespmem:s20], [sflag:$0x3], $0x80, s25, s19, $0xb8;
	[tilespmem:$0x1E800] =	vst v63  }
0xc0: {  	_ =	swait.ge [sflag:s17], $0x4000  }
0xc1: {  	s26 =	smov.u32 s24;
	[sflag:s17] =	ssyncset.done $0x0  }
0xc2: {  	s23 =	sshra.s32 s23, $0x2;
	[sflag:s17] =	ssyncadd.s32 $0xFFFFC000  }
0xc3: {  	[tilespmem:s16], [sflag:$0x1] =	stream.indirect.gather [hbm4b:s4+s19], $0x80, s23, s19, $0xb8;
	[tilespmem:$0x1E800] =	vst v63  }
0xc4: {  	s24 =	sadd.s32 $0x80, s23  }
0xc5: {  	[tilespmem:s20], [sflag:$0x2] =	stream.indirect.gather [hbm4b:s4+s19], $0x80, s24, s19, $0xb8;
	[tilespmem:$0x1E800] =	vst v63  }
0xc6: {  	_ =	swait.ge [sflag:s21], $0x4000  }
0xc7: {  	[sflag:s21] =	ssyncset.done $0x0  }
0xc8: {  	s28 =	sadd.s32 $0x1400, s23;
	[sflag:s21] =	ssyncadd.s32 $0xFFFFC000  }
0xc9: {  	[spmem:s2] =	stream.indirect.scatter.add.f32 [tilespmem:s16], [sflag:$0x3], $0x80, s28, s19, $0xb8;
	[tilespmem:$0x1E800] =	vst v63  }
0xca: {  	_ =	swait.ge [sflag:s17], $0x4000  }
0xcb: {  	[sflag:s17] =	ssyncset.done $0x0  }
0xcc: {  	s29 =	sadd.s32 $0x100, s23;
	[sflag:s17] =	ssyncadd.s32 $0xFFFFC000  }
0xcd: {  	[tilespmem:s16], [sflag:$0x1] =	stream.indirect.gather [hbm4b:s4+s19], $0x80, s29, s19, $0xb8;
	[tilespmem:$0x1E800] =	vst v63  }
0xce: {  	_ =	swait.ge [sflag:s22], $0x4000  }
0xcf: {  	[sflag:s22] =	ssyncset.done $0x0  }
0xd0: {  	s30 =	sadd.s32 $0x1480, s23;
	[sflag:s22] =	ssyncadd.s32 $0xFFFFC000  }
0xd1: {  	[spmem:s2] =	stream.indirect.scatter.add.f32 [tilespmem:s20], [sflag:$0x3], $0x80, s30, s19, $0xb8;
	[tilespmem:$0x1E800] =	vst v63  }
0xd2: {  	_ =	swait.ge [sflag:s17], $0x4000  }
0xd3: {  	[sflag:s17] =	ssyncset.done $0x0  }
0xd4: {  	s31 =	sadd.s32 $0x180, s23;
	[sflag:s17] =	ssyncadd.s32 $0xFFFFC000  }
0xd5: {  	[tilespmem:s20], [sflag:$0x2] =	stream.indirect.gather [hbm4b:s4+s19], $0x80, s31, s19, $0xb8;
	[tilespmem:$0x1E800] =	vst v63  }
0xd6: {  	_ =	swait.ge [sflag:s21], $0x4000  }
0xd7: {  	[sflag:s21] =	ssyncset.done $0x0  }
0xd8: {  	s25 =	sadd.s32 $0x1500, s23;
	[sflag:s21] =	ssyncadd.s32 $0xFFFFC000  }
0xd9: {  	[spmem:s2] =	stream.indirect.scatter.add.f32 [tilespmem:s16], [sflag:$0x3], $0x80, s25, s19, $0xb8;
	[tilespmem:$0x1E800] =	vst v63  }
0xda: {  	_ =	swait.ge [sflag:s17], $0x4000  }
0xdb: {  	[sflag:s17] =	ssyncset.done $0x0  }
0xdc: {  	s26 =	sadd.s32 $0x200, s23;
	[sflag:s17] =	ssyncadd.s32 $0xFFFFC000  }
0xdd: {  	[tilespmem:s16], [sflag:$0x1] =	stream.indirect.gather [hbm4b:s4+s19], $0x80, s26, s19, $0xb8;
	[tilespmem:$0x1E800] =	vst v63  }
0xde: {  	_ =	swait.ge [sflag:s22], $0x4000  }
0xdf: {  	[sflag:s22] =	ssyncset.done $0x0  }
0xe0: {  	s28 =	sadd.s32 $0x1580, s23;
	[sflag:s22] =	ssyncadd.s32 $0xFFFFC000  }
0xe1: {  	[spmem:s2] =	stream.indirect.scatter.add.f32 [tilespmem:s20], [sflag:$0x3], $0x80, s28, s19, $0xb8;
	[tilespmem:$0x1E800] =	vst v63  }
0xe2: {  	_ =	swait.ge [sflag:s17], $0x4000  }
0xe3: {  	[sflag:s17] =	ssyncset.done $0x0  }
0xe4: {  	s29 =	sadd.s32 $0x280, s23;
	[sflag:s17] =	ssyncadd.s32 $0xFFFFC000  }
0xe5: {  	[tilespmem:s20], [sflag:$0x2] =	stream.indirect.gather [hbm4b:s4+s19], $0x80, s29, s19, $0xb8;
	[tilespmem:$0x1E800] =	vst v63  }
0xe6: {  	_ =	swait.ge [sflag:s21], $0x4000  }
0xe7: {  	[sflag:s21] =	ssyncset.done $0x0  }
0xe8: {  	s30 =	sadd.s32 $0x1600, s23;
	[sflag:s21] =	ssyncadd.s32 $0xFFFFC000  }
0xe9: {  	[spmem:s2] =	stream.indirect.scatter.add.f32 [tilespmem:s16], [sflag:$0x3], $0x80, s30, s19, $0xb8;
	[tilespmem:$0x1E800] =	vst v63  }
0xea: {  	_ =	swait.ge [sflag:s17], $0x4000  }
0xeb: {  	[sflag:s17] =	ssyncset.done $0x0  }
0xec: {  	s31 =	sadd.s32 $0x300, s23;
	[sflag:s17] =	ssyncadd.s32 $0xFFFFC000  }
0xed: {  	[tilespmem:s16], [sflag:$0x1] =	stream.indirect.gather [hbm4b:s4+s19], $0x80, s31, s19, $0xb8;
	[tilespmem:$0x1E800] =	vst v63  }
0xee: {  	_ =	swait.ge [sflag:s22], $0x4000  }
0xef: {  	[sflag:s22] =	ssyncset.done $0x0  }
0xf0: {  	s25 =	sadd.s32 $0x1680, s23;
	[sflag:s22] =	ssyncadd.s32 $0xFFFFC000  }
0xf1: {  	[spmem:s2] =	stream.indirect.scatter.add.f32 [tilespmem:s20], [sflag:$0x3], $0x80, s25, s19, $0xb8;
	[tilespmem:$0x1E800] =	vst v63  }
0xf2: {  	_ =	swait.ge [sflag:s17], $0x4000  }
0xf3: {  	[sflag:s17] =	ssyncset.done $0x0  }
0xf4: {  	s26 =	sadd.s32 $0x380, s23;
	[sflag:s17] =	ssyncadd.s32 $0xFFFFC000  }
0xf5: {  	[tilespmem:s20], [sflag:$0x2] =	stream.indirect.gather [hbm4b:s4+s19], $0x80, s26, s19, $0xb8;
	[tilespmem:$0x1E800] =	vst v63  }
0xf6: {  	_ =	swait.ge [sflag:s21], $0x4000  }
0xf7: {  	[sflag:s21] =	ssyncset.done $0x0  }
0xf8: {  	s28 =	sadd.s32 $0x1700, s23;
	[sflag:s21] =	ssyncadd.s32 $0xFFFFC000  }
0xf9: {  	[spmem:s2] =	stream.indirect.scatter.add.f32 [tilespmem:s16], [sflag:$0x3], $0x80, s28, s19, $0xb8;
	[tilespmem:$0x1E800] =	vst v63  }
0xfa: {  	_ =	swait.ge [sflag:s17], $0x4000  }
0xfb: {  	[sflag:s17] =	ssyncset.done $0x0  }
0xfc: {  	[sflag:s17] =	ssyncadd.s32 $0xFFFFC000  }
0xfd: {  	_ =	swait.ge [sflag:s22], $0x4000  }
0xfe: {  	[sflag:s22] =	ssyncset.done $0x0  }
0xff: {  	s23 =	sadd.s32 $0x1780, s23;
	[sflag:s22] =	ssyncadd.s32 $0xFFFFC000  }
0x100: {  	[spmem:s2] =	stream.indirect.scatter.add.f32 [tilespmem:s20], [sflag:$0x3], $0x80, s23, s19, $0xb8;
	[tilespmem:$0x1E800] =	vst v63  }
0x101: {  	_ =	swait.ge [sflag:s17], $0x4000  }
0x102: {  	[sflag:s17] =	ssyncset.done $0x0  }
0x103: {  	s29 =	simm.s32 $0x0;
	[sflag:s17] =	ssyncadd.s32 $0xFFFFC000  }
0x104: {  	[tilespmem:s29], [sflag:$0x3] =	stream.linear.gather [hbm4b:s12+s29], $0x1400, $0x38;
	[tilespmem:$0x1E800] =	vst v63  }
0x105: {  	_ =	swait.ge [sflag:s17], $0x1400  }
0x106: {  	[sflag:s17] =	ssyncset.done $0x0  }
0x107: {  	[sflag:s17] =	ssyncadd.s32 $0xFFFFEC00  }
0x108: {  	[tilespmem:s18], [sflag:$0x3] =	stream.linear.gather [hbm4b:s13+s29], $0x1400, $0x38;
	[tilespmem:$0x1E800] =	vst v63  }
0x109: {  	_ =	swait.ge [sflag:s17], $0x1400  }
0x10a: {  	[sflag:s17] =	ssyncset.done $0x0  }
0x10b: {  	s30 =	simm.s32 $0x0;
	[sflag:s17] =	ssyncadd.s32 $0xFFFFEC00  }
0x10c: {  	[tilespmem:s16], [sflag:$0x1] =	stream.indirect.gather [hbm4b:s4+s19], $0x80, s30, s19, $0xb8;
	[tilespmem:$0x1E800] =	vst v63  }
0x10d: {  	s31 =	simm.s32 $0x80  }
0x10e: {  	[tilespmem:s20], [sflag:$0x2] =	stream.indirect.gather [hbm4b:s4+s19], $0x80, s31, s19, $0xb8;
	[tilespmem:$0x1E800] =	vst v63  }
0x10f: {  	_ =	swait.ge [sflag:s21], $0x4000  }
0x110: {  	[sflag:s21] =	ssyncset.done $0x0  }
0x111: {  	s24 =	simm.s32 $0x1400;
	[sflag:s21] =	ssyncadd.s32 $0xFFFFC000  }
0x112: {  	[spmem:s2] =	stream.indirect.scatter.add.f32 [tilespmem:s16], [sflag:$0x3], $0x80, s24, s19, $0xb8;
	[tilespmem:$0x1E800] =	vst v63  }
0x113: {  	_ =	swait.ge [sflag:s17], $0x4000  }
0x114: {  	[sflag:s17] =	ssyncset.done $0x0  }
0x115: {  	s25 =	simm.s32 $0x100;
	[sflag:s17] =	ssyncadd.s32 $0xFFFFC000  }
0x116: {  	[tilespmem:s16], [sflag:$0x1] =	stream.indirect.gather [hbm4b:s4+s19], $0x80, s25, s19, $0xb8;
	[tilespmem:$0x1E800] =	vst v63  }
0x117: {  	_ =	swait.ge [sflag:s22], $0x4000  }
0x118: {  	[sflag:s22] =	ssyncset.done $0x0  }
0x119: {  	s26 =	simm.s32 $0x1480;
	[sflag:s22] =	ssyncadd.s32 $0xFFFFC000  }
0x11a: {  	[spmem:s2] =	stream.indirect.scatter.add.f32 [tilespmem:s20], [sflag:$0x3], $0x80, s26, s19, $0xb8;
	[tilespmem:$0x1E800] =	vst v63  }
0x11b: {  	_ =	swait.ge [sflag:s17], $0x4000  }
0x11c: {  	[sflag:s17] =	ssyncset.done $0x0  }
0x11d: {  	s28 =	simm.s32 $0x180;
	[sflag:s17] =	ssyncadd.s32 $0xFFFFC000  }
0x11e: {  	[tilespmem:s20], [sflag:$0x2] =	stream.indirect.gather [hbm4b:s4+s19], $0x80, s28, s19, $0xb8;
	[tilespmem:$0x1E800] =	vst v63  }
0x11f: {  	_ =	swait.ge [sflag:s21], $0x4000  }
0x120: {  	[sflag:s21] =	ssyncset.done $0x0  }
0x121: {  	s29 =	simm.s32 $0x1500;
	[sflag:s21] =	ssyncadd.s32 $0xFFFFC000  }
0x122: {  	[spmem:s2] =	stream.indirect.scatter.add.f32 [tilespmem:s16], [sflag:$0x3], $0x80, s29, s19, $0xb8;
	[tilespmem:$0x1E800] =	vst v63  }
0x123: {  	_ =	swait.ge [sflag:s17], $0x4000  }
0x124: {  	[sflag:s17] =	ssyncset.done $0x0  }
0x125: {  	s30 =	simm.s32 $0x200;
	[sflag:s17] =	ssyncadd.s32 $0xFFFFC000  }
0x126: {  	[tilespmem:s16], [sflag:$0x1] =	stream.indirect.gather [hbm4b:s4+s19], $0x80, s30, s19, $0xb8;
	[tilespmem:$0x1E800] =	vst v63  }
0x127: {  	_ =	swait.ge [sflag:s22], $0x4000  }
0x128: {  	[sflag:s22] =	ssyncset.done $0x0  }
0x129: {  	s31 =	simm.s32 $0x1580;
	[sflag:s22] =	ssyncadd.s32 $0xFFFFC000  }
0x12a: {  	[spmem:s2] =	stream.indirect.scatter.add.f32 [tilespmem:s20], [sflag:$0x3], $0x80, s31, s19, $0xb8;
	[tilespmem:$0x1E800] =	vst v63  }
0x12b: {  	_ =	swait.ge [sflag:s17], $0x4000  }
0x12c: {  	[sflag:s17] =	ssyncset.done $0x0  }
0x12d: {  	s24 =	simm.s32 $0x280;
	[sflag:s17] =	ssyncadd.s32 $0xFFFFC000  }
0x12e: {  	[tilespmem:s20], [sflag:$0x2] =	stream.indirect.gather [hbm4b:s4+s19], $0x80, s24, s19, $0xb8;
	[tilespmem:$0x1E800] =	vst v63  }
0x12f: {  	_ =	swait.ge [sflag:s21], $0x4000  }
0x130: {  	[sflag:s21] =	ssyncset.done $0x0  }
0x131: {  	s25 =	simm.s32 $0x1600;
	[sflag:s21] =	ssyncadd.s32 $0xFFFFC000  }
0x132: {  	[spmem:s2] =	stream.indirect.scatter.add.f32 [tilespmem:s16], [sflag:$0x3], $0x80, s25, s19, $0xb8;
	[tilespmem:$0x1E800] =	vst v63  }
0x133: {  	_ =	swait.ge [sflag:s17], $0x4000  }
0x134: {  	[sflag:s17] =	ssyncset.done $0x0  }
0x135: {  	s26 =	simm.s32 $0x300;
	[sflag:s17] =	ssyncadd.s32 $0xFFFFC000  }
0x136: {  	[tilespmem:s16], [sflag:$0x1] =	stream.indirect.gather [hbm4b:s4+s19], $0x80, s26, s19, $0xb8;
	[tilespmem:$0x1E800] =	vst v63  }
0x137: {  	_ =	swait.ge [sflag:s22], $0x4000  }
0x138: {  	[sflag:s22] =	ssyncset.done $0x0  }
0x139: {  	s28 =	simm.s32 $0x1680;
	[sflag:s22] =	ssyncadd.s32 $0xFFFFC000  }
0x13a: {  	[spmem:s2] =	stream.indirect.scatter.add.f32 [tilespmem:s20], [sflag:$0x3], $0x80, s28, s19, $0xb8;
	[tilespmem:$0x1E800] =	vst v63  }
0x13b: {  	_ =	swait.ge [sflag:s17], $0x4000  }
0x13c: {  	[sflag:s17] =	ssyncset.done $0x0  }
0x13d: {  	s29 =	simm.s32 $0x380;
	[sflag:s17] =	ssyncadd.s32 $0xFFFFC000  }
0x13e: {  	[tilespmem:s20], [sflag:$0x2] =	stream.indirect.gather [hbm4b:s4+s19], $0x80, s29, s19, $0xb8;
	[tilespmem:$0x1E800] =	vst v63  }
0x13f: {  	_ =	swait.ge [sflag:s21], $0x4000  }
0x140: {  	[sflag:s21] =	ssyncset.done $0x0  }
0x141: {  	s30 =	simm.s32 $0x1700;
	[sflag:s21] =	ssyncadd.s32 $0xFFFFC000  }
0x142: {  	[spmem:s2] =	stream.indirect.scatter.add.f32 [tilespmem:s16], [sflag:$0x3], $0x80, s30, s19, $0xb8;
	[tilespmem:$0x1E800] =	vst v63  }
0x143: {  	_ =	swait.ge [sflag:s17], $0x4000  }
0x144: {  	[sflag:s17] =	ssyncset.done $0x0  }
0x145: {  	[sflag:s17] =	ssyncadd.s32 $0xFFFFC000  }
0x146: {  	_ =	swait.ge [sflag:s22], $0x4000  }
0x147: {  	[sflag:s22] =	ssyncset.done $0x0  }
0x148: {  	s31 =	simm.s32 $0x1780;
	[sflag:s22] =	ssyncadd.s32 $0xFFFFC000  }
0x149: {  	[spmem:s2] =	stream.indirect.scatter.add.f32 [tilespmem:s20], [sflag:$0x3], $0x80, s31, s19, $0xb8;
	[tilespmem:$0x1E800] =	vst v63  }
0x14a: {  	_ =	swait.ge [sflag:s17], $0x4000  }
0x14b: {  	s23 =	simm.s32 $0x1000;
	s26 =	simm.s32 $0x2000;
	[sflag:s17] =	ssyncset.done $0x0  }
.LBB2_6:
0x14c: {  	s25 =	sshra.s32 s23, $0x2  }
0x14d: {  	[sflag:s17] =	ssyncadd.s32 $0xFFFFC000;
	s23 =	smov.u32 s26;
	s24 =	sadd.s32 $0x1000, s26  }
0x14e: {  	[tilespmem:s16], [sflag:$0x1] =	stream.indirect.gather [hbm4b:s4+s19], $0x80, s25, s19, $0xb8;
	[tilespmem:$0x1E800] =	vst v63  }
0x14f: {  	p0 =	sne.s32 s26, $0x4000;
	s26 =	sadd.s32 $0x80, s25  }
0x150: {  	[tilespmem:s20], [sflag:$0x2] =	stream.indirect.gather [hbm4b:s4+s19], $0x80, s26, s19, $0xb8;
	[tilespmem:$0x1E800] =	vst v63  }
0x151: {  	_ =	swait.ge [sflag:s21], $0x4000  }
0x152: {  	[sflag:s21] =	ssyncset.done $0x0  }
0x153: {  	s26 =	sadd.s32 $0x1400, s25;
	[sflag:s21] =	ssyncadd.s32 $0xFFFFC000  }
0x154: {  	[spmem:s2] =	stream.indirect.scatter.add.f32 [tilespmem:s16], [sflag:$0x3], $0x80, s26, s19, $0xb8;
	[tilespmem:$0x1E800] =	vst v63  }
0x155: {  	_ =	swait.ge [sflag:s17], $0x4000  }
0x156: {  	[sflag:s17] =	ssyncset.done $0x0  }
0x157: {  	s26 =	sadd.s32 $0x100, s25;
	[sflag:s17] =	ssyncadd.s32 $0xFFFFC000  }
0x158: {  	[tilespmem:s16], [sflag:$0x1] =	stream.indirect.gather [hbm4b:s4+s19], $0x80, s26, s19, $0xb8;
	[tilespmem:$0x1E800] =	vst v63  }
0x159: {  	_ =	swait.ge [sflag:s22], $0x4000  }
0x15a: {  	[sflag:s22] =	ssyncset.done $0x0  }
0x15b: {  	s26 =	sadd.s32 $0x1480, s25;
	[sflag:s22] =	ssyncadd.s32 $0xFFFFC000  }
0x15c: {  	[spmem:s2] =	stream.indirect.scatter.add.f32 [tilespmem:s20], [sflag:$0x3], $0x80, s26, s19, $0xb8;
	[tilespmem:$0x1E800] =	vst v63  }
0x15d: {  	_ =	swait.ge [sflag:s17], $0x4000  }
0x15e: {  	[sflag:s17] =	ssyncset.done $0x0  }
0x15f: {  	s26 =	sadd.s32 $0x180, s25;
	[sflag:s17] =	ssyncadd.s32 $0xFFFFC000  }
0x160: {  	[tilespmem:s20], [sflag:$0x2] =	stream.indirect.gather [hbm4b:s4+s19], $0x80, s26, s19, $0xb8;
	[tilespmem:$0x1E800] =	vst v63  }
0x161: {  	_ =	swait.ge [sflag:s21], $0x4000  }
0x162: {  	[sflag:s21] =	ssyncset.done $0x0  }
0x163: {  	s26 =	sadd.s32 $0x1500, s25;
	[sflag:s21] =	ssyncadd.s32 $0xFFFFC000  }
0x164: {  	[spmem:s2] =	stream.indirect.scatter.add.f32 [tilespmem:s16], [sflag:$0x3], $0x80, s26, s19, $0xb8;
	[tilespmem:$0x1E800] =	vst v63  }
0x165: {  	_ =	swait.ge [sflag:s17], $0x4000  }
0x166: {  	[sflag:s17] =	ssyncset.done $0x0  }
0x167: {  	s26 =	sadd.s32 $0x200, s25;
	[sflag:s17] =	ssyncadd.s32 $0xFFFFC000  }
0x168: {  	[tilespmem:s16], [sflag:$0x1] =	stream.indirect.gather [hbm4b:s4+s19], $0x80, s26, s19, $0xb8;
	[tilespmem:$0x1E800] =	vst v63  }
0x169: {  	_ =	swait.ge [sflag:s22], $0x4000  }
0x16a: {  	[sflag:s22] =	ssyncset.done $0x0  }
0x16b: {  	s26 =	sadd.s32 $0x1580, s25;
	[sflag:s22] =	ssyncadd.s32 $0xFFFFC000  }
0x16c: {  	[spmem:s2] =	stream.indirect.scatter.add.f32 [tilespmem:s20], [sflag:$0x3], $0x80, s26, s19, $0xb8;
	[tilespmem:$0x1E800] =	vst v63  }
0x16d: {  	_ =	swait.ge [sflag:s17], $0x4000  }
0x16e: {  	[sflag:s17] =	ssyncset.done $0x0  }
0x16f: {  	s26 =	sadd.s32 $0x280, s25;
	[sflag:s17] =	ssyncadd.s32 $0xFFFFC000  }
0x170: {  	[tilespmem:s20], [sflag:$0x2] =	stream.indirect.gather [hbm4b:s4+s19], $0x80, s26, s19, $0xb8;
	[tilespmem:$0x1E800] =	vst v63  }
0x171: {  	_ =	swait.ge [sflag:s21], $0x4000  }
0x172: {  	[sflag:s21] =	ssyncset.done $0x0  }
0x173: {  	s26 =	sadd.s32 $0x1600, s25;
	[sflag:s21] =	ssyncadd.s32 $0xFFFFC000  }
0x174: {  	[spmem:s2] =	stream.indirect.scatter.add.f32 [tilespmem:s16], [sflag:$0x3], $0x80, s26, s19, $0xb8;
	[tilespmem:$0x1E800] =	vst v63  }
0x175: {  	_ =	swait.ge [sflag:s17], $0x4000  }
0x176: {  	[sflag:s17] =	ssyncset.done $0x0  }
0x177: {  	s26 =	sadd.s32 $0x300, s25;
	[sflag:s17] =	ssyncadd.s32 $0xFFFFC000  }
0x178: {  	[tilespmem:s16], [sflag:$0x1] =	stream.indirect.gather [hbm4b:s4+s19], $0x80, s26, s19, $0xb8;
	[tilespmem:$0x1E800] =	vst v63  }
0x179: {  	_ =	swait.ge [sflag:s22], $0x4000  }
0x17a: {  	[sflag:s22] =	ssyncset.done $0x0  }
0x17b: {  	s26 =	sadd.s32 $0x1680, s25;
	[sflag:s22] =	ssyncadd.s32 $0xFFFFC000  }
0x17c: {  	[spmem:s2] =	stream.indirect.scatter.add.f32 [tilespmem:s20], [sflag:$0x3], $0x80, s26, s19, $0xb8;
	[tilespmem:$0x1E800] =	vst v63  }
0x17d: {  	_ =	swait.ge [sflag:s17], $0x4000  }
0x17e: {  	[sflag:s17] =	ssyncset.done $0x0  }
0x17f: {  	s26 =	sadd.s32 $0x380, s25;
	[sflag:s17] =	ssyncadd.s32 $0xFFFFC000  }
0x180: {  	[tilespmem:s20], [sflag:$0x2] =	stream.indirect.gather [hbm4b:s4+s19], $0x80, s26, s19, $0xb8;
	[tilespmem:$0x1E800] =	vst v63  }
0x181: {  	_ =	swait.ge [sflag:s21], $0x4000  }
0x182: {  	[sflag:s21] =	ssyncset.done $0x0  }
0x183: {  	s26 =	sadd.s32 $0x1700, s25;
	[sflag:s21] =	ssyncadd.s32 $0xFFFFC000  }
0x184: {  	[spmem:s2] =	stream.indirect.scatter.add.f32 [tilespmem:s16], [sflag:$0x3], $0x80, s26, s19, $0xb8;
	[tilespmem:$0x1E800] =	vst v63  }
0x185: {  	_ =	swait.ge [sflag:s17], $0x4000  }
0x186: {  	[sflag:s17] =	ssyncset.done $0x0  }
0x187: {  	[sflag:s17] =	ssyncadd.s32 $0xFFFFC000  }
0x188: {  	_ =	swait.ge [sflag:s22], $0x4000  }
.Ltmp2:
0x189: {  	[sflag:s22] =	ssyncset.done $0x0;
	(pc) =	sbr.rel @p0 .LBB2_6-.Ltmp2, $4  }
0x18a: {  	s25 =	sadd.s32 $0x1780, s25;
	[sflag:s22] =	ssyncadd.s32 $0xFFFFC000  }
0x18b: {  	[spmem:s2] =	stream.indirect.scatter.add.f32 [tilespmem:s20], [sflag:$0x3], $0x80, s25, s19, $0xb8;
	[tilespmem:$0x1E800] =	vst v63  }
0x18c: {  	_ =	swait.ge [sflag:s17], $0x4000  }
0x18d: {  	s26 =	smov.u32 s24;
	[sflag:s17] =	ssyncset.done $0x0  }
0x18e: {  	s23 =	sshra.s32 s23, $0x2;
	[sflag:s17] =	ssyncadd.s32 $0xFFFFC000  }
0x18f: {  	[tilespmem:s16], [sflag:$0x1] =	stream.indirect.gather [hbm4b:s4+s19], $0x80, s23, s19, $0xb8;
	[tilespmem:$0x1E800] =	vst v63  }
0x190: {  	s24 =	sadd.s32 $0x80, s23  }
0x191: {  	[tilespmem:s20], [sflag:$0x2] =	stream.indirect.gather [hbm4b:s4+s19], $0x80, s24, s19, $0xb8;
	[tilespmem:$0x1E800] =	vst v63  }
0x192: {  	_ =	swait.ge [sflag:s21], $0x4000  }
0x193: {  	[sflag:s21] =	ssyncset.done $0x0  }
0x194: {  	s29 =	sadd.s32 $0x1400, s23;
	[sflag:s21] =	ssyncadd.s32 $0xFFFFC000  }
0x195: {  	[spmem:s2] =	stream.indirect.scatter.add.f32 [tilespmem:s16], [sflag:$0x3], $0x80, s29, s19, $0xb8;
	[tilespmem:$0x1E800] =	vst v63  }
0x196: {  	_ =	swait.ge [sflag:s17], $0x4000  }
0x197: {  	[sflag:s17] =	ssyncset.done $0x0  }
0x198: {  	s30 =	sadd.s32 $0x100, s23;
	[sflag:s17] =	ssyncadd.s32 $0xFFFFC000  }
0x199: {  	[tilespmem:s16], [sflag:$0x1] =	stream.indirect.gather [hbm4b:s4+s19], $0x80, s30, s19, $0xb8;
	[tilespmem:$0x1E800] =	vst v63  }
0x19a: {  	_ =	swait.ge [sflag:s22], $0x4000  }
0x19b: {  	[sflag:s22] =	ssyncset.done $0x0  }
0x19c: {  	s31 =	sadd.s32 $0x1480, s23;
	[sflag:s22] =	ssyncadd.s32 $0xFFFFC000  }
0x19d: {  	[spmem:s2] =	stream.indirect.scatter.add.f32 [tilespmem:s20], [sflag:$0x3], $0x80, s31, s19, $0xb8;
	[tilespmem:$0x1E800] =	vst v63  }
0x19e: {  	_ =	swait.ge [sflag:s17], $0x4000  }
0x19f: {  	[sflag:s17] =	ssyncset.done $0x0  }
0x1a0: {  	s25 =	sadd.s32 $0x180, s23;
	[sflag:s17] =	ssyncadd.s32 $0xFFFFC000  }
0x1a1: {  	[tilespmem:s20], [sflag:$0x2] =	stream.indirect.gather [hbm4b:s4+s19], $0x80, s25, s19, $0xb8;
	[tilespmem:$0x1E800] =	vst v63  }
0x1a2: {  	_ =	swait.ge [sflag:s21], $0x4000  }
0x1a3: {  	[sflag:s21] =	ssyncset.done $0x0  }
0x1a4: {  	s26 =	sadd.s32 $0x1500, s23;
	[sflag:s21] =	ssyncadd.s32 $0xFFFFC000  }
0x1a5: {  	[spmem:s2] =	stream.indirect.scatter.add.f32 [tilespmem:s16], [sflag:$0x3], $0x80, s26, s19, $0xb8;
	[tilespmem:$0x1E800] =	vst v63  }
0x1a6: {  	_ =	swait.ge [sflag:s17], $0x4000  }
0x1a7: {  	[sflag:s17] =	ssyncset.done $0x0  }
0x1a8: {  	s28 =	sadd.s32 $0x200, s23;
	[sflag:s17] =	ssyncadd.s32 $0xFFFFC000  }
0x1a9: {  	[tilespmem:s16], [sflag:$0x1] =	stream.indirect.gather [hbm4b:s4+s19], $0x80, s28, s19, $0xb8;
	[tilespmem:$0x1E800] =	vst v63  }
0x1aa: {  	_ =	swait.ge [sflag:s22], $0x4000  }
0x1ab: {  	[sflag:s22] =	ssyncset.done $0x0  }
0x1ac: {  	s29 =	sadd.s32 $0x1580, s23;
	[sflag:s22] =	ssyncadd.s32 $0xFFFFC000  }
0x1ad: {  	[spmem:s2] =	stream.indirect.scatter.add.f32 [tilespmem:s20], [sflag:$0x3], $0x80, s29, s19, $0xb8;
	[tilespmem:$0x1E800] =	vst v63  }
0x1ae: {  	_ =	swait.ge [sflag:s17], $0x4000  }
0x1af: {  	[sflag:s17] =	ssyncset.done $0x0  }
0x1b0: {  	s30 =	sadd.s32 $0x280, s23;
	[sflag:s17] =	ssyncadd.s32 $0xFFFFC000  }
0x1b1: {  	[tilespmem:s20], [sflag:$0x2] =	stream.indirect.gather [hbm4b:s4+s19], $0x80, s30, s19, $0xb8;
	[tilespmem:$0x1E800] =	vst v63  }
0x1b2: {  	_ =	swait.ge [sflag:s21], $0x4000  }
0x1b3: {  	[sflag:s21] =	ssyncset.done $0x0  }
0x1b4: {  	s31 =	sadd.s32 $0x1600, s23;
	[sflag:s21] =	ssyncadd.s32 $0xFFFFC000  }
0x1b5: {  	[spmem:s2] =	stream.indirect.scatter.add.f32 [tilespmem:s16], [sflag:$0x3], $0x80, s31, s19, $0xb8;
	[tilespmem:$0x1E800] =	vst v63  }
0x1b6: {  	_ =	swait.ge [sflag:s17], $0x4000  }
0x1b7: {  	[sflag:s17] =	ssyncset.done $0x0  }
0x1b8: {  	s25 =	sadd.s32 $0x300, s23;
	[sflag:s17] =	ssyncadd.s32 $0xFFFFC000  }
0x1b9: {  	[tilespmem:s16], [sflag:$0x1] =	stream.indirect.gather [hbm4b:s4+s19], $0x80, s25, s19, $0xb8;
	[tilespmem:$0x1E800] =	vst v63  }
0x1ba: {  	_ =	swait.ge [sflag:s22], $0x4000  }
0x1bb: {  	[sflag:s22] =	ssyncset.done $0x0  }
0x1bc: {  	s26 =	sadd.s32 $0x1680, s23;
	[sflag:s22] =	ssyncadd.s32 $0xFFFFC000  }
0x1bd: {  	[spmem:s2] =	stream.indirect.scatter.add.f32 [tilespmem:s20], [sflag:$0x3], $0x80, s26, s19, $0xb8;
	[tilespmem:$0x1E800] =	vst v63  }
0x1be: {  	_ =	swait.ge [sflag:s17], $0x4000  }
0x1bf: {  	[sflag:s17] =	ssyncset.done $0x0  }
0x1c0: {  	s28 =	sadd.s32 $0x380, s23;
	[sflag:s17] =	ssyncadd.s32 $0xFFFFC000  }
0x1c1: {  	[tilespmem:s20], [sflag:$0x2] =	stream.indirect.gather [hbm4b:s4+s19], $0x80, s28, s19, $0xb8;
	[tilespmem:$0x1E800] =	vst v63  }
0x1c2: {  	_ =	swait.ge [sflag:s21], $0x4000  }
0x1c3: {  	[sflag:s21] =	ssyncset.done $0x0  }
0x1c4: {  	s29 =	sadd.s32 $0x1700, s23;
	[sflag:s21] =	ssyncadd.s32 $0xFFFFC000  }
0x1c5: {  	[spmem:s2] =	stream.indirect.scatter.add.f32 [tilespmem:s16], [sflag:$0x3], $0x80, s29, s19, $0xb8;
	[tilespmem:$0x1E800] =	vst v63  }
0x1c6: {  	_ =	swait.ge [sflag:s17], $0x4000  }
0x1c7: {  	[sflag:s17] =	ssyncset.done $0x0  }
0x1c8: {  	[sflag:s17] =	ssyncadd.s32 $0xFFFFC000  }
0x1c9: {  	_ =	swait.ge [sflag:s22], $0x4000  }
0x1ca: {  	[sflag:s22] =	ssyncset.done $0x0  }
0x1cb: {  	s23 =	sadd.s32 $0x1780, s23;
	[sflag:s22] =	ssyncadd.s32 $0xFFFFC000  }
0x1cc: {  	[spmem:s2] =	stream.indirect.scatter.add.f32 [tilespmem:s20], [sflag:$0x3], $0x80, s23, s19, $0xb8;
	[tilespmem:$0x1E800] =	vst v63  }
0x1cd: {  	s3 =	sadd.s32 $0x1, s3;
	_ =	swait.ge [sflag:s17], $0x4000  }
0x1ce: {  	p0 =	sne.s32 s3, s15;
	[sflag:s17] =	ssyncset.done $0x0  }
0x1cf: {  	s30 =	sshll.u32 s1, $0x6;
	s31 =	sshrl.u32 s5, $0x3;
	[sflag:s17] =	ssyncadd.s32 $0xFFFFC000  }
.Ltmp3:
0x1d0: {  	s23 =	sor.u32 $0x1C03, s30;
	[bflag:$0x0] =	sbarrier.arrive $0xFFFF;
	(pc) =	sbr.rel @p0 .LBB2_1-.Ltmp3, $4  }
0x1d1: {  	[hbm:s14], [sflag:s23] =	dma.local [spmem:s31], $0x2800  }
0x1d2: {  	_ =	swait.ge [sflag:s17], $0x2800  }
0x1d3: {  	[sflag:s17] =	ssyncset.done $0x0  }
0x1d4: {  	[sflag:s17] =	ssyncadd.s32 $0xFFFFD800  }
0x1d5: {  	_ =	sfence.sel $0x180000  }
0x1d6: {  	[bflag:$0x0] =	sbarrier.arrive $0xFFFF  }
0x1d7: {  	p0 =	sne.s32 s1, $0x0;
	_ =	strace $0x9000004A  }
0x1d8: {  	s0 =	sadd.s32 @!p0 $0x100000, s0;
	[bflag:$0x2] =	sbarrier.arrive $0xFFFF  }
0x1d9: {  	[sflag:s0] =	ssyncadd.tile.s32 @!p0 $0x1;
	_ =	shalt  }
.Lfunc_end2:
_tile_overlayer_lowered:
.L_overlay_start_2:
0x1da: {  	(tag) =	ssettag $0x2  }
0x1db: {  	s0 =	rddreg [dreg:$0x0];
	s2 =	stileid.u32  }
0x1dc: {  	s1 =	rddreg [dreg:$0x1];
	p0 =	sne.s32 s2, $0x0  }
0x1dd: {  	s3 =	rddreg [dreg:$0x2];
	[bflag:$0x3] =	sbarrier.arrive $0xFFFF;
	s2 =	simm.s32 @!p0 $0x1C03  }
0x1de: {  	[timem:s3], [sflag:s2] =	dma.local @!p0 [hbm:s0], s1  }
0x1df: {  	s0 =	simm.s32 @!p0 $0x3  }
0x1e0: {  	_ =	swait.ge @!p0 [sflag:s0], s1  }
0x1e1: {  	s1 =	ssub.s32 @!p0 $0x0, s1;
	[sflag:s0] =	ssyncset.done @!p0 $0x0  }
0x1e2: {  	[sflag:s0] =	ssyncadd.s32 @!p0 s1  }
0x1e3: {  	[bflag:$0x3] =	sbarrier.arrive $0xFFFF  }
0x1e4: {  	_ =	shalt  }

// kernel: kernel.17.cloned.1.call-start
scs
__scs_entry_jumppad:
0x0: {  	(pc) =	sbr.rel $0x88, $3  }
0x1: {  	(tag) =	ssettag $0x0;
	lr =	simm.s32 $0x1  }
0x2: {  	[smem:$0x3F91] =	sst lr;
	_ =	strace $0xD0000000  }
0x3: {  	_ = 	snop  }
0x4: {  	_ = 	snop  }
0x5: {  	_ = 	snop  }
0x6: {  	_ = 	snop  }
0x7: {  	_ = 	snop  }
__scs_overlays_trampoline_lowered:
0x8: {  	[smem:$0x3FA0] =	sst s0  }
0x9: {  	[smem:$0x3FA1] =	sst s1  }
0xa: {  	[smem:$0x3FA2] =	sst s2  }
0xb: {  	[smem:$0x3FA3] =	sst s3  }
0xc: {  	[smem:$0x3FA4] =	sst s4  }
0xd: {  	[smem:$0x3FA5] =	sst s5  }
0xe: {  	[smem:$0x3FA6] =	sst s6  }
0xf: {  	[smem:$0x3FA7] =	sst s7  }
0x10: {  	[smem:$0x3FA8] =	sst s8  }
0x11: {  	[smem:$0x3FA9] =	sst s9;
	s0 =	simm.s32 @!p0 $0x0  }
0x12: {  	s1 =	sld [smem:$0x3F8F];
	s0 =	simm.s32 @p0 $0x1  }
0x13: {  	[smem:$0x3FAA] =	sst s0;
	s0 =	simm.s32 @!p1 $0x0  }
0x14: {  	s2 =	sld [smem:$0x3F8E];
	s0 =	simm.s32 @p1 $0x1  }
0x15: {  	[smem:$0x3FAB] =	sst s0;
	s0 =	simm.s32 @!p2 $0x0  }
0x16: {  	s3 =	sld [smem:$0x3FDB];
	s0 =	simm.s32 @p2 $0x1  }
0x17: {  	s4 =	simm.s32 $0x1BF5;
	[smem:$0x3FAD] =	sst s0  }
0x18: {  	s0 =	sld [smem:$0x3F90];
	_ =	swait.ge [sflag:s4], $0x0  }
0x19: {  	s7 =	sld [smem:$0x3F91]  }
0x1a: {  	s8 =	sadd.s32 $0xFFFFE003, lr  }
0x1b: {  	s9 =	sadd.s32 $0xFFFFFEF7, lr;
	s5 =	simm.s32 $0xFFFFFFFF;
	p2 =	slt.u32 s8, $0xFFFFF086  }
0x1c: {  	p1 =	slt.u32 s9, $0xF7A;
	s5 =	simm.s32 @!p2 $0x0  }
0x1d: {  	s5 =	simm.s32 @p1 $0x1;
	p0 =	seq.s32 s7, s2  }
0x1e: {  	s7 =	smul.u32 @!p0 $0xF7A, s2;
	p2 =	seq.s32 @!p0 s5, $0x0  }
0x1f: {  	s9 =	smul.u32 $0xF7A, s1;
	s8 =	simm.s32 @!p0 $0x1BF5;
	p2 =	por !p2, p0  }
0x20: {  	[sflag:s8] =	ssyncset.s32 @!p0 $0xFFFFF086;
	s6 =	sadd.s32 @!p0 s3, s7;
	s7 =	simm.s32 @!p0 $0x108  }
0x21: {  	s3 =	sadd.s32 s3, s9;
	s6 =	sadd.s32 @!p0 $0x88, s6;
	s7 =	simm.s32 @p2 $0x1082  }
0x22: {  	[simem:s7], [sflag:s8] =	dma.local @!p0 [hbm:s6], $0xF7A  }
0x23: {  	s9 =	sor.u32 $0xD0000000, s2;
	s6 =	simm.s32 $0x108;
	_ =	swait.ge @!p0 [sflag:s8], $0x0  }
0x24: {  	s3 =	sadd.s32 $0x88, s3;
	s6 =	simm.s32 @!p1 $0x1082;
	[sflag:s4] =	ssyncset.s32 $0xFFFFF086  }
0x25: {  	[simem:s6], [sflag:s4] =	dma.local [hbm:s3], $0xF7A  }
0x26: {  	[smem:$0x3F91] =	sst s1;
	(tag) =	ssettag s2;
	_ =	strace s9  }
0x27: {  	s1 =	sld [smem:$0x3FA1]  }
0x28: {  	s2 =	sld [smem:$0x3FA2]  }
0x29: {  	s4 =	sld [smem:$0x3FA4]  }
0x2a: {  	p0 =	seq.s32 s5, $0x0;
	s5 =	sld [smem:$0x3FA5]  }
0x2b: {  	s6 =	sld [smem:$0x3FA6]  }
0x2c: {  	s7 =	sld [smem:$0x3FA7]  }
0x2d: {  	s3 =	simm.s32 $0x108;
	s8 =	sld [smem:$0x3FA8]  }
0x2e: {  	s3 =	simm.s32 @!p0 $0x1082;
	s9 =	sld [smem:$0x3FA9]  }
0x2f: {  	lr =	sadd.s32 s0, s3;
	s0 =	sld [smem:$0x3FA0]  }
0x30: {  	s3 =	sld [smem:$0x3FA3]  }
0x31: {  	[smem:$0x3FAC] =	sst s10  }
0x32: {  	s10 =	sld [smem:$0x3FAA];
	_ =	sdelay $0x3  }
0x33: {  	p0 =	seq.s32 s10, $0x1;
	s10 =	sld [smem:$0x3FAC];
	_ =	sdelay $0x3  }
0x34: {  	[smem:$0x3FAC] =	sst s10  }
0x35: {  	s10 =	sld [smem:$0x3FAB];
	_ =	sdelay $0x3  }
0x36: {  	p1 =	seq.s32 s10, $0x1;
	s10 =	sld [smem:$0x3FAC];
	_ =	sdelay $0x3  }
0x37: {  	[smem:$0x3FAC] =	sst s10  }
0x38: {  	s10 =	sld [smem:$0x3FAD]  }
0x39: {  	_ = 	snop;
	(pc) =	sbr.ind lr, $3  }
0x3a: {  	_ = 	snop  }
0x3b: {  	_ = 	snop  }
0x3c: {  	p2 =	seq.s32 s10, $0x1;
	s10 =	sld [smem:$0x3FAC]  }
0x3d: {  	_ =	shalt  }
0x3e: {  	_ =	shalt  }
0x3f: {  	_ =	shalt  }
0x40: {  	_ =	shalt  }
0x41: {  	_ =	shalt  }
0x42: {  	_ =	shalt  }
0x43: {  	_ =	shalt  }
0x44: {  	_ =	shalt  }
0x45: {  	_ =	shalt  }
0x46: {  	_ =	shalt  }
0x47: {  	_ =	shalt  }
0x48: {  	_ =	shalt  }
0x49: {  	_ =	shalt  }
0x4a: {  	_ =	shalt  }
0x4b: {  	_ =	shalt  }
0x4c: {  	_ =	shalt  }
0x4d: {  	_ =	shalt  }
0x4e: {  	_ =	shalt  }
0x4f: {  	_ =	shalt  }
0x50: {  	_ =	shalt  }
0x51: {  	_ =	shalt  }
0x52: {  	_ =	shalt  }
0x53: {  	_ =	shalt  }
0x54: {  	_ =	shalt  }
0x55: {  	_ =	shalt  }
0x56: {  	_ =	shalt  }
0x57: {  	_ =	shalt  }
0x58: {  	_ =	shalt  }
0x59: {  	_ =	shalt  }
0x5a: {  	_ =	shalt  }
0x5b: {  	_ =	shalt  }
0x5c: {  	_ =	shalt  }
0x5d: {  	_ =	shalt  }
0x5e: {  	_ =	shalt  }
0x5f: {  	_ =	shalt  }
0x60: {  	_ =	shalt  }
0x61: {  	_ =	shalt  }
0x62: {  	_ =	shalt  }
0x63: {  	_ =	shalt  }
0x64: {  	_ =	shalt  }
0x65: {  	_ =	shalt  }
0x66: {  	_ =	shalt  }
0x67: {  	_ =	shalt  }
0x68: {  	_ =	shalt  }
0x69: {  	_ =	shalt  }
0x6a: {  	_ =	shalt  }
0x6b: {  	_ =	shalt  }
0x6c: {  	_ =	shalt  }
0x6d: {  	_ =	shalt  }
0x6e: {  	_ =	shalt  }
0x6f: {  	_ =	shalt  }
0x70: {  	_ =	shalt  }
0x71: {  	_ =	shalt  }
0x72: {  	_ =	shalt  }
0x73: {  	_ =	shalt  }
0x74: {  	_ =	shalt  }
0x75: {  	_ =	shalt  }
0x76: {  	_ =	shalt  }
0x77: {  	_ =	shalt  }
0x78: {  	_ =	shalt  }
0x79: {  	_ =	shalt  }
0x7a: {  	_ =	shalt  }
0x7b: {  	_ =	shalt  }
0x7c: {  	_ =	shalt  }
0x7d: {  	_ =	shalt  }
0x7e: {  	_ =	shalt  }
0x7f: {  	_ =	shalt  }
0x80: {  	_ =	shalt  }
0x81: {  	_ =	shalt  }
0x82: {  	_ =	shalt  }
0x83: {  	_ =	shalt  }
0x84: {  	_ =	shalt  }
0x85: {  	_ =	shalt  }
0x86: {  	_ =	shalt  }
0x87: {  	_ =	shalt  }
.Lfunc_end0:
.L_simem_size_0:
called_computation.2_lowered:
.L_overlay_start_0:
0x88: {  	s2 =	sld [smem:$0x3FD9]  }
0x89: {  	s3 =	sld [smem:$0x3FFE];
	_ =	sdelay $0x1  }
0x8a: {  	s1 =	srdreg.scid  }
0x8b: {  	s0 =	sand.u32 $0x1, s1  }
0x8c: {  	s17 =	sshll.u32 s0, $0xA;
	s2 =	sadd.s32 s3, s2  }
0x8d: {  	s2 =	sadd.s32 s2, s17  }
0x8e: {  	[smem:$0x3FB8] =	sst s2  }
0x8f: {  	_ = 	snop  }
0x90: {  	s2 =	sld [smem:$0x3FD0];
	(tm) =	ssettm $0x1  }
0x91: {  	s18 =	sld [smem:$0x3FFB];
	_ =	sdelay $0x3  }
0x92: {  	_ =	strace s18  }
0x93: {  	s3 =	sld [smem:$0x3FFC];
	_ =	sdelay $0x3  }
0x94: {  	_ =	strace s3  }
0x95: {  	s3 =	sld [smem:$0x3FFD];
	_ =	sdelay $0x3  }
0x96: {  	_ =	strace s3  }
0x97: {  	_ =	strace $0x8FFFFFFF  }
0x98: {  	s19 =	sld [smem:$0x3FDB];
	_ =	sdelay $0x1  }
0x99: {  	s4 =	simm.s32 $_scs_section_size  }
0x9a: {  	s5 =	simm.s32 $_size__tile_overlayer_lowered;
	s6 =	simm.s32 $_tile_overlayer_lowered  }
0x9b: {  	s22 =	simm.s32 $0x1BFF;
	s21 =	sshll.u32 s6, $0x1;
	s3 =	sadd.s32 s4, s19  }
0x9c: {  	s7 =	simm.s32 $0x0;
	s20 =	sshll.u32 s5, $0x1;
	s5 =	sadd.s32 s21, s3  }
0x9d: {  	[timem:s7], [sflag:s22] =	dma.local [hbm:s5], s20  }
0x9e: {  	_ =	swait.ge [sflag:s22], s20  }
0x9f: {  	s4 =	ssub.s32 $0x0, s20;
	[sflag:s22] =	ssyncset.done $0x0  }
0xa0: {  	[sflag:s22] =	ssyncadd.s32 s4;
	_ =	sdelay $0x1  }
0xa1: {  	s23 =	simm.s32 $0x1B8B  }
0xa2: {  	_ =	swait.ge [sflag:s23], $0x1  }
0xa3: {  	[sflag:s23] =	ssyncset.done $0x0  }
0xa4: {  	s25 =	simm.s32 $0x1B8E;
	s24 =	sld [smem:$0x3FFE];
	[sflag:s23] =	ssyncadd.s32 $0xFFFFFFFF  }
0xa5: {  	s26 =	simm.s32 $execute0_lowered;
	[smem:$0x3FD2] =	sst s25  }
0xa6: {  	s5 =	sshll.u32 s26, $0x1;
	_ =	strace $0x8000004C;
	[dreg:$0x1] =	wrdreg $0xFFFFFFFF  }
0xa7: {  	s28 =	simm.s32 $_size_execute0_lowered;
	s3 =	sadd.s32 s3, s5;
	[dreg:$0x0] =	wrdreg $0x0  }
0xa8: {  	s5 =	sshll.u32 s28, $0x1;
	[dreg:$0x2] =	wrdreg s3  }
0xa9: {  	[dreg:$0x3] =	wrdreg s5  }
0xaa: {  	[dreg:$0x4] =	wrdreg $0xC0  }
0xab: {  	_ =	task [dreg:s7], $0x5FFFF  }
0xac: {  	[dreg:$0x1] =	wrdreg $0xFFFFFFFF  }
0xad: {  	[dreg:$0x0] =	wrdreg $0x60  }
0xae: {  	[dreg:$0x2] =	wrdreg s24  }
0xaf: {  	[dreg:$0x3] =	wrdreg s2  }
0xb0: {  	[dreg:$0x4] =	wrdreg $0xA8000  }
0xb1: {  	[dreg:$0x5] =	wrdreg $0x9  }
0xb2: {  	_ =	task.clear_ibuf [dreg:s7], $0x6FFFF;
	_ =	strace $0x9000004C  }
0xb3: {  	s29 =	simm.s32 $0x9;
	_ =	strace $0x8000004E  }
0xb4: {  	_ =	swait.ge [sflag:s29], $0x1  }
0xb5: {  	[sflag:s29] =	ssyncadd.s32 $0xFFFFFFFF  }
0xb6: {  	_ =	strace $0x9000004E  }
0xb7: {  	_ =	sfence  }
0xb8: {  	s30 =	sld [smem:$0x0];
	_ =	sdelay $0x2  }
0xb9: {  	s31 =	sshll.u32 s1, $0xD;
	s1 =	sshrl.u32 s1, $0x2  }
0xba: {  	s3 =	sand.u32 $0x4000, s31;
	s1 =	sadd.s32 s1, s30  }
0xbb: {  	s0 =	sor.u32 s3, s0;
	s1 =	sshll.u32 s1, $0x11  }
0xbc: {  	s0 =	sor.u32 s1, s0  }
0xbd: {  	s0 =	sadd.s32 $0x8F2B, s0  }
0xbe: {  	[sflag:s0] =	ssyncadd.remote.s32 $0x1  }
0xbf: {  	_ =	sfence.sel $0xFFFF  }
0xc0: {  	[dreg:$0x0] =	wrdreg $0xFFFFFFFF;
	(pc) =	sbr.abs _section_cstart, $3  }
0xc1: {  	[dreg:$0x1] =	wrdreg $0xFFFFFFFF  }
0xc2: {  	_ =	task.clear_ibuf [dreg:s7], $0x2FFFF;
	_ =	strace $0x9FFFFFFF  }
0xc3: {  	(tm) =	ssettm $0x7FFFFFFF  }
tec
execute0_lowered:
.L_overlay_start_1:
0x0: {  	(tag) =	ssettag $0x1  }
0x1: {  	s5 =	rddreg [dreg:$0x0]  }
0x2: {  	s12 =	rddreg [dreg:$0x1]  }
0x3: {  	s0 =	srdreg.scid;
	s2 =	rddreg [dreg:$0x2]  }
0x4: {  	s1 =	stileid.u32;
	s3 =	simm.s32 $0x0;
	s17 =	simm.s32 $0x3  }
0x5: {  	s18 =	simm.s32 $0x1400;
	s19 =	simm.s32 $0x80;
	s20 =	simm.s32 $0x6800  }
0x6: {  	s21 =	simm.s32 $0x1;
	s22 =	simm.s32 $0x2;
	s7 =	smul.u32 $0x14000, s1  }
0x7: {  	s6 =	sand.u32 $0x1, s0;
	s0 =	rddreg [dreg:$0x3];
	s8 =	smul.u32 $0x50000, s1  }
0x8: {  	[smem:$0x7FF] =	sst s3;
	s13 =	sadd.s32 $0x5200, s5;
	s4 =	smul.u32 $0x140000, s6  }
0x9: {  	_ =	strace $0x8000004D;
	s28 =	sshll.u32 s6, $0x4;
	s6 =	ssub.s32 $0x2, s6  }
0xa: {  	s29 =	sor.u32 s1, s28;
	s30 =	sshrl.u32 s8, $0x2;
	s31 =	sshrl.u32 s6, $0x1  }
0xb: {  	s7 =	sadd.s32 s7, s4;
	s4 =	sadd.s32 $0x37200, s5;
	s9 =	smul.u32 $0x2800, s29  }
0xc: {  	s15 =	ssub.s32 s6, s31;
	s11 =	smul.u32 $0x500, s29;
	s7 =	sshrl.u32 s7, $0x3  }
0xd: {  	s15 =	smax.u32 s15, $0x1;
	s14 =	sadd.s32 s7, s5;
	s5 =	sadd.s32 s30, s2  }
0xe: {  	s16 =	sshrl.u32 s9, $0x3;
	s10 =	sadd.s32 s12, s11;
	s11 =	sadd.s32 s13, s11  }
0xf: {  	s6 =	sadd.s32 $0x4000, s5;
	s7 =	sadd.s32 $0x8000, s5;
	s8 =	sadd.s32 $0xC000, s5  }
0x10: {  	s9 =	sadd.s32 $0x10000, s5;
	s16 =	sadd.s32 $0x280, s16;
	s14 =	sadd.s32 $0x5F200, s14  }
0x11: {  	v0 =	vimm.f32 $0.0e+00;
	s12 =	sadd.s32 s12, s16;
	s13 =	sadd.s32 s13, s16;
	s16 =	simm.s32 $0x2800  }
.LBB2_1:
0x12: {  	s23 =	simm.s32 $0x0;
	s24 =	simm.s32 $0x200  }
.LBB2_2:
0x13: {  	p0 =	sne.s32 s24, $0xFE00;
	[tilespmem:s23+$0x2870] =	vst v0  }
0x14: {  	[tilespmem:s23+$0x2800] =	vst v0  }
0x15: {  	[tilespmem:s23+$0x2810] =	vst v0  }
.Ltmp0:
0x16: {  	[tilespmem:s23+$0x2820] =	vst v0;
	(pc) =	sbr.rel @p0 .LBB2_2-.Ltmp0, $4  }
0x17: {  	[tilespmem:s23+$0x2830] =	vst v0  }
0x18: {  	[tilespmem:s23+$0x2840] =	vst v0  }
0x19: {  	[tilespmem:s23+$0x2850] =	vst v0  }
0x1a: {  	[tilespmem:s23+$0x2860] =	vst v0;
	s23 =	sshra.s32 s24, $0x2;
	s24 =	sadd.s32 $0x200, s24  }
0x1b: {  	[tilespmem:s23+$0x2870] =	vst v0  }
0x1c: {  	[tilespmem:s23+$0x2800] =	vst v0  }
0x1d: {  	[tilespmem:s23+$0x2810] =	vst v0  }
0x1e: {  	[tilespmem:s23+$0x2820] =	vst v0  }
0x1f: {  	[tilespmem:s23+$0x2830] =	vst v0  }
0x20: {  	[tilespmem:s23+$0x2840] =	vst v0  }
0x21: {  	[tilespmem:s23+$0x2850] =	vst v0  }
0x22: {  	[tilespmem:s23+$0x2860] =	vst v0  }
0x23: {  	[spmem:s5] =	stream.linear.scatter [tilespmem:s16], [sflag:$0x3], $0x4000, $0x38;
	[tilespmem:$0x1E800] =	vst v63  }
0x24: {  	_ =	swait.ge [sflag:s17], $0x4000  }
0x25: {  	[sflag:s17] =	ssyncset.done $0x0  }
0x26: {  	[sflag:s17] =	ssyncadd.s32 $0xFFFFC000  }
0x27: {  	[spmem:s6] =	stream.linear.scatter [tilespmem:s16], [sflag:$0x3], $0x4000, $0x38;
	[tilespmem:$0x1E800] =	vst v63  }
0x28: {  	_ =	swait.ge [sflag:s17], $0x4000  }
0x29: {  	[sflag:s17] =	ssyncset.done $0x0  }
0x2a: {  	[sflag:s17] =	ssyncadd.s32 $0xFFFFC000  }
0x2b: {  	[spmem:s7] =	stream.linear.scatter [tilespmem:s16], [sflag:$0x3], $0x4000, $0x38;
	[tilespmem:$0x1E800] =	vst v63  }
0x2c: {  	_ =	swait.ge [sflag:s17], $0x4000  }
0x2d: {  	[sflag:s17] =	ssyncset.done $0x0  }
0x2e: {  	[sflag:s17] =	ssyncadd.s32 $0xFFFFC000  }
0x2f: {  	[spmem:s8] =	stream.linear.scatter [tilespmem:s16], [sflag:$0x3], $0x4000, $0x38;
	[tilespmem:$0x1E800] =	vst v63  }
0x30: {  	_ =	swait.ge [sflag:s17], $0x4000  }
0x31: {  	[sflag:s17] =	ssyncset.done $0x0  }
0x32: {  	[sflag:s17] =	ssyncadd.s32 $0xFFFFC000  }
0x33: {  	[spmem:s9] =	stream.linear.scatter [tilespmem:s16], [sflag:$0x3], $0x4000, $0x38;
	[tilespmem:$0x1E800] =	vst v63  }
0x34: {  	_ =	swait.ge [sflag:s17], $0x4000  }
0x35: {  	[sflag:s17] =	ssyncset.done $0x0  }
0x36: {  	[sflag:s17] =	ssyncadd.s32 $0xFFFFC000  }
0x37: {  	s29 =	simm.s32 $0x0;
	[bflag:$0x0] =	sbarrier.arrive $0xFFFF  }
0x38: {  	[tilespmem:s29], [sflag:$0x3] =	stream.linear.gather [hbm4b:s10+s29], $0x1400, $0x38;
	[tilespmem:$0x1E800] =	vst v63  }
0x39: {  	_ =	swait.ge [sflag:s17], $0x1400  }
0x3a: {  	[sflag:s17] =	ssyncset.done $0x0  }
0x3b: {  	[sflag:s17] =	ssyncadd.s32 $0xFFFFEC00  }
0x3c: {  	[tilespmem:s18], [sflag:$0x3] =	stream.linear.gather [hbm4b:s11+s29], $0x1400, $0x38;
	[tilespmem:$0x1E800] =	vst v63  }
0x3d: {  	_ =	swait.ge [sflag:s17], $0x1400  }
0x3e: {  	[sflag:s17] =	ssyncset.done $0x0  }
0x3f: {  	s30 =	simm.s32 $0x0;
	[sflag:s17] =	ssyncadd.s32 $0xFFFFEC00  }
0x40: {  	[tilespmem:s16], [sflag:$0x1] =	stream.indirect.gather [hbm4b:s4+s19], $0x80, s30, s19, $0xb8;
	[tilespmem:$0x1E800] =	vst v63  }
0x41: {  	s31 =	simm.s32 $0x80  }
0x42: {  	[tilespmem:s20], [sflag:$0x2] =	stream.indirect.gather [hbm4b:s4+s19], $0x80, s31, s19, $0xb8;
	[tilespmem:$0x1E800] =	vst v63  }
0x43: {  	_ =	swait.ge [sflag:s21], $0x4000  }
0x44: {  	[sflag:s21] =	ssyncset.done $0x0  }
0x45: {  	s24 =	simm.s32 $0x1400;
	[sflag:s21] =	ssyncadd.s32 $0xFFFFC000  }
0x46: {  	[spmem:s2] =	stream.indirect.scatter.add.f32 [tilespmem:s16], [sflag:$0x3], $0x80, s24, s19, $0xb8;
	[tilespmem:$0x1E800] =	vst v63  }
0x47: {  	_ =	swait.ge [sflag:s17], $0x4000  }
0x48: {  	[sflag:s17] =	ssyncset.done $0x0  }
0x49: {  	s25 =	simm.s32 $0x100;
	[sflag:s17] =	ssyncadd.s32 $0xFFFFC000  }
0x4a: {  	[tilespmem:s16], [sflag:$0x1] =	stream.indirect.gather [hbm4b:s4+s19], $0x80, s25, s19, $0xb8;
	[tilespmem:$0x1E800] =	vst v63  }
0x4b: {  	_ =	swait.ge [sflag:s22], $0x4000  }
0x4c: {  	[sflag:s22] =	ssyncset.done $0x0  }
0x4d: {  	s26 =	simm.s32 $0x1480;
	[sflag:s22] =	ssyncadd.s32 $0xFFFFC000  }
0x4e: {  	[spmem:s2] =	stream.indirect.scatter.add.f32 [tilespmem:s20], [sflag:$0x3], $0x80, s26, s19, $0xb8;
	[tilespmem:$0x1E800] =	vst v63  }
0x4f: {  	_ =	swait.ge [sflag:s17], $0x4000  }
0x50: {  	[sflag:s17] =	ssyncset.done $0x0  }
0x51: {  	s28 =	simm.s32 $0x180;
	[sflag:s17] =	ssyncadd.s32 $0xFFFFC000  }
0x52: {  	[tilespmem:s20], [sflag:$0x2] =	stream.indirect.gather [hbm4b:s4+s19], $0x80, s28, s19, $0xb8;
	[tilespmem:$0x1E800] =	vst v63  }
0x53: {  	_ =	swait.ge [sflag:s21], $0x4000  }
0x54: {  	[sflag:s21] =	ssyncset.done $0x0  }
0x55: {  	s29 =	simm.s32 $0x1500;
	[sflag:s21] =	ssyncadd.s32 $0xFFFFC000  }
0x56: {  	[spmem:s2] =	stream.indirect.scatter.add.f32 [tilespmem:s16], [sflag:$0x3], $0x80, s29, s19, $0xb8;
	[tilespmem:$0x1E800] =	vst v63  }
0x57: {  	_ =	swait.ge [sflag:s17], $0x4000  }
0x58: {  	[sflag:s17] =	ssyncset.done $0x0  }
0x59: {  	s30 =	simm.s32 $0x200;
	[sflag:s17] =	ssyncadd.s32 $0xFFFFC000  }
0x5a: {  	[tilespmem:s16], [sflag:$0x1] =	stream.indirect.gather [hbm4b:s4+s19], $0x80, s30, s19, $0xb8;
	[tilespmem:$0x1E800] =	vst v63  }
0x5b: {  	_ =	swait.ge [sflag:s22], $0x4000  }
0x5c: {  	[sflag:s22] =	ssyncset.done $0x0  }
0x5d: {  	s31 =	simm.s32 $0x1580;
	[sflag:s22] =	ssyncadd.s32 $0xFFFFC000  }
0x5e: {  	[spmem:s2] =	stream.indirect.scatter.add.f32 [tilespmem:s20], [sflag:$0x3], $0x80, s31, s19, $0xb8;
	[tilespmem:$0x1E800] =	vst v63  }
0x5f: {  	_ =	swait.ge [sflag:s17], $0x4000  }
0x60: {  	[sflag:s17] =	ssyncset.done $0x0  }
0x61: {  	s24 =	simm.s32 $0x280;
	[sflag:s17] =	ssyncadd.s32 $0xFFFFC000  }
0x62: {  	[tilespmem:s20], [sflag:$0x2] =	stream.indirect.gather [hbm4b:s4+s19], $0x80, s24, s19, $0xb8;
	[tilespmem:$0x1E800] =	vst v63  }
0x63: {  	_ =	swait.ge [sflag:s21], $0x4000  }
0x64: {  	[sflag:s21] =	ssyncset.done $0x0  }
0x65: {  	s25 =	simm.s32 $0x1600;
	[sflag:s21] =	ssyncadd.s32 $0xFFFFC000  }
0x66: {  	[spmem:s2] =	stream.indirect.scatter.add.f32 [tilespmem:s16], [sflag:$0x3], $0x80, s25, s19, $0xb8;
	[tilespmem:$0x1E800] =	vst v63  }
0x67: {  	_ =	swait.ge [sflag:s17], $0x4000  }
0x68: {  	[sflag:s17] =	ssyncset.done $0x0  }
0x69: {  	s26 =	simm.s32 $0x300;
	[sflag:s17] =	ssyncadd.s32 $0xFFFFC000  }
0x6a: {  	[tilespmem:s16], [sflag:$0x1] =	stream.indirect.gather [hbm4b:s4+s19], $0x80, s26, s19, $0xb8;
	[tilespmem:$0x1E800] =	vst v63  }
0x6b: {  	_ =	swait.ge [sflag:s22], $0x4000  }
0x6c: {  	[sflag:s22] =	ssyncset.done $0x0  }
0x6d: {  	s28 =	simm.s32 $0x1680;
	[sflag:s22] =	ssyncadd.s32 $0xFFFFC000  }
0x6e: {  	[spmem:s2] =	stream.indirect.scatter.add.f32 [tilespmem:s20], [sflag:$0x3], $0x80, s28, s19, $0xb8;
	[tilespmem:$0x1E800] =	vst v63  }
0x6f: {  	_ =	swait.ge [sflag:s17], $0x4000  }
0x70: {  	[sflag:s17] =	ssyncset.done $0x0  }
0x71: {  	s29 =	simm.s32 $0x380;
	[sflag:s17] =	ssyncadd.s32 $0xFFFFC000  }
0x72: {  	[tilespmem:s20], [sflag:$0x2] =	stream.indirect.gather [hbm4b:s4+s19], $0x80, s29, s19, $0xb8;
	[tilespmem:$0x1E800] =	vst v63  }
0x73: {  	_ =	swait.ge [sflag:s21], $0x4000  }
0x74: {  	[sflag:s21] =	ssyncset.done $0x0  }
0x75: {  	s30 =	simm.s32 $0x1700;
	[sflag:s21] =	ssyncadd.s32 $0xFFFFC000  }
0x76: {  	[spmem:s2] =	stream.indirect.scatter.add.f32 [tilespmem:s16], [sflag:$0x3], $0x80, s30, s19, $0xb8;
	[tilespmem:$0x1E800] =	vst v63  }
0x77: {  	_ =	swait.ge [sflag:s17], $0x4000  }
0x78: {  	[sflag:s17] =	ssyncset.done $0x0  }
0x79: {  	[sflag:s17] =	ssyncadd.s32 $0xFFFFC000  }
0x7a: {  	_ =	swait.ge [sflag:s22], $0x4000  }
0x7b: {  	[sflag:s22] =	ssyncset.done $0x0  }
0x7c: {  	s31 =	simm.s32 $0x1780;
	[sflag:s22] =	ssyncadd.s32 $0xFFFFC000  }
0x7d: {  	[spmem:s2] =	stream.indirect.scatter.add.f32 [tilespmem:s20], [sflag:$0x3], $0x80, s31, s19, $0xb8;
	[tilespmem:$0x1E800] =	vst v63  }
0x7e: {  	_ =	swait.ge [sflag:s17], $0x4000  }
0x7f: {  	s23 =	simm.s32 $0x1000;
	s26 =	simm.s32 $0x2000;
	[sflag:s17] =	ssyncset.done $0x0  }
.LBB2_4:
0x80: {  	s25 =	sshra.s32 s23, $0x2  }
0x81: {  	[sflag:s17] =	ssyncadd.s32 $0xFFFFC000;
	s23 =	smov.u32 s26;
	s24 =	sadd.s32 $0x1000, s26  }
0x82: {  	[tilespmem:s16], [sflag:$0x1] =	stream.indirect.gather [hbm4b:s4+s19], $0x80, s25, s19, $0xb8;
	[tilespmem:$0x1E800] =	vst v63  }
0x83: {  	p0 =	sne.s32 s26, $0x4000;
	s26 =	sadd.s32 $0x80, s25  }
0x84: {  	[tilespmem:s20], [sflag:$0x2] =	stream.indirect.gather [hbm4b:s4+s19], $0x80, s26, s19, $0xb8;
	[tilespmem:$0x1E800] =	vst v63  }
0x85: {  	_ =	swait.ge [sflag:s21], $0x4000  }
0x86: {  	[sflag:s21] =	ssyncset.done $0x0  }
0x87: {  	s26 =	sadd.s32 $0x1400, s25;
	[sflag:s21] =	ssyncadd.s32 $0xFFFFC000  }
0x88: {  	[spmem:s2] =	stream.indirect.scatter.add.f32 [tilespmem:s16], [sflag:$0x3], $0x80, s26, s19, $0xb8;
	[tilespmem:$0x1E800] =	vst v63  }
0x89: {  	_ =	swait.ge [sflag:s17], $0x4000  }
0x8a: {  	[sflag:s17] =	ssyncset.done $0x0  }
0x8b: {  	s26 =	sadd.s32 $0x100, s25;
	[sflag:s17] =	ssyncadd.s32 $0xFFFFC000  }
0x8c: {  	[tilespmem:s16], [sflag:$0x1] =	stream.indirect.gather [hbm4b:s4+s19], $0x80, s26, s19, $0xb8;
	[tilespmem:$0x1E800] =	vst v63  }
0x8d: {  	_ =	swait.ge [sflag:s22], $0x4000  }
0x8e: {  	[sflag:s22] =	ssyncset.done $0x0  }
0x8f: {  	s26 =	sadd.s32 $0x1480, s25;
	[sflag:s22] =	ssyncadd.s32 $0xFFFFC000  }
0x90: {  	[spmem:s2] =	stream.indirect.scatter.add.f32 [tilespmem:s20], [sflag:$0x3], $0x80, s26, s19, $0xb8;
	[tilespmem:$0x1E800] =	vst v63  }
0x91: {  	_ =	swait.ge [sflag:s17], $0x4000  }
0x92: {  	[sflag:s17] =	ssyncset.done $0x0  }
0x93: {  	s26 =	sadd.s32 $0x180, s25;
	[sflag:s17] =	ssyncadd.s32 $0xFFFFC000  }
0x94: {  	[tilespmem:s20], [sflag:$0x2] =	stream.indirect.gather [hbm4b:s4+s19], $0x80, s26, s19, $0xb8;
	[tilespmem:$0x1E800] =	vst v63  }
0x95: {  	_ =	swait.ge [sflag:s21], $0x4000  }
0x96: {  	[sflag:s21] =	ssyncset.done $0x0  }
0x97: {  	s26 =	sadd.s32 $0x1500, s25;
	[sflag:s21] =	ssyncadd.s32 $0xFFFFC000  }
0x98: {  	[spmem:s2] =	stream.indirect.scatter.add.f32 [tilespmem:s16], [sflag:$0x3], $0x80, s26, s19, $0xb8;
	[tilespmem:$0x1E800] =	vst v63  }
0x99: {  	_ =	swait.ge [sflag:s17], $0x4000  }
0x9a: {  	[sflag:s17] =	ssyncset.done $0x0  }
0x9b: {  	s26 =	sadd.s32 $0x200, s25;
	[sflag:s17] =	ssyncadd.s32 $0xFFFFC000  }
0x9c: {  	[tilespmem:s16], [sflag:$0x1] =	stream.indirect.gather [hbm4b:s4+s19], $0x80, s26, s19, $0xb8;
	[tilespmem:$0x1E800] =	vst v63  }
0x9d: {  	_ =	swait.ge [sflag:s22], $0x4000  }
0x9e: {  	[sflag:s22] =	ssyncset.done $0x0  }
0x9f: {  	s26 =	sadd.s32 $0x1580, s25;
	[sflag:s22] =	ssyncadd.s32 $0xFFFFC000  }
0xa0: {  	[spmem:s2] =	stream.indirect.scatter.add.f32 [tilespmem:s20], [sflag:$0x3], $0x80, s26, s19, $0xb8;
	[tilespmem:$0x1E800] =	vst v63  }
0xa1: {  	_ =	swait.ge [sflag:s17], $0x4000  }
0xa2: {  	[sflag:s17] =	ssyncset.done $0x0  }
0xa3: {  	s26 =	sadd.s32 $0x280, s25;
	[sflag:s17] =	ssyncadd.s32 $0xFFFFC000  }
0xa4: {  	[tilespmem:s20], [sflag:$0x2] =	stream.indirect.gather [hbm4b:s4+s19], $0x80, s26, s19, $0xb8;
	[tilespmem:$0x1E800] =	vst v63  }
0xa5: {  	_ =	swait.ge [sflag:s21], $0x4000  }
0xa6: {  	[sflag:s21] =	ssyncset.done $0x0  }
0xa7: {  	s26 =	sadd.s32 $0x1600, s25;
	[sflag:s21] =	ssyncadd.s32 $0xFFFFC000  }
0xa8: {  	[spmem:s2] =	stream.indirect.scatter.add.f32 [tilespmem:s16], [sflag:$0x3], $0x80, s26, s19, $0xb8;
	[tilespmem:$0x1E800] =	vst v63  }
0xa9: {  	_ =	swait.ge [sflag:s17], $0x4000  }
0xaa: {  	[sflag:s17] =	ssyncset.done $0x0  }
0xab: {  	s26 =	sadd.s32 $0x300, s25;
	[sflag:s17] =	ssyncadd.s32 $0xFFFFC000  }
0xac: {  	[tilespmem:s16], [sflag:$0x1] =	stream.indirect.gather [hbm4b:s4+s19], $0x80, s26, s19, $0xb8;
	[tilespmem:$0x1E800] =	vst v63  }
0xad: {  	_ =	swait.ge [sflag:s22], $0x4000  }
0xae: {  	[sflag:s22] =	ssyncset.done $0x0  }
0xaf: {  	s26 =	sadd.s32 $0x1680, s25;
	[sflag:s22] =	ssyncadd.s32 $0xFFFFC000  }
0xb0: {  	[spmem:s2] =	stream.indirect.scatter.add.f32 [tilespmem:s20], [sflag:$0x3], $0x80, s26, s19, $0xb8;
	[tilespmem:$0x1E800] =	vst v63  }
0xb1: {  	_ =	swait.ge [sflag:s17], $0x4000  }
0xb2: {  	[sflag:s17] =	ssyncset.done $0x0  }
0xb3: {  	s26 =	sadd.s32 $0x380, s25;
	[sflag:s17] =	ssyncadd.s32 $0xFFFFC000  }
0xb4: {  	[tilespmem:s20], [sflag:$0x2] =	stream.indirect.gather [hbm4b:s4+s19], $0x80, s26, s19, $0xb8;
	[tilespmem:$0x1E800] =	vst v63  }
0xb5: {  	_ =	swait.ge [sflag:s21], $0x4000  }
0xb6: {  	[sflag:s21] =	ssyncset.done $0x0  }
0xb7: {  	s26 =	sadd.s32 $0x1700, s25;
	[sflag:s21] =	ssyncadd.s32 $0xFFFFC000  }
0xb8: {  	[spmem:s2] =	stream.indirect.scatter.add.f32 [tilespmem:s16], [sflag:$0x3], $0x80, s26, s19, $0xb8;
	[tilespmem:$0x1E800] =	vst v63  }
0xb9: {  	_ =	swait.ge [sflag:s17], $0x4000  }
0xba: {  	[sflag:s17] =	ssyncset.done $0x0  }
0xbb: {  	[sflag:s17] =	ssyncadd.s32 $0xFFFFC000  }
0xbc: {  	_ =	swait.ge [sflag:s22], $0x4000  }
.Ltmp1:
0xbd: {  	[sflag:s22] =	ssyncset.done $0x0;
	(pc) =	sbr.rel @p0 .LBB2_4-.Ltmp1, $4  }
0xbe: {  	s25 =	sadd.s32 $0x1780, s25;
	[sflag:s22] =	ssyncadd.s32 $0xFFFFC000  }
0xbf: {  	[spmem:s2] =	stream.indirect.scatter.add.f32 [tilespmem:s20], [sflag:$0x3], $0x80, s25, s19, $0xb8;
	[tilespmem:$0x1E800] =	vst v63  }
0xc0: {  	_ =	swait.ge [sflag:s17], $0x4000  }
0xc1: {  	s26 =	smov.u32 s24;
	[sflag:s17] =	ssyncset.done $0x0  }
0xc2: {  	s23 =	sshra.s32 s23, $0x2;
	[sflag:s17] =	ssyncadd.s32 $0xFFFFC000  }
0xc3: {  	[tilespmem:s16], [sflag:$0x1] =	stream.indirect.gather [hbm4b:s4+s19], $0x80, s23, s19, $0xb8;
	[tilespmem:$0x1E800] =	vst v63  }
0xc4: {  	s24 =	sadd.s32 $0x80, s23  }
0xc5: {  	[tilespmem:s20], [sflag:$0x2] =	stream.indirect.gather [hbm4b:s4+s19], $0x80, s24, s19, $0xb8;
	[tilespmem:$0x1E800] =	vst v63  }
0xc6: {  	_ =	swait.ge [sflag:s21], $0x4000  }
0xc7: {  	[sflag:s21] =	ssyncset.done $0x0  }
0xc8: {  	s28 =	sadd.s32 $0x1400, s23;
	[sflag:s21] =	ssyncadd.s32 $0xFFFFC000  }
0xc9: {  	[spmem:s2] =	stream.indirect.scatter.add.f32 [tilespmem:s16], [sflag:$0x3], $0x80, s28, s19, $0xb8;
	[tilespmem:$0x1E800] =	vst v63  }
0xca: {  	_ =	swait.ge [sflag:s17], $0x4000  }
0xcb: {  	[sflag:s17] =	ssyncset.done $0x0  }
0xcc: {  	s29 =	sadd.s32 $0x100, s23;
	[sflag:s17] =	ssyncadd.s32 $0xFFFFC000  }
0xcd: {  	[tilespmem:s16], [sflag:$0x1] =	stream.indirect.gather [hbm4b:s4+s19], $0x80, s29, s19, $0xb8;
	[tilespmem:$0x1E800] =	vst v63  }
0xce: {  	_ =	swait.ge [sflag:s22], $0x4000  }
0xcf: {  	[sflag:s22] =	ssyncset.done $0x0  }
0xd0: {  	s30 =	sadd.s32 $0x1480, s23;
	[sflag:s22] =	ssyncadd.s32 $0xFFFFC000  }
0xd1: {  	[spmem:s2] =	stream.indirect.scatter.add.f32 [tilespmem:s20], [sflag:$0x3], $0x80, s30, s19, $0xb8;
	[tilespmem:$0x1E800] =	vst v63  }
0xd2: {  	_ =	swait.ge [sflag:s17], $0x4000  }
0xd3: {  	[sflag:s17] =	ssyncset.done $0x0  }
0xd4: {  	s31 =	sadd.s32 $0x180, s23;
	[sflag:s17] =	ssyncadd.s32 $0xFFFFC000  }
0xd5: {  	[tilespmem:s20], [sflag:$0x2] =	stream.indirect.gather [hbm4b:s4+s19], $0x80, s31, s19, $0xb8;
	[tilespmem:$0x1E800] =	vst v63  }
0xd6: {  	_ =	swait.ge [sflag:s21], $0x4000  }
0xd7: {  	[sflag:s21] =	ssyncset.done $0x0  }
0xd8: {  	s25 =	sadd.s32 $0x1500, s23;
	[sflag:s21] =	ssyncadd.s32 $0xFFFFC000  }
0xd9: {  	[spmem:s2] =	stream.indirect.scatter.add.f32 [tilespmem:s16], [sflag:$0x3], $0x80, s25, s19, $0xb8;
	[tilespmem:$0x1E800] =	vst v63  }
0xda: {  	_ =	swait.ge [sflag:s17], $0x4000  }
0xdb: {  	[sflag:s17] =	ssyncset.done $0x0  }
0xdc: {  	s26 =	sadd.s32 $0x200, s23;
	[sflag:s17] =	ssyncadd.s32 $0xFFFFC000  }
0xdd: {  	[tilespmem:s16], [sflag:$0x1] =	stream.indirect.gather [hbm4b:s4+s19], $0x80, s26, s19, $0xb8;
	[tilespmem:$0x1E800] =	vst v63  }
0xde: {  	_ =	swait.ge [sflag:s22], $0x4000  }
0xdf: {  	[sflag:s22] =	ssyncset.done $0x0  }
0xe0: {  	s28 =	sadd.s32 $0x1580, s23;
	[sflag:s22] =	ssyncadd.s32 $0xFFFFC000  }
0xe1: {  	[spmem:s2] =	stream.indirect.scatter.add.f32 [tilespmem:s20], [sflag:$0x3], $0x80, s28, s19, $0xb8;
	[tilespmem:$0x1E800] =	vst v63  }
0xe2: {  	_ =	swait.ge [sflag:s17], $0x4000  }
0xe3: {  	[sflag:s17] =	ssyncset.done $0x0  }
0xe4: {  	s29 =	sadd.s32 $0x280, s23;
	[sflag:s17] =	ssyncadd.s32 $0xFFFFC000  }
0xe5: {  	[tilespmem:s20], [sflag:$0x2] =	stream.indirect.gather [hbm4b:s4+s19], $0x80, s29, s19, $0xb8;
	[tilespmem:$0x1E800] =	vst v63  }
0xe6: {  	_ =	swait.ge [sflag:s21], $0x4000  }
0xe7: {  	[sflag:s21] =	ssyncset.done $0x0  }
0xe8: {  	s30 =	sadd.s32 $0x1600, s23;
	[sflag:s21] =	ssyncadd.s32 $0xFFFFC000  }
0xe9: {  	[spmem:s2] =	stream.indirect.scatter.add.f32 [tilespmem:s16], [sflag:$0x3], $0x80, s30, s19, $0xb8;
	[tilespmem:$0x1E800] =	vst v63  }
0xea: {  	_ =	swait.ge [sflag:s17], $0x4000  }
0xeb: {  	[sflag:s17] =	ssyncset.done $0x0  }
0xec: {  	s31 =	sadd.s32 $0x300, s23;
	[sflag:s17] =	ssyncadd.s32 $0xFFFFC000  }
0xed: {  	[tilespmem:s16], [sflag:$0x1] =	stream.indirect.gather [hbm4b:s4+s19], $0x80, s31, s19, $0xb8;
	[tilespmem:$0x1E800] =	vst v63  }
0xee: {  	_ =	swait.ge [sflag:s22], $0x4000  }
0xef: {  	[sflag:s22] =	ssyncset.done $0x0  }
0xf0: {  	s25 =	sadd.s32 $0x1680, s23;
	[sflag:s22] =	ssyncadd.s32 $0xFFFFC000  }
0xf1: {  	[spmem:s2] =	stream.indirect.scatter.add.f32 [tilespmem:s20], [sflag:$0x3], $0x80, s25, s19, $0xb8;
	[tilespmem:$0x1E800] =	vst v63  }
0xf2: {  	_ =	swait.ge [sflag:s17], $0x4000  }
0xf3: {  	[sflag:s17] =	ssyncset.done $0x0  }
0xf4: {  	s26 =	sadd.s32 $0x380, s23;
	[sflag:s17] =	ssyncadd.s32 $0xFFFFC000  }
0xf5: {  	[tilespmem:s20], [sflag:$0x2] =	stream.indirect.gather [hbm4b:s4+s19], $0x80, s26, s19, $0xb8;
	[tilespmem:$0x1E800] =	vst v63  }
0xf6: {  	_ =	swait.ge [sflag:s21], $0x4000  }
0xf7: {  	[sflag:s21] =	ssyncset.done $0x0  }
0xf8: {  	s28 =	sadd.s32 $0x1700, s23;
	[sflag:s21] =	ssyncadd.s32 $0xFFFFC000  }
0xf9: {  	[spmem:s2] =	stream.indirect.scatter.add.f32 [tilespmem:s16], [sflag:$0x3], $0x80, s28, s19, $0xb8;
	[tilespmem:$0x1E800] =	vst v63  }
0xfa: {  	_ =	swait.ge [sflag:s17], $0x4000  }
0xfb: {  	[sflag:s17] =	ssyncset.done $0x0  }
0xfc: {  	[sflag:s17] =	ssyncadd.s32 $0xFFFFC000  }
0xfd: {  	_ =	swait.ge [sflag:s22], $0x4000  }
0xfe: {  	[sflag:s22] =	ssyncset.done $0x0  }
0xff: {  	s23 =	sadd.s32 $0x1780, s23;
	[sflag:s22] =	ssyncadd.s32 $0xFFFFC000  }
0x100: {  	[spmem:s2] =	stream.indirect.scatter.add.f32 [tilespmem:s20], [sflag:$0x3], $0x80, s23, s19, $0xb8;
	[tilespmem:$0x1E800] =	vst v63  }
0x101: {  	_ =	swait.ge [sflag:s17], $0x4000  }
0x102: {  	[sflag:s17] =	ssyncset.done $0x0  }
0x103: {  	s29 =	simm.s32 $0x0;
	[sflag:s17] =	ssyncadd.s32 $0xFFFFC000  }
0x104: {  	[tilespmem:s29], [sflag:$0x3] =	stream.linear.gather [hbm4b:s12+s29], $0x1400, $0x38;
	[tilespmem:$0x1E800] =	vst v63  }
0x105: {  	_ =	swait.ge [sflag:s17], $0x1400  }
0x106: {  	[sflag:s17] =	ssyncset.done $0x0  }
0x107: {  	[sflag:s17] =	ssyncadd.s32 $0xFFFFEC00  }
0x108: {  	[tilespmem:s18], [sflag:$0x3] =	stream.linear.gather [hbm4b:s13+s29], $0x1400, $0x38;
	[tilespmem:$0x1E800] =	vst v63  }
0x109: {  	_ =	swait.ge [sflag:s17], $0x1400  }
0x10a: {  	[sflag:s17] =	ssyncset.done $0x0  }
0x10b: {  	s30 =	simm.s32 $0x0;
	[sflag:s17] =	ssyncadd.s32 $0xFFFFEC00  }
0x10c: {  	[tilespmem:s16], [sflag:$0x1] =	stream.indirect.gather [hbm4b:s4+s19], $0x80, s30, s19, $0xb8;
	[tilespmem:$0x1E800] =	vst v63  }
0x10d: {  	s31 =	simm.s32 $0x80  }
0x10e: {  	[tilespmem:s20], [sflag:$0x2] =	stream.indirect.gather [hbm4b:s4+s19], $0x80, s31, s19, $0xb8;
	[tilespmem:$0x1E800] =	vst v63  }
0x10f: {  	_ =	swait.ge [sflag:s21], $0x4000  }
0x110: {  	[sflag:s21] =	ssyncset.done $0x0  }
0x111: {  	s24 =	simm.s32 $0x1400;
	[sflag:s21] =	ssyncadd.s32 $0xFFFFC000  }
0x112: {  	[spmem:s2] =	stream.indirect.scatter.add.f32 [tilespmem:s16], [sflag:$0x3], $0x80, s24, s19, $0xb8;
	[tilespmem:$0x1E800] =	vst v63  }
0x113: {  	_ =	swait.ge [sflag:s17], $0x4000  }
0x114: {  	[sflag:s17] =	ssyncset.done $0x0  }
0x115: {  	s25 =	simm.s32 $0x100;
	[sflag:s17] =	ssyncadd.s32 $0xFFFFC000  }
0x116: {  	[tilespmem:s16], [sflag:$0x1] =	stream.indirect.gather [hbm4b:s4+s19], $0x80, s25, s19, $0xb8;
	[tilespmem:$0x1E800] =	vst v63  }
0x117: {  	_ =	swait.ge [sflag:s22], $0x4000  }
0x118: {  	[sflag:s22] =	ssyncset.done $0x0  }
0x119: {  	s26 =	simm.s32 $0x1480;
	[sflag:s22] =	ssyncadd.s32 $0xFFFFC000  }
0x11a: {  	[spmem:s2] =	stream.indirect.scatter.add.f32 [tilespmem:s20], [sflag:$0x3], $0x80, s26, s19, $0xb8;
	[tilespmem:$0x1E800] =	vst v63  }
0x11b: {  	_ =	swait.ge [sflag:s17], $0x4000  }
0x11c: {  	[sflag:s17] =	ssyncset.done $0x0  }
0x11d: {  	s28 =	simm.s32 $0x180;
	[sflag:s17] =	ssyncadd.s32 $0xFFFFC000  }
0x11e: {  	[tilespmem:s20], [sflag:$0x2] =	stream.indirect.gather [hbm4b:s4+s19], $0x80, s28, s19, $0xb8;
	[tilespmem:$0x1E800] =	vst v63  }
0x11f: {  	_ =	swait.ge [sflag:s21], $0x4000  }
0x120: {  	[sflag:s21] =	ssyncset.done $0x0  }
0x121: {  	s29 =	simm.s32 $0x1500;
	[sflag:s21] =	ssyncadd.s32 $0xFFFFC000  }
0x122: {  	[spmem:s2] =	stream.indirect.scatter.add.f32 [tilespmem:s16], [sflag:$0x3], $0x80, s29, s19, $0xb8;
	[tilespmem:$0x1E800] =	vst v63  }
0x123: {  	_ =	swait.ge [sflag:s17], $0x4000  }
0x124: {  	[sflag:s17] =	ssyncset.done $0x0  }
0x125: {  	s30 =	simm.s32 $0x200;
	[sflag:s17] =	ssyncadd.s32 $0xFFFFC000  }
0x126: {  	[tilespmem:s16], [sflag:$0x1] =	stream.indirect.gather [hbm4b:s4+s19], $0x80, s30, s19, $0xb8;
	[tilespmem:$0x1E800] =	vst v63  }
0x127: {  	_ =	swait.ge [sflag:s22], $0x4000  }
0x128: {  	[sflag:s22] =	ssyncset.done $0x0  }
0x129: {  	s31 =	simm.s32 $0x1580;
	[sflag:s22] =	ssyncadd.s32 $0xFFFFC000  }
0x12a: {  	[spmem:s2] =	stream.indirect.scatter.add.f32 [tilespmem:s20], [sflag:$0x3], $0x80, s31, s19, $0xb8;
	[tilespmem:$0x1E800] =	vst v63  }
0x12b: {  	_ =	swait.ge [sflag:s17], $0x4000  }
0x12c: {  	[sflag:s17] =	ssyncset.done $0x0  }
0x12d: {  	s24 =	simm.s32 $0x280;
	[sflag:s17] =	ssyncadd.s32 $0xFFFFC000  }
0x12e: {  	[tilespmem:s20], [sflag:$0x2] =	stream.indirect.gather [hbm4b:s4+s19], $0x80, s24, s19, $0xb8;
	[tilespmem:$0x1E800] =	vst v63  }
0x12f: {  	_ =	swait.ge [sflag:s21], $0x4000  }
0x130: {  	[sflag:s21] =	ssyncset.done $0x0  }
0x131: {  	s25 =	simm.s32 $0x1600;
	[sflag:s21] =	ssyncadd.s32 $0xFFFFC000  }
0x132: {  	[spmem:s2] =	stream.indirect.scatter.add.f32 [tilespmem:s16], [sflag:$0x3], $0x80, s25, s19, $0xb8;
	[tilespmem:$0x1E800] =	vst v63  }
0x133: {  	_ =	swait.ge [sflag:s17], $0x4000  }
0x134: {  	[sflag:s17] =	ssyncset.done $0x0  }
0x135: {  	s26 =	simm.s32 $0x300;
	[sflag:s17] =	ssyncadd.s32 $0xFFFFC000  }
0x136: {  	[tilespmem:s16], [sflag:$0x1] =	stream.indirect.gather [hbm4b:s4+s19], $0x80, s26, s19, $0xb8;
	[tilespmem:$0x1E800] =	vst v63  }
0x137: {  	_ =	swait.ge [sflag:s22], $0x4000  }
0x138: {  	[sflag:s22] =	ssyncset.done $0x0  }
0x139: {  	s28 =	simm.s32 $0x1680;
	[sflag:s22] =	ssyncadd.s32 $0xFFFFC000  }
0x13a: {  	[spmem:s2] =	stream.indirect.scatter.add.f32 [tilespmem:s20], [sflag:$0x3], $0x80, s28, s19, $0xb8;
	[tilespmem:$0x1E800] =	vst v63  }
0x13b: {  	_ =	swait.ge [sflag:s17], $0x4000  }
0x13c: {  	[sflag:s17] =	ssyncset.done $0x0  }
0x13d: {  	s29 =	simm.s32 $0x380;
	[sflag:s17] =	ssyncadd.s32 $0xFFFFC000  }
0x13e: {  	[tilespmem:s20], [sflag:$0x2] =	stream.indirect.gather [hbm4b:s4+s19], $0x80, s29, s19, $0xb8;
	[tilespmem:$0x1E800] =	vst v63  }
0x13f: {  	_ =	swait.ge [sflag:s21], $0x4000  }
0x140: {  	[sflag:s21] =	ssyncset.done $0x0  }
0x141: {  	s30 =	simm.s32 $0x1700;
	[sflag:s21] =	ssyncadd.s32 $0xFFFFC000  }
0x142: {  	[spmem:s2] =	stream.indirect.scatter.add.f32 [tilespmem:s16], [sflag:$0x3], $0x80, s30, s19, $0xb8;
	[tilespmem:$0x1E800] =	vst v63  }
0x143: {  	_ =	swait.ge [sflag:s17], $0x4000  }
0x144: {  	[sflag:s17] =	ssyncset.done $0x0  }
0x145: {  	[sflag:s17] =	ssyncadd.s32 $0xFFFFC000  }
0x146: {  	_ =	swait.ge [sflag:s22], $0x4000  }
0x147: {  	[sflag:s22] =	ssyncset.done $0x0  }
0x148: {  	s31 =	simm.s32 $0x1780;
	[sflag:s22] =	ssyncadd.s32 $0xFFFFC000  }
0x149: {  	[spmem:s2] =	stream.indirect.scatter.add.f32 [tilespmem:s20], [sflag:$0x3], $0x80, s31, s19, $0xb8;
	[tilespmem:$0x1E800] =	vst v63  }
0x14a: {  	_ =	swait.ge [sflag:s17], $0x4000  }
0x14b: {  	s23 =	simm.s32 $0x1000;
	s26 =	simm.s32 $0x2000;
	[sflag:s17] =	ssyncset.done $0x0  }
.LBB2_6:
0x14c: {  	s25 =	sshra.s32 s23, $0x2  }
0x14d: {  	[sflag:s17] =	ssyncadd.s32 $0xFFFFC000;
	s23 =	smov.u32 s26;
	s24 =	sadd.s32 $0x1000, s26  }
0x14e: {  	[tilespmem:s16], [sflag:$0x1] =	stream.indirect.gather [hbm4b:s4+s19], $0x80, s25, s19, $0xb8;
	[tilespmem:$0x1E800] =	vst v63  }
0x14f: {  	p0 =	sne.s32 s26, $0x4000;
	s26 =	sadd.s32 $0x80, s25  }
0x150: {  	[tilespmem:s20], [sflag:$0x2] =	stream.indirect.gather [hbm4b:s4+s19], $0x80, s26, s19, $0xb8;
	[tilespmem:$0x1E800] =	vst v63  }
0x151: {  	_ =	swait.ge [sflag:s21], $0x4000  }
0x152: {  	[sflag:s21] =	ssyncset.done $0x0  }
0x153: {  	s26 =	sadd.s32 $0x1400, s25;
	[sflag:s21] =	ssyncadd.s32 $0xFFFFC000  }
0x154: {  	[spmem:s2] =	stream.indirect.scatter.add.f32 [tilespmem:s16], [sflag:$0x3], $0x80, s26, s19, $0xb8;
	[tilespmem:$0x1E800] =	vst v63  }
0x155: {  	_ =	swait.ge [sflag:s17], $0x4000  }
0x156: {  	[sflag:s17] =	ssyncset.done $0x0  }
0x157: {  	s26 =	sadd.s32 $0x100, s25;
	[sflag:s17] =	ssyncadd.s32 $0xFFFFC000  }
0x158: {  	[tilespmem:s16], [sflag:$0x1] =	stream.indirect.gather [hbm4b:s4+s19], $0x80, s26, s19, $0xb8;
	[tilespmem:$0x1E800] =	vst v63  }
0x159: {  	_ =	swait.ge [sflag:s22], $0x4000  }
0x15a: {  	[sflag:s22] =	ssyncset.done $0x0  }
0x15b: {  	s26 =	sadd.s32 $0x1480, s25;
	[sflag:s22] =	ssyncadd.s32 $0xFFFFC000  }
0x15c: {  	[spmem:s2] =	stream.indirect.scatter.add.f32 [tilespmem:s20], [sflag:$0x3], $0x80, s26, s19, $0xb8;
	[tilespmem:$0x1E800] =	vst v63  }
0x15d: {  	_ =	swait.ge [sflag:s17], $0x4000  }
0x15e: {  	[sflag:s17] =	ssyncset.done $0x0  }
0x15f: {  	s26 =	sadd.s32 $0x180, s25;
	[sflag:s17] =	ssyncadd.s32 $0xFFFFC000  }
0x160: {  	[tilespmem:s20], [sflag:$0x2] =	stream.indirect.gather [hbm4b:s4+s19], $0x80, s26, s19, $0xb8;
	[tilespmem:$0x1E800] =	vst v63  }
0x161: {  	_ =	swait.ge [sflag:s21], $0x4000  }
0x162: {  	[sflag:s21] =	ssyncset.done $0x0  }
0x163: {  	s26 =	sadd.s32 $0x1500, s25;
	[sflag:s21] =	ssyncadd.s32 $0xFFFFC000  }
0x164: {  	[spmem:s2] =	stream.indirect.scatter.add.f32 [tilespmem:s16], [sflag:$0x3], $0x80, s26, s19, $0xb8;
	[tilespmem:$0x1E800] =	vst v63  }
0x165: {  	_ =	swait.ge [sflag:s17], $0x4000  }
0x166: {  	[sflag:s17] =	ssyncset.done $0x0  }
0x167: {  	s26 =	sadd.s32 $0x200, s25;
	[sflag:s17] =	ssyncadd.s32 $0xFFFFC000  }
0x168: {  	[tilespmem:s16], [sflag:$0x1] =	stream.indirect.gather [hbm4b:s4+s19], $0x80, s26, s19, $0xb8;
	[tilespmem:$0x1E800] =	vst v63  }
0x169: {  	_ =	swait.ge [sflag:s22], $0x4000  }
0x16a: {  	[sflag:s22] =	ssyncset.done $0x0  }
0x16b: {  	s26 =	sadd.s32 $0x1580, s25;
	[sflag:s22] =	ssyncadd.s32 $0xFFFFC000  }
0x16c: {  	[spmem:s2] =	stream.indirect.scatter.add.f32 [tilespmem:s20], [sflag:$0x3], $0x80, s26, s19, $0xb8;
	[tilespmem:$0x1E800] =	vst v63  }
0x16d: {  	_ =	swait.ge [sflag:s17], $0x4000  }
0x16e: {  	[sflag:s17] =	ssyncset.done $0x0  }
0x16f: {  	s26 =	sadd.s32 $0x280, s25;
	[sflag:s17] =	ssyncadd.s32 $0xFFFFC000  }
0x170: {  	[tilespmem:s20], [sflag:$0x2] =	stream.indirect.gather [hbm4b:s4+s19], $0x80, s26, s19, $0xb8;
	[tilespmem:$0x1E800] =	vst v63  }
0x171: {  	_ =	swait.ge [sflag:s21], $0x4000  }
0x172: {  	[sflag:s21] =	ssyncset.done $0x0  }
0x173: {  	s26 =	sadd.s32 $0x1600, s25;
	[sflag:s21] =	ssyncadd.s32 $0xFFFFC000  }
0x174: {  	[spmem:s2] =	stream.indirect.scatter.add.f32 [tilespmem:s16], [sflag:$0x3], $0x80, s26, s19, $0xb8;
	[tilespmem:$0x1E800] =	vst v63  }
0x175: {  	_ =	swait.ge [sflag:s17], $0x4000  }
0x176: {  	[sflag:s17] =	ssyncset.done $0x0  }
0x177: {  	s26 =	sadd.s32 $0x300, s25;
	[sflag:s17] =	ssyncadd.s32 $0xFFFFC000  }
0x178: {  	[tilespmem:s16], [sflag:$0x1] =	stream.indirect.gather [hbm4b:s4+s19], $0x80, s26, s19, $0xb8;
	[tilespmem:$0x1E800] =	vst v63  }
0x179: {  	_ =	swait.ge [sflag:s22], $0x4000  }
0x17a: {  	[sflag:s22] =	ssyncset.done $0x0  }
0x17b: {  	s26 =	sadd.s32 $0x1680, s25;
	[sflag:s22] =	ssyncadd.s32 $0xFFFFC000  }
0x17c: {  	[spmem:s2] =	stream.indirect.scatter.add.f32 [tilespmem:s20], [sflag:$0x3], $0x80, s26, s19, $0xb8;
	[tilespmem:$0x1E800] =	vst v63  }
0x17d: {  	_ =	swait.ge [sflag:s17], $0x4000  }
0x17e: {  	[sflag:s17] =	ssyncset.done $0x0  }
0x17f: {  	s26 =	sadd.s32 $0x380, s25;
	[sflag:s17] =	ssyncadd.s32 $0xFFFFC000  }
0x180: {  	[tilespmem:s20], [sflag:$0x2] =	stream.indirect.gather [hbm4b:s4+s19], $0x80, s26, s19, $0xb8;
	[tilespmem:$0x1E800] =	vst v63  }
0x181: {  	_ =	swait.ge [sflag:s21], $0x4000  }
0x182: {  	[sflag:s21] =	ssyncset.done $0x0  }
0x183: {  	s26 =	sadd.s32 $0x1700, s25;
	[sflag:s21] =	ssyncadd.s32 $0xFFFFC000  }
0x184: {  	[spmem:s2] =	stream.indirect.scatter.add.f32 [tilespmem:s16], [sflag:$0x3], $0x80, s26, s19, $0xb8;
	[tilespmem:$0x1E800] =	vst v63  }
0x185: {  	_ =	swait.ge [sflag:s17], $0x4000  }
0x186: {  	[sflag:s17] =	ssyncset.done $0x0  }
0x187: {  	[sflag:s17] =	ssyncadd.s32 $0xFFFFC000  }
0x188: {  	_ =	swait.ge [sflag:s22], $0x4000  }
.Ltmp2:
0x189: {  	[sflag:s22] =	ssyncset.done $0x0;
	(pc) =	sbr.rel @p0 .LBB2_6-.Ltmp2, $4  }
0x18a: {  	s25 =	sadd.s32 $0x1780, s25;
	[sflag:s22] =	ssyncadd.s32 $0xFFFFC000  }
0x18b: {  	[spmem:s2] =	stream.indirect.scatter.add.f32 [tilespmem:s20], [sflag:$0x3], $0x80, s25, s19, $0xb8;
	[tilespmem:$0x1E800] =	vst v63  }
0x18c: {  	_ =	swait.ge [sflag:s17], $0x4000  }
0x18d: {  	s26 =	smov.u32 s24;
	[sflag:s17] =	ssyncset.done $0x0  }
0x18e: {  	s23 =	sshra.s32 s23, $0x2;
	[sflag:s17] =	ssyncadd.s32 $0xFFFFC000  }
0x18f: {  	[tilespmem:s16], [sflag:$0x1] =	stream.indirect.gather [hbm4b:s4+s19], $0x80, s23, s19, $0xb8;
	[tilespmem:$0x1E800] =	vst v63  }
0x190: {  	s24 =	sadd.s32 $0x80, s23  }
0x191: {  	[tilespmem:s20], [sflag:$0x2] =	stream.indirect.gather [hbm4b:s4+s19], $0x80, s24, s19, $0xb8;
	[tilespmem:$0x1E800] =	vst v63  }
0x192: {  	_ =	swait.ge [sflag:s21], $0x4000  }
0x193: {  	[sflag:s21] =	ssyncset.done $0x0  }
0x194: {  	s29 =	sadd.s32 $0x1400, s23;
	[sflag:s21] =	ssyncadd.s32 $0xFFFFC000  }
0x195: {  	[spmem:s2] =	stream.indirect.scatter.add.f32 [tilespmem:s16], [sflag:$0x3], $0x80, s29, s19, $0xb8;
	[tilespmem:$0x1E800] =	vst v63  }
0x196: {  	_ =	swait.ge [sflag:s17], $0x4000  }
0x197: {  	[sflag:s17] =	ssyncset.done $0x0  }
0x198: {  	s30 =	sadd.s32 $0x100, s23;
	[sflag:s17] =	ssyncadd.s32 $0xFFFFC000  }
0x199: {  	[tilespmem:s16], [sflag:$0x1] =	stream.indirect.gather [hbm4b:s4+s19], $0x80, s30, s19, $0xb8;
	[tilespmem:$0x1E800] =	vst v63  }
0x19a: {  	_ =	swait.ge [sflag:s22], $0x4000  }
0x19b: {  	[sflag:s22] =	ssyncset.done $0x0  }
0x19c: {  	s31 =	sadd.s32 $0x1480, s23;
	[sflag:s22] =	ssyncadd.s32 $0xFFFFC000  }
0x19d: {  	[spmem:s2] =	stream.indirect.scatter.add.f32 [tilespmem:s20], [sflag:$0x3], $0x80, s31, s19, $0xb8;
	[tilespmem:$0x1E800] =	vst v63  }
0x19e: {  	_ =	swait.ge [sflag:s17], $0x4000  }
0x19f: {  	[sflag:s17] =	ssyncset.done $0x0  }
0x1a0: {  	s25 =	sadd.s32 $0x180, s23;
	[sflag:s17] =	ssyncadd.s32 $0xFFFFC000  }
0x1a1: {  	[tilespmem:s20], [sflag:$0x2] =	stream.indirect.gather [hbm4b:s4+s19], $0x80, s25, s19, $0xb8;
	[tilespmem:$0x1E800] =	vst v63  }
0x1a2: {  	_ =	swait.ge [sflag:s21], $0x4000  }
0x1a3: {  	[sflag:s21] =	ssyncset.done $0x0  }
0x1a4: {  	s26 =	sadd.s32 $0x1500, s23;
	[sflag:s21] =	ssyncadd.s32 $0xFFFFC000  }
0x1a5: {  	[spmem:s2] =	stream.indirect.scatter.add.f32 [tilespmem:s16], [sflag:$0x3], $0x80, s26, s19, $0xb8;
	[tilespmem:$0x1E800] =	vst v63  }
0x1a6: {  	_ =	swait.ge [sflag:s17], $0x4000  }
0x1a7: {  	[sflag:s17] =	ssyncset.done $0x0  }
0x1a8: {  	s28 =	sadd.s32 $0x200, s23;
	[sflag:s17] =	ssyncadd.s32 $0xFFFFC000  }
0x1a9: {  	[tilespmem:s16], [sflag:$0x1] =	stream.indirect.gather [hbm4b:s4+s19], $0x80, s28, s19, $0xb8;
	[tilespmem:$0x1E800] =	vst v63  }
0x1aa: {  	_ =	swait.ge [sflag:s22], $0x4000  }
0x1ab: {  	[sflag:s22] =	ssyncset.done $0x0  }
0x1ac: {  	s29 =	sadd.s32 $0x1580, s23;
	[sflag:s22] =	ssyncadd.s32 $0xFFFFC000  }
0x1ad: {  	[spmem:s2] =	stream.indirect.scatter.add.f32 [tilespmem:s20], [sflag:$0x3], $0x80, s29, s19, $0xb8;
	[tilespmem:$0x1E800] =	vst v63  }
0x1ae: {  	_ =	swait.ge [sflag:s17], $0x4000  }
0x1af: {  	[sflag:s17] =	ssyncset.done $0x0  }
0x1b0: {  	s30 =	sadd.s32 $0x280, s23;
	[sflag:s17] =	ssyncadd.s32 $0xFFFFC000  }
0x1b1: {  	[tilespmem:s20], [sflag:$0x2] =	stream.indirect.gather [hbm4b:s4+s19], $0x80, s30, s19, $0xb8;
	[tilespmem:$0x1E800] =	vst v63  }
0x1b2: {  	_ =	swait.ge [sflag:s21], $0x4000  }
0x1b3: {  	[sflag:s21] =	ssyncset.done $0x0  }
0x1b4: {  	s31 =	sadd.s32 $0x1600, s23;
	[sflag:s21] =	ssyncadd.s32 $0xFFFFC000  }
0x1b5: {  	[spmem:s2] =	stream.indirect.scatter.add.f32 [tilespmem:s16], [sflag:$0x3], $0x80, s31, s19, $0xb8;
	[tilespmem:$0x1E800] =	vst v63  }
0x1b6: {  	_ =	swait.ge [sflag:s17], $0x4000  }
0x1b7: {  	[sflag:s17] =	ssyncset.done $0x0  }
0x1b8: {  	s25 =	sadd.s32 $0x300, s23;
	[sflag:s17] =	ssyncadd.s32 $0xFFFFC000  }
0x1b9: {  	[tilespmem:s16], [sflag:$0x1] =	stream.indirect.gather [hbm4b:s4+s19], $0x80, s25, s19, $0xb8;
	[tilespmem:$0x1E800] =	vst v63  }
0x1ba: {  	_ =	swait.ge [sflag:s22], $0x4000  }
0x1bb: {  	[sflag:s22] =	ssyncset.done $0x0  }
0x1bc: {  	s26 =	sadd.s32 $0x1680, s23;
	[sflag:s22] =	ssyncadd.s32 $0xFFFFC000  }
0x1bd: {  	[spmem:s2] =	stream.indirect.scatter.add.f32 [tilespmem:s20], [sflag:$0x3], $0x80, s26, s19, $0xb8;
	[tilespmem:$0x1E800] =	vst v63  }
0x1be: {  	_ =	swait.ge [sflag:s17], $0x4000  }
0x1bf: {  	[sflag:s17] =	ssyncset.done $0x0  }
0x1c0: {  	s28 =	sadd.s32 $0x380, s23;
	[sflag:s17] =	ssyncadd.s32 $0xFFFFC000  }
0x1c1: {  	[tilespmem:s20], [sflag:$0x2] =	stream.indirect.gather [hbm4b:s4+s19], $0x80, s28, s19, $0xb8;
	[tilespmem:$0x1E800] =	vst v63  }
0x1c2: {  	_ =	swait.ge [sflag:s21], $0x4000  }
0x1c3: {  	[sflag:s21] =	ssyncset.done $0x0  }
0x1c4: {  	s29 =	sadd.s32 $0x1700, s23;
	[sflag:s21] =	ssyncadd.s32 $0xFFFFC000  }
0x1c5: {  	[spmem:s2] =	stream.indirect.scatter.add.f32 [tilespmem:s16], [sflag:$0x3], $0x80, s29, s19, $0xb8;
	[tilespmem:$0x1E800] =	vst v63  }
0x1c6: {  	_ =	swait.ge [sflag:s17], $0x4000  }
0x1c7: {  	[sflag:s17] =	ssyncset.done $0x0  }
0x1c8: {  	[sflag:s17] =	ssyncadd.s32 $0xFFFFC000  }
0x1c9: {  	_ =	swait.ge [sflag:s22], $0x4000  }
0x1ca: {  	[sflag:s22] =	ssyncset.done $0x0  }
0x1cb: {  	s23 =	sadd.s32 $0x1780, s23;
	[sflag:s22] =	ssyncadd.s32 $0xFFFFC000  }
0x1cc: {  	[spmem:s2] =	stream.indirect.scatter.add.f32 [tilespmem:s20], [sflag:$0x3], $0x80, s23, s19, $0xb8;
	[tilespmem:$0x1E800] =	vst v63  }
0x1cd: {  	s3 =	sadd.s32 $0x1, s3;
	_ =	swait.ge [sflag:s17], $0x4000  }
0x1ce: {  	p0 =	sne.s32 s3, s15;
	[sflag:s17] =	ssyncset.done $0x0  }
0x1cf: {  	s30 =	sshll.u32 s1, $0x6;
	s31 =	sshrl.u32 s5, $0x3;
	[sflag:s17] =	ssyncadd.s32 $0xFFFFC000  }
.Ltmp3:
0x1d0: {  	s23 =	sor.u32 $0x1C03, s30;
	[bflag:$0x0] =	sbarrier.arrive $0xFFFF;
	(pc) =	sbr.rel @p0 .LBB2_1-.Ltmp3, $4  }
0x1d1: {  	[hbm:s14], [sflag:s23] =	dma.local [spmem:s31], $0x2800  }
0x1d2: {  	_ =	swait.ge [sflag:s17], $0x2800  }
0x1d3: {  	[sflag:s17] =	ssyncset.done $0x0  }
0x1d4: {  	[sflag:s17] =	ssyncadd.s32 $0xFFFFD800  }
0x1d5: {  	_ =	sfence.sel $0x180000  }
0x1d6: {  	[bflag:$0x0] =	sbarrier.arrive $0xFFFF  }
0x1d7: {  	p0 =	sne.s32 s1, $0x0;
	_ =	strace $0x9000004D  }
0x1d8: {  	s0 =	sadd.s32 @!p0 $0x100000, s0;
	[bflag:$0x2] =	sbarrier.arrive $0xFFFF  }
0x1d9: {  	[sflag:s0] =	ssyncadd.tile.s32 @!p0 $0x1;
	_ =	shalt  }
.Lfunc_end2:
_tile_overlayer_lowered:
.L_overlay_start_2:
0x1da: {  	(tag) =	ssettag $0x2  }
0x1db: {  	s0 =	rddreg [dreg:$0x0];
	s2 =	stileid.u32  }
0x1dc: {  	s1 =	rddreg [dreg:$0x1];
	p0 =	sne.s32 s2, $0x0  }
0x1dd: {  	s3 =	rddreg [dreg:$0x2];
	[bflag:$0x3] =	sbarrier.arrive $0xFFFF;
	s2 =	simm.s32 @!p0 $0x1C03  }
0x1de: {  	[timem:s3], [sflag:s2] =	dma.local @!p0 [hbm:s0], s1  }
0x1df: {  	s0 =	simm.s32 @!p0 $0x3  }
0x1e0: {  	_ =	swait.ge @!p0 [sflag:s0], s1  }
0x1e1: {  	s1 =	ssub.s32 @!p0 $0x0, s1;
	[sflag:s0] =	ssyncset.done @!p0 $0x0  }
0x1e2: {  	[sflag:s0] =	ssyncadd.s32 @!p0 s1  }
0x1e3: {  	[bflag:$0x3] =	sbarrier.arrive $0xFFFF  }
0x1e4: {  	_ =	shalt  }

// kernel: kernel.20.cloned.1.call-start
scs
__scs_entry_jumppad:
0x0: {  	(pc) =	sbr.rel $0x88, $3  }
0x1: {  	(tag) =	ssettag $0x0;
	lr =	simm.s32 $0x1  }
0x2: {  	[smem:$0x3F91] =	sst lr;
	_ =	strace $0xD0000000  }
0x3: {  	_ = 	snop  }
0x4: {  	_ = 	snop  }
0x5: {  	_ = 	snop  }
0x6: {  	_ = 	snop  }
0x7: {  	_ = 	snop  }
__scs_overlays_trampoline_lowered:
0x8: {  	[smem:$0x3FA0] =	sst s0  }
0x9: {  	[smem:$0x3FA1] =	sst s1  }
0xa: {  	[smem:$0x3FA2] =	sst s2  }
0xb: {  	[smem:$0x3FA3] =	sst s3  }
0xc: {  	[smem:$0x3FA4] =	sst s4  }
0xd: {  	[smem:$0x3FA5] =	sst s5  }
0xe: {  	[smem:$0x3FA6] =	sst s6  }
0xf: {  	[smem:$0x3FA7] =	sst s7  }
0x10: {  	[smem:$0x3FA8] =	sst s8  }
0x11: {  	[smem:$0x3FA9] =	sst s9;
	s0 =	simm.s32 @!p0 $0x0  }
0x12: {  	s1 =	sld [smem:$0x3F8F];
	s0 =	simm.s32 @p0 $0x1  }
0x13: {  	[smem:$0x3FAA] =	sst s0;
	s0 =	simm.s32 @!p1 $0x0  }
0x14: {  	s2 =	sld [smem:$0x3F8E];
	s0 =	simm.s32 @p1 $0x1  }
0x15: {  	[smem:$0x3FAB] =	sst s0;
	s0 =	simm.s32 @!p2 $0x0  }
0x16: {  	s3 =	sld [smem:$0x3FDB];
	s0 =	simm.s32 @p2 $0x1  }
0x17: {  	s4 =	simm.s32 $0x1BF5;
	[smem:$0x3FAD] =	sst s0  }
0x18: {  	s0 =	sld [smem:$0x3F90];
	_ =	swait.ge [sflag:s4], $0x0  }
0x19: {  	s7 =	sld [smem:$0x3F91]  }
0x1a: {  	s8 =	sadd.s32 $0xFFFFE003, lr  }
0x1b: {  	s9 =	sadd.s32 $0xFFFFFEF7, lr;
	s5 =	simm.s32 $0xFFFFFFFF;
	p2 =	slt.u32 s8, $0xFFFFF086  }
0x1c: {  	p1 =	slt.u32 s9, $0xF7A;
	s5 =	simm.s32 @!p2 $0x0  }
0x1d: {  	s5 =	simm.s32 @p1 $0x1;
	p0 =	seq.s32 s7, s2  }
0x1e: {  	s7 =	smul.u32 @!p0 $0xF7A, s2;
	p2 =	seq.s32 @!p0 s5, $0x0  }
0x1f: {  	s9 =	smul.u32 $0xF7A, s1;
	s8 =	simm.s32 @!p0 $0x1BF5;
	p2 =	por !p2, p0  }
0x20: {  	[sflag:s8] =	ssyncset.s32 @!p0 $0xFFFFF086;
	s6 =	sadd.s32 @!p0 s3, s7;
	s7 =	simm.s32 @!p0 $0x108  }
0x21: {  	s3 =	sadd.s32 s3, s9;
	s6 =	sadd.s32 @!p0 $0x88, s6;
	s7 =	simm.s32 @p2 $0x1082  }
0x22: {  	[simem:s7], [sflag:s8] =	dma.local @!p0 [hbm:s6], $0xF7A  }
0x23: {  	s9 =	sor.u32 $0xD0000000, s2;
	s6 =	simm.s32 $0x108;
	_ =	swait.ge @!p0 [sflag:s8], $0x0  }
0x24: {  	s3 =	sadd.s32 $0x88, s3;
	s6 =	simm.s32 @!p1 $0x1082;
	[sflag:s4] =	ssyncset.s32 $0xFFFFF086  }
0x25: {  	[simem:s6], [sflag:s4] =	dma.local [hbm:s3], $0xF7A  }
0x26: {  	[smem:$0x3F91] =	sst s1;
	(tag) =	ssettag s2;
	_ =	strace s9  }
0x27: {  	s1 =	sld [smem:$0x3FA1]  }
0x28: {  	s2 =	sld [smem:$0x3FA2]  }
0x29: {  	s4 =	sld [smem:$0x3FA4]  }
0x2a: {  	p0 =	seq.s32 s5, $0x0;
	s5 =	sld [smem:$0x3FA5]  }
0x2b: {  	s6 =	sld [smem:$0x3FA6]  }
0x2c: {  	s7 =	sld [smem:$0x3FA7]  }
0x2d: {  	s3 =	simm.s32 $0x108;
	s8 =	sld [smem:$0x3FA8]  }
0x2e: {  	s3 =	simm.s32 @!p0 $0x1082;
	s9 =	sld [smem:$0x3FA9]  }
0x2f: {  	lr =	sadd.s32 s0, s3;
	s0 =	sld [smem:$0x3FA0]  }
0x30: {  	s3 =	sld [smem:$0x3FA3]  }
0x31: {  	[smem:$0x3FAC] =	sst s10  }
0x32: {  	s10 =	sld [smem:$0x3FAA];
	_ =	sdelay $0x3  }
0x33: {  	p0 =	seq.s32 s10, $0x1;
	s10 =	sld [smem:$0x3FAC];
	_ =	sdelay $0x3  }
0x34: {  	[smem:$0x3FAC] =	sst s10  }
0x35: {  	s10 =	sld [smem:$0x3FAB];
	_ =	sdelay $0x3  }
0x36: {  	p1 =	seq.s32 s10, $0x1;
	s10 =	sld [smem:$0x3FAC];
	_ =	sdelay $0x3  }
0x37: {  	[smem:$0x3FAC] =	sst s10  }
0x38: {  	s10 =	sld [smem:$0x3FAD]  }
0x39: {  	_ = 	snop;
	(pc) =	sbr.ind lr, $3  }
0x3a: {  	_ = 	snop  }
0x3b: {  	_ = 	snop  }
0x3c: {  	p2 =	seq.s32 s10, $0x1;
	s10 =	sld [smem:$0x3FAC]  }
0x3d: {  	_ =	shalt  }
0x3e: {  	_ =	shalt  }
0x3f: {  	_ =	shalt  }
0x40: {  	_ =	shalt  }
0x41: {  	_ =	shalt  }
0x42: {  	_ =	shalt  }
0x43: {  	_ =	shalt  }
0x44: {  	_ =	shalt  }
0x45: {  	_ =	shalt  }
0x46: {  	_ =	shalt  }
0x47: {  	_ =	shalt  }
0x48: {  	_ =	shalt  }
0x49: {  	_ =	shalt  }
0x4a: {  	_ =	shalt  }
0x4b: {  	_ =	shalt  }
0x4c: {  	_ =	shalt  }
0x4d: {  	_ =	shalt  }
0x4e: {  	_ =	shalt  }
0x4f: {  	_ =	shalt  }
0x50: {  	_ =	shalt  }
0x51: {  	_ =	shalt  }
0x52: {  	_ =	shalt  }
0x53: {  	_ =	shalt  }
0x54: {  	_ =	shalt  }
0x55: {  	_ =	shalt  }
0x56: {  	_ =	shalt  }
0x57: {  	_ =	shalt  }
0x58: {  	_ =	shalt  }
0x59: {  	_ =	shalt  }
0x5a: {  	_ =	shalt  }
0x5b: {  	_ =	shalt  }
0x5c: {  	_ =	shalt  }
0x5d: {  	_ =	shalt  }
0x5e: {  	_ =	shalt  }
0x5f: {  	_ =	shalt  }
0x60: {  	_ =	shalt  }
0x61: {  	_ =	shalt  }
0x62: {  	_ =	shalt  }
0x63: {  	_ =	shalt  }
0x64: {  	_ =	shalt  }
0x65: {  	_ =	shalt  }
0x66: {  	_ =	shalt  }
0x67: {  	_ =	shalt  }
0x68: {  	_ =	shalt  }
0x69: {  	_ =	shalt  }
0x6a: {  	_ =	shalt  }
0x6b: {  	_ =	shalt  }
0x6c: {  	_ =	shalt  }
0x6d: {  	_ =	shalt  }
0x6e: {  	_ =	shalt  }
0x6f: {  	_ =	shalt  }
0x70: {  	_ =	shalt  }
0x71: {  	_ =	shalt  }
0x72: {  	_ =	shalt  }
0x73: {  	_ =	shalt  }
0x74: {  	_ =	shalt  }
0x75: {  	_ =	shalt  }
0x76: {  	_ =	shalt  }
0x77: {  	_ =	shalt  }
0x78: {  	_ =	shalt  }
0x79: {  	_ =	shalt  }
0x7a: {  	_ =	shalt  }
0x7b: {  	_ =	shalt  }
0x7c: {  	_ =	shalt  }
0x7d: {  	_ =	shalt  }
0x7e: {  	_ =	shalt  }
0x7f: {  	_ =	shalt  }
0x80: {  	_ =	shalt  }
0x81: {  	_ =	shalt  }
0x82: {  	_ =	shalt  }
0x83: {  	_ =	shalt  }
0x84: {  	_ =	shalt  }
0x85: {  	_ =	shalt  }
0x86: {  	_ =	shalt  }
0x87: {  	_ =	shalt  }
.Lfunc_end0:
.L_simem_size_0:
called_computation.3_lowered:
.L_overlay_start_0:
0x88: {  	s2 =	sld [smem:$0x3FD9]  }
0x89: {  	s3 =	sld [smem:$0x3FFE];
	_ =	sdelay $0x1  }
0x8a: {  	s1 =	srdreg.scid  }
0x8b: {  	s0 =	sand.u32 $0x1, s1  }
0x8c: {  	s17 =	sshll.u32 s0, $0xA;
	s2 =	sadd.s32 s3, s2  }
0x8d: {  	s2 =	sadd.s32 s2, s17  }
0x8e: {  	[smem:$0x3FB8] =	sst s2  }
0x8f: {  	_ = 	snop  }
0x90: {  	s2 =	sld [smem:$0x3FD0];
	(tm) =	ssettm $0x1  }
0x91: {  	s18 =	sld [smem:$0x3FFB];
	_ =	sdelay $0x3  }
0x92: {  	_ =	strace s18  }
0x93: {  	s3 =	sld [smem:$0x3FFC];
	_ =	sdelay $0x3  }
0x94: {  	_ =	strace s3  }
0x95: {  	s3 =	sld [smem:$0x3FFD];
	_ =	sdelay $0x3  }
0x96: {  	_ =	strace s3  }
0x97: {  	_ =	strace $0x8FFFFFFF  }
0x98: {  	s19 =	sld [smem:$0x3FDB];
	_ =	sdelay $0x1  }
0x99: {  	s4 =	simm.s32 $_scs_section_size  }
0x9a: {  	s5 =	simm.s32 $_size__tile_overlayer_lowered;
	s6 =	simm.s32 $_tile_overlayer_lowered  }
0x9b: {  	s22 =	simm.s32 $0x1BFF;
	s21 =	sshll.u32 s6, $0x1;
	s3 =	sadd.s32 s4, s19  }
0x9c: {  	s7 =	simm.s32 $0x0;
	s20 =	sshll.u32 s5, $0x1;
	s5 =	sadd.s32 s21, s3  }
0x9d: {  	[timem:s7], [sflag:s22] =	dma.local [hbm:s5], s20  }
0x9e: {  	_ =	swait.ge [sflag:s22], s20  }
0x9f: {  	s4 =	ssub.s32 $0x0, s20;
	[sflag:s22] =	ssyncset.done $0x0  }
0xa0: {  	[sflag:s22] =	ssyncadd.s32 s4;
	_ =	sdelay $0x1  }
0xa1: {  	s23 =	simm.s32 $0x1B8B  }
0xa2: {  	_ =	swait.ge [sflag:s23], $0x1  }
0xa3: {  	[sflag:s23] =	ssyncset.done $0x0  }
0xa4: {  	s25 =	simm.s32 $0x1B8E;
	s24 =	sld [smem:$0x3FFE];
	[sflag:s23] =	ssyncadd.s32 $0xFFFFFFFF  }
0xa5: {  	s26 =	simm.s32 $execute0_lowered;
	[smem:$0x3FD2] =	sst s25  }
0xa6: {  	s5 =	sshll.u32 s26, $0x1;
	_ =	strace $0x8000004F;
	[dreg:$0x1] =	wrdreg $0xFFFFFFFF  }
0xa7: {  	s28 =	simm.s32 $_size_execute0_lowered;
	s3 =	sadd.s32 s3, s5;
	[dreg:$0x0] =	wrdreg $0x0  }
0xa8: {  	s5 =	sshll.u32 s28, $0x1;
	[dreg:$0x2] =	wrdreg s3  }
0xa9: {  	[dreg:$0x3] =	wrdreg s5  }
0xaa: {  	[dreg:$0x4] =	wrdreg $0xC0  }
0xab: {  	_ =	task [dreg:s7], $0x5FFFF  }
0xac: {  	[dreg:$0x1] =	wrdreg $0xFFFFFFFF  }
0xad: {  	[dreg:$0x0] =	wrdreg $0x60  }
0xae: {  	[dreg:$0x2] =	wrdreg s24  }
0xaf: {  	[dreg:$0x3] =	wrdreg s2  }
0xb0: {  	[dreg:$0x4] =	wrdreg $0xA8000  }
0xb1: {  	[dreg:$0x5] =	wrdreg $0x9  }
0xb2: {  	_ =	task.clear_ibuf [dreg:s7], $0x6FFFF;
	_ =	strace $0x9000004F  }
0xb3: {  	s29 =	simm.s32 $0x9;
	_ =	strace $0x80000051  }
0xb4: {  	_ =	swait.ge [sflag:s29], $0x1  }
0xb5: {  	[sflag:s29] =	ssyncadd.s32 $0xFFFFFFFF  }
0xb6: {  	_ =	strace $0x90000051  }
0xb7: {  	_ =	sfence  }
0xb8: {  	s30 =	sld [smem:$0x0];
	_ =	sdelay $0x2  }
0xb9: {  	s31 =	sshll.u32 s1, $0xD;
	s1 =	sshrl.u32 s1, $0x2  }
0xba: {  	s3 =	sand.u32 $0x4000, s31;
	s1 =	sadd.s32 s1, s30  }
0xbb: {  	s0 =	sor.u32 s3, s0;
	s1 =	sshll.u32 s1, $0x11  }
0xbc: {  	s0 =	sor.u32 s1, s0  }
0xbd: {  	s0 =	sadd.s32 $0x8F2B, s0  }
0xbe: {  	[sflag:s0] =	ssyncadd.remote.s32 $0x1  }
0xbf: {  	_ =	sfence.sel $0xFFFF  }
0xc0: {  	[dreg:$0x0] =	wrdreg $0xFFFFFFFF;
	(pc) =	sbr.abs _section_cstart, $3  }
0xc1: {  	[dreg:$0x1] =	wrdreg $0xFFFFFFFF  }
0xc2: {  	_ =	task.clear_ibuf [dreg:s7], $0x2FFFF;
	_ =	strace $0x9FFFFFFF  }
0xc3: {  	(tm) =	ssettm $0x7FFFFFFF  }
tec
execute0_lowered:
.L_overlay_start_1:
0x0: {  	(tag) =	ssettag $0x1  }
0x1: {  	s5 =	rddreg [dreg:$0x0]  }
0x2: {  	s12 =	rddreg [dreg:$0x1]  }
0x3: {  	s0 =	srdreg.scid;
	s2 =	rddreg [dreg:$0x2]  }
0x4: {  	s1 =	stileid.u32;
	s3 =	simm.s32 $0x0;
	s17 =	simm.s32 $0x3  }
0x5: {  	s18 =	simm.s32 $0x1400;
	s19 =	simm.s32 $0x80;
	s20 =	simm.s32 $0x6800  }
0x6: {  	s21 =	simm.s32 $0x1;
	s22 =	simm.s32 $0x2;
	s7 =	smul.u32 $0x14000, s1  }
0x7: {  	s6 =	sand.u32 $0x1, s0;
	s0 =	rddreg [dreg:$0x3];
	s8 =	smul.u32 $0x50000, s1  }
0x8: {  	[smem:$0x7FF] =	sst s3;
	s13 =	sadd.s32 $0x5200, s5;
	s4 =	smul.u32 $0x140000, s6  }
0x9: {  	_ =	strace $0x80000050;
	s28 =	sshll.u32 s6, $0x4;
	s6 =	ssub.s32 $0x2, s6  }
0xa: {  	s29 =	sor.u32 s1, s28;
	s30 =	sshrl.u32 s8, $0x2;
	s31 =	sshrl.u32 s6, $0x1  }
0xb: {  	s7 =	sadd.s32 s7, s4;
	s4 =	sadd.s32 $0x37200, s5;
	s9 =	smul.u32 $0x2800, s29  }
0xc: {  	s15 =	ssub.s32 s6, s31;
	s11 =	smul.u32 $0x500, s29;
	s7 =	sshrl.u32 s7, $0x3  }
0xd: {  	s15 =	smax.u32 s15, $0x1;
	s14 =	sadd.s32 s7, s5;
	s5 =	sadd.s32 s30, s2  }
0xe: {  	s16 =	sshrl.u32 s9, $0x3;
	s10 =	sadd.s32 s12, s11;
	s11 =	sadd.s32 s13, s11  }
0xf: {  	s6 =	sadd.s32 $0x4000, s5;
	s7 =	sadd.s32 $0x8000, s5;
	s8 =	sadd.s32 $0xC000, s5  }
0x10: {  	s9 =	sadd.s32 $0x10000, s5;
	s16 =	sadd.s32 $0x280, s16;
	s14 =	sadd.s32 $0x5F200, s14  }
0x11: {  	v0 =	vimm.f32 $0.0e+00;
	s12 =	sadd.s32 s12, s16;
	s13 =	sadd.s32 s13, s16;
	s16 =	simm.s32 $0x2800  }
.LBB2_1:
0x12: {  	s23 =	simm.s32 $0x0;
	s24 =	simm.s32 $0x200  }
.LBB2_2:
0x13: {  	p0 =	sne.s32 s24, $0xFE00;
	[tilespmem:s23+$0x2870] =	vst v0  }
0x14: {  	[tilespmem:s23+$0x2800] =	vst v0  }
0x15: {  	[tilespmem:s23+$0x2810] =	vst v0  }
.Ltmp0:
0x16: {  	[tilespmem:s23+$0x2820] =	vst v0;
	(pc) =	sbr.rel @p0 .LBB2_2-.Ltmp0, $4  }
0x17: {  	[tilespmem:s23+$0x2830] =	vst v0  }
0x18: {  	[tilespmem:s23+$0x2840] =	vst v0  }
0x19: {  	[tilespmem:s23+$0x2850] =	vst v0  }
0x1a: {  	[tilespmem:s23+$0x2860] =	vst v0;
	s23 =	sshra.s32 s24, $0x2;
	s24 =	sadd.s32 $0x200, s24  }
0x1b: {  	[tilespmem:s23+$0x2870] =	vst v0  }
0x1c: {  	[tilespmem:s23+$0x2800] =	vst v0  }
0x1d: {  	[tilespmem:s23+$0x2810] =	vst v0  }
0x1e: {  	[tilespmem:s23+$0x2820] =	vst v0  }
0x1f: {  	[tilespmem:s23+$0x2830] =	vst v0  }
0x20: {  	[tilespmem:s23+$0x2840] =	vst v0  }
0x21: {  	[tilespmem:s23+$0x2850] =	vst v0  }
0x22: {  	[tilespmem:s23+$0x2860] =	vst v0  }
0x23: {  	[spmem:s5] =	stream.linear.scatter [tilespmem:s16], [sflag:$0x3], $0x4000, $0x38;
	[tilespmem:$0x1E800] =	vst v63  }
0x24: {  	_ =	swait.ge [sflag:s17], $0x4000  }
0x25: {  	[sflag:s17] =	ssyncset.done $0x0  }
0x26: {  	[sflag:s17] =	ssyncadd.s32 $0xFFFFC000  }
0x27: {  	[spmem:s6] =	stream.linear.scatter [tilespmem:s16], [sflag:$0x3], $0x4000, $0x38;
	[tilespmem:$0x1E800] =	vst v63  }
0x28: {  	_ =	swait.ge [sflag:s17], $0x4000  }
0x29: {  	[sflag:s17] =	ssyncset.done $0x0  }
0x2a: {  	[sflag:s17] =	ssyncadd.s32 $0xFFFFC000  }
0x2b: {  	[spmem:s7] =	stream.linear.scatter [tilespmem:s16], [sflag:$0x3], $0x4000, $0x38;
	[tilespmem:$0x1E800] =	vst v63  }
0x2c: {  	_ =	swait.ge [sflag:s17], $0x4000  }
0x2d: {  	[sflag:s17] =	ssyncset.done $0x0  }
0x2e: {  	[sflag:s17] =	ssyncadd.s32 $0xFFFFC000  }
0x2f: {  	[spmem:s8] =	stream.linear.scatter [tilespmem:s16], [sflag:$0x3], $0x4000, $0x38;
	[tilespmem:$0x1E800] =	vst v63  }
0x30: {  	_ =	swait.ge [sflag:s17], $0x4000  }
0x31: {  	[sflag:s17] =	ssyncset.done $0x0  }
0x32: {  	[sflag:s17] =	ssyncadd.s32 $0xFFFFC000  }
0x33: {  	[spmem:s9] =	stream.linear.scatter [tilespmem:s16], [sflag:$0x3], $0x4000, $0x38;
	[tilespmem:$0x1E800] =	vst v63  }
0x34: {  	_ =	swait.ge [sflag:s17], $0x4000  }
0x35: {  	[sflag:s17] =	ssyncset.done $0x0  }
0x36: {  	[sflag:s17] =	ssyncadd.s32 $0xFFFFC000  }
0x37: {  	s29 =	simm.s32 $0x0;
	[bflag:$0x0] =	sbarrier.arrive $0xFFFF  }
0x38: {  	[tilespmem:s29], [sflag:$0x3] =	stream.linear.gather [hbm4b:s10+s29], $0x1400, $0x38;
	[tilespmem:$0x1E800] =	vst v63  }
0x39: {  	_ =	swait.ge [sflag:s17], $0x1400  }
0x3a: {  	[sflag:s17] =	ssyncset.done $0x0  }
0x3b: {  	[sflag:s17] =	ssyncadd.s32 $0xFFFFEC00  }
0x3c: {  	[tilespmem:s18], [sflag:$0x3] =	stream.linear.gather [hbm4b:s11+s29], $0x1400, $0x38;
	[tilespmem:$0x1E800] =	vst v63  }
0x3d: {  	_ =	swait.ge [sflag:s17], $0x1400  }
0x3e: {  	[sflag:s17] =	ssyncset.done $0x0  }
0x3f: {  	s30 =	simm.s32 $0x0;
	[sflag:s17] =	ssyncadd.s32 $0xFFFFEC00  }
0x40: {  	[tilespmem:s16], [sflag:$0x1] =	stream.indirect.gather [hbm4b:s4+s19], $0x80, s30, s19, $0xb8;
	[tilespmem:$0x1E800] =	vst v63  }
0x41: {  	s31 =	simm.s32 $0x80  }
0x42: {  	[tilespmem:s20], [sflag:$0x2] =	stream.indirect.gather [hbm4b:s4+s19], $0x80, s31, s19, $0xb8;
	[tilespmem:$0x1E800] =	vst v63  }
0x43: {  	_ =	swait.ge [sflag:s21], $0x4000  }
0x44: {  	[sflag:s21] =	ssyncset.done $0x0  }
0x45: {  	s24 =	simm.s32 $0x1400;
	[sflag:s21] =	ssyncadd.s32 $0xFFFFC000  }
0x46: {  	[spmem:s2] =	stream.indirect.scatter.add.f32 [tilespmem:s16], [sflag:$0x3], $0x80, s24, s19, $0xb8;
	[tilespmem:$0x1E800] =	vst v63  }
0x47: {  	_ =	swait.ge [sflag:s17], $0x4000  }
0x48: {  	[sflag:s17] =	ssyncset.done $0x0  }
0x49: {  	s25 =	simm.s32 $0x100;
	[sflag:s17] =	ssyncadd.s32 $0xFFFFC000  }
0x4a: {  	[tilespmem:s16], [sflag:$0x1] =	stream.indirect.gather [hbm4b:s4+s19], $0x80, s25, s19, $0xb8;
	[tilespmem:$0x1E800] =	vst v63  }
0x4b: {  	_ =	swait.ge [sflag:s22], $0x4000  }
0x4c: {  	[sflag:s22] =	ssyncset.done $0x0  }
0x4d: {  	s26 =	simm.s32 $0x1480;
	[sflag:s22] =	ssyncadd.s32 $0xFFFFC000  }
0x4e: {  	[spmem:s2] =	stream.indirect.scatter.add.f32 [tilespmem:s20], [sflag:$0x3], $0x80, s26, s19, $0xb8;
	[tilespmem:$0x1E800] =	vst v63  }
0x4f: {  	_ =	swait.ge [sflag:s17], $0x4000  }
0x50: {  	[sflag:s17] =	ssyncset.done $0x0  }
0x51: {  	s28 =	simm.s32 $0x180;
	[sflag:s17] =	ssyncadd.s32 $0xFFFFC000  }
0x52: {  	[tilespmem:s20], [sflag:$0x2] =	stream.indirect.gather [hbm4b:s4+s19], $0x80, s28, s19, $0xb8;
	[tilespmem:$0x1E800] =	vst v63  }
0x53: {  	_ =	swait.ge [sflag:s21], $0x4000  }
0x54: {  	[sflag:s21] =	ssyncset.done $0x0  }
0x55: {  	s29 =	simm.s32 $0x1500;
	[sflag:s21] =	ssyncadd.s32 $0xFFFFC000  }
0x56: {  	[spmem:s2] =	stream.indirect.scatter.add.f32 [tilespmem:s16], [sflag:$0x3], $0x80, s29, s19, $0xb8;
	[tilespmem:$0x1E800] =	vst v63  }
0x57: {  	_ =	swait.ge [sflag:s17], $0x4000  }
0x58: {  	[sflag:s17] =	ssyncset.done $0x0  }
0x59: {  	s30 =	simm.s32 $0x200;
	[sflag:s17] =	ssyncadd.s32 $0xFFFFC000  }
0x5a: {  	[tilespmem:s16], [sflag:$0x1] =	stream.indirect.gather [hbm4b:s4+s19], $0x80, s30, s19, $0xb8;
	[tilespmem:$0x1E800] =	vst v63  }
0x5b: {  	_ =	swait.ge [sflag:s22], $0x4000  }
0x5c: {  	[sflag:s22] =	ssyncset.done $0x0  }
0x5d: {  	s31 =	simm.s32 $0x1580;
	[sflag:s22] =	ssyncadd.s32 $0xFFFFC000  }
0x5e: {  	[spmem:s2] =	stream.indirect.scatter.add.f32 [tilespmem:s20], [sflag:$0x3], $0x80, s31, s19, $0xb8;
	[tilespmem:$0x1E800] =	vst v63  }
0x5f: {  	_ =	swait.ge [sflag:s17], $0x4000  }
0x60: {  	[sflag:s17] =	ssyncset.done $0x0  }
0x61: {  	s24 =	simm.s32 $0x280;
	[sflag:s17] =	ssyncadd.s32 $0xFFFFC000  }
0x62: {  	[tilespmem:s20], [sflag:$0x2] =	stream.indirect.gather [hbm4b:s4+s19], $0x80, s24, s19, $0xb8;
	[tilespmem:$0x1E800] =	vst v63  }
0x63: {  	_ =	swait.ge [sflag:s21], $0x4000  }
0x64: {  	[sflag:s21] =	ssyncset.done $0x0  }
0x65: {  	s25 =	simm.s32 $0x1600;
	[sflag:s21] =	ssyncadd.s32 $0xFFFFC000  }
0x66: {  	[spmem:s2] =	stream.indirect.scatter.add.f32 [tilespmem:s16], [sflag:$0x3], $0x80, s25, s19, $0xb8;
	[tilespmem:$0x1E800] =	vst v63  }
0x67: {  	_ =	swait.ge [sflag:s17], $0x4000  }
0x68: {  	[sflag:s17] =	ssyncset.done $0x0  }
0x69: {  	s26 =	simm.s32 $0x300;
	[sflag:s17] =	ssyncadd.s32 $0xFFFFC000  }
0x6a: {  	[tilespmem:s16], [sflag:$0x1] =	stream.indirect.gather [hbm4b:s4+s19], $0x80, s26, s19, $0xb8;
	[tilespmem:$0x1E800] =	vst v63  }
0x6b: {  	_ =	swait.ge [sflag:s22], $0x4000  }
0x6c: {  	[sflag:s22] =	ssyncset.done $0x0  }
0x6d: {  	s28 =	simm.s32 $0x1680;
	[sflag:s22] =	ssyncadd.s32 $0xFFFFC000  }
0x6e: {  	[spmem:s2] =	stream.indirect.scatter.add.f32 [tilespmem:s20], [sflag:$0x3], $0x80, s28, s19, $0xb8;
	[tilespmem:$0x1E800] =	vst v63  }
0x6f: {  	_ =	swait.ge [sflag:s17], $0x4000  }
0x70: {  	[sflag:s17] =	ssyncset.done $0x0  }
0x71: {  	s29 =	simm.s32 $0x380;
	[sflag:s17] =	ssyncadd.s32 $0xFFFFC000  }
0x72: {  	[tilespmem:s20], [sflag:$0x2] =	stream.indirect.gather [hbm4b:s4+s19], $0x80, s29, s19, $0xb8;
	[tilespmem:$0x1E800] =	vst v63  }
0x73: {  	_ =	swait.ge [sflag:s21], $0x4000  }
0x74: {  	[sflag:s21] =	ssyncset.done $0x0  }
0x75: {  	s30 =	simm.s32 $0x1700;
	[sflag:s21] =	ssyncadd.s32 $0xFFFFC000  }
0x76: {  	[spmem:s2] =	stream.indirect.scatter.add.f32 [tilespmem:s16], [sflag:$0x3], $0x80, s30, s19, $0xb8;
	[tilespmem:$0x1E800] =	vst v63  }
0x77: {  	_ =	swait.ge [sflag:s17], $0x4000  }
0x78: {  	[sflag:s17] =	ssyncset.done $0x0  }
0x79: {  	[sflag:s17] =	ssyncadd.s32 $0xFFFFC000  }
0x7a: {  	_ =	swait.ge [sflag:s22], $0x4000  }
0x7b: {  	[sflag:s22] =	ssyncset.done $0x0  }
0x7c: {  	s31 =	simm.s32 $0x1780;
	[sflag:s22] =	ssyncadd.s32 $0xFFFFC000  }
0x7d: {  	[spmem:s2] =	stream.indirect.scatter.add.f32 [tilespmem:s20], [sflag:$0x3], $0x80, s31, s19, $0xb8;
	[tilespmem:$0x1E800] =	vst v63  }
0x7e: {  	_ =	swait.ge [sflag:s17], $0x4000  }
0x7f: {  	s23 =	simm.s32 $0x1000;
	s26 =	simm.s32 $0x2000;
	[sflag:s17] =	ssyncset.done $0x0  }
.LBB2_4:
0x80: {  	s25 =	sshra.s32 s23, $0x2  }
0x81: {  	[sflag:s17] =	ssyncadd.s32 $0xFFFFC000;
	s23 =	smov.u32 s26;
	s24 =	sadd.s32 $0x1000, s26  }
0x82: {  	[tilespmem:s16], [sflag:$0x1] =	stream.indirect.gather [hbm4b:s4+s19], $0x80, s25, s19, $0xb8;
	[tilespmem:$0x1E800] =	vst v63  }
0x83: {  	p0 =	sne.s32 s26, $0x4000;
	s26 =	sadd.s32 $0x80, s25  }
0x84: {  	[tilespmem:s20], [sflag:$0x2] =	stream.indirect.gather [hbm4b:s4+s19], $0x80, s26, s19, $0xb8;
	[tilespmem:$0x1E800] =	vst v63  }
0x85: {  	_ =	swait.ge [sflag:s21], $0x4000  }
0x86: {  	[sflag:s21] =	ssyncset.done $0x0  }
0x87: {  	s26 =	sadd.s32 $0x1400, s25;
	[sflag:s21] =	ssyncadd.s32 $0xFFFFC000  }
0x88: {  	[spmem:s2] =	stream.indirect.scatter.add.f32 [tilespmem:s16], [sflag:$0x3], $0x80, s26, s19, $0xb8;
	[tilespmem:$0x1E800] =	vst v63  }
0x89: {  	_ =	swait.ge [sflag:s17], $0x4000  }
0x8a: {  	[sflag:s17] =	ssyncset.done $0x0  }
0x8b: {  	s26 =	sadd.s32 $0x100, s25;
	[sflag:s17] =	ssyncadd.s32 $0xFFFFC000  }
0x8c: {  	[tilespmem:s16], [sflag:$0x1] =	stream.indirect.gather [hbm4b:s4+s19], $0x80, s26, s19, $0xb8;
	[tilespmem:$0x1E800] =	vst v63  }
0x8d: {  	_ =	swait.ge [sflag:s22], $0x4000  }
0x8e: {  	[sflag:s22] =	ssyncset.done $0x0  }
0x8f: {  	s26 =	sadd.s32 $0x1480, s25;
	[sflag:s22] =	ssyncadd.s32 $0xFFFFC000  }
0x90: {  	[spmem:s2] =	stream.indirect.scatter.add.f32 [tilespmem:s20], [sflag:$0x3], $0x80, s26, s19, $0xb8;
	[tilespmem:$0x1E800] =	vst v63  }
0x91: {  	_ =	swait.ge [sflag:s17], $0x4000  }
0x92: {  	[sflag:s17] =	ssyncset.done $0x0  }
0x93: {  	s26 =	sadd.s32 $0x180, s25;
	[sflag:s17] =	ssyncadd.s32 $0xFFFFC000  }
0x94: {  	[tilespmem:s20], [sflag:$0x2] =	stream.indirect.gather [hbm4b:s4+s19], $0x80, s26, s19, $0xb8;
	[tilespmem:$0x1E800] =	vst v63  }
0x95: {  	_ =	swait.ge [sflag:s21], $0x4000  }
0x96: {  	[sflag:s21] =	ssyncset.done $0x0  }
0x97: {  	s26 =	sadd.s32 $0x1500, s25;
	[sflag:s21] =	ssyncadd.s32 $0xFFFFC000  }
0x98: {  	[spmem:s2] =	stream.indirect.scatter.add.f32 [tilespmem:s16], [sflag:$0x3], $0x80, s26, s19, $0xb8;
	[tilespmem:$0x1E800] =	vst v63  }
0x99: {  	_ =	swait.ge [sflag:s17], $0x4000  }
0x9a: {  	[sflag:s17] =	ssyncset.done $0x0  }
0x9b: {  	s26 =	sadd.s32 $0x200, s25;
	[sflag:s17] =	ssyncadd.s32 $0xFFFFC000  }
0x9c: {  	[tilespmem:s16], [sflag:$0x1] =	stream.indirect.gather [hbm4b:s4+s19], $0x80, s26, s19, $0xb8;
	[tilespmem:$0x1E800] =	vst v63  }
0x9d: {  	_ =	swait.ge [sflag:s22], $0x4000  }
0x9e: {  	[sflag:s22] =	ssyncset.done $0x0  }
0x9f: {  	s26 =	sadd.s32 $0x1580, s25;
	[sflag:s22] =	ssyncadd.s32 $0xFFFFC000  }
0xa0: {  	[spmem:s2] =	stream.indirect.scatter.add.f32 [tilespmem:s20], [sflag:$0x3], $0x80, s26, s19, $0xb8;
	[tilespmem:$0x1E800] =	vst v63  }
0xa1: {  	_ =	swait.ge [sflag:s17], $0x4000  }
0xa2: {  	[sflag:s17] =	ssyncset.done $0x0  }
0xa3: {  	s26 =	sadd.s32 $0x280, s25;
	[sflag:s17] =	ssyncadd.s32 $0xFFFFC000  }
0xa4: {  	[tilespmem:s20], [sflag:$0x2] =	stream.indirect.gather [hbm4b:s4+s19], $0x80, s26, s19, $0xb8;
	[tilespmem:$0x1E800] =	vst v63  }
0xa5: {  	_ =	swait.ge [sflag:s21], $0x4000  }
0xa6: {  	[sflag:s21] =	ssyncset.done $0x0  }
0xa7: {  	s26 =	sadd.s32 $0x1600, s25;
	[sflag:s21] =	ssyncadd.s32 $0xFFFFC000  }
0xa8: {  	[spmem:s2] =	stream.indirect.scatter.add.f32 [tilespmem:s16], [sflag:$0x3], $0x80, s26, s19, $0xb8;
	[tilespmem:$0x1E800] =	vst v63  }
0xa9: {  	_ =	swait.ge [sflag:s17], $0x4000  }
0xaa: {  	[sflag:s17] =	ssyncset.done $0x0  }
0xab: {  	s26 =	sadd.s32 $0x300, s25;
	[sflag:s17] =	ssyncadd.s32 $0xFFFFC000  }
0xac: {  	[tilespmem:s16], [sflag:$0x1] =	stream.indirect.gather [hbm4b:s4+s19], $0x80, s26, s19, $0xb8;
	[tilespmem:$0x1E800] =	vst v63  }
0xad: {  	_ =	swait.ge [sflag:s22], $0x4000  }
0xae: {  	[sflag:s22] =	ssyncset.done $0x0  }
0xaf: {  	s26 =	sadd.s32 $0x1680, s25;
	[sflag:s22] =	ssyncadd.s32 $0xFFFFC000  }
0xb0: {  	[spmem:s2] =	stream.indirect.scatter.add.f32 [tilespmem:s20], [sflag:$0x3], $0x80, s26, s19, $0xb8;
	[tilespmem:$0x1E800] =	vst v63  }
0xb1: {  	_ =	swait.ge [sflag:s17], $0x4000  }
0xb2: {  	[sflag:s17] =	ssyncset.done $0x0  }
0xb3: {  	s26 =	sadd.s32 $0x380, s25;
	[sflag:s17] =	ssyncadd.s32 $0xFFFFC000  }
0xb4: {  	[tilespmem:s20], [sflag:$0x2] =	stream.indirect.gather [hbm4b:s4+s19], $0x80, s26, s19, $0xb8;
	[tilespmem:$0x1E800] =	vst v63  }
0xb5: {  	_ =	swait.ge [sflag:s21], $0x4000  }
0xb6: {  	[sflag:s21] =	ssyncset.done $0x0  }
0xb7: {  	s26 =	sadd.s32 $0x1700, s25;
	[sflag:s21] =	ssyncadd.s32 $0xFFFFC000  }
0xb8: {  	[spmem:s2] =	stream.indirect.scatter.add.f32 [tilespmem:s16], [sflag:$0x3], $0x80, s26, s19, $0xb8;
	[tilespmem:$0x1E800] =	vst v63  }
0xb9: {  	_ =	swait.ge [sflag:s17], $0x4000  }
0xba: {  	[sflag:s17] =	ssyncset.done $0x0  }
0xbb: {  	[sflag:s17] =	ssyncadd.s32 $0xFFFFC000  }
0xbc: {  	_ =	swait.ge [sflag:s22], $0x4000  }
.Ltmp1:
0xbd: {  	[sflag:s22] =	ssyncset.done $0x0;
	(pc) =	sbr.rel @p0 .LBB2_4-.Ltmp1, $4  }
0xbe: {  	s25 =	sadd.s32 $0x1780, s25;
	[sflag:s22] =	ssyncadd.s32 $0xFFFFC000  }
0xbf: {  	[spmem:s2] =	stream.indirect.scatter.add.f32 [tilespmem:s20], [sflag:$0x3], $0x80, s25, s19, $0xb8;
	[tilespmem:$0x1E800] =	vst v63  }
0xc0: {  	_ =	swait.ge [sflag:s17], $0x4000  }
0xc1: {  	s26 =	smov.u32 s24;
	[sflag:s17] =	ssyncset.done $0x0  }
0xc2: {  	s23 =	sshra.s32 s23, $0x2;
	[sflag:s17] =	ssyncadd.s32 $0xFFFFC000  }
0xc3: {  	[tilespmem:s16], [sflag:$0x1] =	stream.indirect.gather [hbm4b:s4+s19], $0x80, s23, s19, $0xb8;
	[tilespmem:$0x1E800] =	vst v63  }
0xc4: {  	s24 =	sadd.s32 $0x80, s23  }
0xc5: {  	[tilespmem:s20], [sflag:$0x2] =	stream.indirect.gather [hbm4b:s4+s19], $0x80, s24, s19, $0xb8;
	[tilespmem:$0x1E800] =	vst v63  }
0xc6: {  	_ =	swait.ge [sflag:s21], $0x4000  }
0xc7: {  	[sflag:s21] =	ssyncset.done $0x0  }
0xc8: {  	s28 =	sadd.s32 $0x1400, s23;
	[sflag:s21] =	ssyncadd.s32 $0xFFFFC000  }
0xc9: {  	[spmem:s2] =	stream.indirect.scatter.add.f32 [tilespmem:s16], [sflag:$0x3], $0x80, s28, s19, $0xb8;
	[tilespmem:$0x1E800] =	vst v63  }
0xca: {  	_ =	swait.ge [sflag:s17], $0x4000  }
0xcb: {  	[sflag:s17] =	ssyncset.done $0x0  }
0xcc: {  	s29 =	sadd.s32 $0x100, s23;
	[sflag:s17] =	ssyncadd.s32 $0xFFFFC000  }
0xcd: {  	[tilespmem:s16], [sflag:$0x1] =	stream.indirect.gather [hbm4b:s4+s19], $0x80, s29, s19, $0xb8;
	[tilespmem:$0x1E800] =	vst v63  }
0xce: {  	_ =	swait.ge [sflag:s22], $0x4000  }
0xcf: {  	[sflag:s22] =	ssyncset.done $0x0  }
0xd0: {  	s30 =	sadd.s32 $0x1480, s23;
	[sflag:s22] =	ssyncadd.s32 $0xFFFFC000  }
0xd1: {  	[spmem:s2] =	stream.indirect.scatter.add.f32 [tilespmem:s20], [sflag:$0x3], $0x80, s30, s19, $0xb8;
	[tilespmem:$0x1E800] =	vst v63  }
0xd2: {  	_ =	swait.ge [sflag:s17], $0x4000  }
0xd3: {  	[sflag:s17] =	ssyncset.done $0x0  }
0xd4: {  	s31 =	sadd.s32 $0x180, s23;
	[sflag:s17] =	ssyncadd.s32 $0xFFFFC000  }
0xd5: {  	[tilespmem:s20], [sflag:$0x2] =	stream.indirect.gather [hbm4b:s4+s19], $0x80, s31, s19, $0xb8;
	[tilespmem:$0x1E800] =	vst v63  }
0xd6: {  	_ =	swait.ge [sflag:s21], $0x4000  }
0xd7: {  	[sflag:s21] =	ssyncset.done $0x0  }
0xd8: {  	s25 =	sadd.s32 $0x1500, s23;
	[sflag:s21] =	ssyncadd.s32 $0xFFFFC000  }
0xd9: {  	[spmem:s2] =	stream.indirect.scatter.add.f32 [tilespmem:s16], [sflag:$0x3], $0x80, s25, s19, $0xb8;
	[tilespmem:$0x1E800] =	vst v63  }
0xda: {  	_ =	swait.ge [sflag:s17], $0x4000  }
0xdb: {  	[sflag:s17] =	ssyncset.done $0x0  }
0xdc: {  	s26 =	sadd.s32 $0x200, s23;
	[sflag:s17] =	ssyncadd.s32 $0xFFFFC000  }
0xdd: {  	[tilespmem:s16], [sflag:$0x1] =	stream.indirect.gather [hbm4b:s4+s19], $0x80, s26, s19, $0xb8;
	[tilespmem:$0x1E800] =	vst v63  }
0xde: {  	_ =	swait.ge [sflag:s22], $0x4000  }
0xdf: {  	[sflag:s22] =	ssyncset.done $0x0  }
0xe0: {  	s28 =	sadd.s32 $0x1580, s23;
	[sflag:s22] =	ssyncadd.s32 $0xFFFFC000  }
0xe1: {  	[spmem:s2] =	stream.indirect.scatter.add.f32 [tilespmem:s20], [sflag:$0x3], $0x80, s28, s19, $0xb8;
	[tilespmem:$0x1E800] =	vst v63  }
0xe2: {  	_ =	swait.ge [sflag:s17], $0x4000  }
0xe3: {  	[sflag:s17] =	ssyncset.done $0x0  }
0xe4: {  	s29 =	sadd.s32 $0x280, s23;
	[sflag:s17] =	ssyncadd.s32 $0xFFFFC000  }
0xe5: {  	[tilespmem:s20], [sflag:$0x2] =	stream.indirect.gather [hbm4b:s4+s19], $0x80, s29, s19, $0xb8;
	[tilespmem:$0x1E800] =	vst v63  }
0xe6: {  	_ =	swait.ge [sflag:s21], $0x4000  }
0xe7: {  	[sflag:s21] =	ssyncset.done $0x0  }
0xe8: {  	s30 =	sadd.s32 $0x1600, s23;
	[sflag:s21] =	ssyncadd.s32 $0xFFFFC000  }
0xe9: {  	[spmem:s2] =	stream.indirect.scatter.add.f32 [tilespmem:s16], [sflag:$0x3], $0x80, s30, s19, $0xb8;
	[tilespmem:$0x1E800] =	vst v63  }
0xea: {  	_ =	swait.ge [sflag:s17], $0x4000  }
0xeb: {  	[sflag:s17] =	ssyncset.done $0x0  }
0xec: {  	s31 =	sadd.s32 $0x300, s23;
	[sflag:s17] =	ssyncadd.s32 $0xFFFFC000  }
0xed: {  	[tilespmem:s16], [sflag:$0x1] =	stream.indirect.gather [hbm4b:s4+s19], $0x80, s31, s19, $0xb8;
	[tilespmem:$0x1E800] =	vst v63  }
0xee: {  	_ =	swait.ge [sflag:s22], $0x4000  }
0xef: {  	[sflag:s22] =	ssyncset.done $0x0  }
0xf0: {  	s25 =	sadd.s32 $0x1680, s23;
	[sflag:s22] =	ssyncadd.s32 $0xFFFFC000  }
0xf1: {  	[spmem:s2] =	stream.indirect.scatter.add.f32 [tilespmem:s20], [sflag:$0x3], $0x80, s25, s19, $0xb8;
	[tilespmem:$0x1E800] =	vst v63  }
0xf2: {  	_ =	swait.ge [sflag:s17], $0x4000  }
0xf3: {  	[sflag:s17] =	ssyncset.done $0x0  }
0xf4: {  	s26 =	sadd.s32 $0x380, s23;
	[sflag:s17] =	ssyncadd.s32 $0xFFFFC000  }
0xf5: {  	[tilespmem:s20], [sflag:$0x2] =	stream.indirect.gather [hbm4b:s4+s19], $0x80, s26, s19, $0xb8;
	[tilespmem:$0x1E800] =	vst v63  }
0xf6: {  	_ =	swait.ge [sflag:s21], $0x4000  }
0xf7: {  	[sflag:s21] =	ssyncset.done $0x0  }
0xf8: {  	s28 =	sadd.s32 $0x1700, s23;
	[sflag:s21] =	ssyncadd.s32 $0xFFFFC000  }
0xf9: {  	[spmem:s2] =	stream.indirect.scatter.add.f32 [tilespmem:s16], [sflag:$0x3], $0x80, s28, s19, $0xb8;
	[tilespmem:$0x1E800] =	vst v63  }
0xfa: {  	_ =	swait.ge [sflag:s17], $0x4000  }
0xfb: {  	[sflag:s17] =	ssyncset.done $0x0  }
0xfc: {  	[sflag:s17] =	ssyncadd.s32 $0xFFFFC000  }
0xfd: {  	_ =	swait.ge [sflag:s22], $0x4000  }
0xfe: {  	[sflag:s22] =	ssyncset.done $0x0  }
0xff: {  	s23 =	sadd.s32 $0x1780, s23;
	[sflag:s22] =	ssyncadd.s32 $0xFFFFC000  }
0x100: {  	[spmem:s2] =	stream.indirect.scatter.add.f32 [tilespmem:s20], [sflag:$0x3], $0x80, s23, s19, $0xb8;
	[tilespmem:$0x1E800] =	vst v63  }
0x101: {  	_ =	swait.ge [sflag:s17], $0x4000  }
0x102: {  	[sflag:s17] =	ssyncset.done $0x0  }
0x103: {  	s29 =	simm.s32 $0x0;
	[sflag:s17] =	ssyncadd.s32 $0xFFFFC000  }
0x104: {  	[tilespmem:s29], [sflag:$0x3] =	stream.linear.gather [hbm4b:s12+s29], $0x1400, $0x38;
	[tilespmem:$0x1E800] =	vst v63  }
0x105: {  	_ =	swait.ge [sflag:s17], $0x1400  }
0x106: {  	[sflag:s17] =	ssyncset.done $0x0  }
0x107: {  	[sflag:s17] =	ssyncadd.s32 $0xFFFFEC00  }
0x108: {  	[tilespmem:s18], [sflag:$0x3] =	stream.linear.gather [hbm4b:s13+s29], $0x1400, $0x38;
	[tilespmem:$0x1E800] =	vst v63  }
0x109: {  	_ =	swait.ge [sflag:s17], $0x1400  }
0x10a: {  	[sflag:s17] =	ssyncset.done $0x0  }
0x10b: {  	s30 =	simm.s32 $0x0;
	[sflag:s17] =	ssyncadd.s32 $0xFFFFEC00  }
0x10c: {  	[tilespmem:s16], [sflag:$0x1] =	stream.indirect.gather [hbm4b:s4+s19], $0x80, s30, s19, $0xb8;
	[tilespmem:$0x1E800] =	vst v63  }
0x10d: {  	s31 =	simm.s32 $0x80  }
0x10e: {  	[tilespmem:s20], [sflag:$0x2] =	stream.indirect.gather [hbm4b:s4+s19], $0x80, s31, s19, $0xb8;
	[tilespmem:$0x1E800] =	vst v63  }
0x10f: {  	_ =	swait.ge [sflag:s21], $0x4000  }
0x110: {  	[sflag:s21] =	ssyncset.done $0x0  }
0x111: {  	s24 =	simm.s32 $0x1400;
	[sflag:s21] =	ssyncadd.s32 $0xFFFFC000  }
0x112: {  	[spmem:s2] =	stream.indirect.scatter.add.f32 [tilespmem:s16], [sflag:$0x3], $0x80, s24, s19, $0xb8;
	[tilespmem:$0x1E800] =	vst v63  }
0x113: {  	_ =	swait.ge [sflag:s17], $0x4000  }
0x114: {  	[sflag:s17] =	ssyncset.done $0x0  }
0x115: {  	s25 =	simm.s32 $0x100;
	[sflag:s17] =	ssyncadd.s32 $0xFFFFC000  }
0x116: {  	[tilespmem:s16], [sflag:$0x1] =	stream.indirect.gather [hbm4b:s4+s19], $0x80, s25, s19, $0xb8;
	[tilespmem:$0x1E800] =	vst v63  }
0x117: {  	_ =	swait.ge [sflag:s22], $0x4000  }
0x118: {  	[sflag:s22] =	ssyncset.done $0x0  }
0x119: {  	s26 =	simm.s32 $0x1480;
	[sflag:s22] =	ssyncadd.s32 $0xFFFFC000  }
0x11a: {  	[spmem:s2] =	stream.indirect.scatter.add.f32 [tilespmem:s20], [sflag:$0x3], $0x80, s26, s19, $0xb8;
	[tilespmem:$0x1E800] =	vst v63  }
0x11b: {  	_ =	swait.ge [sflag:s17], $0x4000  }
0x11c: {  	[sflag:s17] =	ssyncset.done $0x0  }
0x11d: {  	s28 =	simm.s32 $0x180;
	[sflag:s17] =	ssyncadd.s32 $0xFFFFC000  }
0x11e: {  	[tilespmem:s20], [sflag:$0x2] =	stream.indirect.gather [hbm4b:s4+s19], $0x80, s28, s19, $0xb8;
	[tilespmem:$0x1E800] =	vst v63  }
0x11f: {  	_ =	swait.ge [sflag:s21], $0x4000  }
0x120: {  	[sflag:s21] =	ssyncset.done $0x0  }
0x121: {  	s29 =	simm.s32 $0x1500;
	[sflag:s21] =	ssyncadd.s32 $0xFFFFC000  }
0x122: {  	[spmem:s2] =	stream.indirect.scatter.add.f32 [tilespmem:s16], [sflag:$0x3], $0x80, s29, s19, $0xb8;
	[tilespmem:$0x1E800] =	vst v63  }
0x123: {  	_ =	swait.ge [sflag:s17], $0x4000  }
0x124: {  	[sflag:s17] =	ssyncset.done $0x0  }
0x125: {  	s30 =	simm.s32 $0x200;
	[sflag:s17] =	ssyncadd.s32 $0xFFFFC000  }
0x126: {  	[tilespmem:s16], [sflag:$0x1] =	stream.indirect.gather [hbm4b:s4+s19], $0x80, s30, s19, $0xb8;
	[tilespmem:$0x1E800] =	vst v63  }
0x127: {  	_ =	swait.ge [sflag:s22], $0x4000  }
0x128: {  	[sflag:s22] =	ssyncset.done $0x0  }
0x129: {  	s31 =	simm.s32 $0x1580;
	[sflag:s22] =	ssyncadd.s32 $0xFFFFC000  }
0x12a: {  	[spmem:s2] =	stream.indirect.scatter.add.f32 [tilespmem:s20], [sflag:$0x3], $0x80, s31, s19, $0xb8;
	[tilespmem:$0x1E800] =	vst v63  }
0x12b: {  	_ =	swait.ge [sflag:s17], $0x4000  }
0x12c: {  	[sflag:s17] =	ssyncset.done $0x0  }
0x12d: {  	s24 =	simm.s32 $0x280;
	[sflag:s17] =	ssyncadd.s32 $0xFFFFC000  }
0x12e: {  	[tilespmem:s20], [sflag:$0x2] =	stream.indirect.gather [hbm4b:s4+s19], $0x80, s24, s19, $0xb8;
	[tilespmem:$0x1E800] =	vst v63  }
0x12f: {  	_ =	swait.ge [sflag:s21], $0x4000  }
0x130: {  	[sflag:s21] =	ssyncset.done $0x0  }
0x131: {  	s25 =	simm.s32 $0x1600;
	[sflag:s21] =	ssyncadd.s32 $0xFFFFC000  }
0x132: {  	[spmem:s2] =	stream.indirect.scatter.add.f32 [tilespmem:s16], [sflag:$0x3], $0x80, s25, s19, $0xb8;
	[tilespmem:$0x1E800] =	vst v63  }
0x133: {  	_ =	swait.ge [sflag:s17], $0x4000  }
0x134: {  	[sflag:s17] =	ssyncset.done $0x0  }
0x135: {  	s26 =	simm.s32 $0x300;
	[sflag:s17] =	ssyncadd.s32 $0xFFFFC000  }
0x136: {  	[tilespmem:s16], [sflag:$0x1] =	stream.indirect.gather [hbm4b:s4+s19], $0x80, s26, s19, $0xb8;
	[tilespmem:$0x1E800] =	vst v63  }
0x137: {  	_ =	swait.ge [sflag:s22], $0x4000  }
0x138: {  	[sflag:s22] =	ssyncset.done $0x0  }
0x139: {  	s28 =	simm.s32 $0x1680;
	[sflag:s22] =	ssyncadd.s32 $0xFFFFC000  }
0x13a: {  	[spmem:s2] =	stream.indirect.scatter.add.f32 [tilespmem:s20], [sflag:$0x3], $0x80, s28, s19, $0xb8;
	[tilespmem:$0x1E800] =	vst v63  }
0x13b: {  	_ =	swait.ge [sflag:s17], $0x4000  }
0x13c: {  	[sflag:s17] =	ssyncset.done $0x0  }
0x13d: {  	s29 =	simm.s32 $0x380;
	[sflag:s17] =	ssyncadd.s32 $0xFFFFC000  }
0x13e: {  	[tilespmem:s20], [sflag:$0x2] =	stream.indirect.gather [hbm4b:s4+s19], $0x80, s29, s19, $0xb8;
	[tilespmem:$0x1E800] =	vst v63  }
0x13f: {  	_ =	swait.ge [sflag:s21], $0x4000  }
0x140: {  	[sflag:s21] =	ssyncset.done $0x0  }
0x141: {  	s30 =	simm.s32 $0x1700;
	[sflag:s21] =	ssyncadd.s32 $0xFFFFC000  }
0x142: {  	[spmem:s2] =	stream.indirect.scatter.add.f32 [tilespmem:s16], [sflag:$0x3], $0x80, s30, s19, $0xb8;
	[tilespmem:$0x1E800] =	vst v63  }
0x143: {  	_ =	swait.ge [sflag:s17], $0x4000  }
0x144: {  	[sflag:s17] =	ssyncset.done $0x0  }
0x145: {  	[sflag:s17] =	ssyncadd.s32 $0xFFFFC000  }
0x146: {  	_ =	swait.ge [sflag:s22], $0x4000  }
0x147: {  	[sflag:s22] =	ssyncset.done $0x0  }
0x148: {  	s31 =	simm.s32 $0x1780;
	[sflag:s22] =	ssyncadd.s32 $0xFFFFC000  }
0x149: {  	[spmem:s2] =	stream.indirect.scatter.add.f32 [tilespmem:s20], [sflag:$0x3], $0x80, s31, s19, $0xb8;
	[tilespmem:$0x1E800] =	vst v63  }
0x14a: {  	_ =	swait.ge [sflag:s17], $0x4000  }
0x14b: {  	s23 =	simm.s32 $0x1000;
	s26 =	simm.s32 $0x2000;
	[sflag:s17] =	ssyncset.done $0x0  }
.LBB2_6:
0x14c: {  	s25 =	sshra.s32 s23, $0x2  }
0x14d: {  	[sflag:s17] =	ssyncadd.s32 $0xFFFFC000;
	s23 =	smov.u32 s26;
	s24 =	sadd.s32 $0x1000, s26  }
0x14e: {  	[tilespmem:s16], [sflag:$0x1] =	stream.indirect.gather [hbm4b:s4+s19], $0x80, s25, s19, $0xb8;
	[tilespmem:$0x1E800] =	vst v63  }
0x14f: {  	p0 =	sne.s32 s26, $0x4000;
	s26 =	sadd.s32 $0x80, s25  }
0x150: {  	[tilespmem:s20], [sflag:$0x2] =	stream.indirect.gather [hbm4b:s4+s19], $0x80, s26, s19, $0xb8;
	[tilespmem:$0x1E800] =	vst v63  }
0x151: {  	_ =	swait.ge [sflag:s21], $0x4000  }
0x152: {  	[sflag:s21] =	ssyncset.done $0x0  }
0x153: {  	s26 =	sadd.s32 $0x1400, s25;
	[sflag:s21] =	ssyncadd.s32 $0xFFFFC000  }
0x154: {  	[spmem:s2] =	stream.indirect.scatter.add.f32 [tilespmem:s16], [sflag:$0x3], $0x80, s26, s19, $0xb8;
	[tilespmem:$0x1E800] =	vst v63  }
0x155: {  	_ =	swait.ge [sflag:s17], $0x4000  }
0x156: {  	[sflag:s17] =	ssyncset.done $0x0  }
0x157: {  	s26 =	sadd.s32 $0x100, s25;
	[sflag:s17] =	ssyncadd.s32 $0xFFFFC000  }
0x158: {  	[tilespmem:s16], [sflag:$0x1] =	stream.indirect.gather [hbm4b:s4+s19], $0x80, s26, s19, $0xb8;
	[tilespmem:$0x1E800] =	vst v63  }
0x159: {  	_ =	swait.ge [sflag:s22], $0x4000  }
0x15a: {  	[sflag:s22] =	ssyncset.done $0x0  }
0x15b: {  	s26 =	sadd.s32 $0x1480, s25;
	[sflag:s22] =	ssyncadd.s32 $0xFFFFC000  }
0x15c: {  	[spmem:s2] =	stream.indirect.scatter.add.f32 [tilespmem:s20], [sflag:$0x3], $0x80, s26, s19, $0xb8;
	[tilespmem:$0x1E800] =	vst v63  }
0x15d: {  	_ =	swait.ge [sflag:s17], $0x4000  }
0x15e: {  	[sflag:s17] =	ssyncset.done $0x0  }
0x15f: {  	s26 =	sadd.s32 $0x180, s25;
	[sflag:s17] =	ssyncadd.s32 $0xFFFFC000  }
0x160: {  	[tilespmem:s20], [sflag:$0x2] =	stream.indirect.gather [hbm4b:s4+s19], $0x80, s26, s19, $0xb8;
	[tilespmem:$0x1E800] =	vst v63  }
0x161: {  	_ =	swait.ge [sflag:s21], $0x4000  }
0x162: {  	[sflag:s21] =	ssyncset.done $0x0  }
0x163: {  	s26 =	sadd.s32 $0x1500, s25;
	[sflag:s21] =	ssyncadd.s32 $0xFFFFC000  }
0x164: {  	[spmem:s2] =	stream.indirect.scatter.add.f32 [tilespmem:s16], [sflag:$0x3], $0x80, s26, s19, $0xb8;
	[tilespmem:$0x1E800] =	vst v63  }
0x165: {  	_ =	swait.ge [sflag:s17], $0x4000  }
0x166: {  	[sflag:s17] =	ssyncset.done $0x0  }
0x167: {  	s26 =	sadd.s32 $0x200, s25;
	[sflag:s17] =	ssyncadd.s32 $0xFFFFC000  }
0x168: {  	[tilespmem:s16], [sflag:$0x1] =	stream.indirect.gather [hbm4b:s4+s19], $0x80, s26, s19, $0xb8;
	[tilespmem:$0x1E800] =	vst v63  }
0x169: {  	_ =	swait.ge [sflag:s22], $0x4000  }
0x16a: {  	[sflag:s22] =	ssyncset.done $0x0  }
0x16b: {  	s26 =	sadd.s32 $0x1580, s25;
	[sflag:s22] =	ssyncadd.s32 $0xFFFFC000  }
0x16c: {  	[spmem:s2] =	stream.indirect.scatter.add.f32 [tilespmem:s20], [sflag:$0x3], $0x80, s26, s19, $0xb8;
	[tilespmem:$0x1E800] =	vst v63  }
0x16d: {  	_ =	swait.ge [sflag:s17], $0x4000  }
0x16e: {  	[sflag:s17] =	ssyncset.done $0x0  }
0x16f: {  	s26 =	sadd.s32 $0x280, s25;
	[sflag:s17] =	ssyncadd.s32 $0xFFFFC000  }
0x170: {  	[tilespmem:s20], [sflag:$0x2] =	stream.indirect.gather [hbm4b:s4+s19], $0x80, s26, s19, $0xb8;
	[tilespmem:$0x1E800] =	vst v63  }
0x171: {  	_ =	swait.ge [sflag:s21], $0x4000  }
0x172: {  	[sflag:s21] =	ssyncset.done $0x0  }
0x173: {  	s26 =	sadd.s32 $0x1600, s25;
	[sflag:s21] =	ssyncadd.s32 $0xFFFFC000  }
0x174: {  	[spmem:s2] =	stream.indirect.scatter.add.f32 [tilespmem:s16], [sflag:$0x3], $0x80, s26, s19, $0xb8;
	[tilespmem:$0x1E800] =	vst v63  }
0x175: {  	_ =	swait.ge [sflag:s17], $0x4000  }
0x176: {  	[sflag:s17] =	ssyncset.done $0x0  }
0x177: {  	s26 =	sadd.s32 $0x300, s25;
	[sflag:s17] =	ssyncadd.s32 $0xFFFFC000  }
0x178: {  	[tilespmem:s16], [sflag:$0x1] =	stream.indirect.gather [hbm4b:s4+s19], $0x80, s26, s19, $0xb8;
	[tilespmem:$0x1E800] =	vst v63  }
0x179: {  	_ =	swait.ge [sflag:s22], $0x4000  }
0x17a: {  	[sflag:s22] =	ssyncset.done $0x0  }
0x17b: {  	s26 =	sadd.s32 $0x1680, s25;
	[sflag:s22] =	ssyncadd.s32 $0xFFFFC000  }
0x17c: {  	[spmem:s2] =	stream.indirect.scatter.add.f32 [tilespmem:s20], [sflag:$0x3], $0x80, s26, s19, $0xb8;
	[tilespmem:$0x1E800] =	vst v63  }
0x17d: {  	_ =	swait.ge [sflag:s17], $0x4000  }
0x17e: {  	[sflag:s17] =	ssyncset.done $0x0  }
0x17f: {  	s26 =	sadd.s32 $0x380, s25;
	[sflag:s17] =	ssyncadd.s32 $0xFFFFC000  }
0x180: {  	[tilespmem:s20], [sflag:$0x2] =	stream.indirect.gather [hbm4b:s4+s19], $0x80, s26, s19, $0xb8;
	[tilespmem:$0x1E800] =	vst v63  }
0x181: {  	_ =	swait.ge [sflag:s21], $0x4000  }
0x182: {  	[sflag:s21] =	ssyncset.done $0x0  }
0x183: {  	s26 =	sadd.s32 $0x1700, s25;
	[sflag:s21] =	ssyncadd.s32 $0xFFFFC000  }
0x184: {  	[spmem:s2] =	stream.indirect.scatter.add.f32 [tilespmem:s16], [sflag:$0x3], $0x80, s26, s19, $0xb8;
	[tilespmem:$0x1E800] =	vst v63  }
0x185: {  	_ =	swait.ge [sflag:s17], $0x4000  }
0x186: {  	[sflag:s17] =	ssyncset.done $0x0  }
0x187: {  	[sflag:s17] =	ssyncadd.s32 $0xFFFFC000  }
0x188: {  	_ =	swait.ge [sflag:s22], $0x4000  }
.Ltmp2:
0x189: {  	[sflag:s22] =	ssyncset.done $0x0;
	(pc) =	sbr.rel @p0 .LBB2_6-.Ltmp2, $4  }
0x18a: {  	s25 =	sadd.s32 $0x1780, s25;
	[sflag:s22] =	ssyncadd.s32 $0xFFFFC000  }
0x18b: {  	[spmem:s2] =	stream.indirect.scatter.add.f32 [tilespmem:s20], [sflag:$0x3], $0x80, s25, s19, $0xb8;
	[tilespmem:$0x1E800] =	vst v63  }
0x18c: {  	_ =	swait.ge [sflag:s17], $0x4000  }
0x18d: {  	s26 =	smov.u32 s24;
	[sflag:s17] =	ssyncset.done $0x0  }
0x18e: {  	s23 =	sshra.s32 s23, $0x2;
	[sflag:s17] =	ssyncadd.s32 $0xFFFFC000  }
0x18f: {  	[tilespmem:s16], [sflag:$0x1] =	stream.indirect.gather [hbm4b:s4+s19], $0x80, s23, s19, $0xb8;
	[tilespmem:$0x1E800] =	vst v63  }
0x190: {  	s24 =	sadd.s32 $0x80, s23  }
0x191: {  	[tilespmem:s20], [sflag:$0x2] =	stream.indirect.gather [hbm4b:s4+s19], $0x80, s24, s19, $0xb8;
	[tilespmem:$0x1E800] =	vst v63  }
0x192: {  	_ =	swait.ge [sflag:s21], $0x4000  }
0x193: {  	[sflag:s21] =	ssyncset.done $0x0  }
0x194: {  	s29 =	sadd.s32 $0x1400, s23;
	[sflag:s21] =	ssyncadd.s32 $0xFFFFC000  }
0x195: {  	[spmem:s2] =	stream.indirect.scatter.add.f32 [tilespmem:s16], [sflag:$0x3], $0x80, s29, s19, $0xb8;
	[tilespmem:$0x1E800] =	vst v63  }
0x196: {  	_ =	swait.ge [sflag:s17], $0x4000  }
0x197: {  	[sflag:s17] =	ssyncset.done $0x0  }
0x198: {  	s30 =	sadd.s32 $0x100, s23;
	[sflag:s17] =	ssyncadd.s32 $0xFFFFC000  }
0x199: {  	[tilespmem:s16], [sflag:$0x1] =	stream.indirect.gather [hbm4b:s4+s19], $0x80, s30, s19, $0xb8;
	[tilespmem:$0x1E800] =	vst v63  }
0x19a: {  	_ =	swait.ge [sflag:s22], $0x4000  }
0x19b: {  	[sflag:s22] =	ssyncset.done $0x0  }
0x19c: {  	s31 =	sadd.s32 $0x1480, s23;
	[sflag:s22] =	ssyncadd.s32 $0xFFFFC000  }
0x19d: {  	[spmem:s2] =	stream.indirect.scatter.add.f32 [tilespmem:s20], [sflag:$0x3], $0x80, s31, s19, $0xb8;
	[tilespmem:$0x1E800] =	vst v63  }
0x19e: {  	_ =	swait.ge [sflag:s17], $0x4000  }
0x19f: {  	[sflag:s17] =	ssyncset.done $0x0  }
0x1a0: {  	s25 =	sadd.s32 $0x180, s23;
	[sflag:s17] =	ssyncadd.s32 $0xFFFFC000  }
0x1a1: {  	[tilespmem:s20], [sflag:$0x2] =	stream.indirect.gather [hbm4b:s4+s19], $0x80, s25, s19, $0xb8;
	[tilespmem:$0x1E800] =	vst v63  }
0x1a2: {  	_ =	swait.ge [sflag:s21], $0x4000  }
0x1a3: {  	[sflag:s21] =	ssyncset.done $0x0  }
0x1a4: {  	s26 =	sadd.s32 $0x1500, s23;
	[sflag:s21] =	ssyncadd.s32 $0xFFFFC000  }
0x1a5: {  	[spmem:s2] =	stream.indirect.scatter.add.f32 [tilespmem:s16], [sflag:$0x3], $0x80, s26, s19, $0xb8;
	[tilespmem:$0x1E800] =	vst v63  }
0x1a6: {  	_ =	swait.ge [sflag:s17], $0x4000  }
0x1a7: {  	[sflag:s17] =	ssyncset.done $0x0  }
0x1a8: {  	s28 =	sadd.s32 $0x200, s23;
	[sflag:s17] =	ssyncadd.s32 $0xFFFFC000  }
0x1a9: {  	[tilespmem:s16], [sflag:$0x1] =	stream.indirect.gather [hbm4b:s4+s19], $0x80, s28, s19, $0xb8;
	[tilespmem:$0x1E800] =	vst v63  }
0x1aa: {  	_ =	swait.ge [sflag:s22], $0x4000  }
0x1ab: {  	[sflag:s22] =	ssyncset.done $0x0  }
0x1ac: {  	s29 =	sadd.s32 $0x1580, s23;
	[sflag:s22] =	ssyncadd.s32 $0xFFFFC000  }
0x1ad: {  	[spmem:s2] =	stream.indirect.scatter.add.f32 [tilespmem:s20], [sflag:$0x3], $0x80, s29, s19, $0xb8;
	[tilespmem:$0x1E800] =	vst v63  }
0x1ae: {  	_ =	swait.ge [sflag:s17], $0x4000  }
0x1af: {  	[sflag:s17] =	ssyncset.done $0x0  }
0x1b0: {  	s30 =	sadd.s32 $0x280, s23;
	[sflag:s17] =	ssyncadd.s32 $0xFFFFC000  }
0x1b1: {  	[tilespmem:s20], [sflag:$0x2] =	stream.indirect.gather [hbm4b:s4+s19], $0x80, s30, s19, $0xb8;
	[tilespmem:$0x1E800] =	vst v63  }
0x1b2: {  	_ =	swait.ge [sflag:s21], $0x4000  }
0x1b3: {  	[sflag:s21] =	ssyncset.done $0x0  }
0x1b4: {  	s31 =	sadd.s32 $0x1600, s23;
	[sflag:s21] =	ssyncadd.s32 $0xFFFFC000  }
0x1b5: {  	[spmem:s2] =	stream.indirect.scatter.add.f32 [tilespmem:s16], [sflag:$0x3], $0x80, s31, s19, $0xb8;
	[tilespmem:$0x1E800] =	vst v63  }
0x1b6: {  	_ =	swait.ge [sflag:s17], $0x4000  }
0x1b7: {  	[sflag:s17] =	ssyncset.done $0x0  }
0x1b8: {  	s25 =	sadd.s32 $0x300, s23;
	[sflag:s17] =	ssyncadd.s32 $0xFFFFC000  }
0x1b9: {  	[tilespmem:s16], [sflag:$0x1] =	stream.indirect.gather [hbm4b:s4+s19], $0x80, s25, s19, $0xb8;
	[tilespmem:$0x1E800] =	vst v63  }
0x1ba: {  	_ =	swait.ge [sflag:s22], $0x4000  }
0x1bb: {  	[sflag:s22] =	ssyncset.done $0x0  }
0x1bc: {  	s26 =	sadd.s32 $0x1680, s23;
	[sflag:s22] =	ssyncadd.s32 $0xFFFFC000  }
0x1bd: {  	[spmem:s2] =	stream.indirect.scatter.add.f32 [tilespmem:s20], [sflag:$0x3], $0x80, s26, s19, $0xb8;
	[tilespmem:$0x1E800] =	vst v63  }
0x1be: {  	_ =	swait.ge [sflag:s17], $0x4000  }
0x1bf: {  	[sflag:s17] =	ssyncset.done $0x0  }
0x1c0: {  	s28 =	sadd.s32 $0x380, s23;
	[sflag:s17] =	ssyncadd.s32 $0xFFFFC000  }
0x1c1: {  	[tilespmem:s20], [sflag:$0x2] =	stream.indirect.gather [hbm4b:s4+s19], $0x80, s28, s19, $0xb8;
	[tilespmem:$0x1E800] =	vst v63  }
0x1c2: {  	_ =	swait.ge [sflag:s21], $0x4000  }
0x1c3: {  	[sflag:s21] =	ssyncset.done $0x0  }
0x1c4: {  	s29 =	sadd.s32 $0x1700, s23;
	[sflag:s21] =	ssyncadd.s32 $0xFFFFC000  }
0x1c5: {  	[spmem:s2] =	stream.indirect.scatter.add.f32 [tilespmem:s16], [sflag:$0x3], $0x80, s29, s19, $0xb8;
	[tilespmem:$0x1E800] =	vst v63  }
0x1c6: {  	_ =	swait.ge [sflag:s17], $0x4000  }
0x1c7: {  	[sflag:s17] =	ssyncset.done $0x0  }
0x1c8: {  	[sflag:s17] =	ssyncadd.s32 $0xFFFFC000  }
0x1c9: {  	_ =	swait.ge [sflag:s22], $0x4000  }
0x1ca: {  	[sflag:s22] =	ssyncset.done $0x0  }
0x1cb: {  	s23 =	sadd.s32 $0x1780, s23;
	[sflag:s22] =	ssyncadd.s32 $0xFFFFC000  }
0x1cc: {  	[spmem:s2] =	stream.indirect.scatter.add.f32 [tilespmem:s20], [sflag:$0x3], $0x80, s23, s19, $0xb8;
	[tilespmem:$0x1E800] =	vst v63  }
0x1cd: {  	s3 =	sadd.s32 $0x1, s3;
	_ =	swait.ge [sflag:s17], $0x4000  }
0x1ce: {  	p0 =	sne.s32 s3, s15;
	[sflag:s17] =	ssyncset.done $0x0  }
0x1cf: {  	s30 =	sshll.u32 s1, $0x6;
	s31 =	sshrl.u32 s5, $0x3;
	[sflag:s17] =	ssyncadd.s32 $0xFFFFC000  }
.Ltmp3:
0x1d0: {  	s23 =	sor.u32 $0x1C03, s30;
	[bflag:$0x0] =	sbarrier.arrive $0xFFFF;
	(pc) =	sbr.rel @p0 .LBB2_1-.Ltmp3, $4  }
0x1d1: {  	[hbm:s14], [sflag:s23] =	dma.local [spmem:s31], $0x2800  }
0x1d2: {  	_ =	swait.ge [sflag:s17], $0x2800  }
0x1d3: {  	[sflag:s17] =	ssyncset.done $0x0  }
0x1d4: {  	[sflag:s17] =	ssyncadd.s32 $0xFFFFD800  }
0x1d5: {  	_ =	sfence.sel $0x180000  }
0x1d6: {  	[bflag:$0x0] =	sbarrier.arrive $0xFFFF  }
0x1d7: {  	p0 =	sne.s32 s1, $0x0;
	_ =	strace $0x90000050  }
0x1d8: {  	s0 =	sadd.s32 @!p0 $0x100000, s0;
	[bflag:$0x2] =	sbarrier.arrive $0xFFFF  }
0x1d9: {  	[sflag:s0] =	ssyncadd.tile.s32 @!p0 $0x1;
	_ =	shalt  }
.Lfunc_end2:
_tile_overlayer_lowered:
.L_overlay_start_2:
0x1da: {  	(tag) =	ssettag $0x2  }
0x1db: {  	s0 =	rddreg [dreg:$0x0];
	s2 =	stileid.u32  }
0x1dc: {  	s1 =	rddreg [dreg:$0x1];
	p0 =	sne.s32 s2, $0x0  }
0x1dd: {  	s3 =	rddreg [dreg:$0x2];
	[bflag:$0x3] =	sbarrier.arrive $0xFFFF;
	s2 =	simm.s32 @!p0 $0x1C03  }
0x1de: {  	[timem:s3], [sflag:s2] =	dma.local @!p0 [hbm:s0], s1  }
0x1df: {  	s0 =	simm.s32 @!p0 $0x3  }
0x1e0: {  	_ =	swait.ge @!p0 [sflag:s0], s1  }
0x1e1: {  	s1 =	ssub.s32 @!p0 $0x0, s1;
	[sflag:s0] =	ssyncset.done @!p0 $0x0  }
0x1e2: {  	[sflag:s0] =	ssyncadd.s32 @!p0 s1  }
0x1e3: {  	[bflag:$0x3] =	sbarrier.arrive $0xFFFF  }
0x1e4: {  	_ =	shalt  }

</sc_bundles>
